<compile_context>
chip_gen: v7x
topology: tpu7x:2x2x1
jax: 0.10.2.dev20260603
libtpu: 0.0.44.dev20260713+nightly
codegen_flags: <defaults>
</compile_context>

<pallas_src>
import jax
import jax.numpy as jnp
from jax import lax
from jax.experimental import pallas as pl
from jax.experimental.pallas import tpu as pltpu
from jax.experimental.pallas import tpu_sc as plsc

N = 10000
CUT = 32
D = 128
NC = 2
NS = 16
NW = NC * NS

C_NODES = 4
C_EDGES = C_NODES * CUT
NUM_CHUNKS = N // C_NODES
BASE_CHUNKS = NUM_CHUNKS // NW
EXTRA = NUM_CHUNKS - BASE_CHUNKS * NW
MAX_CHUNKS = BASE_CHUNKS + 1
NBUF = 6
PREF = 3
NGROUPS = -(-MAX_CHUNKS // NBUF)
PAD_EDGES = MAX_CHUNKS * NW * C_EDGES


def _sc_body(feat_hbm, gflat_hbm, out_hbm, idx_all, rows_v, cent_v,
             gsem, csem, wsem):
    wid = lax.axis_index("s") * NC + lax.axis_index("c")
    s0 = BASE_CHUNKS * wid + jnp.minimum(wid, EXTRA)
    cw = BASE_CHUNKS + jnp.where(wid < EXTRA, 1, 0)

    pltpu.sync_copy(gflat_hbm.at[pl.ds(s0 * C_EDGES, MAX_CHUNKS * C_EDGES)],
                    idx_all)

    def start_fetch(t, b):
        pltpu.make_async_copy(
            feat_hbm.at[idx_all.at[pl.ds(t * C_EDGES, C_EDGES)]],
            rows_v.at[b], gsem).start()
        pltpu.make_async_copy(
            feat_hbm.at[pl.ds((s0 + t) * C_NODES, C_NODES)],
            cent_v.at[b], csem).start()

    for tt in range(PREF):
        start_fetch(jnp.int32(tt), tt)

    def group_body(g, carry):
        for b in range(NBUF):
            t = g * NBUF + b

            @pl.when(t < cw)
            def _(t=t, b=b):
                pltpu.make_async_copy(
                    feat_hbm.at[pl.ds(s0 * C_NODES, C_NODES)],
                    cent_v.at[b], csem).wait()
                pltpu.make_async_copy(
                    feat_hbm.at[idx_all.at[pl.ds(0, C_EDGES)]],
                    rows_v.at[b], gsem).wait()

                for i in range(C_NODES):
                    cvecs = [cent_v[b, i, pl.ds(dv * 16, 16)]
                             for dv in range(8)]

                    def edge_body(c, _, b=b, i=i, cvecs=cvecs):
                        r = i * CUT + c
                        for dv in range(8):
                            sl = pl.ds(dv * 16, 16)
                            rows_v[b, r, sl] = rows_v[b, r, sl] - cvecs[dv]
                        return 0

                    lax.fori_loop(0, CUT, edge_body, 0)

                pltpu.make_async_copy(
                    rows_v.at[b],
                    out_hbm.at[pl.ds((s0 + t) * C_EDGES, C_EDGES)],
                    wsem).start()

                @pl.when(t + PREF < cw)
                def _(t=t, b=b):
                    @pl.when(t >= NBUF - PREF)
                    def _():
                        pltpu.make_async_copy(
                            rows_v.at[b],
                            out_hbm.at[pl.ds(s0 * C_EDGES, C_EDGES)],
                            wsem).wait()
                    start_fetch(t + PREF, (b + PREF) % NBUF)

        return carry

    lax.fori_loop(0, NGROUPS, group_body, 0)

    for _ in range(NBUF):
        pltpu.make_async_copy(
            rows_v.at[0],
            out_hbm.at[pl.ds(s0 * C_EDGES, C_EDGES)], wsem).wait()


@jax.jit
def _sc_expand(feat, gflat_padded):
    mesh = plsc.VectorSubcoreMesh(core_axis_name="c", subcore_axis_name="s")
    return pl.kernel(
        _sc_body,
        mesh=mesh,
        out_type=jax.ShapeDtypeStruct((N * CUT, D), jnp.float32),
        scratch_types=[
            pltpu.VMEM((MAX_CHUNKS * C_EDGES,), jnp.int32),
            pltpu.VMEM((NBUF, C_EDGES, D), jnp.float32),
            pltpu.VMEM((NBUF, C_NODES, D), jnp.float32),
            pltpu.SemaphoreType.DMA,
            pltpu.SemaphoreType.DMA,
            pltpu.SemaphoreType.DMA,
        ],
    )(feat, gflat_padded)


def kernel(x_features, x_graph):
    feat = x_features.reshape(N, D)
    gflat = x_graph.astype(jnp.int32).reshape(N * CUT)
    gflat = jnp.pad(gflat, (0, PAD_EDGES - N * CUT))
    out = _sc_expand(feat, gflat)
    return out.reshape(1, N, CUT, D)

# --- scband reference (transcript-rebuilt; emitter-appended) ---
"""Pipeline reference for scband-normalized-graph-expand-37709812859473 (READ-ONLY COPY).

The authoritative reference and input builder live on the scoring server;
editing this copy changes nothing except your own understanding.
"""

import jax, jax.numpy as jnp
import numpy as np

CUT_NUM = 32

def setup_inputs(seed: int = 0) -> dict:
    key = jax.random.key(seed)
    k1, k2 = jax.random.split(key)
    x_features = jax.random.normal(k1, (1, 10000, 128), dtype=jnp.float32)
    x_graph = jax.random.randint(k2, (10000, CUT_NUM), 0, 10000, dtype=jnp.int64)
    return {"x_features": x_features, "x_graph": x_graph}

def reference(x_features, x_graph):
    # x_features: [B, N, d]; x_graph: [N, cut_num] neighbor indices
    xg = jnp.squeeze(x_graph)  # mirrors tf.squeeze (no-op here, no size-1 dims)
    tem = jnp.expand_dims(x_features, axis=-2)          # [B, N, 1, d]
    rep = jnp.tile(tem, (1, 1, CUT_NUM, 1))             # [B, N, cut, d]
    gathered = jnp.take(x_features, xg, axis=1)          # [B, N, cut, d]
    x_disk_features = gathered - rep
    return x_disk_features

if __name__ == "__main__":
    import jax
    _d = setup_inputs()
    print(jax.jit(kernel)(*tuple(_d.values())))

</pallas_src>

<mosaic_0001>
#map = affine_map<(d0, d1) -> (0, 0)>
#map1 = affine_map<(d0, d1) -> (0)>
module attributes {stable_mosaic.version = 14 : i64} {
  func.func @_sc_body(%arg0: i32, %arg1: i32, %arg2: memref<10000x128xf32, #tpu.memory_space<hbm>>, %arg3: memref<323584xi32, #tpu.memory_space<hbm>>, %arg4: memref<320000x128xf32, #tpu.memory_space<hbm>>, %arg5: memref<10112xi32, #tpu.memory_space<vmem>>, %arg6: memref<6x128x128xf32, #tpu.memory_space<vmem>>, %arg7: memref<6x4x128xf32, #tpu.memory_space<vmem>>, %arg8: memref<!tpu.dma_semaphore, #tpu.memory_space<semaphore_mem>>, %arg9: memref<!tpu.dma_semaphore, #tpu.memory_space<semaphore_mem>>, %arg10: memref<!tpu.dma_semaphore, #tpu.memory_space<semaphore_mem>>) attributes {dimension_semantics = [#tpu.dimension_semantics<core_parallel>, #tpu.dimension_semantics<subcore_parallel>], iteration_bounds = array<i64: 2, 16>, scalar_prefetch = 0 : i64, scratch_operands = 6 : i64, tpu.core_type = #tpu.core_type<sc_vector_subcore>, window_params = [{transform_indices = #map}, {transform_indices = #map1}, {transform_indices = #map}]} {
    %mul3A = arith.constant 2 : i32
    %mul3A_0 = arith.muli %arg1, %mul3A : i32
    %add3A = arith.addi %mul3A_0, %arg0 : i32
    %mul3A_1 = arith.constant 78 : i32
    %mul3A_2 = arith.muli %mul3A_1, %add3A : i32
    %min3A = arith.constant 4 : i32
    %min3A_3 = arith.minsi %add3A, %min3A : i32
    %add3A_4 = arith.addi %mul3A_2, %min3A_3 : i32
    %lt3A = arith.constant 4 : i32
    %lt3A_5 = arith.cmpi slt, %add3A, %lt3A : i32
    %jit3A = arith.constant 1 : i32
    %jit3A_6 = arith.constant 0 : i32
    %select_n3A = arith.select %lt3A_5, %jit3A, %jit3A_6 : i32
    %add3A_7 = arith.constant 78 : i32
    %add3A_8 = arith.addi %add3A_7, %select_n3A : i32
    %mul3A_9 = arith.constant 128 : i32
    %mul3A_10 = arith.muli %add3A_4, %mul3A_9 : i32
    "tpu.region"() ({
      %run_scoped3A = tpu.sem_alloc : memref<!tpu.dma_semaphore, #tpu.memory_space<semaphore_mem>>
      %dma_start3A_191 = tpu.memref_slice %arg3[%mul3A_10] : memref<323584xi32, #tpu.memory_space<hbm>> -> memref<10112xi32, #tpu.memory_space<hbm>>
      %dma_start3A_192 = tpu.memref_slice %arg3[%mul3A_10] : memref<323584xi32, #tpu.memory_space<hbm>> -> memref<10112xi32, #tpu.memory_space<hbm>>
      tpu.enqueue_dma source(%dma_start3A_192 : memref<10112xi32, #tpu.memory_space<hbm>>) target(%arg5 : memref<10112xi32, #tpu.memory_space<vmem>>) target_semaphore(%run_scoped3A : memref<!tpu.dma_semaphore, #tpu.memory_space<semaphore_mem>>)
      %dma_wait3A_193 = tpu.memref_slice %arg3[%mul3A_10] : memref<323584xi32, #tpu.memory_space<hbm>> -> memref<10112xi32, #tpu.memory_space<hbm>>
      %dma_wait3A_194 = tpu.memref_slice %arg3[%mul3A_10] : memref<323584xi32, #tpu.memory_space<hbm>> -> memref<10112xi32, #tpu.memory_space<hbm>>
      tpu.wait_dma2 semaphore(%run_scoped3A : memref<!tpu.dma_semaphore, #tpu.memory_space<semaphore_mem>>) src(%dma_wait3A_194 : memref<10112xi32, #tpu.memory_space<hbm>>) dst(%arg5 : memref<10112xi32, #tpu.memory_space<vmem>>)
      tpu.yield
    }) : () -> ()
    %mul3A_11 = arith.constant 0 : i32
    %mul3A_12 = arith.constant 128 : i32
    %mul3A_13 = arith.muli %mul3A_11, %mul3A_12 : i32
    %dma_start3A = arith.constant 0 : i32
    %dma_start3A_14 = arith.constant 0 : i32
    %dma_start3A_15 = arith.constant 0 : i32
    %dma_start3A_16 = tpu.memref_slice %arg6[%dma_start3A, %dma_start3A_14, %dma_start3A_15] : memref<6x128x128xf32, #tpu.memory_space<vmem>> -> memref<1x128x128xf32, #tpu.memory_space<vmem>>
    %dma_start3A_17 = tpu.memref_squeeze %dma_start3A_16 : memref<1x128x128xf32, #tpu.memory_space<vmem>> -> memref<128x128xf32, #tpu.memory_space<vmem>>
    %dma_start3A_18 = tpu.memref_slice %arg5[%mul3A_13] : memref<10112xi32, #tpu.memory_space<vmem>> -> memref<128xi32, #tpu.memory_space<vmem>>
    %dma_start3A_19 = arith.constant 0 : i32
    %dma_start3A_20 = arith.constant 0 : i32
    %dma_start3A_21 = tpu.memref_slice %arg2[%dma_start3A_19, %dma_start3A_20] : memref<10000x128xf32, #tpu.memory_space<hbm>> -> memref<10000x128xf32, #tpu.memory_space<hbm>>
    tpu.enqueue_indirect_dma source(%dma_start3A_21 : memref<10000x128xf32, #tpu.memory_space<hbm>>) target(%dma_start3A_17 : memref<128x128xf32, #tpu.memory_space<vmem>>) offsets(%dma_start3A_18 : memref<128xi32, #tpu.memory_space<vmem>>) semaphore(%arg8 : memref<!tpu.dma_semaphore, #tpu.memory_space<semaphore_mem>>)
    %add3A_22 = arith.constant 0 : i32
    %add3A_23 = arith.addi %add3A_4, %add3A_22 : i32
    %mul3A_24 = arith.constant 4 : i32
    %mul3A_25 = arith.muli %add3A_23, %mul3A_24 : i32
    %dma_start3A_26 = arith.constant 0 : i32
    %dma_start3A_27 = arith.constant 0 : i32
    %dma_start3A_28 = arith.constant 0 : i32
    %dma_start3A_29 = tpu.memref_slice %arg7[%dma_start3A_26, %dma_start3A_27, %dma_start3A_28] : memref<6x4x128xf32, #tpu.memory_space<vmem>> -> memref<1x4x128xf32, #tpu.memory_space<vmem>>
    %dma_start3A_30 = tpu.memref_squeeze %dma_start3A_29 : memref<1x4x128xf32, #tpu.memory_space<vmem>> -> memref<4x128xf32, #tpu.memory_space<vmem>>
    %dma_start3A_31 = arith.constant 0 : i32
    %dma_start3A_32 = tpu.memref_slice %arg2[%mul3A_25, %dma_start3A_31] : memref<10000x128xf32, #tpu.memory_space<hbm>> -> memref<4x128xf32, #tpu.memory_space<hbm>>
    %dma_start3A_33 = arith.constant 0 : i32
    %dma_start3A_34 = arith.constant 0 : i32
    %dma_start3A_35 = tpu.memref_slice %arg7[%dma_start3A_26, %dma_start3A_33, %dma_start3A_34] : memref<6x4x128xf32, #tpu.memory_space<vmem>> -> memref<1x4x128xf32, #tpu.memory_space<vmem>>
    %dma_start3A_36 = tpu.memref_squeeze %dma_start3A_35 : memref<1x4x128xf32, #tpu.memory_space<vmem>> -> memref<4x128xf32, #tpu.memory_space<vmem>>
    %dma_start3A_37 = arith.constant 0 : i32
    %dma_start3A_38 = tpu.memref_slice %arg2[%mul3A_25, %dma_start3A_37] : memref<10000x128xf32, #tpu.memory_space<hbm>> -> memref<4x128xf32, #tpu.memory_space<hbm>>
    tpu.enqueue_dma source(%dma_start3A_38 : memref<4x128xf32, #tpu.memory_space<hbm>>) target(%dma_start3A_36 : memref<4x128xf32, #tpu.memory_space<vmem>>) target_semaphore(%arg9 : memref<!tpu.dma_semaphore, #tpu.memory_space<semaphore_mem>>)
    %mul3A_39 = arith.constant 1 : i32
    %mul3A_40 = arith.constant 128 : i32
    %mul3A_41 = arith.muli %mul3A_39, %mul3A_40 : i32
    %dma_start3A_42 = arith.constant 1 : i32
    %dma_start3A_43 = arith.constant 0 : i32
    %dma_start3A_44 = arith.constant 0 : i32
    %dma_start3A_45 = tpu.memref_slice %arg6[%dma_start3A_42, %dma_start3A_43, %dma_start3A_44] : memref<6x128x128xf32, #tpu.memory_space<vmem>> -> memref<1x128x128xf32, #tpu.memory_space<vmem>>
    %dma_start3A_46 = tpu.memref_squeeze %dma_start3A_45 : memref<1x128x128xf32, #tpu.memory_space<vmem>> -> memref<128x128xf32, #tpu.memory_space<vmem>>
    %dma_start3A_47 = tpu.memref_slice %arg5[%mul3A_41] : memref<10112xi32, #tpu.memory_space<vmem>> -> memref<128xi32, #tpu.memory_space<vmem>>
    %dma_start3A_48 = arith.constant 0 : i32
    %dma_start3A_49 = arith.constant 0 : i32
    %dma_start3A_50 = tpu.memref_slice %arg2[%dma_start3A_48, %dma_start3A_49] : memref<10000x128xf32, #tpu.memory_space<hbm>> -> memref<10000x128xf32, #tpu.memory_space<hbm>>
    tpu.enqueue_indirect_dma source(%dma_start3A_50 : memref<10000x128xf32, #tpu.memory_space<hbm>>) target(%dma_start3A_46 : memref<128x128xf32, #tpu.memory_space<vmem>>) offsets(%dma_start3A_47 : memref<128xi32, #tpu.memory_space<vmem>>) semaphore(%arg8 : memref<!tpu.dma_semaphore, #tpu.memory_space<semaphore_mem>>)
    %add3A_51 = arith.constant 1 : i32
    %add3A_52 = arith.addi %add3A_4, %add3A_51 : i32
    %mul3A_53 = arith.constant 4 : i32
    %mul3A_54 = arith.muli %add3A_52, %mul3A_53 : i32
    %dma_start3A_55 = arith.constant 1 : i32
    %dma_start3A_56 = arith.constant 0 : i32
    %dma_start3A_57 = arith.constant 0 : i32
    %dma_start3A_58 = tpu.memref_slice %arg7[%dma_start3A_55, %dma_start3A_56, %dma_start3A_57] : memref<6x4x128xf32, #tpu.memory_space<vmem>> -> memref<1x4x128xf32, #tpu.memory_space<vmem>>
    %dma_start3A_59 = tpu.memref_squeeze %dma_start3A_58 : memref<1x4x128xf32, #tpu.memory_space<vmem>> -> memref<4x128xf32, #tpu.memory_space<vmem>>
    %dma_start3A_60 = arith.constant 0 : i32
    %dma_start3A_61 = tpu.memref_slice %arg2[%mul3A_54, %dma_start3A_60] : memref<10000x128xf32, #tpu.memory_space<hbm>> -> memref<4x128xf32, #tpu.memory_space<hbm>>
    %dma_start3A_62 = arith.constant 0 : i32
    %dma_start3A_63 = arith.constant 0 : i32
    %dma_start3A_64 = tpu.memref_slice %arg7[%dma_start3A_55, %dma_start3A_62, %dma_start3A_63] : memref<6x4x128xf32, #tpu.memory_space<vmem>> -> memref<1x4x128xf32, #tpu.memory_space<vmem>>
    %dma_start3A_65 = tpu.memref_squeeze %dma_start3A_64 : memref<1x4x128xf32, #tpu.memory_space<vmem>> -> memref<4x128xf32, #tpu.memory_space<vmem>>
    %dma_start3A_66 = arith.constant 0 : i32
    %dma_start3A_67 = tpu.memref_slice %arg2[%mul3A_54, %dma_start3A_66] : memref<10000x128xf32, #tpu.memory_space<hbm>> -> memref<4x128xf32, #tpu.memory_space<hbm>>
    tpu.enqueue_dma source(%dma_start3A_67 : memref<4x128xf32, #tpu.memory_space<hbm>>) target(%dma_start3A_65 : memref<4x128xf32, #tpu.memory_space<vmem>>) target_semaphore(%arg9 : memref<!tpu.dma_semaphore, #tpu.memory_space<semaphore_mem>>)
    %mul3A_68 = arith.constant 2 : i32
    %mul3A_69 = arith.constant 128 : i32
    %mul3A_70 = arith.muli %mul3A_68, %mul3A_69 : i32
    %dma_start3A_71 = arith.constant 2 : i32
    %dma_start3A_72 = arith.constant 0 : i32
    %dma_start3A_73 = arith.constant 0 : i32
    %dma_start3A_74 = tpu.memref_slice %arg6[%dma_start3A_71, %dma_start3A_72, %dma_start3A_73] : memref<6x128x128xf32, #tpu.memory_space<vmem>> -> memref<1x128x128xf32, #tpu.memory_space<vmem>>
    %dma_start3A_75 = tpu.memref_squeeze %dma_start3A_74 : memref<1x128x128xf32, #tpu.memory_space<vmem>> -> memref<128x128xf32, #tpu.memory_space<vmem>>
    %dma_start3A_76 = tpu.memref_slice %arg5[%mul3A_70] : memref<10112xi32, #tpu.memory_space<vmem>> -> memref<128xi32, #tpu.memory_space<vmem>>
    %dma_start3A_77 = arith.constant 0 : i32
    %dma_start3A_78 = arith.constant 0 : i32
    %dma_start3A_79 = tpu.memref_slice %arg2[%dma_start3A_77, %dma_start3A_78] : memref<10000x128xf32, #tpu.memory_space<hbm>> -> memref<10000x128xf32, #tpu.memory_space<hbm>>
    tpu.enqueue_indirect_dma source(%dma_start3A_79 : memref<10000x128xf32, #tpu.memory_space<hbm>>) target(%dma_start3A_75 : memref<128x128xf32, #tpu.memory_space<vmem>>) offsets(%dma_start3A_76 : memref<128xi32, #tpu.memory_space<vmem>>) semaphore(%arg8 : memref<!tpu.dma_semaphore, #tpu.memory_space<semaphore_mem>>)
    %add3A_80 = arith.constant 2 : i32
    %add3A_81 = arith.addi %add3A_4, %add3A_80 : i32
    %mul3A_82 = arith.constant 4 : i32
    %mul3A_83 = arith.muli %add3A_81, %mul3A_82 : i32
    %dma_start3A_84 = arith.constant 2 : i32
    %dma_start3A_85 = arith.constant 0 : i32
    %dma_start3A_86 = arith.constant 0 : i32
    %dma_start3A_87 = tpu.memref_slice %arg7[%dma_start3A_84, %dma_start3A_85, %dma_start3A_86] : memref<6x4x128xf32, #tpu.memory_space<vmem>> -> memref<1x4x128xf32, #tpu.memory_space<vmem>>
    %dma_start3A_88 = tpu.memref_squeeze %dma_start3A_87 : memref<1x4x128xf32, #tpu.memory_space<vmem>> -> memref<4x128xf32, #tpu.memory_space<vmem>>
    %dma_start3A_89 = arith.constant 0 : i32
    %dma_start3A_90 = tpu.memref_slice %arg2[%mul3A_83, %dma_start3A_89] : memref<10000x128xf32, #tpu.memory_space<hbm>> -> memref<4x128xf32, #tpu.memory_space<hbm>>
    %dma_start3A_91 = arith.constant 0 : i32
    %dma_start3A_92 = arith.constant 0 : i32
    %dma_start3A_93 = tpu.memref_slice %arg7[%dma_start3A_84, %dma_start3A_91, %dma_start3A_92] : memref<6x4x128xf32, #tpu.memory_space<vmem>> -> memref<1x4x128xf32, #tpu.memory_space<vmem>>
    %dma_start3A_94 = tpu.memref_squeeze %dma_start3A_93 : memref<1x4x128xf32, #tpu.memory_space<vmem>> -> memref<4x128xf32, #tpu.memory_space<vmem>>
    %dma_start3A_95 = arith.constant 0 : i32
    %dma_start3A_96 = tpu.memref_slice %arg2[%mul3A_83, %dma_start3A_95] : memref<10000x128xf32, #tpu.memory_space<hbm>> -> memref<4x128xf32, #tpu.memory_space<hbm>>
    tpu.enqueue_dma source(%dma_start3A_96 : memref<4x128xf32, #tpu.memory_space<hbm>>) target(%dma_start3A_94 : memref<4x128xf32, #tpu.memory_space<vmem>>) target_semaphore(%arg9 : memref<!tpu.dma_semaphore, #tpu.memory_space<semaphore_mem>>)
    %scan3A = arith.constant 0 : i32
    %scan3A_97 = arith.constant 0 : i32
    %scan3A_98 = arith.constant 14 : i32
    %scan3A_99 = arith.addi %scan3A_97, %scan3A_98 : i32
    %scan3A_100 = arith.constant 1 : i32
    scf.for %scan3A_191 = %scan3A_97 to %scan3A_99 step %scan3A_100  : i32 {
      %mul3A_192 = arith.constant 6 : i32
      %mul3A_193 = arith.muli %scan3A_191, %mul3A_192 : i32
      %add3A_194 = arith.constant 0 : i32
      %add3A_195 = arith.addi %mul3A_193, %add3A_194 : i32
      %lt3A_196 = arith.cmpi slt, %add3A_195, %add3A_8 : i32
      %convert_element_type3A = arith.extui %lt3A_196 : i1 to i32
      %cond3A = arith.constant 0 : i32
      %cond3A_197 = arith.cmpi ne, %convert_element_type3A, %cond3A : i32
      scf.if %cond3A_197 {
        %mul3A_238 = arith.constant 4 : i32
        %mul3A_239 = arith.muli %add3A_4, %mul3A_238 : i32
        %dma_wait3A_240 = arith.constant 0 : i32
        %dma_wait3A_241 = arith.constant 0 : i32
        %dma_wait3A_242 = arith.constant 0 : i32
        %dma_wait3A_243 = tpu.memref_slice %arg7[%dma_wait3A_240, %dma_wait3A_241, %dma_wait3A_242] : memref<6x4x128xf32, #tpu.memory_space<vmem>> -> memref<1x4x128xf32, #tpu.memory_space<vmem>>
        %dma_wait3A_244 = tpu.memref_squeeze %dma_wait3A_243 : memref<1x4x128xf32, #tpu.memory_space<vmem>> -> memref<4x128xf32, #tpu.memory_space<vmem>>
        %dma_wait3A_245 = arith.constant 0 : i32
        %dma_wait3A_246 = tpu.memref_slice %arg2[%mul3A_239, %dma_wait3A_245] : memref<10000x128xf32, #tpu.memory_space<hbm>> -> memref<4x128xf32, #tpu.memory_space<hbm>>
        %dma_wait3A_247 = arith.constant 0 : i32
        %dma_wait3A_248 = arith.constant 0 : i32
        %dma_wait3A_249 = tpu.memref_slice %arg7[%dma_wait3A_240, %dma_wait3A_247, %dma_wait3A_248] : memref<6x4x128xf32, #tpu.memory_space<vmem>> -> memref<1x4x128xf32, #tpu.memory_space<vmem>>
        %dma_wait3A_250 = tpu.memref_squeeze %dma_wait3A_249 : memref<1x4x128xf32, #tpu.memory_space<vmem>> -> memref<4x128xf32, #tpu.memory_space<vmem>>
        %dma_wait3A_251 = arith.constant 0 : i32
        %dma_wait3A_252 = tpu.memref_slice %arg2[%mul3A_239, %dma_wait3A_251] : memref<10000x128xf32, #tpu.memory_space<hbm>> -> memref<4x128xf32, #tpu.memory_space<hbm>>
        tpu.wait_dma2 semaphore(%arg9 : memref<!tpu.dma_semaphore, #tpu.memory_space<semaphore_mem>>) src(%dma_wait3A_252 : memref<4x128xf32, #tpu.memory_space<hbm>>) dst(%dma_wait3A_250 : memref<4x128xf32, #tpu.memory_space<vmem>>)
        %dma_wait3A_253 = arith.constant 0 : i32
        %dma_wait3A_254 = arith.constant 0 : i32
        %dma_wait3A_255 = arith.constant 0 : i32
        %dma_wait3A_256 = tpu.memref_slice %arg6[%dma_wait3A_253, %dma_wait3A_254, %dma_wait3A_255] : memref<6x128x128xf32, #tpu.memory_space<vmem>> -> memref<1x128x128xf32, #tpu.memory_space<vmem>>
        %dma_wait3A_257 = tpu.memref_squeeze %dma_wait3A_256 : memref<1x128x128xf32, #tpu.memory_space<vmem>> -> memref<128x128xf32, #tpu.memory_space<vmem>>
        %dma_wait3A_258 = arith.constant 0 : i32
        %dma_wait3A_259 = tpu.memref_slice %arg5[%dma_wait3A_258] : memref<10112xi32, #tpu.memory_space<vmem>> -> memref<128xi32, #tpu.memory_space<vmem>>
        %dma_wait3A_260 = arith.constant 0 : i32
        %dma_wait3A_261 = arith.constant 0 : i32
        %dma_wait3A_262 = tpu.memref_slice %arg2[%dma_wait3A_260, %dma_wait3A_261] : memref<10000x128xf32, #tpu.memory_space<hbm>> -> memref<10000x128xf32, #tpu.memory_space<hbm>>
        tpu.wait_indirect_dma semaphore(%arg8 : memref<!tpu.dma_semaphore, #tpu.memory_space<semaphore_mem>>) src(%dma_wait3A_262 : memref<10000x128xf32, #tpu.memory_space<hbm>>) dst(%dma_wait3A_257 : memref<128x128xf32, #tpu.memory_space<vmem>>)
        %get3A = arith.constant 0 : i32
        %get3A_263 = arith.constant 0 : i32
        %get3A_264 = arith.index_cast %get3A : i32 to index
        %get3A_265 = arith.index_cast %get3A_263 : i32 to index
        %get3A_266 = arith.constant 0 : index
        %get3A_267 = tpu.vector_load %arg7[%get3A_264, %get3A_265, %get3A_266] {strides = array<i32>} : memref<6x4x128xf32, #tpu.memory_space<vmem>>, vector<1x1x16xf32>,
        %get3A_268 = vector.shape_cast %get3A_267 : vector<1x1x16xf32> to vector<16xf32>
        %get3A_269 = arith.constant 0 : i32
        %get3A_270 = arith.constant 0 : i32
        %get3A_271 = arith.index_cast %get3A_269 : i32 to index
        %get3A_272 = arith.index_cast %get3A_270 : i32 to index
        %get3A_273 = arith.constant 16 : index
        %get3A_274 = tpu.vector_load %arg7[%get3A_271, %get3A_272, %get3A_273] {strides = array<i32>} : memref<6x4x128xf32, #tpu.memory_space<vmem>>, vector<1x1x16xf32>,
        %get3A_275 = vector.shape_cast %get3A_274 : vector<1x1x16xf32> to vector<16xf32>
        %get3A_276 = arith.constant 0 : i32
        %get3A_277 = arith.constant 0 : i32
        %get3A_278 = arith.index_cast %get3A_276 : i32 to index
        %get3A_279 = arith.index_cast %get3A_277 : i32 to index
        %get3A_280 = arith.constant 32 : index
        %get3A_281 = tpu.vector_load %arg7[%get3A_278, %get3A_279, %get3A_280] {strides = array<i32>} : memref<6x4x128xf32, #tpu.memory_space<vmem>>, vector<1x1x16xf32>,
        %get3A_282 = vector.shape_cast %get3A_281 : vector<1x1x16xf32> to vector<16xf32>
        %get3A_283 = arith.constant 0 : i32
        %get3A_284 = arith.constant 0 : i32
        %get3A_285 = arith.index_cast %get3A_283 : i32 to index
        %get3A_286 = arith.index_cast %get3A_284 : i32 to index
        %get3A_287 = arith.constant 48 : index
        %get3A_288 = tpu.vector_load %arg7[%get3A_285, %get3A_286, %get3A_287] {strides = array<i32>} : memref<6x4x128xf32, #tpu.memory_space<vmem>>, vector<1x1x16xf32>,
        %get3A_289 = vector.shape_cast %get3A_288 : vector<1x1x16xf32> to vector<16xf32>
        %get3A_290 = arith.constant 0 : i32
        %get3A_291 = arith.constant 0 : i32
        %get3A_292 = arith.index_cast %get3A_290 : i32 to index
        %get3A_293 = arith.index_cast %get3A_291 : i32 to index
        %get3A_294 = arith.constant 64 : index
        %get3A_295 = tpu.vector_load %arg7[%get3A_292, %get3A_293, %get3A_294] {strides = array<i32>} : memref<6x4x128xf32, #tpu.memory_space<vmem>>, vector<1x1x16xf32>,
        %get3A_296 = vector.shape_cast %get3A_295 : vector<1x1x16xf32> to vector<16xf32>
        %get3A_297 = arith.constant 0 : i32
        %get3A_298 = arith.constant 0 : i32
        %get3A_299 = arith.index_cast %get3A_297 : i32 to index
        %get3A_300 = arith.index_cast %get3A_298 : i32 to index
        %get3A_301 = arith.constant 80 : index
        %get3A_302 = tpu.vector_load %arg7[%get3A_299, %get3A_300, %get3A_301] {strides = array<i32>} : memref<6x4x128xf32, #tpu.memory_space<vmem>>, vector<1x1x16xf32>,
        %get3A_303 = vector.shape_cast %get3A_302 : vector<1x1x16xf32> to vector<16xf32>
        %get3A_304 = arith.constant 0 : i32
        %get3A_305 = arith.constant 0 : i32
        %get3A_306 = arith.index_cast %get3A_304 : i32 to index
        %get3A_307 = arith.index_cast %get3A_305 : i32 to index
        %get3A_308 = arith.constant 96 : index
        %get3A_309 = tpu.vector_load %arg7[%get3A_306, %get3A_307, %get3A_308] {strides = array<i32>} : memref<6x4x128xf32, #tpu.memory_space<vmem>>, vector<1x1x16xf32>,
        %get3A_310 = vector.shape_cast %get3A_309 : vector<1x1x16xf32> to vector<16xf32>
        %get3A_311 = arith.constant 0 : i32
        %get3A_312 = arith.constant 0 : i32
        %get3A_313 = arith.index_cast %get3A_311 : i32 to index
        %get3A_314 = arith.index_cast %get3A_312 : i32 to index
        %get3A_315 = arith.constant 112 : index
        %get3A_316 = tpu.vector_load %arg7[%get3A_313, %get3A_314, %get3A_315] {strides = array<i32>} : memref<6x4x128xf32, #tpu.memory_space<vmem>>, vector<1x1x16xf32>,
        %get3A_317 = vector.shape_cast %get3A_316 : vector<1x1x16xf32> to vector<16xf32>
        %scan3A_318 = arith.constant 0 : i32
        %scan3A_319 = arith.constant 0 : i32
        %scan3A_320 = arith.constant 32 : i32
        %scan3A_321 = arith.addi %scan3A_319, %scan3A_320 : i32
        %scan3A_322 = arith.constant 1 : i32
        %scan3A_323 = scf.for %scan3A_536 = %scan3A_319 to %scan3A_321 step %scan3A_322 iter_args(%scan3A_537 = %scan3A_318) -> (i32)  : i32 {
          %add3A_538 = arith.constant 0 : i32
          %add3A_539 = arith.addi %add3A_538, %scan3A_536 : i32
          %get3A_540 = arith.constant 0 : i32
          %get3A_541 = arith.index_cast %get3A_540 : i32 to index
          %get3A_542 = arith.index_cast %add3A_539 : i32 to index
          %get3A_543 = arith.constant 0 : index
          %get3A_544 = tpu.vector_load %arg6[%get3A_541, %get3A_542, %get3A_543] {strides = array<i32>} : memref<6x128x128xf32, #tpu.memory_space<vmem>>, vector<1x1x16xf32>,
          %get3A_545 = vector.shape_cast %get3A_544 : vector<1x1x16xf32> to vector<16xf32>
          %sub3A = arith.subf %get3A_545, %get3A_268 : vector<16xf32>
          %swap3A = arith.constant 0 : i32
          %swap3A_546 = arith.index_cast %swap3A : i32 to index
          %swap3A_547 = arith.index_cast %add3A_539 : i32 to index
          %swap3A_548 = arith.constant 0 : index
          %swap3A_549 = tpu.vector_load %arg6[%swap3A_546, %swap3A_547, %swap3A_548] {strides = array<i32>} : memref<6x128x128xf32, #tpu.memory_space<vmem>>, vector<1x1x16xf32>,
          %swap3A_550 = vector.shape_cast %swap3A_549 : vector<1x1x16xf32> to vector<16xf32>
          %swap3A_551 = vector.shape_cast %sub3A : vector<16xf32> to vector<1x1x16xf32>
          tpu.vector_store %arg6[%swap3A_546, %swap3A_547, %swap3A_548], %swap3A_551 {strides = array<i32>} : memref<6x128x128xf32, #tpu.memory_space<vmem>>, vector<1x1x16xf32>,
          %get3A_552 = arith.constant 0 : i32
          %get3A_553 = arith.index_cast %get3A_552 : i32 to index
          %get3A_554 = arith.index_cast %add3A_539 : i32 to index
          %get3A_555 = arith.constant 16 : index
          %get3A_556 = tpu.vector_load %arg6[%get3A_553, %get3A_554, %get3A_555] {strides = array<i32>} : memref<6x128x128xf32, #tpu.memory_space<vmem>>, vector<1x1x16xf32>,
          %get3A_557 = vector.shape_cast %get3A_556 : vector<1x1x16xf32> to vector<16xf32>
          %sub3A_558 = arith.subf %get3A_557, %get3A_275 : vector<16xf32>
          %swap3A_559 = arith.constant 0 : i32
          %swap3A_560 = arith.index_cast %swap3A_559 : i32 to index
          %swap3A_561 = arith.index_cast %add3A_539 : i32 to index
          %swap3A_562 = arith.constant 16 : index
          %swap3A_563 = tpu.vector_load %arg6[%swap3A_560, %swap3A_561, %swap3A_562] {strides = array<i32>} : memref<6x128x128xf32, #tpu.memory_space<vmem>>, vector<1x1x16xf32>,
          %swap3A_564 = vector.shape_cast %swap3A_563 : vector<1x1x16xf32> to vector<16xf32>
          %swap3A_565 = vector.shape_cast %sub3A_558 : vector<16xf32> to vector<1x1x16xf32>
          tpu.vector_store %arg6[%swap3A_560, %swap3A_561, %swap3A_562], %swap3A_565 {strides = array<i32>} : memref<6x128x128xf32, #tpu.memory_space<vmem>>, vector<1x1x16xf32>,
          %get3A_566 = arith.constant 0 : i32
          %get3A_567 = arith.index_cast %get3A_566 : i32 to index
          %get3A_568 = arith.index_cast %add3A_539 : i32 to index
          %get3A_569 = arith.constant 32 : index
          %get3A_570 = tpu.vector_load %arg6[%get3A_567, %get3A_568, %get3A_569] {strides = array<i32>} : memref<6x128x128xf32, #tpu.memory_space<vmem>>, vector<1x1x16xf32>,
          %get3A_571 = vector.shape_cast %get3A_570 : vector<1x1x16xf32> to vector<16xf32>
          %sub3A_572 = arith.subf %get3A_571, %get3A_282 : vector<16xf32>
          %swap3A_573 = arith.constant 0 : i32
          %swap3A_574 = arith.index_cast %swap3A_573 : i32 to index
          %swap3A_575 = arith.index_cast %add3A_539 : i32 to index
          %swap3A_576 = arith.constant 32 : index
          %swap3A_577 = tpu.vector_load %arg6[%swap3A_574, %swap3A_575, %swap3A_576] {strides = array<i32>} : memref<6x128x128xf32, #tpu.memory_space<vmem>>, vector<1x1x16xf32>,
          %swap3A_578 = vector.shape_cast %swap3A_577 : vector<1x1x16xf32> to vector<16xf32>
          %swap3A_579 = vector.shape_cast %sub3A_572 : vector<16xf32> to vector<1x1x16xf32>
          tpu.vector_store %arg6[%swap3A_574, %swap3A_575, %swap3A_576], %swap3A_579 {strides = array<i32>} : memref<6x128x128xf32, #tpu.memory_space<vmem>>, vector<1x1x16xf32>,
          %get3A_580 = arith.constant 0 : i32
          %get3A_581 = arith.index_cast %get3A_580 : i32 to index
          %get3A_582 = arith.index_cast %add3A_539 : i32 to index
          %get3A_583 = arith.constant 48 : index
          %get3A_584 = tpu.vector_load %arg6[%get3A_581, %get3A_582, %get3A_583] {strides = array<i32>} : memref<6x128x128xf32, #tpu.memory_space<vmem>>, vector<1x1x16xf32>,
          %get3A_585 = vector.shape_cast %get3A_584 : vector<1x1x16xf32> to vector<16xf32>
          %sub3A_586 = arith.subf %get3A_585, %get3A_289 : vector<16xf32>
          %swap3A_587 = arith.constant 0 : i32
          %swap3A_588 = arith.index_cast %swap3A_587 : i32 to index
          %swap3A_589 = arith.index_cast %add3A_539 : i32 to index
          %swap3A_590 = arith.constant 48 : index
          %swap3A_591 = tpu.vector_load %arg6[%swap3A_588, %swap3A_589, %swap3A_590] {strides = array<i32>} : memref<6x128x128xf32, #tpu.memory_space<vmem>>, vector<1x1x16xf32>,
          %swap3A_592 = vector.shape_cast %swap3A_591 : vector<1x1x16xf32> to vector<16xf32>
          %swap3A_593 = vector.shape_cast %sub3A_586 : vector<16xf32> to vector<1x1x16xf32>
          tpu.vector_store %arg6[%swap3A_588, %swap3A_589, %swap3A_590], %swap3A_593 {strides = array<i32>} : memref<6x128x128xf32, #tpu.memory_space<vmem>>, vector<1x1x16xf32>,
          %get3A_594 = arith.constant 0 : i32
          %get3A_595 = arith.index_cast %get3A_594 : i32 to index
          %get3A_596 = arith.index_cast %add3A_539 : i32 to index
          %get3A_597 = arith.constant 64 : index
          %get3A_598 = tpu.vector_load %arg6[%get3A_595, %get3A_596, %get3A_597] {strides = array<i32>} : memref<6x128x128xf32, #tpu.memory_space<vmem>>, vector<1x1x16xf32>,
          %get3A_599 = vector.shape_cast %get3A_598 : vector<1x1x16xf32> to vector<16xf32>
          %sub3A_600 = arith.subf %get3A_599, %get3A_296 : vector<16xf32>
          %swap3A_601 = arith.constant 0 : i32
          %swap3A_602 = arith.index_cast %swap3A_601 : i32 to index
          %swap3A_603 = arith.index_cast %add3A_539 : i32 to index
          %swap3A_604 = arith.constant 64 : index
          %swap3A_605 = tpu.vector_load %arg6[%swap3A_602, %swap3A_603, %swap3A_604] {strides = array<i32>} : memref<6x128x128xf32, #tpu.memory_space<vmem>>, vector<1x1x16xf32>,
          %swap3A_606 = vector.shape_cast %swap3A_605 : vector<1x1x16xf32> to vector<16xf32>
          %swap3A_607 = vector.shape_cast %sub3A_600 : vector<16xf32> to vector<1x1x16xf32>
          tpu.vector_store %arg6[%swap3A_602, %swap3A_603, %swap3A_604], %swap3A_607 {strides = array<i32>} : memref<6x128x128xf32, #tpu.memory_space<vmem>>, vector<1x1x16xf32>,
          %get3A_608 = arith.constant 0 : i32
          %get3A_609 = arith.index_cast %get3A_608 : i32 to index
          %get3A_610 = arith.index_cast %add3A_539 : i32 to index
          %get3A_611 = arith.constant 80 : index
          %get3A_612 = tpu.vector_load %arg6[%get3A_609, %get3A_610, %get3A_611] {strides = array<i32>} : memref<6x128x128xf32, #tpu.memory_space<vmem>>, vector<1x1x16xf32>,
          %get3A_613 = vector.shape_cast %get3A_612 : vector<1x1x16xf32> to vector<16xf32>
          %sub3A_614 = arith.subf %get3A_613, %get3A_303 : vector<16xf32>
          %swap3A_615 = arith.constant 0 : i32
          %swap3A_616 = arith.index_cast %swap3A_615 : i32 to index
          %swap3A_617 = arith.index_cast %add3A_539 : i32 to index
          %swap3A_618 = arith.constant 80 : index
          %swap3A_619 = tpu.vector_load %arg6[%swap3A_616, %swap3A_617, %swap3A_618] {strides = array<i32>} : memref<6x128x128xf32, #tpu.memory_space<vmem>>, vector<1x1x16xf32>,
          %swap3A_620 = vector.shape_cast %swap3A_619 : vector<1x1x16xf32> to vector<16xf32>
          %swap3A_621 = vector.shape_cast %sub3A_614 : vector<16xf32> to vector<1x1x16xf32>
          tpu.vector_store %arg6[%swap3A_616, %swap3A_617, %swap3A_618], %swap3A_621 {strides = array<i32>} : memref<6x128x128xf32, #tpu.memory_space<vmem>>, vector<1x1x16xf32>,
          %get3A_622 = arith.constant 0 : i32
          %get3A_623 = arith.index_cast %get3A_622 : i32 to index
          %get3A_624 = arith.index_cast %add3A_539 : i32 to index
          %get3A_625 = arith.constant 96 : index
          %get3A_626 = tpu.vector_load %arg6[%get3A_623, %get3A_624, %get3A_625] {strides = array<i32>} : memref<6x128x128xf32, #tpu.memory_space<vmem>>, vector<1x1x16xf32>,
          %get3A_627 = vector.shape_cast %get3A_626 : vector<1x1x16xf32> to vector<16xf32>
          %sub3A_628 = arith.subf %get3A_627, %get3A_310 : vector<16xf32>
          %swap3A_629 = arith.constant 0 : i32
          %swap3A_630 = arith.index_cast %swap3A_629 : i32 to index
          %swap3A_631 = arith.index_cast %add3A_539 : i32 to index
          %swap3A_632 = arith.constant 96 : index
          %swap3A_633 = tpu.vector_load %arg6[%swap3A_630, %swap3A_631, %swap3A_632] {strides = array<i32>} : memref<6x128x128xf32, #tpu.memory_space<vmem>>, vector<1x1x16xf32>,
          %swap3A_634 = vector.shape_cast %swap3A_633 : vector<1x1x16xf32> to vector<16xf32>
          %swap3A_635 = vector.shape_cast %sub3A_628 : vector<16xf32> to vector<1x1x16xf32>
          tpu.vector_store %arg6[%swap3A_630, %swap3A_631, %swap3A_632], %swap3A_635 {strides = array<i32>} : memref<6x128x128xf32, #tpu.memory_space<vmem>>, vector<1x1x16xf32>,
          %get3A_636 = arith.constant 0 : i32
          %get3A_637 = arith.index_cast %get3A_636 : i32 to index
          %get3A_638 = arith.index_cast %add3A_539 : i32 to index
          %get3A_639 = arith.constant 112 : index
          %get3A_640 = tpu.vector_load %arg6[%get3A_637, %get3A_638, %get3A_639] {strides = array<i32>} : memref<6x128x128xf32, #tpu.memory_space<vmem>>, vector<1x1x16xf32>,
          %get3A_641 = vector.shape_cast %get3A_640 : vector<1x1x16xf32> to vector<16xf32>
          %sub3A_642 = arith.subf %get3A_641, %get3A_317 : vector<16xf32>
          %swap3A_643 = arith.constant 0 : i32
          %swap3A_644 = arith.index_cast %swap3A_643 : i32 to index
          %swap3A_645 = arith.index_cast %add3A_539 : i32 to index
          %swap3A_646 = arith.constant 112 : index
          %swap3A_647 = tpu.vector_load %arg6[%swap3A_644, %swap3A_645, %swap3A_646] {strides = array<i32>} : memref<6x128x128xf32, #tpu.memory_space<vmem>>, vector<1x1x16xf32>,
          %swap3A_648 = vector.shape_cast %swap3A_647 : vector<1x1x16xf32> to vector<16xf32>
          %swap3A_649 = vector.shape_cast %sub3A_642 : vector<16xf32> to vector<1x1x16xf32>
          tpu.vector_store %arg6[%swap3A_644, %swap3A_645, %swap3A_646], %swap3A_649 {strides = array<i32>} : memref<6x128x128xf32, #tpu.memory_space<vmem>>, vector<1x1x16xf32>,
          %scan3A_650 = arith.constant 0 : i32
          scf.yield %scan3A_650 : i32
        }
        %scan3A_324 = arith.constant 32 : i32
        %get3A_325 = arith.constant 0 : i32
        %get3A_326 = arith.constant 1 : i32
        %get3A_327 = arith.index_cast %get3A_325 : i32 to index
        %get3A_328 = arith.index_cast %get3A_326 : i32 to index
        %get3A_329 = arith.constant 0 : index
        %get3A_330 = tpu.vector_load %arg7[%get3A_327, %get3A_328, %get3A_329] {strides = array<i32>} : memref<6x4x128xf32, #tpu.memory_space<vmem>>, vector<1x1x16xf32>,
        %get3A_331 = vector.shape_cast %get3A_330 : vector<1x1x16xf32> to vector<16xf32>
        %get3A_332 = arith.constant 0 : i32
        %get3A_333 = arith.constant 1 : i32
        %get3A_334 = arith.index_cast %get3A_332 : i32 to index
        %get3A_335 = arith.index_cast %get3A_333 : i32 to index
        %get3A_336 = arith.constant 16 : index
        %get3A_337 = tpu.vector_load %arg7[%get3A_334, %get3A_335, %get3A_336] {strides = array<i32>} : memref<6x4x128xf32, #tpu.memory_space<vmem>>, vector<1x1x16xf32>,
        %get3A_338 = vector.shape_cast %get3A_337 : vector<1x1x16xf32> to vector<16xf32>
        %get3A_339 = arith.constant 0 : i32
        %get3A_340 = arith.constant 1 : i32
        %get3A_341 = arith.index_cast %get3A_339 : i32 to index
        %get3A_342 = arith.index_cast %get3A_340 : i32 to index
        %get3A_343 = arith.constant 32 : index
        %get3A_344 = tpu.vector_load %arg7[%get3A_341, %get3A_342, %get3A_343] {strides = array<i32>} : memref<6x4x128xf32, #tpu.memory_space<vmem>>, vector<1x1x16xf32>,
        %get3A_345 = vector.shape_cast %get3A_344 : vector<1x1x16xf32> to vector<16xf32>
        %get3A_346 = arith.constant 0 : i32
        %get3A_347 = arith.constant 1 : i32
        %get3A_348 = arith.index_cast %get3A_346 : i32 to index
        %get3A_349 = arith.index_cast %get3A_347 : i32 to index
        %get3A_350 = arith.constant 48 : index
        %get3A_351 = tpu.vector_load %arg7[%get3A_348, %get3A_349, %get3A_350] {strides = array<i32>} : memref<6x4x128xf32, #tpu.memory_space<vmem>>, vector<1x1x16xf32>,
        %get3A_352 = vector.shape_cast %get3A_351 : vector<1x1x16xf32> to vector<16xf32>
        %get3A_353 = arith.constant 0 : i32
        %get3A_354 = arith.constant 1 : i32
        %get3A_355 = arith.index_cast %get3A_353 : i32 to index
        %get3A_356 = arith.index_cast %get3A_354 : i32 to index
        %get3A_357 = arith.constant 64 : index
        %get3A_358 = tpu.vector_load %arg7[%get3A_355, %get3A_356, %get3A_357] {strides = array<i32>} : memref<6x4x128xf32, #tpu.memory_space<vmem>>, vector<1x1x16xf32>,
        %get3A_359 = vector.shape_cast %get3A_358 : vector<1x1x16xf32> to vector<16xf32>
        %get3A_360 = arith.constant 0 : i32
        %get3A_361 = arith.constant 1 : i32
        %get3A_362 = arith.index_cast %get3A_360 : i32 to index
        %get3A_363 = arith.index_cast %get3A_361 : i32 to index
        %get3A_364 = arith.constant 80 : index
        %get3A_365 = tpu.vector_load %arg7[%get3A_362, %get3A_363, %get3A_364] {strides = array<i32>} : memref<6x4x128xf32, #tpu.memory_space<vmem>>, vector<1x1x16xf32>,
        %get3A_366 = vector.shape_cast %get3A_365 : vector<1x1x16xf32> to vector<16xf32>
        %get3A_367 = arith.constant 0 : i32
        %get3A_368 = arith.constant 1 : i32
        %get3A_369 = arith.index_cast %get3A_367 : i32 to index
        %get3A_370 = arith.index_cast %get3A_368 : i32 to index
        %get3A_371 = arith.constant 96 : index
        %get3A_372 = tpu.vector_load %arg7[%get3A_369, %get3A_370, %get3A_371] {strides = array<i32>} : memref<6x4x128xf32, #tpu.memory_space<vmem>>, vector<1x1x16xf32>,
        %get3A_373 = vector.shape_cast %get3A_372 : vector<1x1x16xf32> to vector<16xf32>
        %get3A_374 = arith.constant 0 : i32
        %get3A_375 = arith.constant 1 : i32
        %get3A_376 = arith.index_cast %get3A_374 : i32 to index
        %get3A_377 = arith.index_cast %get3A_375 : i32 to index
        %get3A_378 = arith.constant 112 : index
        %get3A_379 = tpu.vector_load %arg7[%get3A_376, %get3A_377, %get3A_378] {strides = array<i32>} : memref<6x4x128xf32, #tpu.memory_space<vmem>>, vector<1x1x16xf32>,
        %get3A_380 = vector.shape_cast %get3A_379 : vector<1x1x16xf32> to vector<16xf32>
        %scan3A_381 = arith.constant 0 : i32
        %scan3A_382 = arith.constant 0 : i32
        %scan3A_383 = arith.constant 32 : i32
        %scan3A_384 = arith.addi %scan3A_382, %scan3A_383 : i32
        %scan3A_385 = arith.constant 1 : i32
        %scan3A_386 = scf.for %scan3A_536 = %scan3A_382 to %scan3A_384 step %scan3A_385 iter_args(%scan3A_537 = %scan3A_381) -> (i32)  : i32 {
          %add3A_538 = arith.constant 32 : i32
          %add3A_539 = arith.addi %add3A_538, %scan3A_536 : i32
          %get3A_540 = arith.constant 0 : i32
          %get3A_541 = arith.index_cast %get3A_540 : i32 to index
          %get3A_542 = arith.index_cast %add3A_539 : i32 to index
          %get3A_543 = arith.constant 0 : index
          %get3A_544 = tpu.vector_load %arg6[%get3A_541, %get3A_542, %get3A_543] {strides = array<i32>} : memref<6x128x128xf32, #tpu.memory_space<vmem>>, vector<1x1x16xf32>,
          %get3A_545 = vector.shape_cast %get3A_544 : vector<1x1x16xf32> to vector<16xf32>
          %sub3A = arith.subf %get3A_545, %get3A_331 : vector<16xf32>
          %swap3A = arith.constant 0 : i32
          %swap3A_546 = arith.index_cast %swap3A : i32 to index
          %swap3A_547 = arith.index_cast %add3A_539 : i32 to index
          %swap3A_548 = arith.constant 0 : index
          %swap3A_549 = tpu.vector_load %arg6[%swap3A_546, %swap3A_547, %swap3A_548] {strides = array<i32>} : memref<6x128x128xf32, #tpu.memory_space<vmem>>, vector<1x1x16xf32>,
          %swap3A_550 = vector.shape_cast %swap3A_549 : vector<1x1x16xf32> to vector<16xf32>
          %swap3A_551 = vector.shape_cast %sub3A : vector<16xf32> to vector<1x1x16xf32>
          tpu.vector_store %arg6[%swap3A_546, %swap3A_547, %swap3A_548], %swap3A_551 {strides = array<i32>} : memref<6x128x128xf32, #tpu.memory_space<vmem>>, vector<1x1x16xf32>,
          %get3A_552 = arith.constant 0 : i32
          %get3A_553 = arith.index_cast %get3A_552 : i32 to index
          %get3A_554 = arith.index_cast %add3A_539 : i32 to index
          %get3A_555 = arith.constant 16 : index
          %get3A_556 = tpu.vector_load %arg6[%get3A_553, %get3A_554, %get3A_555] {strides = array<i32>} : memref<6x128x128xf32, #tpu.memory_space<vmem>>, vector<1x1x16xf32>,
          %get3A_557 = vector.shape_cast %get3A_556 : vector<1x1x16xf32> to vector<16xf32>
          %sub3A_558 = arith.subf %get3A_557, %get3A_338 : vector<16xf32>
          %swap3A_559 = arith.constant 0 : i32
          %swap3A_560 = arith.index_cast %swap3A_559 : i32 to index
          %swap3A_561 = arith.index_cast %add3A_539 : i32 to index
          %swap3A_562 = arith.constant 16 : index
          %swap3A_563 = tpu.vector_load %arg6[%swap3A_560, %swap3A_561, %swap3A_562] {strides = array<i32>} : memref<6x128x128xf32, #tpu.memory_space<vmem>>, vector<1x1x16xf32>,
          %swap3A_564 = vector.shape_cast %swap3A_563 : vector<1x1x16xf32> to vector<16xf32>
          %swap3A_565 = vector.shape_cast %sub3A_558 : vector<16xf32> to vector<1x1x16xf32>
          tpu.vector_store %arg6[%swap3A_560, %swap3A_561, %swap3A_562], %swap3A_565 {strides = array<i32>} : memref<6x128x128xf32, #tpu.memory_space<vmem>>, vector<1x1x16xf32>,
          %get3A_566 = arith.constant 0 : i32
          %get3A_567 = arith.index_cast %get3A_566 : i32 to index
          %get3A_568 = arith.index_cast %add3A_539 : i32 to index
          %get3A_569 = arith.constant 32 : index
          %get3A_570 = tpu.vector_load %arg6[%get3A_567, %get3A_568, %get3A_569] {strides = array<i32>} : memref<6x128x128xf32, #tpu.memory_space<vmem>>, vector<1x1x16xf32>,
          %get3A_571 = vector.shape_cast %get3A_570 : vector<1x1x16xf32> to vector<16xf32>
          %sub3A_572 = arith.subf %get3A_571, %get3A_345 : vector<16xf32>
          %swap3A_573 = arith.constant 0 : i32
          %swap3A_574 = arith.index_cast %swap3A_573 : i32 to index
          %swap3A_575 = arith.index_cast %add3A_539 : i32 to index
          %swap3A_576 = arith.constant 32 : index
          %swap3A_577 = tpu.vector_load %arg6[%swap3A_574, %swap3A_575, %swap3A_576] {strides = array<i32>} : memref<6x128x128xf32, #tpu.memory_space<vmem>>, vector<1x1x16xf32>,
          %swap3A_578 = vector.shape_cast %swap3A_577 : vector<1x1x16xf32> to vector<16xf32>
          %swap3A_579 = vector.shape_cast %sub3A_572 : vector<16xf32> to vector<1x1x16xf32>
          tpu.vector_store %arg6[%swap3A_574, %swap3A_575, %swap3A_576], %swap3A_579 {strides = array<i32>} : memref<6x128x128xf32, #tpu.memory_space<vmem>>, vector<1x1x16xf32>,
          %get3A_580 = arith.constant 0 : i32
          %get3A_581 = arith.index_cast %get3A_580 : i32 to index
          %get3A_582 = arith.index_cast %add3A_539 : i32 to index
          %get3A_583 = arith.constant 48 : index
          %get3A_584 = tpu.vector_load %arg6[%get3A_581, %get3A_582, %get3A_583] {strides = array<i32>} : memref<6x128x128xf32, #tpu.memory_space<vmem>>, vector<1x1x16xf32>,
          %get3A_585 = vector.shape_cast %get3A_584 : vector<1x1x16xf32> to vector<16xf32>
          %sub3A_586 = arith.subf %get3A_585, %get3A_352 : vector<16xf32>
          %swap3A_587 = arith.constant 0 : i32
          %swap3A_588 = arith.index_cast %swap3A_587 : i32 to index
          %swap3A_589 = arith.index_cast %add3A_539 : i32 to index
          %swap3A_590 = arith.constant 48 : index
          %swap3A_591 = tpu.vector_load %arg6[%swap3A_588, %swap3A_589, %swap3A_590] {strides = array<i32>} : memref<6x128x128xf32, #tpu.memory_space<vmem>>, vector<1x1x16xf32>,
          %swap3A_592 = vector.shape_cast %swap3A_591 : vector<1x1x16xf32> to vector<16xf32>
          %swap3A_593 = vector.shape_cast %sub3A_586 : vector<16xf32> to vector<1x1x16xf32>
          tpu.vector_store %arg6[%swap3A_588, %swap3A_589, %swap3A_590], %swap3A_593 {strides = array<i32>} : memref<6x128x128xf32, #tpu.memory_space<vmem>>, vector<1x1x16xf32>,
          %get3A_594 = arith.constant 0 : i32
          %get3A_595 = arith.index_cast %get3A_594 : i32 to index
          %get3A_596 = arith.index_cast %add3A_539 : i32 to index
          %get3A_597 = arith.constant 64 : index
          %get3A_598 = tpu.vector_load %arg6[%get3A_595, %get3A_596, %get3A_597] {strides = array<i32>} : memref<6x128x128xf32, #tpu.memory_space<vmem>>, vector<1x1x16xf32>,
          %get3A_599 = vector.shape_cast %get3A_598 : vector<1x1x16xf32> to vector<16xf32>
          %sub3A_600 = arith.subf %get3A_599, %get3A_359 : vector<16xf32>
          %swap3A_601 = arith.constant 0 : i32
          %swap3A_602 = arith.index_cast %swap3A_601 : i32 to index
          %swap3A_603 = arith.index_cast %add3A_539 : i32 to index
          %swap3A_604 = arith.constant 64 : index
          %swap3A_605 = tpu.vector_load %arg6[%swap3A_602, %swap3A_603, %swap3A_604] {strides = array<i32>} : memref<6x128x128xf32, #tpu.memory_space<vmem>>, vector<1x1x16xf32>,
          %swap3A_606 = vector.shape_cast %swap3A_605 : vector<1x1x16xf32> to vector<16xf32>
          %swap3A_607 = vector.shape_cast %sub3A_600 : vector<16xf32> to vector<1x1x16xf32>
          tpu.vector_store %arg6[%swap3A_602, %swap3A_603, %swap3A_604], %swap3A_607 {strides = array<i32>} : memref<6x128x128xf32, #tpu.memory_space<vmem>>, vector<1x1x16xf32>,
          %get3A_608 = arith.constant 0 : i32
          %get3A_609 = arith.index_cast %get3A_608 : i32 to index
          %get3A_610 = arith.index_cast %add3A_539 : i32 to index
          %get3A_611 = arith.constant 80 : index
          %get3A_612 = tpu.vector_load %arg6[%get3A_609, %get3A_610, %get3A_611] {strides = array<i32>} : memref<6x128x128xf32, #tpu.memory_space<vmem>>, vector<1x1x16xf32>,
          %get3A_613 = vector.shape_cast %get3A_612 : vector<1x1x16xf32> to vector<16xf32>
          %sub3A_614 = arith.subf %get3A_613, %get3A_366 : vector<16xf32>
          %swap3A_615 = arith.constant 0 : i32
          %swap3A_616 = arith.index_cast %swap3A_615 : i32 to index
          %swap3A_617 = arith.index_cast %add3A_539 : i32 to index
          %swap3A_618 = arith.constant 80 : index
          %swap3A_619 = tpu.vector_load %arg6[%swap3A_616, %swap3A_617, %swap3A_618] {strides = array<i32>} : memref<6x128x128xf32, #tpu.memory_space<vmem>>, vector<1x1x16xf32>,
          %swap3A_620 = vector.shape_cast %swap3A_619 : vector<1x1x16xf32> to vector<16xf32>
          %swap3A_621 = vector.shape_cast %sub3A_614 : vector<16xf32> to vector<1x1x16xf32>
          tpu.vector_store %arg6[%swap3A_616, %swap3A_617, %swap3A_618], %swap3A_621 {strides = array<i32>} : memref<6x128x128xf32, #tpu.memory_space<vmem>>, vector<1x1x16xf32>,
          %get3A_622 = arith.constant 0 : i32
          %get3A_623 = arith.index_cast %get3A_622 : i32 to index
          %get3A_624 = arith.index_cast %add3A_539 : i32 to index
          %get3A_625 = arith.constant 96 : index
          %get3A_626 = tpu.vector_load %arg6[%get3A_623, %get3A_624, %get3A_625] {strides = array<i32>} : memref<6x128x128xf32, #tpu.memory_space<vmem>>, vector<1x1x16xf32>,
          %get3A_627 = vector.shape_cast %get3A_626 : vector<1x1x16xf32> to vector<16xf32>
          %sub3A_628 = arith.subf %get3A_627, %get3A_373 : vector<16xf32>
          %swap3A_629 = arith.constant 0 : i32
          %swap3A_630 = arith.index_cast %swap3A_629 : i32 to index
          %swap3A_631 = arith.index_cast %add3A_539 : i32 to index
          %swap3A_632 = arith.constant 96 : index
          %swap3A_633 = tpu.vector_load %arg6[%swap3A_630, %swap3A_631, %swap3A_632] {strides = array<i32>} : memref<6x128x128xf32, #tpu.memory_space<vmem>>, vector<1x1x16xf32>,
          %swap3A_634 = vector.shape_cast %swap3A_633 : vector<1x1x16xf32> to vector<16xf32>
          %swap3A_635 = vector.shape_cast %sub3A_628 : vector<16xf32> to vector<1x1x16xf32>
          tpu.vector_store %arg6[%swap3A_630, %swap3A_631, %swap3A_632], %swap3A_635 {strides = array<i32>} : memref<6x128x128xf32, #tpu.memory_space<vmem>>, vector<1x1x16xf32>,
          %get3A_636 = arith.constant 0 : i32
          %get3A_637 = arith.index_cast %get3A_636 : i32 to index
          %get3A_638 = arith.index_cast %add3A_539 : i32 to index
          %get3A_639 = arith.constant 112 : index
          %get3A_640 = tpu.vector_load %arg6[%get3A_637, %get3A_638, %get3A_639] {strides = array<i32>} : memref<6x128x128xf32, #tpu.memory_space<vmem>>, vector<1x1x16xf32>,
          %get3A_641 = vector.shape_cast %get3A_640 : vector<1x1x16xf32> to vector<16xf32>
          %sub3A_642 = arith.subf %get3A_641, %get3A_380 : vector<16xf32>
          %swap3A_643 = arith.constant 0 : i32
          %swap3A_644 = arith.index_cast %swap3A_643 : i32 to index
          %swap3A_645 = arith.index_cast %add3A_539 : i32 to index
          %swap3A_646 = arith.constant 112 : index
          %swap3A_647 = tpu.vector_load %arg6[%swap3A_644, %swap3A_645, %swap3A_646] {strides = array<i32>} : memref<6x128x128xf32, #tpu.memory_space<vmem>>, vector<1x1x16xf32>,
          %swap3A_648 = vector.shape_cast %swap3A_647 : vector<1x1x16xf32> to vector<16xf32>
          %swap3A_649 = vector.shape_cast %sub3A_642 : vector<16xf32> to vector<1x1x16xf32>
          tpu.vector_store %arg6[%swap3A_644, %swap3A_645, %swap3A_646], %swap3A_649 {strides = array<i32>} : memref<6x128x128xf32, #tpu.memory_space<vmem>>, vector<1x1x16xf32>,
          %scan3A_650 = arith.constant 0 : i32
          scf.yield %scan3A_650 : i32
        }
        %scan3A_387 = arith.constant 32 : i32
        %get3A_388 = arith.constant 0 : i32
        %get3A_389 = arith.constant 2 : i32
        %get3A_390 = arith.index_cast %get3A_388 : i32 to index
        %get3A_391 = arith.index_cast %get3A_389 : i32 to index
        %get3A_392 = arith.constant 0 : index
        %get3A_393 = tpu.vector_load %arg7[%get3A_390, %get3A_391, %get3A_392] {strides = array<i32>} : memref<6x4x128xf32, #tpu.memory_space<vmem>>, vector<1x1x16xf32>,
        %get3A_394 = vector.shape_cast %get3A_393 : vector<1x1x16xf32> to vector<16xf32>
        %get3A_395 = arith.constant 0 : i32
        %get3A_396 = arith.constant 2 : i32
        %get3A_397 = arith.index_cast %get3A_395 : i32 to index
        %get3A_398 = arith.index_cast %get3A_396 : i32 to index
        %get3A_399 = arith.constant 16 : index
        %get3A_400 = tpu.vector_load %arg7[%get3A_397, %get3A_398, %get3A_399] {strides = array<i32>} : memref<6x4x128xf32, #tpu.memory_space<vmem>>, vector<1x1x16xf32>,
        %get3A_401 = vector.shape_cast %get3A_400 : vector<1x1x16xf32> to vector<16xf32>
        %get3A_402 = arith.constant 0 : i32
        %get3A_403 = arith.constant 2 : i32
        %get3A_404 = arith.index_cast %get3A_402 : i32 to index
        %get3A_405 = arith.index_cast %get3A_403 : i32 to index
        %get3A_406 = arith.constant 32 : index
        %get3A_407 = tpu.vector_load %arg7[%get3A_404, %get3A_405, %get3A_406] {strides = array<i32>} : memref<6x4x128xf32, #tpu.memory_space<vmem>>, vector<1x1x16xf32>,
        %get3A_408 = vector.shape_cast %get3A_407 : vector<1x1x16xf32> to vector<16xf32>
        %get3A_409 = arith.constant 0 : i32
        %get3A_410 = arith.constant 2 : i32
        %get3A_411 = arith.index_cast %get3A_409 : i32 to index
        %get3A_412 = arith.index_cast %get3A_410 : i32 to index
        %get3A_413 = arith.constant 48 : index
        %get3A_414 = tpu.vector_load %arg7[%get3A_411, %get3A_412, %get3A_413] {strides = array<i32>} : memref<6x4x128xf32, #tpu.memory_space<vmem>>, vector<1x1x16xf32>,
        %get3A_415 = vector.shape_cast %get3A_414 : vector<1x1x16xf32> to vector<16xf32>
        %get3A_416 = arith.constant 0 : i32
        %get3A_417 = arith.constant 2 : i32
        %get3A_418 = arith.index_cast %get3A_416 : i32 to index
        %get3A_419 = arith.index_cast %get3A_417 : i32 to index
        %get3A_420 = arith.constant 64 : index
        %get3A_421 = tpu.vector_load %arg7[%get3A_418, %get3A_419, %get3A_420] {strides = array<i32>} : memref<6x4x128xf32, #tpu.memory_space<vmem>>, vector<1x1x16xf32>,
        %get3A_422 = vector.shape_cast %get3A_421 : vector<1x1x16xf32> to vector<16xf32>
        %get3A_423 = arith.constant 0 : i32
        %get3A_424 = arith.constant 2 : i32
        %get3A_425 = arith.index_cast %get3A_423 : i32 to index
        %get3A_426 = arith.index_cast %get3A_424 : i32 to index
        %get3A_427 = arith.constant 80 : index
        %get3A_428 = tpu.vector_load %arg7[%get3A_425, %get3A_426, %get3A_427] {strides = array<i32>} : memref<6x4x128xf32, #tpu.memory_space<vmem>>, vector<1x1x16xf32>,
        %get3A_429 = vector.shape_cast %get3A_428 : vector<1x1x16xf32> to vector<16xf32>
        %get3A_430 = arith.constant 0 : i32
        %get3A_431 = arith.constant 2 : i32
        %get3A_432 = arith.index_cast %get3A_430 : i32 to index
        %get3A_433 = arith.index_cast %get3A_431 : i32 to index
        %get3A_434 = arith.constant 96 : index
        %get3A_435 = tpu.vector_load %arg7[%get3A_432, %get3A_433, %get3A_434] {strides = array<i32>} : memref<6x4x128xf32, #tpu.memory_space<vmem>>, vector<1x1x16xf32>,
        %get3A_436 = vector.shape_cast %get3A_435 : vector<1x1x16xf32> to vector<16xf32>
        %get3A_437 = arith.constant 0 : i32
        %get3A_438 = arith.constant 2 : i32
        %get3A_439 = arith.index_cast %get3A_437 : i32 to index
        %get3A_440 = arith.index_cast %get3A_438 : i32 to index
        %get3A_441 = arith.constant 112 : index
        %get3A_442 = tpu.vector_load %arg7[%get3A_439, %get3A_440, %get3A_441] {strides = array<i32>} : memref<6x4x128xf32, #tpu.memory_space<vmem>>, vector<1x1x16xf32>,
        %get3A_443 = vector.shape_cast %get3A_442 : vector<1x1x16xf32> to vector<16xf32>
        %scan3A_444 = arith.constant 0 : i32
        %scan3A_445 = arith.constant 0 : i32
        %scan3A_446 = arith.constant 32 : i32
        %scan3A_447 = arith.addi %scan3A_445, %scan3A_446 : i32
        %scan3A_448 = arith.constant 1 : i32
        %scan3A_449 = scf.for %scan3A_536 = %scan3A_445 to %scan3A_447 step %scan3A_448 iter_args(%scan3A_537 = %scan3A_444) -> (i32)  : i32 {
          %add3A_538 = arith.constant 64 : i32
          %add3A_539 = arith.addi %add3A_538, %scan3A_536 : i32
          %get3A_540 = arith.constant 0 : i32
          %get3A_541 = arith.index_cast %get3A_540 : i32 to index
          %get3A_542 = arith.index_cast %add3A_539 : i32 to index
          %get3A_543 = arith.constant 0 : index
          %get3A_544 = tpu.vector_load %arg6[%get3A_541, %get3A_542, %get3A_543] {strides = array<i32>} : memref<6x128x128xf32, #tpu.memory_space<vmem>>, vector<1x1x16xf32>,
          %get3A_545 = vector.shape_cast %get3A_544 : vector<1x1x16xf32> to vector<16xf32>
          %sub3A = arith.subf %get3A_545, %get3A_394 : vector<16xf32>
          %swap3A = arith.constant 0 : i32
          %swap3A_546 = arith.index_cast %swap3A : i32 to index
          %swap3A_547 = arith.index_cast %add3A_539 : i32 to index
          %swap3A_548 = arith.constant 0 : index
          %swap3A_549 = tpu.vector_load %arg6[%swap3A_546, %swap3A_547, %swap3A_548] {strides = array<i32>} : memref<6x128x128xf32, #tpu.memory_space<vmem>>, vector<1x1x16xf32>,
          %swap3A_550 = vector.shape_cast %swap3A_549 : vector<1x1x16xf32> to vector<16xf32>
          %swap3A_551 = vector.shape_cast %sub3A : vector<16xf32> to vector<1x1x16xf32>
          tpu.vector_store %arg6[%swap3A_546, %swap3A_547, %swap3A_548], %swap3A_551 {strides = array<i32>} : memref<6x128x128xf32, #tpu.memory_space<vmem>>, vector<1x1x16xf32>,
          %get3A_552 = arith.constant 0 : i32
          %get3A_553 = arith.index_cast %get3A_552 : i32 to index
          %get3A_554 = arith.index_cast %add3A_539 : i32 to index
          %get3A_555 = arith.constant 16 : index
          %get3A_556 = tpu.vector_load %arg6[%get3A_553, %get3A_554, %get3A_555] {strides = array<i32>} : memref<6x128x128xf32, #tpu.memory_space<vmem>>, vector<1x1x16xf32>,
          %get3A_557 = vector.shape_cast %get3A_556 : vector<1x1x16xf32> to vector<16xf32>
          %sub3A_558 = arith.subf %get3A_557, %get3A_401 : vector<16xf32>
          %swap3A_559 = arith.constant 0 : i32
          %swap3A_560 = arith.index_cast %swap3A_559 : i32 to index
          %swap3A_561 = arith.index_cast %add3A_539 : i32 to index
          %swap3A_562 = arith.constant 16 : index
          %swap3A_563 = tpu.vector_load %arg6[%swap3A_560, %swap3A_561, %swap3A_562] {strides = array<i32>} : memref<6x128x128xf32, #tpu.memory_space<vmem>>, vector<1x1x16xf32>,
          %swap3A_564 = vector.shape_cast %swap3A_563 : vector<1x1x16xf32> to vector<16xf32>
          %swap3A_565 = vector.shape_cast %sub3A_558 : vector<16xf32> to vector<1x1x16xf32>
          tpu.vector_store %arg6[%swap3A_560, %swap3A_561, %swap3A_562], %swap3A_565 {strides = array<i32>} : memref<6x128x128xf32, #tpu.memory_space<vmem>>, vector<1x1x16xf32>,
          %get3A_566 = arith.constant 0 : i32
          %get3A_567 = arith.index_cast %get3A_566 : i32 to index
          %get3A_568 = arith.index_cast %add3A_539 : i32 to index
          %get3A_569 = arith.constant 32 : index
          %get3A_570 = tpu.vector_load %arg6[%get3A_567, %get3A_568, %get3A_569] {strides = array<i32>} : memref<6x128x128xf32, #tpu.memory_space<vmem>>, vector<1x1x16xf32>,
          %get3A_571 = vector.shape_cast %get3A_570 : vector<1x1x16xf32> to vector<16xf32>
          %sub3A_572 = arith.subf %get3A_571, %get3A_408 : vector<16xf32>
          %swap3A_573 = arith.constant 0 : i32
          %swap3A_574 = arith.index_cast %swap3A_573 : i32 to index
          %swap3A_575 = arith.index_cast %add3A_539 : i32 to index
          %swap3A_576 = arith.constant 32 : index
          %swap3A_577 = tpu.vector_load %arg6[%swap3A_574, %swap3A_575, %swap3A_576] {strides = array<i32>} : memref<6x128x128xf32, #tpu.memory_space<vmem>>, vector<1x1x16xf32>,
          %swap3A_578 = vector.shape_cast %swap3A_577 : vector<1x1x16xf32> to vector<16xf32>
          %swap3A_579 = vector.shape_cast %sub3A_572 : vector<16xf32> to vector<1x1x16xf32>
          tpu.vector_store %arg6[%swap3A_574, %swap3A_575, %swap3A_576], %swap3A_579 {strides = array<i32>} : memref<6x128x128xf32, #tpu.memory_space<vmem>>, vector<1x1x16xf32>,
          %get3A_580 = arith.constant 0 : i32
          %get3A_581 = arith.index_cast %get3A_580 : i32 to index
          %get3A_582 = arith.index_cast %add3A_539 : i32 to index
          %get3A_583 = arith.constant 48 : index
          %get3A_584 = tpu.vector_load %arg6[%get3A_581, %get3A_582, %get3A_583] {strides = array<i32>} : memref<6x128x128xf32, #tpu.memory_space<vmem>>, vector<1x1x16xf32>,
          %get3A_585 = vector.shape_cast %get3A_584 : vector<1x1x16xf32> to vector<16xf32>
          %sub3A_586 = arith.subf %get3A_585, %get3A_415 : vector<16xf32>
          %swap3A_587 = arith.constant 0 : i32
          %swap3A_588 = arith.index_cast %swap3A_587 : i32 to index
          %swap3A_589 = arith.index_cast %add3A_539 : i32 to index
          %swap3A_590 = arith.constant 48 : index
          %swap3A_591 = tpu.vector_load %arg6[%swap3A_588, %swap3A_589, %swap3A_590] {strides = array<i32>} : memref<6x128x128xf32, #tpu.memory_space<vmem>>, vector<1x1x16xf32>,
          %swap3A_592 = vector.shape_cast %swap3A_591 : vector<1x1x16xf32> to vector<16xf32>
          %swap3A_593 = vector.shape_cast %sub3A_586 : vector<16xf32> to vector<1x1x16xf32>
          tpu.vector_store %arg6[%swap3A_588, %swap3A_589, %swap3A_590], %swap3A_593 {strides = array<i32>} : memref<6x128x128xf32, #tpu.memory_space<vmem>>, vector<1x1x16xf32>,
          %get3A_594 = arith.constant 0 : i32
          %get3A_595 = arith.index_cast %get3A_594 : i32 to index
          %get3A_596 = arith.index_cast %add3A_539 : i32 to index
          %get3A_597 = arith.constant 64 : index
          %get3A_598 = tpu.vector_load %arg6[%get3A_595, %get3A_596, %get3A_597] {strides = array<i32>} : memref<6x128x128xf32, #tpu.memory_space<vmem>>, vector<1x1x16xf32>,
          %get3A_599 = vector.shape_cast %get3A_598 : vector<1x1x16xf32> to vector<16xf32>
          %sub3A_600 = arith.subf %get3A_599, %get3A_422 : vector<16xf32>
          %swap3A_601 = arith.constant 0 : i32
          %swap3A_602 = arith.index_cast %swap3A_601 : i32 to index
          %swap3A_603 = arith.index_cast %add3A_539 : i32 to index
          %swap3A_604 = arith.constant 64 : index
          %swap3A_605 = tpu.vector_load %arg6[%swap3A_602, %swap3A_603, %swap3A_604] {strides = array<i32>} : memref<6x128x128xf32, #tpu.memory_space<vmem>>, vector<1x1x16xf32>,
          %swap3A_606 = vector.shape_cast %swap3A_605 : vector<1x1x16xf32> to vector<16xf32>
          %swap3A_607 = vector.shape_cast %sub3A_600 : vector<16xf32> to vector<1x1x16xf32>
          tpu.vector_store %arg6[%swap3A_602, %swap3A_603, %swap3A_604], %swap3A_607 {strides = array<i32>} : memref<6x128x128xf32, #tpu.memory_space<vmem>>, vector<1x1x16xf32>,
          %get3A_608 = arith.constant 0 : i32
          %get3A_609 = arith.index_cast %get3A_608 : i32 to index
          %get3A_610 = arith.index_cast %add3A_539 : i32 to index
          %get3A_611 = arith.constant 80 : index
          %get3A_612 = tpu.vector_load %arg6[%get3A_609, %get3A_610, %get3A_611] {strides = array<i32>} : memref<6x128x128xf32, #tpu.memory_space<vmem>>, vector<1x1x16xf32>,
          %get3A_613 = vector.shape_cast %get3A_612 : vector<1x1x16xf32> to vector<16xf32>
          %sub3A_614 = arith.subf %get3A_613, %get3A_429 : vector<16xf32>
          %swap3A_615 = arith.constant 0 : i32
          %swap3A_616 = arith.index_cast %swap3A_615 : i32 to index
          %swap3A_617 = arith.index_cast %add3A_539 : i32 to index
          %swap3A_618 = arith.constant 80 : index
          %swap3A_619 = tpu.vector_load %arg6[%swap3A_616, %swap3A_617, %swap3A_618] {strides = array<i32>} : memref<6x128x128xf32, #tpu.memory_space<vmem>>, vector<1x1x16xf32>,
          %swap3A_620 = vector.shape_cast %swap3A_619 : vector<1x1x16xf32> to vector<16xf32>
          %swap3A_621 = vector.shape_cast %sub3A_614 : vector<16xf32> to vector<1x1x16xf32>
          tpu.vector_store %arg6[%swap3A_616, %swap3A_617, %swap3A_618], %swap3A_621 {strides = array<i32>} : memref<6x128x128xf32, #tpu.memory_space<vmem>>, vector<1x1x16xf32>,
          %get3A_622 = arith.constant 0 : i32
          %get3A_623 = arith.index_cast %get3A_622 : i32 to index
          %get3A_624 = arith.index_cast %add3A_539 : i32 to index
          %get3A_625 = arith.constant 96 : index
          %get3A_626 = tpu.vector_load %arg6[%get3A_623, %get3A_624, %get3A_625] {strides = array<i32>} : memref<6x128x128xf32, #tpu.memory_space<vmem>>, vector<1x1x16xf32>,
          %get3A_627 = vector.shape_cast %get3A_626 : vector<1x1x16xf32> to vector<16xf32>
          %sub3A_628 = arith.subf %get3A_627, %get3A_436 : vector<16xf32>
          %swap3A_629 = arith.constant 0 : i32
          %swap3A_630 = arith.index_cast %swap3A_629 : i32 to index
          %swap3A_631 = arith.index_cast %add3A_539 : i32 to index
          %swap3A_632 = arith.constant 96 : index
          %swap3A_633 = tpu.vector_load %arg6[%swap3A_630, %swap3A_631, %swap3A_632] {strides = array<i32>} : memref<6x128x128xf32, #tpu.memory_space<vmem>>, vector<1x1x16xf32>,
          %swap3A_634 = vector.shape_cast %swap3A_633 : vector<1x1x16xf32> to vector<16xf32>
          %swap3A_635 = vector.shape_cast %sub3A_628 : vector<16xf32> to vector<1x1x16xf32>
          tpu.vector_store %arg6[%swap3A_630, %swap3A_631, %swap3A_632], %swap3A_635 {strides = array<i32>} : memref<6x128x128xf32, #tpu.memory_space<vmem>>, vector<1x1x16xf32>,
          %get3A_636 = arith.constant 0 : i32
          %get3A_637 = arith.index_cast %get3A_636 : i32 to index
          %get3A_638 = arith.index_cast %add3A_539 : i32 to index
          %get3A_639 = arith.constant 112 : index
          %get3A_640 = tpu.vector_load %arg6[%get3A_637, %get3A_638, %get3A_639] {strides = array<i32>} : memref<6x128x128xf32, #tpu.memory_space<vmem>>, vector<1x1x16xf32>,
          %get3A_641 = vector.shape_cast %get3A_640 : vector<1x1x16xf32> to vector<16xf32>
          %sub3A_642 = arith.subf %get3A_641, %get3A_443 : vector<16xf32>
          %swap3A_643 = arith.constant 0 : i32
          %swap3A_644 = arith.index_cast %swap3A_643 : i32 to index
          %swap3A_645 = arith.index_cast %add3A_539 : i32 to index
          %swap3A_646 = arith.constant 112 : index
          %swap3A_647 = tpu.vector_load %arg6[%swap3A_644, %swap3A_645, %swap3A_646] {strides = array<i32>} : memref<6x128x128xf32, #tpu.memory_space<vmem>>, vector<1x1x16xf32>,
          %swap3A_648 = vector.shape_cast %swap3A_647 : vector<1x1x16xf32> to vector<16xf32>
          %swap3A_649 = vector.shape_cast %sub3A_642 : vector<16xf32> to vector<1x1x16xf32>
          tpu.vector_store %arg6[%swap3A_644, %swap3A_645, %swap3A_646], %swap3A_649 {strides = array<i32>} : memref<6x128x128xf32, #tpu.memory_space<vmem>>, vector<1x1x16xf32>,
          %scan3A_650 = arith.constant 0 : i32
          scf.yield %scan3A_650 : i32
        }
        %scan3A_450 = arith.constant 32 : i32
        %get3A_451 = arith.constant 0 : i32
        %get3A_452 = arith.constant 3 : i32
        %get3A_453 = arith.index_cast %get3A_451 : i32 to index
        %get3A_454 = arith.index_cast %get3A_452 : i32 to index
        %get3A_455 = arith.constant 0 : index
        %get3A_456 = tpu.vector_load %arg7[%get3A_453, %get3A_454, %get3A_455] {strides = array<i32>} : memref<6x4x128xf32, #tpu.memory_space<vmem>>, vector<1x1x16xf32>,
        %get3A_457 = vector.shape_cast %get3A_456 : vector<1x1x16xf32> to vector<16xf32>
        %get3A_458 = arith.constant 0 : i32
        %get3A_459 = arith.constant 3 : i32
        %get3A_460 = arith.index_cast %get3A_458 : i32 to index
        %get3A_461 = arith.index_cast %get3A_459 : i32 to index
        %get3A_462 = arith.constant 16 : index
        %get3A_463 = tpu.vector_load %arg7[%get3A_460, %get3A_461, %get3A_462] {strides = array<i32>} : memref<6x4x128xf32, #tpu.memory_space<vmem>>, vector<1x1x16xf32>,
        %get3A_464 = vector.shape_cast %get3A_463 : vector<1x1x16xf32> to vector<16xf32>
        %get3A_465 = arith.constant 0 : i32
        %get3A_466 = arith.constant 3 : i32
        %get3A_467 = arith.index_cast %get3A_465 : i32 to index
        %get3A_468 = arith.index_cast %get3A_466 : i32 to index
        %get3A_469 = arith.constant 32 : index
        %get3A_470 = tpu.vector_load %arg7[%get3A_467, %get3A_468, %get3A_469] {strides = array<i32>} : memref<6x4x128xf32, #tpu.memory_space<vmem>>, vector<1x1x16xf32>,
        %get3A_471 = vector.shape_cast %get3A_470 : vector<1x1x16xf32> to vector<16xf32>
        %get3A_472 = arith.constant 0 : i32
        %get3A_473 = arith.constant 3 : i32
        %get3A_474 = arith.index_cast %get3A_472 : i32 to index
        %get3A_475 = arith.index_cast %get3A_473 : i32 to index
        %get3A_476 = arith.constant 48 : index
        %get3A_477 = tpu.vector_load %arg7[%get3A_474, %get3A_475, %get3A_476] {strides = array<i32>} : memref<6x4x128xf32, #tpu.memory_space<vmem>>, vector<1x1x16xf32>,
        %get3A_478 = vector.shape_cast %get3A_477 : vector<1x1x16xf32> to vector<16xf32>
        %get3A_479 = arith.constant 0 : i32
        %get3A_480 = arith.constant 3 : i32
        %get3A_481 = arith.index_cast %get3A_479 : i32 to index
        %get3A_482 = arith.index_cast %get3A_480 : i32 to index
        %get3A_483 = arith.constant 64 : index
        %get3A_484 = tpu.vector_load %arg7[%get3A_481, %get3A_482, %get3A_483] {strides = array<i32>} : memref<6x4x128xf32, #tpu.memory_space<vmem>>, vector<1x1x16xf32>,
        %get3A_485 = vector.shape_cast %get3A_484 : vector<1x1x16xf32> to vector<16xf32>
        %get3A_486 = arith.constant 0 : i32
        %get3A_487 = arith.constant 3 : i32
        %get3A_488 = arith.index_cast %get3A_486 : i32 to index
        %get3A_489 = arith.index_cast %get3A_487 : i32 to index
        %get3A_490 = arith.constant 80 : index
        %get3A_491 = tpu.vector_load %arg7[%get3A_488, %get3A_489, %get3A_490] {strides = array<i32>} : memref<6x4x128xf32, #tpu.memory_space<vmem>>, vector<1x1x16xf32>,
        %get3A_492 = vector.shape_cast %get3A_491 : vector<1x1x16xf32> to vector<16xf32>
        %get3A_493 = arith.constant 0 : i32
        %get3A_494 = arith.constant 3 : i32
        %get3A_495 = arith.index_cast %get3A_493 : i32 to index
        %get3A_496 = arith.index_cast %get3A_494 : i32 to index
        %get3A_497 = arith.constant 96 : index
        %get3A_498 = tpu.vector_load %arg7[%get3A_495, %get3A_496, %get3A_497] {strides = array<i32>} : memref<6x4x128xf32, #tpu.memory_space<vmem>>, vector<1x1x16xf32>,
        %get3A_499 = vector.shape_cast %get3A_498 : vector<1x1x16xf32> to vector<16xf32>
        %get3A_500 = arith.constant 0 : i32
        %get3A_501 = arith.constant 3 : i32
        %get3A_502 = arith.index_cast %get3A_500 : i32 to index
        %get3A_503 = arith.index_cast %get3A_501 : i32 to index
        %get3A_504 = arith.constant 112 : index
        %get3A_505 = tpu.vector_load %arg7[%get3A_502, %get3A_503, %get3A_504] {strides = array<i32>} : memref<6x4x128xf32, #tpu.memory_space<vmem>>, vector<1x1x16xf32>,
        %get3A_506 = vector.shape_cast %get3A_505 : vector<1x1x16xf32> to vector<16xf32>
        %scan3A_507 = arith.constant 0 : i32
        %scan3A_508 = arith.constant 0 : i32
        %scan3A_509 = arith.constant 32 : i32
        %scan3A_510 = arith.addi %scan3A_508, %scan3A_509 : i32
        %scan3A_511 = arith.constant 1 : i32
        %scan3A_512 = scf.for %scan3A_536 = %scan3A_508 to %scan3A_510 step %scan3A_511 iter_args(%scan3A_537 = %scan3A_507) -> (i32)  : i32 {
          %add3A_538 = arith.constant 96 : i32
          %add3A_539 = arith.addi %add3A_538, %scan3A_536 : i32
          %get3A_540 = arith.constant 0 : i32
          %get3A_541 = arith.index_cast %get3A_540 : i32 to index
          %get3A_542 = arith.index_cast %add3A_539 : i32 to index
          %get3A_543 = arith.constant 0 : index
          %get3A_544 = tpu.vector_load %arg6[%get3A_541, %get3A_542, %get3A_543] {strides = array<i32>} : memref<6x128x128xf32, #tpu.memory_space<vmem>>, vector<1x1x16xf32>,
          %get3A_545 = vector.shape_cast %get3A_544 : vector<1x1x16xf32> to vector<16xf32>
          %sub3A = arith.subf %get3A_545, %get3A_457 : vector<16xf32>
          %swap3A = arith.constant 0 : i32
          %swap3A_546 = arith.index_cast %swap3A : i32 to index
          %swap3A_547 = arith.index_cast %add3A_539 : i32 to index
          %swap3A_548 = arith.constant 0 : index
          %swap3A_549 = tpu.vector_load %arg6[%swap3A_546, %swap3A_547, %swap3A_548] {strides = array<i32>} : memref<6x128x128xf32, #tpu.memory_space<vmem>>, vector<1x1x16xf32>,
          %swap3A_550 = vector.shape_cast %swap3A_549 : vector<1x1x16xf32> to vector<16xf32>
          %swap3A_551 = vector.shape_cast %sub3A : vector<16xf32> to vector<1x1x16xf32>
          tpu.vector_store %arg6[%swap3A_546, %swap3A_547, %swap3A_548], %swap3A_551 {strides = array<i32>} : memref<6x128x128xf32, #tpu.memory_space<vmem>>, vector<1x1x16xf32>,
          %get3A_552 = arith.constant 0 : i32
          %get3A_553 = arith.index_cast %get3A_552 : i32 to index
          %get3A_554 = arith.index_cast %add3A_539 : i32 to index
          %get3A_555 = arith.constant 16 : index
          %get3A_556 = tpu.vector_load %arg6[%get3A_553, %get3A_554, %get3A_555] {strides = array<i32>} : memref<6x128x128xf32, #tpu.memory_space<vmem>>, vector<1x1x16xf32>,
          %get3A_557 = vector.shape_cast %get3A_556 : vector<1x1x16xf32> to vector<16xf32>
          %sub3A_558 = arith.subf %get3A_557, %get3A_464 : vector<16xf32>
          %swap3A_559 = arith.constant 0 : i32
          %swap3A_560 = arith.index_cast %swap3A_559 : i32 to index
          %swap3A_561 = arith.index_cast %add3A_539 : i32 to index
          %swap3A_562 = arith.constant 16 : index
          %swap3A_563 = tpu.vector_load %arg6[%swap3A_560, %swap3A_561, %swap3A_562] {strides = array<i32>} : memref<6x128x128xf32, #tpu.memory_space<vmem>>, vector<1x1x16xf32>,
          %swap3A_564 = vector.shape_cast %swap3A_563 : vector<1x1x16xf32> to vector<16xf32>
          %swap3A_565 = vector.shape_cast %sub3A_558 : vector<16xf32> to vector<1x1x16xf32>
          tpu.vector_store %arg6[%swap3A_560, %swap3A_561, %swap3A_562], %swap3A_565 {strides = array<i32>} : memref<6x128x128xf32, #tpu.memory_space<vmem>>, vector<1x1x16xf32>,
          %get3A_566 = arith.constant 0 : i32
          %get3A_567 = arith.index_cast %get3A_566 : i32 to index
          %get3A_568 = arith.index_cast %add3A_539 : i32 to index
          %get3A_569 = arith.constant 32 : index
          %get3A_570 = tpu.vector_load %arg6[%get3A_567, %get3A_568, %get3A_569] {strides = array<i32>} : memref<6x128x128xf32, #tpu.memory_space<vmem>>, vector<1x1x16xf32>,
          %get3A_571 = vector.shape_cast %get3A_570 : vector<1x1x16xf32> to vector<16xf32>
          %sub3A_572 = arith.subf %get3A_571, %get3A_471 : vector<16xf32>
          %swap3A_573 = arith.constant 0 : i32
          %swap3A_574 = arith.index_cast %swap3A_573 : i32 to index
          %swap3A_575 = arith.index_cast %add3A_539 : i32 to index
          %swap3A_576 = arith.constant 32 : index
          %swap3A_577 = tpu.vector_load %arg6[%swap3A_574, %swap3A_575, %swap3A_576] {strides = array<i32>} : memref<6x128x128xf32, #tpu.memory_space<vmem>>, vector<1x1x16xf32>,
          %swap3A_578 = vector.shape_cast %swap3A_577 : vector<1x1x16xf32> to vector<16xf32>
          %swap3A_579 = vector.shape_cast %sub3A_572 : vector<16xf32> to vector<1x1x16xf32>
          tpu.vector_store %arg6[%swap3A_574, %swap3A_575, %swap3A_576], %swap3A_579 {strides = array<i32>} : memref<6x128x128xf32, #tpu.memory_space<vmem>>, vector<1x1x16xf32>,
          %get3A_580 = arith.constant 0 : i32
          %get3A_581 = arith.index_cast %get3A_580 : i32 to index
          %get3A_582 = arith.index_cast %add3A_539 : i32 to index
          %get3A_583 = arith.constant 48 : index
          %get3A_584 = tpu.vector_load %arg6[%get3A_581, %get3A_582, %get3A_583] {strides = array<i32>} : memref<6x128x128xf32, #tpu.memory_space<vmem>>, vector<1x1x16xf32>,
          %get3A_585 = vector.shape_cast %get3A_584 : vector<1x1x16xf32> to vector<16xf32>
          %sub3A_586 = arith.subf %get3A_585, %get3A_478 : vector<16xf32>
          %swap3A_587 = arith.constant 0 : i32
          %swap3A_588 = arith.index_cast %swap3A_587 : i32 to index
          %swap3A_589 = arith.index_cast %add3A_539 : i32 to index
          %swap3A_590 = arith.constant 48 : index
          %swap3A_591 = tpu.vector_load %arg6[%swap3A_588, %swap3A_589, %swap3A_590] {strides = array<i32>} : memref<6x128x128xf32, #tpu.memory_space<vmem>>, vector<1x1x16xf32>,
          %swap3A_592 = vector.shape_cast %swap3A_591 : vector<1x1x16xf32> to vector<16xf32>
          %swap3A_593 = vector.shape_cast %sub3A_586 : vector<16xf32> to vector<1x1x16xf32>
          tpu.vector_store %arg6[%swap3A_588, %swap3A_589, %swap3A_590], %swap3A_593 {strides = array<i32>} : memref<6x128x128xf32, #tpu.memory_space<vmem>>, vector<1x1x16xf32>,
          %get3A_594 = arith.constant 0 : i32
          %get3A_595 = arith.index_cast %get3A_594 : i32 to index
          %get3A_596 = arith.index_cast %add3A_539 : i32 to index
          %get3A_597 = arith.constant 64 : index
          %get3A_598 = tpu.vector_load %arg6[%get3A_595, %get3A_596, %get3A_597] {strides = array<i32>} : memref<6x128x128xf32, #tpu.memory_space<vmem>>, vector<1x1x16xf32>,
          %get3A_599 = vector.shape_cast %get3A_598 : vector<1x1x16xf32> to vector<16xf32>
          %sub3A_600 = arith.subf %get3A_599, %get3A_485 : vector<16xf32>
          %swap3A_601 = arith.constant 0 : i32
          %swap3A_602 = arith.index_cast %swap3A_601 : i32 to index
          %swap3A_603 = arith.index_cast %add3A_539 : i32 to index
          %swap3A_604 = arith.constant 64 : index
          %swap3A_605 = tpu.vector_load %arg6[%swap3A_602, %swap3A_603, %swap3A_604] {strides = array<i32>} : memref<6x128x128xf32, #tpu.memory_space<vmem>>, vector<1x1x16xf32>,
          %swap3A_606 = vector.shape_cast %swap3A_605 : vector<1x1x16xf32> to vector<16xf32>
          %swap3A_607 = vector.shape_cast %sub3A_600 : vector<16xf32> to vector<1x1x16xf32>
          tpu.vector_store %arg6[%swap3A_602, %swap3A_603, %swap3A_604], %swap3A_607 {strides = array<i32>} : memref<6x128x128xf32, #tpu.memory_space<vmem>>, vector<1x1x16xf32>,
          %get3A_608 = arith.constant 0 : i32
          %get3A_609 = arith.index_cast %get3A_608 : i32 to index
          %get3A_610 = arith.index_cast %add3A_539 : i32 to index
          %get3A_611 = arith.constant 80 : index
          %get3A_612 = tpu.vector_load %arg6[%get3A_609, %get3A_610, %get3A_611] {strides = array<i32>} : memref<6x128x128xf32, #tpu.memory_space<vmem>>, vector<1x1x16xf32>,
          %get3A_613 = vector.shape_cast %get3A_612 : vector<1x1x16xf32> to vector<16xf32>
          %sub3A_614 = arith.subf %get3A_613, %get3A_492 : vector<16xf32>
          %swap3A_615 = arith.constant 0 : i32
          %swap3A_616 = arith.index_cast %swap3A_615 : i32 to index
          %swap3A_617 = arith.index_cast %add3A_539 : i32 to index
          %swap3A_618 = arith.constant 80 : index
          %swap3A_619 = tpu.vector_load %arg6[%swap3A_616, %swap3A_617, %swap3A_618] {strides = array<i32>} : memref<6x128x128xf32, #tpu.memory_space<vmem>>, vector<1x1x16xf32>,
          %swap3A_620 = vector.shape_cast %swap3A_619 : vector<1x1x16xf32> to vector<16xf32>
          %swap3A_621 = vector.shape_cast %sub3A_614 : vector<16xf32> to vector<1x1x16xf32>
          tpu.vector_store %arg6[%swap3A_616, %swap3A_617, %swap3A_618], %swap3A_621 {strides = array<i32>} : memref<6x128x128xf32, #tpu.memory_space<vmem>>, vector<1x1x16xf32>,
          %get3A_622 = arith.constant 0 : i32
          %get3A_623 = arith.index_cast %get3A_622 : i32 to index
          %get3A_624 = arith.index_cast %add3A_539 : i32 to index
          %get3A_625 = arith.constant 96 : index
          %get3A_626 = tpu.vector_load %arg6[%get3A_623, %get3A_624, %get3A_625] {strides = array<i32>} : memref<6x128x128xf32, #tpu.memory_space<vmem>>, vector<1x1x16xf32>,
          %get3A_627 = vector.shape_cast %get3A_626 : vector<1x1x16xf32> to vector<16xf32>
          %sub3A_628 = arith.subf %get3A_627, %get3A_499 : vector<16xf32>
          %swap3A_629 = arith.constant 0 : i32
          %swap3A_630 = arith.index_cast %swap3A_629 : i32 to index
          %swap3A_631 = arith.index_cast %add3A_539 : i32 to index
          %swap3A_632 = arith.constant 96 : index
          %swap3A_633 = tpu.vector_load %arg6[%swap3A_630, %swap3A_631, %swap3A_632] {strides = array<i32>} : memref<6x128x128xf32, #tpu.memory_space<vmem>>, vector<1x1x16xf32>,
          %swap3A_634 = vector.shape_cast %swap3A_633 : vector<1x1x16xf32> to vector<16xf32>
          %swap3A_635 = vector.shape_cast %sub3A_628 : vector<16xf32> to vector<1x1x16xf32>
          tpu.vector_store %arg6[%swap3A_630, %swap3A_631, %swap3A_632], %swap3A_635 {strides = array<i32>} : memref<6x128x128xf32, #tpu.memory_space<vmem>>, vector<1x1x16xf32>,
          %get3A_636 = arith.constant 0 : i32
          %get3A_637 = arith.index_cast %get3A_636 : i32 to index
          %get3A_638 = arith.index_cast %add3A_539 : i32 to index
          %get3A_639 = arith.constant 112 : index
          %get3A_640 = tpu.vector_load %arg6[%get3A_637, %get3A_638, %get3A_639] {strides = array<i32>} : memref<6x128x128xf32, #tpu.memory_space<vmem>>, vector<1x1x16xf32>,
          %get3A_641 = vector.shape_cast %get3A_640 : vector<1x1x16xf32> to vector<16xf32>
          %sub3A_642 = arith.subf %get3A_641, %get3A_506 : vector<16xf32>
          %swap3A_643 = arith.constant 0 : i32
          %swap3A_644 = arith.index_cast %swap3A_643 : i32 to index
          %swap3A_645 = arith.index_cast %add3A_539 : i32 to index
          %swap3A_646 = arith.constant 112 : index
          %swap3A_647 = tpu.vector_load %arg6[%swap3A_644, %swap3A_645, %swap3A_646] {strides = array<i32>} : memref<6x128x128xf32, #tpu.memory_space<vmem>>, vector<1x1x16xf32>,
          %swap3A_648 = vector.shape_cast %swap3A_647 : vector<1x1x16xf32> to vector<16xf32>
          %swap3A_649 = vector.shape_cast %sub3A_642 : vector<16xf32> to vector<1x1x16xf32>
          tpu.vector_store %arg6[%swap3A_644, %swap3A_645, %swap3A_646], %swap3A_649 {strides = array<i32>} : memref<6x128x128xf32, #tpu.memory_space<vmem>>, vector<1x1x16xf32>,
          %scan3A_650 = arith.constant 0 : i32
          scf.yield %scan3A_650 : i32
        }
        %scan3A_513 = arith.constant 32 : i32
        %add3A_514 = arith.addi %add3A_4, %add3A_195 : i32
        %mul3A_515 = arith.constant 128 : i32
        %mul3A_516 = arith.muli %add3A_514, %mul3A_515 : i32
        %dma_start3A_517 = arith.constant 0 : i32
        %dma_start3A_518 = arith.constant 0 : i32
        %dma_start3A_519 = arith.constant 0 : i32
        %dma_start3A_520 = tpu.memref_slice %arg6[%dma_start3A_517, %dma_start3A_518, %dma_start3A_519] : memref<6x128x128xf32, #tpu.memory_space<vmem>> -> memref<1x128x128xf32, #tpu.memory_space<vmem>>
        %dma_start3A_521 = tpu.memref_squeeze %dma_start3A_520 : memref<1x128x128xf32, #tpu.memory_space<vmem>> -> memref<128x128xf32, #tpu.memory_space<vmem>>
        %dma_start3A_522 = arith.constant 0 : i32
        %dma_start3A_523 = tpu.memref_slice %arg4[%mul3A_516, %dma_start3A_522] : memref<320000x128xf32, #tpu.memory_space<hbm>> -> memref<128x128xf32, #tpu.memory_space<hbm>>
        %dma_start3A_524 = arith.constant 0 : i32
        %dma_start3A_525 = tpu.memref_slice %arg4[%mul3A_516, %dma_start3A_524] : memref<320000x128xf32, #tpu.memory_space<hbm>> -> memref<128x128xf32, #tpu.memory_space<hbm>>
        %dma_start3A_526 = arith.constant 0 : i32
        %dma_start3A_527 = arith.constant 0 : i32
        %dma_start3A_528 = tpu.memref_slice %arg6[%dma_start3A_517, %dma_start3A_526, %dma_start3A_527] : memref<6x128x128xf32, #tpu.memory_space<vmem>> -> memref<1x128x128xf32, #tpu.memory_space<vmem>>
        %dma_start3A_529 = tpu.memref_squeeze %dma_start3A_528 : memref<1x128x128xf32, #tpu.memory_space<vmem>> -> memref<128x128xf32, #tpu.memory_space<vmem>>
        tpu.enqueue_dma source(%dma_start3A_529 : memref<128x128xf32, #tpu.memory_space<vmem>>) target(%dma_start3A_525 : memref<128x128xf32, #tpu.memory_space<hbm>>) target_semaphore(%arg10 : memref<!tpu.dma_semaphore, #tpu.memory_space<semaphore_mem>>)
        %add3A_530 = arith.constant 3 : i32
        %add3A_531 = arith.addi %add3A_195, %add3A_530 : i32
        %lt3A_532 = arith.cmpi slt, %add3A_531, %add3A_8 : i32
        %convert_element_type3A_533 = arith.extui %lt3A_532 : i1 to i32
        %cond3A_534 = arith.constant 0 : i32
        %cond3A_535 = arith.cmpi ne, %convert_element_type3A_533, %cond3A_534 : i32
        scf.if %cond3A_535 {
          %ge3A = arith.constant 3 : i32
          %ge3A_536 = arith.cmpi sge, %add3A_195, %ge3A : i32
          %convert_element_type3A_537 = arith.extui %ge3A_536 : i1 to i32
          %cond3A_538 = arith.constant 0 : i32
          %cond3A_539 = arith.cmpi ne, %convert_element_type3A_537, %cond3A_538 : i32
          scf.if %cond3A_539 {
            %mul3A_569 = arith.constant 128 : i32
            %mul3A_570 = arith.muli %add3A_4, %mul3A_569 : i32
            %dma_wait3A_571 = arith.constant 0 : i32
            %dma_wait3A_572 = arith.constant 0 : i32
            %dma_wait3A_573 = arith.constant 0 : i32
            %dma_wait3A_574 = tpu.memref_slice %arg6[%dma_wait3A_571, %dma_wait3A_572, %dma_wait3A_573] : memref<6x128x128xf32, #tpu.memory_space<vmem>> -> memref<1x128x128xf32, #tpu.memory_space<vmem>>
            %dma_wait3A_575 = tpu.memref_squeeze %dma_wait3A_574 : memref<1x128x128xf32, #tpu.memory_space<vmem>> -> memref<128x128xf32, #tpu.memory_space<vmem>>
            %dma_wait3A_576 = arith.constant 0 : i32
            %dma_wait3A_577 = tpu.memref_slice %arg4[%mul3A_570, %dma_wait3A_576] : memref<320000x128xf32, #tpu.memory_space<hbm>> -> memref<128x128xf32, #tpu.memory_space<hbm>>
            %dma_wait3A_578 = arith.constant 0 : i32
            %dma_wait3A_579 = tpu.memref_slice %arg4[%mul3A_570, %dma_wait3A_578] : memref<320000x128xf32, #tpu.memory_space<hbm>> -> memref<128x128xf32, #tpu.memory_space<hbm>>
            %dma_wait3A_580 = arith.constant 0 : i32
            %dma_wait3A_581 = arith.constant 0 : i32
            %dma_wait3A_582 = tpu.memref_slice %arg6[%dma_wait3A_571, %dma_wait3A_580, %dma_wait3A_581] : memref<6x128x128xf32, #tpu.memory_space<vmem>> -> memref<1x128x128xf32, #tpu.memory_space<vmem>>
            %dma_wait3A_583 = tpu.memref_squeeze %dma_wait3A_582 : memref<1x128x128xf32, #tpu.memory_space<vmem>> -> memref<128x128xf32, #tpu.memory_space<vmem>>
            tpu.wait_dma2 semaphore(%arg10 : memref<!tpu.dma_semaphore, #tpu.memory_space<semaphore_mem>>) src(%dma_wait3A_583 : memref<128x128xf32, #tpu.memory_space<vmem>>) dst(%dma_wait3A_579 : memref<128x128xf32, #tpu.memory_space<hbm>>)
          } else {
          }
          %add3A_540 = arith.constant 3 : i32
          %add3A_541 = arith.addi %add3A_195, %add3A_540 : i32
          %mul3A_542 = arith.constant 128 : i32
          %mul3A_543 = arith.muli %add3A_541, %mul3A_542 : i32
          %dma_start3A_544 = arith.constant 3 : i32
          %dma_start3A_545 = arith.constant 0 : i32
          %dma_start3A_546 = arith.constant 0 : i32
          %dma_start3A_547 = tpu.memref_slice %arg6[%dma_start3A_544, %dma_start3A_545, %dma_start3A_546] : memref<6x128x128xf32, #tpu.memory_space<vmem>> -> memref<1x128x128xf32, #tpu.memory_space<vmem>>
          %dma_start3A_548 = tpu.memref_squeeze %dma_start3A_547 : memref<1x128x128xf32, #tpu.memory_space<vmem>> -> memref<128x128xf32, #tpu.memory_space<vmem>>
          %dma_start3A_549 = tpu.memref_slice %arg5[%mul3A_543] : memref<10112xi32, #tpu.memory_space<vmem>> -> memref<128xi32, #tpu.memory_space<vmem>>
          %dma_start3A_550 = arith.constant 0 : i32
          %dma_start3A_551 = arith.constant 0 : i32
          %dma_start3A_552 = tpu.memref_slice %arg2[%dma_start3A_550, %dma_start3A_551] : memref<10000x128xf32, #tpu.memory_space<hbm>> -> memref<10000x128xf32, #tpu.memory_space<hbm>>
          tpu.enqueue_indirect_dma source(%dma_start3A_552 : memref<10000x128xf32, #tpu.memory_space<hbm>>) target(%dma_start3A_548 : memref<128x128xf32, #tpu.memory_space<vmem>>) offsets(%dma_start3A_549 : memref<128xi32, #tpu.memory_space<vmem>>) semaphore(%arg8 : memref<!tpu.dma_semaphore, #tpu.memory_space<semaphore_mem>>)
          %add3A_553 = arith.addi %add3A_4, %add3A_541 : i32
          %mul3A_554 = arith.constant 4 : i32
          %mul3A_555 = arith.muli %add3A_553, %mul3A_554 : i32
          %dma_start3A_556 = arith.constant 3 : i32
          %dma_start3A_557 = arith.constant 0 : i32
          %dma_start3A_558 = arith.constant 0 : i32
          %dma_start3A_559 = tpu.memref_slice %arg7[%dma_start3A_556, %dma_start3A_557, %dma_start3A_558] : memref<6x4x128xf32, #tpu.memory_space<vmem>> -> memref<1x4x128xf32, #tpu.memory_space<vmem>>
          %dma_start3A_560 = tpu.memref_squeeze %dma_start3A_559 : memref<1x4x128xf32, #tpu.memory_space<vmem>> -> memref<4x128xf32, #tpu.memory_space<vmem>>
          %dma_start3A_561 = arith.constant 0 : i32
          %dma_start3A_562 = tpu.memref_slice %arg2[%mul3A_555, %dma_start3A_561] : memref<10000x128xf32, #tpu.memory_space<hbm>> -> memref<4x128xf32, #tpu.memory_space<hbm>>
          %dma_start3A_563 = arith.constant 0 : i32
          %dma_start3A_564 = arith.constant 0 : i32
          %dma_start3A_565 = tpu.memref_slice %arg7[%dma_start3A_556, %dma_start3A_563, %dma_start3A_564] : memref<6x4x128xf32, #tpu.memory_space<vmem>> -> memref<1x4x128xf32, #tpu.memory_space<vmem>>
          %dma_start3A_566 = tpu.memref_squeeze %dma_start3A_565 : memref<1x4x128xf32, #tpu.memory_space<vmem>> -> memref<4x128xf32, #tpu.memory_space<vmem>>
          %dma_start3A_567 = arith.constant 0 : i32
          %dma_start3A_568 = tpu.memref_slice %arg2[%mul3A_555, %dma_start3A_567] : memref<10000x128xf32, #tpu.memory_space<hbm>> -> memref<4x128xf32, #tpu.memory_space<hbm>>
          tpu.enqueue_dma source(%dma_start3A_568 : memref<4x128xf32, #tpu.memory_space<hbm>>) target(%dma_start3A_566 : memref<4x128xf32, #tpu.memory_space<vmem>>) target_semaphore(%arg9 : memref<!tpu.dma_semaphore, #tpu.memory_space<semaphore_mem>>)
        } else {
        }
      } else {
      }
      %mul3A_198 = arith.constant 6 : i32
      %mul3A_199 = arith.muli %scan3A_191, %mul3A_198 : i32
      %add3A_200 = arith.constant 1 : i32
      %add3A_201 = arith.addi %mul3A_199, %add3A_200 : i32
      %lt3A_202 = arith.cmpi slt, %add3A_201, %add3A_8 : i32
      %convert_element_type3A_203 = arith.extui %lt3A_202 : i1 to i32
      %cond3A_204 = arith.constant 0 : i32
      %cond3A_205 = arith.cmpi ne, %convert_element_type3A_203, %cond3A_204 : i32
      scf.if %cond3A_205 {
        %mul3A_238 = arith.constant 4 : i32
        %mul3A_239 = arith.muli %add3A_4, %mul3A_238 : i32
        %dma_wait3A_240 = arith.constant 1 : i32
        %dma_wait3A_241 = arith.constant 0 : i32
        %dma_wait3A_242 = arith.constant 0 : i32
        %dma_wait3A_243 = tpu.memref_slice %arg7[%dma_wait3A_240, %dma_wait3A_241, %dma_wait3A_242] : memref<6x4x128xf32, #tpu.memory_space<vmem>> -> memref<1x4x128xf32, #tpu.memory_space<vmem>>
        %dma_wait3A_244 = tpu.memref_squeeze %dma_wait3A_243 : memref<1x4x128xf32, #tpu.memory_space<vmem>> -> memref<4x128xf32, #tpu.memory_space<vmem>>
        %dma_wait3A_245 = arith.constant 0 : i32
        %dma_wait3A_246 = tpu.memref_slice %arg2[%mul3A_239, %dma_wait3A_245] : memref<10000x128xf32, #tpu.memory_space<hbm>> -> memref<4x128xf32, #tpu.memory_space<hbm>>
        %dma_wait3A_247 = arith.constant 0 : i32
        %dma_wait3A_248 = arith.constant 0 : i32
        %dma_wait3A_249 = tpu.memref_slice %arg7[%dma_wait3A_240, %dma_wait3A_247, %dma_wait3A_248] : memref<6x4x128xf32, #tpu.memory_space<vmem>> -> memref<1x4x128xf32, #tpu.memory_space<vmem>>
        %dma_wait3A_250 = tpu.memref_squeeze %dma_wait3A_249 : memref<1x4x128xf32, #tpu.memory_space<vmem>> -> memref<4x128xf32, #tpu.memory_space<vmem>>
        %dma_wait3A_251 = arith.constant 0 : i32
        %dma_wait3A_252 = tpu.memref_slice %arg2[%mul3A_239, %dma_wait3A_251] : memref<10000x128xf32, #tpu.memory_space<hbm>> -> memref<4x128xf32, #tpu.memory_space<hbm>>
        tpu.wait_dma2 semaphore(%arg9 : memref<!tpu.dma_semaphore, #tpu.memory_space<semaphore_mem>>) src(%dma_wait3A_252 : memref<4x128xf32, #tpu.memory_space<hbm>>) dst(%dma_wait3A_250 : memref<4x128xf32, #tpu.memory_space<vmem>>)
        %dma_wait3A_253 = arith.constant 1 : i32
        %dma_wait3A_254 = arith.constant 0 : i32
        %dma_wait3A_255 = arith.constant 0 : i32
        %dma_wait3A_256 = tpu.memref_slice %arg6[%dma_wait3A_253, %dma_wait3A_254, %dma_wait3A_255] : memref<6x128x128xf32, #tpu.memory_space<vmem>> -> memref<1x128x128xf32, #tpu.memory_space<vmem>>
        %dma_wait3A_257 = tpu.memref_squeeze %dma_wait3A_256 : memref<1x128x128xf32, #tpu.memory_space<vmem>> -> memref<128x128xf32, #tpu.memory_space<vmem>>
        %dma_wait3A_258 = arith.constant 0 : i32
        %dma_wait3A_259 = tpu.memref_slice %arg5[%dma_wait3A_258] : memref<10112xi32, #tpu.memory_space<vmem>> -> memref<128xi32, #tpu.memory_space<vmem>>
        %dma_wait3A_260 = arith.constant 0 : i32
        %dma_wait3A_261 = arith.constant 0 : i32
        %dma_wait3A_262 = tpu.memref_slice %arg2[%dma_wait3A_260, %dma_wait3A_261] : memref<10000x128xf32, #tpu.memory_space<hbm>> -> memref<10000x128xf32, #tpu.memory_space<hbm>>
        tpu.wait_indirect_dma semaphore(%arg8 : memref<!tpu.dma_semaphore, #tpu.memory_space<semaphore_mem>>) src(%dma_wait3A_262 : memref<10000x128xf32, #tpu.memory_space<hbm>>) dst(%dma_wait3A_257 : memref<128x128xf32, #tpu.memory_space<vmem>>)
        %get3A = arith.constant 1 : i32
        %get3A_263 = arith.constant 0 : i32
        %get3A_264 = arith.index_cast %get3A : i32 to index
        %get3A_265 = arith.index_cast %get3A_263 : i32 to index
        %get3A_266 = arith.constant 0 : index
        %get3A_267 = tpu.vector_load %arg7[%get3A_264, %get3A_265, %get3A_266] {strides = array<i32>} : memref<6x4x128xf32, #tpu.memory_space<vmem>>, vector<1x1x16xf32>,
        %get3A_268 = vector.shape_cast %get3A_267 : vector<1x1x16xf32> to vector<16xf32>
        %get3A_269 = arith.constant 1 : i32
        %get3A_270 = arith.constant 0 : i32
        %get3A_271 = arith.index_cast %get3A_269 : i32 to index
        %get3A_272 = arith.index_cast %get3A_270 : i32 to index
        %get3A_273 = arith.constant 16 : index
        %get3A_274 = tpu.vector_load %arg7[%get3A_271, %get3A_272, %get3A_273] {strides = array<i32>} : memref<6x4x128xf32, #tpu.memory_space<vmem>>, vector<1x1x16xf32>,
        %get3A_275 = vector.shape_cast %get3A_274 : vector<1x1x16xf32> to vector<16xf32>
        %get3A_276 = arith.constant 1 : i32
        %get3A_277 = arith.constant 0 : i32
        %get3A_278 = arith.index_cast %get3A_276 : i32 to index
        %get3A_279 = arith.index_cast %get3A_277 : i32 to index
        %get3A_280 = arith.constant 32 : index
        %get3A_281 = tpu.vector_load %arg7[%get3A_278, %get3A_279, %get3A_280] {strides = array<i32>} : memref<6x4x128xf32, #tpu.memory_space<vmem>>, vector<1x1x16xf32>,
        %get3A_282 = vector.shape_cast %get3A_281 : vector<1x1x16xf32> to vector<16xf32>
        %get3A_283 = arith.constant 1 : i32
        %get3A_284 = arith.constant 0 : i32
        %get3A_285 = arith.index_cast %get3A_283 : i32 to index
        %get3A_286 = arith.index_cast %get3A_284 : i32 to index
        %get3A_287 = arith.constant 48 : index
        %get3A_288 = tpu.vector_load %arg7[%get3A_285, %get3A_286, %get3A_287] {strides = array<i32>} : memref<6x4x128xf32, #tpu.memory_space<vmem>>, vector<1x1x16xf32>,
        %get3A_289 = vector.shape_cast %get3A_288 : vector<1x1x16xf32> to vector<16xf32>
        %get3A_290 = arith.constant 1 : i32
        %get3A_291 = arith.constant 0 : i32
        %get3A_292 = arith.index_cast %get3A_290 : i32 to index
        %get3A_293 = arith.index_cast %get3A_291 : i32 to index
        %get3A_294 = arith.constant 64 : index
        %get3A_295 = tpu.vector_load %arg7[%get3A_292, %get3A_293, %get3A_294] {strides = array<i32>} : memref<6x4x128xf32, #tpu.memory_space<vmem>>, vector<1x1x16xf32>,
        %get3A_296 = vector.shape_cast %get3A_295 : vector<1x1x16xf32> to vector<16xf32>
        %get3A_297 = arith.constant 1 : i32
        %get3A_298 = arith.constant 0 : i32
        %get3A_299 = arith.index_cast %get3A_297 : i32 to index
        %get3A_300 = arith.index_cast %get3A_298 : i32 to index
        %get3A_301 = arith.constant 80 : index
        %get3A_302 = tpu.vector_load %arg7[%get3A_299, %get3A_300, %get3A_301] {strides = array<i32>} : memref<6x4x128xf32, #tpu.memory_space<vmem>>, vector<1x1x16xf32>,
        %get3A_303 = vector.shape_cast %get3A_302 : vector<1x1x16xf32> to vector<16xf32>
        %get3A_304 = arith.constant 1 : i32
        %get3A_305 = arith.constant 0 : i32
        %get3A_306 = arith.index_cast %get3A_304 : i32 to index
        %get3A_307 = arith.index_cast %get3A_305 : i32 to index
        %get3A_308 = arith.constant 96 : index
        %get3A_309 = tpu.vector_load %arg7[%get3A_306, %get3A_307, %get3A_308] {strides = array<i32>} : memref<6x4x128xf32, #tpu.memory_space<vmem>>, vector<1x1x16xf32>,
        %get3A_310 = vector.shape_cast %get3A_309 : vector<1x1x16xf32> to vector<16xf32>
        %get3A_311 = arith.constant 1 : i32
        %get3A_312 = arith.constant 0 : i32
        %get3A_313 = arith.index_cast %get3A_311 : i32 to index
        %get3A_314 = arith.index_cast %get3A_312 : i32 to index
        %get3A_315 = arith.constant 112 : index
        %get3A_316 = tpu.vector_load %arg7[%get3A_313, %get3A_314, %get3A_315] {strides = array<i32>} : memref<6x4x128xf32, #tpu.memory_space<vmem>>, vector<1x1x16xf32>,
        %get3A_317 = vector.shape_cast %get3A_316 : vector<1x1x16xf32> to vector<16xf32>
        %scan3A_318 = arith.constant 0 : i32
        %scan3A_319 = arith.constant 0 : i32
        %scan3A_320 = arith.constant 32 : i32
        %scan3A_321 = arith.addi %scan3A_319, %scan3A_320 : i32
        %scan3A_322 = arith.constant 1 : i32
        %scan3A_323 = scf.for %scan3A_536 = %scan3A_319 to %scan3A_321 step %scan3A_322 iter_args(%scan3A_537 = %scan3A_318) -> (i32)  : i32 {
          %add3A_538 = arith.constant 0 : i32
          %add3A_539 = arith.addi %add3A_538, %scan3A_536 : i32
          %get3A_540 = arith.constant 1 : i32
          %get3A_541 = arith.index_cast %get3A_540 : i32 to index
          %get3A_542 = arith.index_cast %add3A_539 : i32 to index
          %get3A_543 = arith.constant 0 : index
          %get3A_544 = tpu.vector_load %arg6[%get3A_541, %get3A_542, %get3A_543] {strides = array<i32>} : memref<6x128x128xf32, #tpu.memory_space<vmem>>, vector<1x1x16xf32>,
          %get3A_545 = vector.shape_cast %get3A_544 : vector<1x1x16xf32> to vector<16xf32>
          %sub3A = arith.subf %get3A_545, %get3A_268 : vector<16xf32>
          %swap3A = arith.constant 1 : i32
          %swap3A_546 = arith.index_cast %swap3A : i32 to index
          %swap3A_547 = arith.index_cast %add3A_539 : i32 to index
          %swap3A_548 = arith.constant 0 : index
          %swap3A_549 = tpu.vector_load %arg6[%swap3A_546, %swap3A_547, %swap3A_548] {strides = array<i32>} : memref<6x128x128xf32, #tpu.memory_space<vmem>>, vector<1x1x16xf32>,
          %swap3A_550 = vector.shape_cast %swap3A_549 : vector<1x1x16xf32> to vector<16xf32>
          %swap3A_551 = vector.shape_cast %sub3A : vector<16xf32> to vector<1x1x16xf32>
          tpu.vector_store %arg6[%swap3A_546, %swap3A_547, %swap3A_548], %swap3A_551 {strides = array<i32>} : memref<6x128x128xf32, #tpu.memory_space<vmem>>, vector<1x1x16xf32>,
          %get3A_552 = arith.constant 1 : i32
          %get3A_553 = arith.index_cast %get3A_552 : i32 to index
          %get3A_554 = arith.index_cast %add3A_539 : i32 to index
          %get3A_555 = arith.constant 16 : index
          %get3A_556 = tpu.vector_load %arg6[%get3A_553, %get3A_554, %get3A_555] {strides = array<i32>} : memref<6x128x128xf32, #tpu.memory_space<vmem>>, vector<1x1x16xf32>,
          %get3A_557 = vector.shape_cast %get3A_556 : vector<1x1x16xf32> to vector<16xf32>
          %sub3A_558 = arith.subf %get3A_557, %get3A_275 : vector<16xf32>
          %swap3A_559 = arith.constant 1 : i32
          %swap3A_560 = arith.index_cast %swap3A_559 : i32 to index
          %swap3A_561 = arith.index_cast %add3A_539 : i32 to index
          %swap3A_562 = arith.constant 16 : index
          %swap3A_563 = tpu.vector_load %arg6[%swap3A_560, %swap3A_561, %swap3A_562] {strides = array<i32>} : memref<6x128x128xf32, #tpu.memory_space<vmem>>, vector<1x1x16xf32>,
          %swap3A_564 = vector.shape_cast %swap3A_563 : vector<1x1x16xf32> to vector<16xf32>
          %swap3A_565 = vector.shape_cast %sub3A_558 : vector<16xf32> to vector<1x1x16xf32>
          tpu.vector_store %arg6[%swap3A_560, %swap3A_561, %swap3A_562], %swap3A_565 {strides = array<i32>} : memref<6x128x128xf32, #tpu.memory_space<vmem>>, vector<1x1x16xf32>,
          %get3A_566 = arith.constant 1 : i32
          %get3A_567 = arith.index_cast %get3A_566 : i32 to index
          %get3A_568 = arith.index_cast %add3A_539 : i32 to index
          %get3A_569 = arith.constant 32 : index
          %get3A_570 = tpu.vector_load %arg6[%get3A_567, %get3A_568, %get3A_569] {strides = array<i32>} : memref<6x128x128xf32, #tpu.memory_space<vmem>>, vector<1x1x16xf32>,
          %get3A_571 = vector.shape_cast %get3A_570 : vector<1x1x16xf32> to vector<16xf32>
          %sub3A_572 = arith.subf %get3A_571, %get3A_282 : vector<16xf32>
          %swap3A_573 = arith.constant 1 : i32
          %swap3A_574 = arith.index_cast %swap3A_573 : i32 to index
          %swap3A_575 = arith.index_cast %add3A_539 : i32 to index
          %swap3A_576 = arith.constant 32 : index
          %swap3A_577 = tpu.vector_load %arg6[%swap3A_574, %swap3A_575, %swap3A_576] {strides = array<i32>} : memref<6x128x128xf32, #tpu.memory_space<vmem>>, vector<1x1x16xf32>,
          %swap3A_578 = vector.shape_cast %swap3A_577 : vector<1x1x16xf32> to vector<16xf32>
          %swap3A_579 = vector.shape_cast %sub3A_572 : vector<16xf32> to vector<1x1x16xf32>
          tpu.vector_store %arg6[%swap3A_574, %swap3A_575, %swap3A_576], %swap3A_579 {strides = array<i32>} : memref<6x128x128xf32, #tpu.memory_space<vmem>>, vector<1x1x16xf32>,
          %get3A_580 = arith.constant 1 : i32
          %get3A_581 = arith.index_cast %get3A_580 : i32 to index
          %get3A_582 = arith.index_cast %add3A_539 : i32 to index
          %get3A_583 = arith.constant 48 : index
          %get3A_584 = tpu.vector_load %arg6[%get3A_581, %get3A_582, %get3A_583] {strides = array<i32>} : memref<6x128x128xf32, #tpu.memory_space<vmem>>, vector<1x1x16xf32>,
          %get3A_585 = vector.shape_cast %get3A_584 : vector<1x1x16xf32> to vector<16xf32>
          %sub3A_586 = arith.subf %get3A_585, %get3A_289 : vector<16xf32>
          %swap3A_587 = arith.constant 1 : i32
          %swap3A_588 = arith.index_cast %swap3A_587 : i32 to index
          %swap3A_589 = arith.index_cast %add3A_539 : i32 to index
          %swap3A_590 = arith.constant 48 : index
          %swap3A_591 = tpu.vector_load %arg6[%swap3A_588, %swap3A_589, %swap3A_590] {strides = array<i32>} : memref<6x128x128xf32, #tpu.memory_space<vmem>>, vector<1x1x16xf32>,
          %swap3A_592 = vector.shape_cast %swap3A_591 : vector<1x1x16xf32> to vector<16xf32>
          %swap3A_593 = vector.shape_cast %sub3A_586 : vector<16xf32> to vector<1x1x16xf32>
          tpu.vector_store %arg6[%swap3A_588, %swap3A_589, %swap3A_590], %swap3A_593 {strides = array<i32>} : memref<6x128x128xf32, #tpu.memory_space<vmem>>, vector<1x1x16xf32>,
          %get3A_594 = arith.constant 1 : i32
          %get3A_595 = arith.index_cast %get3A_594 : i32 to index
          %get3A_596 = arith.index_cast %add3A_539 : i32 to index
          %get3A_597 = arith.constant 64 : index
          %get3A_598 = tpu.vector_load %arg6[%get3A_595, %get3A_596, %get3A_597] {strides = array<i32>} : memref<6x128x128xf32, #tpu.memory_space<vmem>>, vector<1x1x16xf32>,
          %get3A_599 = vector.shape_cast %get3A_598 : vector<1x1x16xf32> to vector<16xf32>
          %sub3A_600 = arith.subf %get3A_599, %get3A_296 : vector<16xf32>
          %swap3A_601 = arith.constant 1 : i32
          %swap3A_602 = arith.index_cast %swap3A_601 : i32 to index
          %swap3A_603 = arith.index_cast %add3A_539 : i32 to index
          %swap3A_604 = arith.constant 64 : index
          %swap3A_605 = tpu.vector_load %arg6[%swap3A_602, %swap3A_603, %swap3A_604] {strides = array<i32>} : memref<6x128x128xf32, #tpu.memory_space<vmem>>, vector<1x1x16xf32>,
          %swap3A_606 = vector.shape_cast %swap3A_605 : vector<1x1x16xf32> to vector<16xf32>
          %swap3A_607 = vector.shape_cast %sub3A_600 : vector<16xf32> to vector<1x1x16xf32>
          tpu.vector_store %arg6[%swap3A_602, %swap3A_603, %swap3A_604], %swap3A_607 {strides = array<i32>} : memref<6x128x128xf32, #tpu.memory_space<vmem>>, vector<1x1x16xf32>,
          %get3A_608 = arith.constant 1 : i32
          %get3A_609 = arith.index_cast %get3A_608 : i32 to index
          %get3A_610 = arith.index_cast %add3A_539 : i32 to index
          %get3A_611 = arith.constant 80 : index
          %get3A_612 = tpu.vector_load %arg6[%get3A_609, %get3A_610, %get3A_611] {strides = array<i32>} : memref<6x128x128xf32, #tpu.memory_space<vmem>>, vector<1x1x16xf32>,
          %get3A_613 = vector.shape_cast %get3A_612 : vector<1x1x16xf32> to vector<16xf32>
          %sub3A_614 = arith.subf %get3A_613, %get3A_303 : vector<16xf32>
          %swap3A_615 = arith.constant 1 : i32
          %swap3A_616 = arith.index_cast %swap3A_615 : i32 to index
          %swap3A_617 = arith.index_cast %add3A_539 : i32 to index
          %swap3A_618 = arith.constant 80 : index
          %swap3A_619 = tpu.vector_load %arg6[%swap3A_616, %swap3A_617, %swap3A_618] {strides = array<i32>} : memref<6x128x128xf32, #tpu.memory_space<vmem>>, vector<1x1x16xf32>,
          %swap3A_620 = vector.shape_cast %swap3A_619 : vector<1x1x16xf32> to vector<16xf32>
          %swap3A_621 = vector.shape_cast %sub3A_614 : vector<16xf32> to vector<1x1x16xf32>
          tpu.vector_store %arg6[%swap3A_616, %swap3A_617, %swap3A_618], %swap3A_621 {strides = array<i32>} : memref<6x128x128xf32, #tpu.memory_space<vmem>>, vector<1x1x16xf32>,
          %get3A_622 = arith.constant 1 : i32
          %get3A_623 = arith.index_cast %get3A_622 : i32 to index
          %get3A_624 = arith.index_cast %add3A_539 : i32 to index
          %get3A_625 = arith.constant 96 : index
          %get3A_626 = tpu.vector_load %arg6[%get3A_623, %get3A_624, %get3A_625] {strides = array<i32>} : memref<6x128x128xf32, #tpu.memory_space<vmem>>, vector<1x1x16xf32>,
          %get3A_627 = vector.shape_cast %get3A_626 : vector<1x1x16xf32> to vector<16xf32>
          %sub3A_628 = arith.subf %get3A_627, %get3A_310 : vector<16xf32>
          %swap3A_629 = arith.constant 1 : i32
          %swap3A_630 = arith.index_cast %swap3A_629 : i32 to index
          %swap3A_631 = arith.index_cast %add3A_539 : i32 to index
          %swap3A_632 = arith.constant 96 : index
          %swap3A_633 = tpu.vector_load %arg6[%swap3A_630, %swap3A_631, %swap3A_632] {strides = array<i32>} : memref<6x128x128xf32, #tpu.memory_space<vmem>>, vector<1x1x16xf32>,
          %swap3A_634 = vector.shape_cast %swap3A_633 : vector<1x1x16xf32> to vector<16xf32>
          %swap3A_635 = vector.shape_cast %sub3A_628 : vector<16xf32> to vector<1x1x16xf32>
          tpu.vector_store %arg6[%swap3A_630, %swap3A_631, %swap3A_632], %swap3A_635 {strides = array<i32>} : memref<6x128x128xf32, #tpu.memory_space<vmem>>, vector<1x1x16xf32>,
          %get3A_636 = arith.constant 1 : i32
          %get3A_637 = arith.index_cast %get3A_636 : i32 to index
          %get3A_638 = arith.index_cast %add3A_539 : i32 to index
          %get3A_639 = arith.constant 112 : index
          %get3A_640 = tpu.vector_load %arg6[%get3A_637, %get3A_638, %get3A_639] {strides = array<i32>} : memref<6x128x128xf32, #tpu.memory_space<vmem>>, vector<1x1x16xf32>,
          %get3A_641 = vector.shape_cast %get3A_640 : vector<1x1x16xf32> to vector<16xf32>
          %sub3A_642 = arith.subf %get3A_641, %get3A_317 : vector<16xf32>
          %swap3A_643 = arith.constant 1 : i32
          %swap3A_644 = arith.index_cast %swap3A_643 : i32 to index
          %swap3A_645 = arith.index_cast %add3A_539 : i32 to index
          %swap3A_646 = arith.constant 112 : index
          %swap3A_647 = tpu.vector_load %arg6[%swap3A_644, %swap3A_645, %swap3A_646] {strides = array<i32>} : memref<6x128x128xf32, #tpu.memory_space<vmem>>, vector<1x1x16xf32>,
          %swap3A_648 = vector.shape_cast %swap3A_647 : vector<1x1x16xf32> to vector<16xf32>
          %swap3A_649 = vector.shape_cast %sub3A_642 : vector<16xf32> to vector<1x1x16xf32>
          tpu.vector_store %arg6[%swap3A_644, %swap3A_645, %swap3A_646], %swap3A_649 {strides = array<i32>} : memref<6x128x128xf32, #tpu.memory_space<vmem>>, vector<1x1x16xf32>,
          %scan3A_650 = arith.constant 0 : i32
          scf.yield %scan3A_650 : i32
        }
        %scan3A_324 = arith.constant 32 : i32
        %get3A_325 = arith.constant 1 : i32
        %get3A_326 = arith.constant 1 : i32
        %get3A_327 = arith.index_cast %get3A_325 : i32 to index
        %get3A_328 = arith.index_cast %get3A_326 : i32 to index
        %get3A_329 = arith.constant 0 : index
        %get3A_330 = tpu.vector_load %arg7[%get3A_327, %get3A_328, %get3A_329] {strides = array<i32>} : memref<6x4x128xf32, #tpu.memory_space<vmem>>, vector<1x1x16xf32>,
        %get3A_331 = vector.shape_cast %get3A_330 : vector<1x1x16xf32> to vector<16xf32>
        %get3A_332 = arith.constant 1 : i32
        %get3A_333 = arith.constant 1 : i32
        %get3A_334 = arith.index_cast %get3A_332 : i32 to index
        %get3A_335 = arith.index_cast %get3A_333 : i32 to index
        %get3A_336 = arith.constant 16 : index
        %get3A_337 = tpu.vector_load %arg7[%get3A_334, %get3A_335, %get3A_336] {strides = array<i32>} : memref<6x4x128xf32, #tpu.memory_space<vmem>>, vector<1x1x16xf32>,
        %get3A_338 = vector.shape_cast %get3A_337 : vector<1x1x16xf32> to vector<16xf32>
        %get3A_339 = arith.constant 1 : i32
        %get3A_340 = arith.constant 1 : i32
        %get3A_341 = arith.index_cast %get3A_339 : i32 to index
        %get3A_342 = arith.index_cast %get3A_340 : i32 to index
        %get3A_343 = arith.constant 32 : index
        %get3A_344 = tpu.vector_load %arg7[%get3A_341, %get3A_342, %get3A_343] {strides = array<i32>} : memref<6x4x128xf32, #tpu.memory_space<vmem>>, vector<1x1x16xf32>,
        %get3A_345 = vector.shape_cast %get3A_344 : vector<1x1x16xf32> to vector<16xf32>
        %get3A_346 = arith.constant 1 : i32
        %get3A_347 = arith.constant 1 : i32
        %get3A_348 = arith.index_cast %get3A_346 : i32 to index
        %get3A_349 = arith.index_cast %get3A_347 : i32 to index
        %get3A_350 = arith.constant 48 : index
        %get3A_351 = tpu.vector_load %arg7[%get3A_348, %get3A_349, %get3A_350] {strides = array<i32>} : memref<6x4x128xf32, #tpu.memory_space<vmem>>, vector<1x1x16xf32>,
        %get3A_352 = vector.shape_cast %get3A_351 : vector<1x1x16xf32> to vector<16xf32>
        %get3A_353 = arith.constant 1 : i32
        %get3A_354 = arith.constant 1 : i32
        %get3A_355 = arith.index_cast %get3A_353 : i32 to index
        %get3A_356 = arith.index_cast %get3A_354 : i32 to index
        %get3A_357 = arith.constant 64 : index
        %get3A_358 = tpu.vector_load %arg7[%get3A_355, %get3A_356, %get3A_357] {strides = array<i32>} : memref<6x4x128xf32, #tpu.memory_space<vmem>>, vector<1x1x16xf32>,
        %get3A_359 = vector.shape_cast %get3A_358 : vector<1x1x16xf32> to vector<16xf32>
        %get3A_360 = arith.constant 1 : i32
        %get3A_361 = arith.constant 1 : i32
        %get3A_362 = arith.index_cast %get3A_360 : i32 to index
        %get3A_363 = arith.index_cast %get3A_361 : i32 to index
        %get3A_364 = arith.constant 80 : index
        %get3A_365 = tpu.vector_load %arg7[%get3A_362, %get3A_363, %get3A_364] {strides = array<i32>} : memref<6x4x128xf32, #tpu.memory_space<vmem>>, vector<1x1x16xf32>,
        %get3A_366 = vector.shape_cast %get3A_365 : vector<1x1x16xf32> to vector<16xf32>
        %get3A_367 = arith.constant 1 : i32
        %get3A_368 = arith.constant 1 : i32
        %get3A_369 = arith.index_cast %get3A_367 : i32 to index
        %get3A_370 = arith.index_cast %get3A_368 : i32 to index
        %get3A_371 = arith.constant 96 : index
        %get3A_372 = tpu.vector_load %arg7[%get3A_369, %get3A_370, %get3A_371] {strides = array<i32>} : memref<6x4x128xf32, #tpu.memory_space<vmem>>, vector<1x1x16xf32>,
        %get3A_373 = vector.shape_cast %get3A_372 : vector<1x1x16xf32> to vector<16xf32>
        %get3A_374 = arith.constant 1 : i32
        %get3A_375 = arith.constant 1 : i32
        %get3A_376 = arith.index_cast %get3A_374 : i32 to index
        %get3A_377 = arith.index_cast %get3A_375 : i32 to index
        %get3A_378 = arith.constant 112 : index
        %get3A_379 = tpu.vector_load %arg7[%get3A_376, %get3A_377, %get3A_378] {strides = array<i32>} : memref<6x4x128xf32, #tpu.memory_space<vmem>>, vector<1x1x16xf32>,
        %get3A_380 = vector.shape_cast %get3A_379 : vector<1x1x16xf32> to vector<16xf32>
        %scan3A_381 = arith.constant 0 : i32
        %scan3A_382 = arith.constant 0 : i32
        %scan3A_383 = arith.constant 32 : i32
        %scan3A_384 = arith.addi %scan3A_382, %scan3A_383 : i32
        %scan3A_385 = arith.constant 1 : i32
        %scan3A_386 = scf.for %scan3A_536 = %scan3A_382 to %scan3A_384 step %scan3A_385 iter_args(%scan3A_537 = %scan3A_381) -> (i32)  : i32 {
          %add3A_538 = arith.constant 32 : i32
          %add3A_539 = arith.addi %add3A_538, %scan3A_536 : i32
          %get3A_540 = arith.constant 1 : i32
          %get3A_541 = arith.index_cast %get3A_540 : i32 to index
          %get3A_542 = arith.index_cast %add3A_539 : i32 to index
          %get3A_543 = arith.constant 0 : index
          %get3A_544 = tpu.vector_load %arg6[%get3A_541, %get3A_542, %get3A_543] {strides = array<i32>} : memref<6x128x128xf32, #tpu.memory_space<vmem>>, vector<1x1x16xf32>,
          %get3A_545 = vector.shape_cast %get3A_544 : vector<1x1x16xf32> to vector<16xf32>
          %sub3A = arith.subf %get3A_545, %get3A_331 : vector<16xf32>
          %swap3A = arith.constant 1 : i32
          %swap3A_546 = arith.index_cast %swap3A : i32 to index
          %swap3A_547 = arith.index_cast %add3A_539 : i32 to index
          %swap3A_548 = arith.constant 0 : index
          %swap3A_549 = tpu.vector_load %arg6[%swap3A_546, %swap3A_547, %swap3A_548] {strides = array<i32>} : memref<6x128x128xf32, #tpu.memory_space<vmem>>, vector<1x1x16xf32>,
          %swap3A_550 = vector.shape_cast %swap3A_549 : vector<1x1x16xf32> to vector<16xf32>
          %swap3A_551 = vector.shape_cast %sub3A : vector<16xf32> to vector<1x1x16xf32>
          tpu.vector_store %arg6[%swap3A_546, %swap3A_547, %swap3A_548], %swap3A_551 {strides = array<i32>} : memref<6x128x128xf32, #tpu.memory_space<vmem>>, vector<1x1x16xf32>,
          %get3A_552 = arith.constant 1 : i32
          %get3A_553 = arith.index_cast %get3A_552 : i32 to index
          %get3A_554 = arith.index_cast %add3A_539 : i32 to index
          %get3A_555 = arith.constant 16 : index
          %get3A_556 = tpu.vector_load %arg6[%get3A_553, %get3A_554, %get3A_555] {strides = array<i32>} : memref<6x128x128xf32, #tpu.memory_space<vmem>>, vector<1x1x16xf32>,
          %get3A_557 = vector.shape_cast %get3A_556 : vector<1x1x16xf32> to vector<16xf32>
          %sub3A_558 = arith.subf %get3A_557, %get3A_338 : vector<16xf32>
          %swap3A_559 = arith.constant 1 : i32
          %swap3A_560 = arith.index_cast %swap3A_559 : i32 to index
          %swap3A_561 = arith.index_cast %add3A_539 : i32 to index
          %swap3A_562 = arith.constant 16 : index
          %swap3A_563 = tpu.vector_load %arg6[%swap3A_560, %swap3A_561, %swap3A_562] {strides = array<i32>} : memref<6x128x128xf32, #tpu.memory_space<vmem>>, vector<1x1x16xf32>,
          %swap3A_564 = vector.shape_cast %swap3A_563 : vector<1x1x16xf32> to vector<16xf32>
          %swap3A_565 = vector.shape_cast %sub3A_558 : vector<16xf32> to vector<1x1x16xf32>
          tpu.vector_store %arg6[%swap3A_560, %swap3A_561, %swap3A_562], %swap3A_565 {strides = array<i32>} : memref<6x128x128xf32, #tpu.memory_space<vmem>>, vector<1x1x16xf32>,
          %get3A_566 = arith.constant 1 : i32
          %get3A_567 = arith.index_cast %get3A_566 : i32 to index
          %get3A_568 = arith.index_cast %add3A_539 : i32 to index
          %get3A_569 = arith.constant 32 : index
          %get3A_570 = tpu.vector_load %arg6[%get3A_567, %get3A_568, %get3A_569] {strides = array<i32>} : memref<6x128x128xf32, #tpu.memory_space<vmem>>, vector<1x1x16xf32>,
          %get3A_571 = vector.shape_cast %get3A_570 : vector<1x1x16xf32> to vector<16xf32>
          %sub3A_572 = arith.subf %get3A_571, %get3A_345 : vector<16xf32>
          %swap3A_573 = arith.constant 1 : i32
          %swap3A_574 = arith.index_cast %swap3A_573 : i32 to index
          %swap3A_575 = arith.index_cast %add3A_539 : i32 to index
          %swap3A_576 = arith.constant 32 : index
          %swap3A_577 = tpu.vector_load %arg6[%swap3A_574, %swap3A_575, %swap3A_576] {strides = array<i32>} : memref<6x128x128xf32, #tpu.memory_space<vmem>>, vector<1x1x16xf32>,
          %swap3A_578 = vector.shape_cast %swap3A_577 : vector<1x1x16xf32> to vector<16xf32>
          %swap3A_579 = vector.shape_cast %sub3A_572 : vector<16xf32> to vector<1x1x16xf32>
          tpu.vector_store %arg6[%swap3A_574, %swap3A_575, %swap3A_576], %swap3A_579 {strides = array<i32>} : memref<6x128x128xf32, #tpu.memory_space<vmem>>, vector<1x1x16xf32>,
          %get3A_580 = arith.constant 1 : i32
          %get3A_581 = arith.index_cast %get3A_580 : i32 to index
          %get3A_582 = arith.index_cast %add3A_539 : i32 to index
          %get3A_583 = arith.constant 48 : index
          %get3A_584 = tpu.vector_load %arg6[%get3A_581, %get3A_582, %get3A_583] {strides = array<i32>} : memref<6x128x128xf32, #tpu.memory_space<vmem>>, vector<1x1x16xf32>,
          %get3A_585 = vector.shape_cast %get3A_584 : vector<1x1x16xf32> to vector<16xf32>
          %sub3A_586 = arith.subf %get3A_585, %get3A_352 : vector<16xf32>
          %swap3A_587 = arith.constant 1 : i32
          %swap3A_588 = arith.index_cast %swap3A_587 : i32 to index
          %swap3A_589 = arith.index_cast %add3A_539 : i32 to index
          %swap3A_590 = arith.constant 48 : index
          %swap3A_591 = tpu.vector_load %arg6[%swap3A_588, %swap3A_589, %swap3A_590] {strides = array<i32>} : memref<6x128x128xf32, #tpu.memory_space<vmem>>, vector<1x1x16xf32>,
          %swap3A_592 = vector.shape_cast %swap3A_591 : vector<1x1x16xf32> to vector<16xf32>
          %swap3A_593 = vector.shape_cast %sub3A_586 : vector<16xf32> to vector<1x1x16xf32>
          tpu.vector_store %arg6[%swap3A_588, %swap3A_589, %swap3A_590], %swap3A_593 {strides = array<i32>} : memref<6x128x128xf32, #tpu.memory_space<vmem>>, vector<1x1x16xf32>,
          %get3A_594 = arith.constant 1 : i32
          %get3A_595 = arith.index_cast %get3A_594 : i32 to index
          %get3A_596 = arith.index_cast %add3A_539 : i32 to index
          %get3A_597 = arith.constant 64 : index
          %get3A_598 = tpu.vector_load %arg6[%get3A_595, %get3A_596, %get3A_597] {strides = array<i32>} : memref<6x128x128xf32, #tpu.memory_space<vmem>>, vector<1x1x16xf32>,
          %get3A_599 = vector.shape_cast %get3A_598 : vector<1x1x16xf32> to vector<16xf32>
          %sub3A_600 = arith.subf %get3A_599, %get3A_359 : vector<16xf32>
          %swap3A_601 = arith.constant 1 : i32
          %swap3A_602 = arith.index_cast %swap3A_601 : i32 to index
          %swap3A_603 = arith.index_cast %add3A_539 : i32 to index
          %swap3A_604 = arith.constant 64 : index
          %swap3A_605 = tpu.vector_load %arg6[%swap3A_602, %swap3A_603, %swap3A_604] {strides = array<i32>} : memref<6x128x128xf32, #tpu.memory_space<vmem>>, vector<1x1x16xf32>,
          %swap3A_606 = vector.shape_cast %swap3A_605 : vector<1x1x16xf32> to vector<16xf32>
          %swap3A_607 = vector.shape_cast %sub3A_600 : vector<16xf32> to vector<1x1x16xf32>
          tpu.vector_store %arg6[%swap3A_602, %swap3A_603, %swap3A_604], %swap3A_607 {strides = array<i32>} : memref<6x128x128xf32, #tpu.memory_space<vmem>>, vector<1x1x16xf32>,
          %get3A_608 = arith.constant 1 : i32
          %get3A_609 = arith.index_cast %get3A_608 : i32 to index
          %get3A_610 = arith.index_cast %add3A_539 : i32 to index
          %get3A_611 = arith.constant 80 : index
          %get3A_612 = tpu.vector_load %arg6[%get3A_609, %get3A_610, %get3A_611] {strides = array<i32>} : memref<6x128x128xf32, #tpu.memory_space<vmem>>, vector<1x1x16xf32>,
          %get3A_613 = vector.shape_cast %get3A_612 : vector<1x1x16xf32> to vector<16xf32>
          %sub3A_614 = arith.subf %get3A_613, %get3A_366 : vector<16xf32>
          %swap3A_615 = arith.constant 1 : i32
          %swap3A_616 = arith.index_cast %swap3A_615 : i32 to index
          %swap3A_617 = arith.index_cast %add3A_539 : i32 to index
          %swap3A_618 = arith.constant 80 : index
          %swap3A_619 = tpu.vector_load %arg6[%swap3A_616, %swap3A_617, %swap3A_618] {strides = array<i32>} : memref<6x128x128xf32, #tpu.memory_space<vmem>>, vector<1x1x16xf32>,
          %swap3A_620 = vector.shape_cast %swap3A_619 : vector<1x1x16xf32> to vector<16xf32>
          %swap3A_621 = vector.shape_cast %sub3A_614 : vector<16xf32> to vector<1x1x16xf32>
          tpu.vector_store %arg6[%swap3A_616, %swap3A_617, %swap3A_618], %swap3A_621 {strides = array<i32>} : memref<6x128x128xf32, #tpu.memory_space<vmem>>, vector<1x1x16xf32>,
          %get3A_622 = arith.constant 1 : i32
          %get3A_623 = arith.index_cast %get3A_622 : i32 to index
          %get3A_624 = arith.index_cast %add3A_539 : i32 to index
          %get3A_625 = arith.constant 96 : index
          %get3A_626 = tpu.vector_load %arg6[%get3A_623, %get3A_624, %get3A_625] {strides = array<i32>} : memref<6x128x128xf32, #tpu.memory_space<vmem>>, vector<1x1x16xf32>,
          %get3A_627 = vector.shape_cast %get3A_626 : vector<1x1x16xf32> to vector<16xf32>
          %sub3A_628 = arith.subf %get3A_627, %get3A_373 : vector<16xf32>
          %swap3A_629 = arith.constant 1 : i32
          %swap3A_630 = arith.index_cast %swap3A_629 : i32 to index
          %swap3A_631 = arith.index_cast %add3A_539 : i32 to index
          %swap3A_632 = arith.constant 96 : index
          %swap3A_633 = tpu.vector_load %arg6[%swap3A_630, %swap3A_631, %swap3A_632] {strides = array<i32>} : memref<6x128x128xf32, #tpu.memory_space<vmem>>, vector<1x1x16xf32>,
          %swap3A_634 = vector.shape_cast %swap3A_633 : vector<1x1x16xf32> to vector<16xf32>
          %swap3A_635 = vector.shape_cast %sub3A_628 : vector<16xf32> to vector<1x1x16xf32>
          tpu.vector_store %arg6[%swap3A_630, %swap3A_631, %swap3A_632], %swap3A_635 {strides = array<i32>} : memref<6x128x128xf32, #tpu.memory_space<vmem>>, vector<1x1x16xf32>,
          %get3A_636 = arith.constant 1 : i32
          %get3A_637 = arith.index_cast %get3A_636 : i32 to index
          %get3A_638 = arith.index_cast %add3A_539 : i32 to index
          %get3A_639 = arith.constant 112 : index
          %get3A_640 = tpu.vector_load %arg6[%get3A_637, %get3A_638, %get3A_639] {strides = array<i32>} : memref<6x128x128xf32, #tpu.memory_space<vmem>>, vector<1x1x16xf32>,
          %get3A_641 = vector.shape_cast %get3A_640 : vector<1x1x16xf32> to vector<16xf32>
          %sub3A_642 = arith.subf %get3A_641, %get3A_380 : vector<16xf32>
          %swap3A_643 = arith.constant 1 : i32
          %swap3A_644 = arith.index_cast %swap3A_643 : i32 to index
          %swap3A_645 = arith.index_cast %add3A_539 : i32 to index
          %swap3A_646 = arith.constant 112 : index
          %swap3A_647 = tpu.vector_load %arg6[%swap3A_644, %swap3A_645, %swap3A_646] {strides = array<i32>} : memref<6x128x128xf32, #tpu.memory_space<vmem>>, vector<1x1x16xf32>,
          %swap3A_648 = vector.shape_cast %swap3A_647 : vector<1x1x16xf32> to vector<16xf32>
          %swap3A_649 = vector.shape_cast %sub3A_642 : vector<16xf32> to vector<1x1x16xf32>
          tpu.vector_store %arg6[%swap3A_644, %swap3A_645, %swap3A_646], %swap3A_649 {strides = array<i32>} : memref<6x128x128xf32, #tpu.memory_space<vmem>>, vector<1x1x16xf32>,
          %scan3A_650 = arith.constant 0 : i32
          scf.yield %scan3A_650 : i32
        }
        %scan3A_387 = arith.constant 32 : i32
        %get3A_388 = arith.constant 1 : i32
        %get3A_389 = arith.constant 2 : i32
        %get3A_390 = arith.index_cast %get3A_388 : i32 to index
        %get3A_391 = arith.index_cast %get3A_389 : i32 to index
        %get3A_392 = arith.constant 0 : index
        %get3A_393 = tpu.vector_load %arg7[%get3A_390, %get3A_391, %get3A_392] {strides = array<i32>} : memref<6x4x128xf32, #tpu.memory_space<vmem>>, vector<1x1x16xf32>,
        %get3A_394 = vector.shape_cast %get3A_393 : vector<1x1x16xf32> to vector<16xf32>
        %get3A_395 = arith.constant 1 : i32
        %get3A_396 = arith.constant 2 : i32
        %get3A_397 = arith.index_cast %get3A_395 : i32 to index
        %get3A_398 = arith.index_cast %get3A_396 : i32 to index
        %get3A_399 = arith.constant 16 : index
        %get3A_400 = tpu.vector_load %arg7[%get3A_397, %get3A_398, %get3A_399] {strides = array<i32>} : memref<6x4x128xf32, #tpu.memory_space<vmem>>, vector<1x1x16xf32>,
        %get3A_401 = vector.shape_cast %get3A_400 : vector<1x1x16xf32> to vector<16xf32>
        %get3A_402 = arith.constant 1 : i32
        %get3A_403 = arith.constant 2 : i32
        %get3A_404 = arith.index_cast %get3A_402 : i32 to index
        %get3A_405 = arith.index_cast %get3A_403 : i32 to index
        %get3A_406 = arith.constant 32 : index
        %get3A_407 = tpu.vector_load %arg7[%get3A_404, %get3A_405, %get3A_406] {strides = array<i32>} : memref<6x4x128xf32, #tpu.memory_space<vmem>>, vector<1x1x16xf32>,
        %get3A_408 = vector.shape_cast %get3A_407 : vector<1x1x16xf32> to vector<16xf32>
        %get3A_409 = arith.constant 1 : i32
        %get3A_410 = arith.constant 2 : i32
        %get3A_411 = arith.index_cast %get3A_409 : i32 to index
        %get3A_412 = arith.index_cast %get3A_410 : i32 to index
        %get3A_413 = arith.constant 48 : index
        %get3A_414 = tpu.vector_load %arg7[%get3A_411, %get3A_412, %get3A_413] {strides = array<i32>} : memref<6x4x128xf32, #tpu.memory_space<vmem>>, vector<1x1x16xf32>,
        %get3A_415 = vector.shape_cast %get3A_414 : vector<1x1x16xf32> to vector<16xf32>
        %get3A_416 = arith.constant 1 : i32
        %get3A_417 = arith.constant 2 : i32
        %get3A_418 = arith.index_cast %get3A_416 : i32 to index
        %get3A_419 = arith.index_cast %get3A_417 : i32 to index
        %get3A_420 = arith.constant 64 : index
        %get3A_421 = tpu.vector_load %arg7[%get3A_418, %get3A_419, %get3A_420] {strides = array<i32>} : memref<6x4x128xf32, #tpu.memory_space<vmem>>, vector<1x1x16xf32>,
        %get3A_422 = vector.shape_cast %get3A_421 : vector<1x1x16xf32> to vector<16xf32>
        %get3A_423 = arith.constant 1 : i32
        %get3A_424 = arith.constant 2 : i32
        %get3A_425 = arith.index_cast %get3A_423 : i32 to index
        %get3A_426 = arith.index_cast %get3A_424 : i32 to index
        %get3A_427 = arith.constant 80 : index
        %get3A_428 = tpu.vector_load %arg7[%get3A_425, %get3A_426, %get3A_427] {strides = array<i32>} : memref<6x4x128xf32, #tpu.memory_space<vmem>>, vector<1x1x16xf32>,
        %get3A_429 = vector.shape_cast %get3A_428 : vector<1x1x16xf32> to vector<16xf32>
        %get3A_430 = arith.constant 1 : i32
        %get3A_431 = arith.constant 2 : i32
        %get3A_432 = arith.index_cast %get3A_430 : i32 to index
        %get3A_433 = arith.index_cast %get3A_431 : i32 to index
        %get3A_434 = arith.constant 96 : index
        %get3A_435 = tpu.vector_load %arg7[%get3A_432, %get3A_433, %get3A_434] {strides = array<i32>} : memref<6x4x128xf32, #tpu.memory_space<vmem>>, vector<1x1x16xf32>,
        %get3A_436 = vector.shape_cast %get3A_435 : vector<1x1x16xf32> to vector<16xf32>
        %get3A_437 = arith.constant 1 : i32
        %get3A_438 = arith.constant 2 : i32
        %get3A_439 = arith.index_cast %get3A_437 : i32 to index
        %get3A_440 = arith.index_cast %get3A_438 : i32 to index
        %get3A_441 = arith.constant 112 : index
        %get3A_442 = tpu.vector_load %arg7[%get3A_439, %get3A_440, %get3A_441] {strides = array<i32>} : memref<6x4x128xf32, #tpu.memory_space<vmem>>, vector<1x1x16xf32>,
        %get3A_443 = vector.shape_cast %get3A_442 : vector<1x1x16xf32> to vector<16xf32>
        %scan3A_444 = arith.constant 0 : i32
        %scan3A_445 = arith.constant 0 : i32
        %scan3A_446 = arith.constant 32 : i32
        %scan3A_447 = arith.addi %scan3A_445, %scan3A_446 : i32
        %scan3A_448 = arith.constant 1 : i32
        %scan3A_449 = scf.for %scan3A_536 = %scan3A_445 to %scan3A_447 step %scan3A_448 iter_args(%scan3A_537 = %scan3A_444) -> (i32)  : i32 {
          %add3A_538 = arith.constant 64 : i32
          %add3A_539 = arith.addi %add3A_538, %scan3A_536 : i32
          %get3A_540 = arith.constant 1 : i32
          %get3A_541 = arith.index_cast %get3A_540 : i32 to index
          %get3A_542 = arith.index_cast %add3A_539 : i32 to index
          %get3A_543 = arith.constant 0 : index
          %get3A_544 = tpu.vector_load %arg6[%get3A_541, %get3A_542, %get3A_543] {strides = array<i32>} : memref<6x128x128xf32, #tpu.memory_space<vmem>>, vector<1x1x16xf32>,
          %get3A_545 = vector.shape_cast %get3A_544 : vector<1x1x16xf32> to vector<16xf32>
          %sub3A = arith.subf %get3A_545, %get3A_394 : vector<16xf32>
          %swap3A = arith.constant 1 : i32
          %swap3A_546 = arith.index_cast %swap3A : i32 to index
          %swap3A_547 = arith.index_cast %add3A_539 : i32 to index
          %swap3A_548 = arith.constant 0 : index
          %swap3A_549 = tpu.vector_load %arg6[%swap3A_546, %swap3A_547, %swap3A_548] {strides = array<i32>} : memref<6x128x128xf32, #tpu.memory_space<vmem>>, vector<1x1x16xf32>,
          %swap3A_550 = vector.shape_cast %swap3A_549 : vector<1x1x16xf32> to vector<16xf32>
          %swap3A_551 = vector.shape_cast %sub3A : vector<16xf32> to vector<1x1x16xf32>
          tpu.vector_store %arg6[%swap3A_546, %swap3A_547, %swap3A_548], %swap3A_551 {strides = array<i32>} : memref<6x128x128xf32, #tpu.memory_space<vmem>>, vector<1x1x16xf32>,
          %get3A_552 = arith.constant 1 : i32
          %get3A_553 = arith.index_cast %get3A_552 : i32 to index
          %get3A_554 = arith.index_cast %add3A_539 : i32 to index
          %get3A_555 = arith.constant 16 : index
          %get3A_556 = tpu.vector_load %arg6[%get3A_553, %get3A_554, %get3A_555] {strides = array<i32>} : memref<6x128x128xf32, #tpu.memory_space<vmem>>, vector<1x1x16xf32>,
          %get3A_557 = vector.shape_cast %get3A_556 : vector<1x1x16xf32> to vector<16xf32>
          %sub3A_558 = arith.subf %get3A_557, %get3A_401 : vector<16xf32>
          %swap3A_559 = arith.constant 1 : i32
          %swap3A_560 = arith.index_cast %swap3A_559 : i32 to index
          %swap3A_561 = arith.index_cast %add3A_539 : i32 to index
          %swap3A_562 = arith.constant 16 : index
          %swap3A_563 = tpu.vector_load %arg6[%swap3A_560, %swap3A_561, %swap3A_562] {strides = array<i32>} : memref<6x128x128xf32, #tpu.memory_space<vmem>>, vector<1x1x16xf32>,
          %swap3A_564 = vector.shape_cast %swap3A_563 : vector<1x1x16xf32> to vector<16xf32>
          %swap3A_565 = vector.shape_cast %sub3A_558 : vector<16xf32> to vector<1x1x16xf32>
          tpu.vector_store %arg6[%swap3A_560, %swap3A_561, %swap3A_562], %swap3A_565 {strides = array<i32>} : memref<6x128x128xf32, #tpu.memory_space<vmem>>, vector<1x1x16xf32>,
          %get3A_566 = arith.constant 1 : i32
          %get3A_567 = arith.index_cast %get3A_566 : i32 to index
          %get3A_568 = arith.index_cast %add3A_539 : i32 to index
          %get3A_569 = arith.constant 32 : index
          %get3A_570 = tpu.vector_load %arg6[%get3A_567, %get3A_568, %get3A_569] {strides = array<i32>} : memref<6x128x128xf32, #tpu.memory_space<vmem>>, vector<1x1x16xf32>,
          %get3A_571 = vector.shape_cast %get3A_570 : vector<1x1x16xf32> to vector<16xf32>
          %sub3A_572 = arith.subf %get3A_571, %get3A_408 : vector<16xf32>
          %swap3A_573 = arith.constant 1 : i32
          %swap3A_574 = arith.index_cast %swap3A_573 : i32 to index
          %swap3A_575 = arith.index_cast %add3A_539 : i32 to index
          %swap3A_576 = arith.constant 32 : index
          %swap3A_577 = tpu.vector_load %arg6[%swap3A_574, %swap3A_575, %swap3A_576] {strides = array<i32>} : memref<6x128x128xf32, #tpu.memory_space<vmem>>, vector<1x1x16xf32>,
          %swap3A_578 = vector.shape_cast %swap3A_577 : vector<1x1x16xf32> to vector<16xf32>
          %swap3A_579 = vector.shape_cast %sub3A_572 : vector<16xf32> to vector<1x1x16xf32>
          tpu.vector_store %arg6[%swap3A_574, %swap3A_575, %swap3A_576], %swap3A_579 {strides = array<i32>} : memref<6x128x128xf32, #tpu.memory_space<vmem>>, vector<1x1x16xf32>,
          %get3A_580 = arith.constant 1 : i32
          %get3A_581 = arith.index_cast %get3A_580 : i32 to index
          %get3A_582 = arith.index_cast %add3A_539 : i32 to index
          %get3A_583 = arith.constant 48 : index
          %get3A_584 = tpu.vector_load %arg6[%get3A_581, %get3A_582, %get3A_583] {strides = array<i32>} : memref<6x128x128xf32, #tpu.memory_space<vmem>>, vector<1x1x16xf32>,
          %get3A_585 = vector.shape_cast %get3A_584 : vector<1x1x16xf32> to vector<16xf32>
          %sub3A_586 = arith.subf %get3A_585, %get3A_415 : vector<16xf32>
          %swap3A_587 = arith.constant 1 : i32
          %swap3A_588 = arith.index_cast %swap3A_587 : i32 to index
          %swap3A_589 = arith.index_cast %add3A_539 : i32 to index
          %swap3A_590 = arith.constant 48 : index
          %swap3A_591 = tpu.vector_load %arg6[%swap3A_588, %swap3A_589, %swap3A_590] {strides = array<i32>} : memref<6x128x128xf32, #tpu.memory_space<vmem>>, vector<1x1x16xf32>,
          %swap3A_592 = vector.shape_cast %swap3A_591 : vector<1x1x16xf32> to vector<16xf32>
          %swap3A_593 = vector.shape_cast %sub3A_586 : vector<16xf32> to vector<1x1x16xf32>
          tpu.vector_store %arg6[%swap3A_588, %swap3A_589, %swap3A_590], %swap3A_593 {strides = array<i32>} : memref<6x128x128xf32, #tpu.memory_space<vmem>>, vector<1x1x16xf32>,
          %get3A_594 = arith.constant 1 : i32
          %get3A_595 = arith.index_cast %get3A_594 : i32 to index
          %get3A_596 = arith.index_cast %add3A_539 : i32 to index
          %get3A_597 = arith.constant 64 : index
          %get3A_598 = tpu.vector_load %arg6[%get3A_595, %get3A_596, %get3A_597] {strides = array<i32>} : memref<6x128x128xf32, #tpu.memory_space<vmem>>, vector<1x1x16xf32>,
          %get3A_599 = vector.shape_cast %get3A_598 : vector<1x1x16xf32> to vector<16xf32>
          %sub3A_600 = arith.subf %get3A_599, %get3A_422 : vector<16xf32>
          %swap3A_601 = arith.constant 1 : i32
          %swap3A_602 = arith.index_cast %swap3A_601 : i32 to index
          %swap3A_603 = arith.index_cast %add3A_539 : i32 to index
          %swap3A_604 = arith.constant 64 : index
          %swap3A_605 = tpu.vector_load %arg6[%swap3A_602, %swap3A_603, %swap3A_604] {strides = array<i32>} : memref<6x128x128xf32, #tpu.memory_space<vmem>>, vector<1x1x16xf32>,
          %swap3A_606 = vector.shape_cast %swap3A_605 : vector<1x1x16xf32> to vector<16xf32>
          %swap3A_607 = vector.shape_cast %sub3A_600 : vector<16xf32> to vector<1x1x16xf32>
          tpu.vector_store %arg6[%swap3A_602, %swap3A_603, %swap3A_604], %swap3A_607 {strides = array<i32>} : memref<6x128x128xf32, #tpu.memory_space<vmem>>, vector<1x1x16xf32>,
          %get3A_608 = arith.constant 1 : i32
          %get3A_609 = arith.index_cast %get3A_608 : i32 to index
          %get3A_610 = arith.index_cast %add3A_539 : i32 to index
          %get3A_611 = arith.constant 80 : index
          %get3A_612 = tpu.vector_load %arg6[%get3A_609, %get3A_610, %get3A_611] {strides = array<i32>} : memref<6x128x128xf32, #tpu.memory_space<vmem>>, vector<1x1x16xf32>,
          %get3A_613 = vector.shape_cast %get3A_612 : vector<1x1x16xf32> to vector<16xf32>
          %sub3A_614 = arith.subf %get3A_613, %get3A_429 : vector<16xf32>
          %swap3A_615 = arith.constant 1 : i32
          %swap3A_616 = arith.index_cast %swap3A_615 : i32 to index
          %swap3A_617 = arith.index_cast %add3A_539 : i32 to index
          %swap3A_618 = arith.constant 80 : index
          %swap3A_619 = tpu.vector_load %arg6[%swap3A_616, %swap3A_617, %swap3A_618] {strides = array<i32>} : memref<6x128x128xf32, #tpu.memory_space<vmem>>, vector<1x1x16xf32>,
          %swap3A_620 = vector.shape_cast %swap3A_619 : vector<1x1x16xf32> to vector<16xf32>
          %swap3A_621 = vector.shape_cast %sub3A_614 : vector<16xf32> to vector<1x1x16xf32>
          tpu.vector_store %arg6[%swap3A_616, %swap3A_617, %swap3A_618], %swap3A_621 {strides = array<i32>} : memref<6x128x128xf32, #tpu.memory_space<vmem>>, vector<1x1x16xf32>,
          %get3A_622 = arith.constant 1 : i32
          %get3A_623 = arith.index_cast %get3A_622 : i32 to index
          %get3A_624 = arith.index_cast %add3A_539 : i32 to index
          %get3A_625 = arith.constant 96 : index
          %get3A_626 = tpu.vector_load %arg6[%get3A_623, %get3A_624, %get3A_625] {strides = array<i32>} : memref<6x128x128xf32, #tpu.memory_space<vmem>>, vector<1x1x16xf32>,
          %get3A_627 = vector.shape_cast %get3A_626 : vector<1x1x16xf32> to vector<16xf32>
          %sub3A_628 = arith.subf %get3A_627, %get3A_436 : vector<16xf32>
          %swap3A_629 = arith.constant 1 : i32
          %swap3A_630 = arith.index_cast %swap3A_629 : i32 to index
          %swap3A_631 = arith.index_cast %add3A_539 : i32 to index
          %swap3A_632 = arith.constant 96 : index
          %swap3A_633 = tpu.vector_load %arg6[%swap3A_630, %swap3A_631, %swap3A_632] {strides = array<i32>} : memref<6x128x128xf32, #tpu.memory_space<vmem>>, vector<1x1x16xf32>,
          %swap3A_634 = vector.shape_cast %swap3A_633 : vector<1x1x16xf32> to vector<16xf32>
          %swap3A_635 = vector.shape_cast %sub3A_628 : vector<16xf32> to vector<1x1x16xf32>
          tpu.vector_store %arg6[%swap3A_630, %swap3A_631, %swap3A_632], %swap3A_635 {strides = array<i32>} : memref<6x128x128xf32, #tpu.memory_space<vmem>>, vector<1x1x16xf32>,
          %get3A_636 = arith.constant 1 : i32
          %get3A_637 = arith.index_cast %get3A_636 : i32 to index
          %get3A_638 = arith.index_cast %add3A_539 : i32 to index
          %get3A_639 = arith.constant 112 : index
          %get3A_640 = tpu.vector_load %arg6[%get3A_637, %get3A_638, %get3A_639] {strides = array<i32>} : memref<6x128x128xf32, #tpu.memory_space<vmem>>, vector<1x1x16xf32>,
          %get3A_641 = vector.shape_cast %get3A_640 : vector<1x1x16xf32> to vector<16xf32>
          %sub3A_642 = arith.subf %get3A_641, %get3A_443 : vector<16xf32>
          %swap3A_643 = arith.constant 1 : i32
          %swap3A_644 = arith.index_cast %swap3A_643 : i32 to index
          %swap3A_645 = arith.index_cast %add3A_539 : i32 to index
          %swap3A_646 = arith.constant 112 : index
          %swap3A_647 = tpu.vector_load %arg6[%swap3A_644, %swap3A_645, %swap3A_646] {strides = array<i32>} : memref<6x128x128xf32, #tpu.memory_space<vmem>>, vector<1x1x16xf32>,
          %swap3A_648 = vector.shape_cast %swap3A_647 : vector<1x1x16xf32> to vector<16xf32>
          %swap3A_649 = vector.shape_cast %sub3A_642 : vector<16xf32> to vector<1x1x16xf32>
          tpu.vector_store %arg6[%swap3A_644, %swap3A_645, %swap3A_646], %swap3A_649 {strides = array<i32>} : memref<6x128x128xf32, #tpu.memory_space<vmem>>, vector<1x1x16xf32>,
          %scan3A_650 = arith.constant 0 : i32
          scf.yield %scan3A_650 : i32
        }
        %scan3A_450 = arith.constant 32 : i32
        %get3A_451 = arith.constant 1 : i32
        %get3A_452 = arith.constant 3 : i32
        %get3A_453 = arith.index_cast %get3A_451 : i32 to index
        %get3A_454 = arith.index_cast %get3A_452 : i32 to index
        %get3A_455 = arith.constant 0 : index
        %get3A_456 = tpu.vector_load %arg7[%get3A_453, %get3A_454, %get3A_455] {strides = array<i32>} : memref<6x4x128xf32, #tpu.memory_space<vmem>>, vector<1x1x16xf32>,
        %get3A_457 = vector.shape_cast %get3A_456 : vector<1x1x16xf32> to vector<16xf32>
        %get3A_458 = arith.constant 1 : i32
        %get3A_459 = arith.constant 3 : i32
        %get3A_460 = arith.index_cast %get3A_458 : i32 to index
        %get3A_461 = arith.index_cast %get3A_459 : i32 to index
        %get3A_462 = arith.constant 16 : index
        %get3A_463 = tpu.vector_load %arg7[%get3A_460, %get3A_461, %get3A_462] {strides = array<i32>} : memref<6x4x128xf32, #tpu.memory_space<vmem>>, vector<1x1x16xf32>,
        %get3A_464 = vector.shape_cast %get3A_463 : vector<1x1x16xf32> to vector<16xf32>
        %get3A_465 = arith.constant 1 : i32
        %get3A_466 = arith.constant 3 : i32
        %get3A_467 = arith.index_cast %get3A_465 : i32 to index
        %get3A_468 = arith.index_cast %get3A_466 : i32 to index
        %get3A_469 = arith.constant 32 : index
        %get3A_470 = tpu.vector_load %arg7[%get3A_467, %get3A_468, %get3A_469] {strides = array<i32>} : memref<6x4x128xf32, #tpu.memory_space<vmem>>, vector<1x1x16xf32>,
        %get3A_471 = vector.shape_cast %get3A_470 : vector<1x1x16xf32> to vector<16xf32>
        %get3A_472 = arith.constant 1 : i32
        %get3A_473 = arith.constant 3 : i32
        %get3A_474 = arith.index_cast %get3A_472 : i32 to index
        %get3A_475 = arith.index_cast %get3A_473 : i32 to index
        %get3A_476 = arith.constant 48 : index
        %get3A_477 = tpu.vector_load %arg7[%get3A_474, %get3A_475, %get3A_476] {strides = array<i32>} : memref<6x4x128xf32, #tpu.memory_space<vmem>>, vector<1x1x16xf32>,
        %get3A_478 = vector.shape_cast %get3A_477 : vector<1x1x16xf32> to vector<16xf32>
        %get3A_479 = arith.constant 1 : i32
        %get3A_480 = arith.constant 3 : i32
        %get3A_481 = arith.index_cast %get3A_479 : i32 to index
        %get3A_482 = arith.index_cast %get3A_480 : i32 to index
        %get3A_483 = arith.constant 64 : index
        %get3A_484 = tpu.vector_load %arg7[%get3A_481, %get3A_482, %get3A_483] {strides = array<i32>} : memref<6x4x128xf32, #tpu.memory_space<vmem>>, vector<1x1x16xf32>,
        %get3A_485 = vector.shape_cast %get3A_484 : vector<1x1x16xf32> to vector<16xf32>
        %get3A_486 = arith.constant 1 : i32
        %get3A_487 = arith.constant 3 : i32
        %get3A_488 = arith.index_cast %get3A_486 : i32 to index
        %get3A_489 = arith.index_cast %get3A_487 : i32 to index
        %get3A_490 = arith.constant 80 : index
        %get3A_491 = tpu.vector_load %arg7[%get3A_488, %get3A_489, %get3A_490] {strides = array<i32>} : memref<6x4x128xf32, #tpu.memory_space<vmem>>, vector<1x1x16xf32>,
        %get3A_492 = vector.shape_cast %get3A_491 : vector<1x1x16xf32> to vector<16xf32>
        %get3A_493 = arith.constant 1 : i32
        %get3A_494 = arith.constant 3 : i32
        %get3A_495 = arith.index_cast %get3A_493 : i32 to index
        %get3A_496 = arith.index_cast %get3A_494 : i32 to index
        %get3A_497 = arith.constant 96 : index
        %get3A_498 = tpu.vector_load %arg7[%get3A_495, %get3A_496, %get3A_497] {strides = array<i32>} : memref<6x4x128xf32, #tpu.memory_space<vmem>>, vector<1x1x16xf32>,
        %get3A_499 = vector.shape_cast %get3A_498 : vector<1x1x16xf32> to vector<16xf32>
        %get3A_500 = arith.constant 1 : i32
        %get3A_501 = arith.constant 3 : i32
        %get3A_502 = arith.index_cast %get3A_500 : i32 to index
        %get3A_503 = arith.index_cast %get3A_501 : i32 to index
        %get3A_504 = arith.constant 112 : index
        %get3A_505 = tpu.vector_load %arg7[%get3A_502, %get3A_503, %get3A_504] {strides = array<i32>} : memref<6x4x128xf32, #tpu.memory_space<vmem>>, vector<1x1x16xf32>,
        %get3A_506 = vector.shape_cast %get3A_505 : vector<1x1x16xf32> to vector<16xf32>
        %scan3A_507 = arith.constant 0 : i32
        %scan3A_508 = arith.constant 0 : i32
        %scan3A_509 = arith.constant 32 : i32
        %scan3A_510 = arith.addi %scan3A_508, %scan3A_509 : i32
        %scan3A_511 = arith.constant 1 : i32
        %scan3A_512 = scf.for %scan3A_536 = %scan3A_508 to %scan3A_510 step %scan3A_511 iter_args(%scan3A_537 = %scan3A_507) -> (i32)  : i32 {
          %add3A_538 = arith.constant 96 : i32
          %add3A_539 = arith.addi %add3A_538, %scan3A_536 : i32
          %get3A_540 = arith.constant 1 : i32
          %get3A_541 = arith.index_cast %get3A_540 : i32 to index
          %get3A_542 = arith.index_cast %add3A_539 : i32 to index
          %get3A_543 = arith.constant 0 : index
          %get3A_544 = tpu.vector_load %arg6[%get3A_541, %get3A_542, %get3A_543] {strides = array<i32>} : memref<6x128x128xf32, #tpu.memory_space<vmem>>, vector<1x1x16xf32>,
          %get3A_545 = vector.shape_cast %get3A_544 : vector<1x1x16xf32> to vector<16xf32>
          %sub3A = arith.subf %get3A_545, %get3A_457 : vector<16xf32>
          %swap3A = arith.constant 1 : i32
          %swap3A_546 = arith.index_cast %swap3A : i32 to index
          %swap3A_547 = arith.index_cast %add3A_539 : i32 to index
          %swap3A_548 = arith.constant 0 : index
          %swap3A_549 = tpu.vector_load %arg6[%swap3A_546, %swap3A_547, %swap3A_548] {strides = array<i32>} : memref<6x128x128xf32, #tpu.memory_space<vmem>>, vector<1x1x16xf32>,
          %swap3A_550 = vector.shape_cast %swap3A_549 : vector<1x1x16xf32> to vector<16xf32>
          %swap3A_551 = vector.shape_cast %sub3A : vector<16xf32> to vector<1x1x16xf32>
          tpu.vector_store %arg6[%swap3A_546, %swap3A_547, %swap3A_548], %swap3A_551 {strides = array<i32>} : memref<6x128x128xf32, #tpu.memory_space<vmem>>, vector<1x1x16xf32>,
          %get3A_552 = arith.constant 1 : i32
          %get3A_553 = arith.index_cast %get3A_552 : i32 to index
          %get3A_554 = arith.index_cast %add3A_539 : i32 to index
          %get3A_555 = arith.constant 16 : index
          %get3A_556 = tpu.vector_load %arg6[%get3A_553, %get3A_554, %get3A_555] {strides = array<i32>} : memref<6x128x128xf32, #tpu.memory_space<vmem>>, vector<1x1x16xf32>,
          %get3A_557 = vector.shape_cast %get3A_556 : vector<1x1x16xf32> to vector<16xf32>
          %sub3A_558 = arith.subf %get3A_557, %get3A_464 : vector<16xf32>
          %swap3A_559 = arith.constant 1 : i32
          %swap3A_560 = arith.index_cast %swap3A_559 : i32 to index
          %swap3A_561 = arith.index_cast %add3A_539 : i32 to index
          %swap3A_562 = arith.constant 16 : index
          %swap3A_563 = tpu.vector_load %arg6[%swap3A_560, %swap3A_561, %swap3A_562] {strides = array<i32>} : memref<6x128x128xf32, #tpu.memory_space<vmem>>, vector<1x1x16xf32>,
          %swap3A_564 = vector.shape_cast %swap3A_563 : vector<1x1x16xf32> to vector<16xf32>
          %swap3A_565 = vector.shape_cast %sub3A_558 : vector<16xf32> to vector<1x1x16xf32>
          tpu.vector_store %arg6[%swap3A_560, %swap3A_561, %swap3A_562], %swap3A_565 {strides = array<i32>} : memref<6x128x128xf32, #tpu.memory_space<vmem>>, vector<1x1x16xf32>,
          %get3A_566 = arith.constant 1 : i32
          %get3A_567 = arith.index_cast %get3A_566 : i32 to index
          %get3A_568 = arith.index_cast %add3A_539 : i32 to index
          %get3A_569 = arith.constant 32 : index
          %get3A_570 = tpu.vector_load %arg6[%get3A_567, %get3A_568, %get3A_569] {strides = array<i32>} : memref<6x128x128xf32, #tpu.memory_space<vmem>>, vector<1x1x16xf32>,
          %get3A_571 = vector.shape_cast %get3A_570 : vector<1x1x16xf32> to vector<16xf32>
          %sub3A_572 = arith.subf %get3A_571, %get3A_471 : vector<16xf32>
          %swap3A_573 = arith.constant 1 : i32
          %swap3A_574 = arith.index_cast %swap3A_573 : i32 to index
          %swap3A_575 = arith.index_cast %add3A_539 : i32 to index
          %swap3A_576 = arith.constant 32 : index
          %swap3A_577 = tpu.vector_load %arg6[%swap3A_574, %swap3A_575, %swap3A_576] {strides = array<i32>} : memref<6x128x128xf32, #tpu.memory_space<vmem>>, vector<1x1x16xf32>,
          %swap3A_578 = vector.shape_cast %swap3A_577 : vector<1x1x16xf32> to vector<16xf32>
          %swap3A_579 = vector.shape_cast %sub3A_572 : vector<16xf32> to vector<1x1x16xf32>
          tpu.vector_store %arg6[%swap3A_574, %swap3A_575, %swap3A_576], %swap3A_579 {strides = array<i32>} : memref<6x128x128xf32, #tpu.memory_space<vmem>>, vector<1x1x16xf32>,
          %get3A_580 = arith.constant 1 : i32
          %get3A_581 = arith.index_cast %get3A_580 : i32 to index
          %get3A_582 = arith.index_cast %add3A_539 : i32 to index
          %get3A_583 = arith.constant 48 : index
          %get3A_584 = tpu.vector_load %arg6[%get3A_581, %get3A_582, %get3A_583] {strides = array<i32>} : memref<6x128x128xf32, #tpu.memory_space<vmem>>, vector<1x1x16xf32>,
          %get3A_585 = vector.shape_cast %get3A_584 : vector<1x1x16xf32> to vector<16xf32>
          %sub3A_586 = arith.subf %get3A_585, %get3A_478 : vector<16xf32>
          %swap3A_587 = arith.constant 1 : i32
          %swap3A_588 = arith.index_cast %swap3A_587 : i32 to index
          %swap3A_589 = arith.index_cast %add3A_539 : i32 to index
          %swap3A_590 = arith.constant 48 : index
          %swap3A_591 = tpu.vector_load %arg6[%swap3A_588, %swap3A_589, %swap3A_590] {strides = array<i32>} : memref<6x128x128xf32, #tpu.memory_space<vmem>>, vector<1x1x16xf32>,
          %swap3A_592 = vector.shape_cast %swap3A_591 : vector<1x1x16xf32> to vector<16xf32>
          %swap3A_593 = vector.shape_cast %sub3A_586 : vector<16xf32> to vector<1x1x16xf32>
          tpu.vector_store %arg6[%swap3A_588, %swap3A_589, %swap3A_590], %swap3A_593 {strides = array<i32>} : memref<6x128x128xf32, #tpu.memory_space<vmem>>, vector<1x1x16xf32>,
          %get3A_594 = arith.constant 1 : i32
          %get3A_595 = arith.index_cast %get3A_594 : i32 to index
          %get3A_596 = arith.index_cast %add3A_539 : i32 to index
          %get3A_597 = arith.constant 64 : index
          %get3A_598 = tpu.vector_load %arg6[%get3A_595, %get3A_596, %get3A_597] {strides = array<i32>} : memref<6x128x128xf32, #tpu.memory_space<vmem>>, vector<1x1x16xf32>,
          %get3A_599 = vector.shape_cast %get3A_598 : vector<1x1x16xf32> to vector<16xf32>
          %sub3A_600 = arith.subf %get3A_599, %get3A_485 : vector<16xf32>
          %swap3A_601 = arith.constant 1 : i32
          %swap3A_602 = arith.index_cast %swap3A_601 : i32 to index
          %swap3A_603 = arith.index_cast %add3A_539 : i32 to index
          %swap3A_604 = arith.constant 64 : index
          %swap3A_605 = tpu.vector_load %arg6[%swap3A_602, %swap3A_603, %swap3A_604] {strides = array<i32>} : memref<6x128x128xf32, #tpu.memory_space<vmem>>, vector<1x1x16xf32>,
          %swap3A_606 = vector.shape_cast %swap3A_605 : vector<1x1x16xf32> to vector<16xf32>
          %swap3A_607 = vector.shape_cast %sub3A_600 : vector<16xf32> to vector<1x1x16xf32>
          tpu.vector_store %arg6[%swap3A_602, %swap3A_603, %swap3A_604], %swap3A_607 {strides = array<i32>} : memref<6x128x128xf32, #tpu.memory_space<vmem>>, vector<1x1x16xf32>,
          %get3A_608 = arith.constant 1 : i32
          %get3A_609 = arith.index_cast %get3A_608 : i32 to index
          %get3A_610 = arith.index_cast %add3A_539 : i32 to index
          %get3A_611 = arith.constant 80 : index
          %get3A_612 = tpu.vector_load %arg6[%get3A_609, %get3A_610, %get3A_611] {strides = array<i32>} : memref<6x128x128xf32, #tpu.memory_space<vmem>>, vector<1x1x16xf32>,
          %get3A_613 = vector.shape_cast %get3A_612 : vector<1x1x16xf32> to vector<16xf32>
          %sub3A_614 = arith.subf %get3A_613, %get3A_492 : vector<16xf32>
          %swap3A_615 = arith.constant 1 : i32
          %swap3A_616 = arith.index_cast %swap3A_615 : i32 to index
          %swap3A_617 = arith.index_cast %add3A_539 : i32 to index
          %swap3A_618 = arith.constant 80 : index
          %swap3A_619 = tpu.vector_load %arg6[%swap3A_616, %swap3A_617, %swap3A_618] {strides = array<i32>} : memref<6x128x128xf32, #tpu.memory_space<vmem>>, vector<1x1x16xf32>,
          %swap3A_620 = vector.shape_cast %swap3A_619 : vector<1x1x16xf32> to vector<16xf32>
          %swap3A_621 = vector.shape_cast %sub3A_614 : vector<16xf32> to vector<1x1x16xf32>
          tpu.vector_store %arg6[%swap3A_616, %swap3A_617, %swap3A_618], %swap3A_621 {strides = array<i32>} : memref<6x128x128xf32, #tpu.memory_space<vmem>>, vector<1x1x16xf32>,
          %get3A_622 = arith.constant 1 : i32
          %get3A_623 = arith.index_cast %get3A_622 : i32 to index
          %get3A_624 = arith.index_cast %add3A_539 : i32 to index
          %get3A_625 = arith.constant 96 : index
          %get3A_626 = tpu.vector_load %arg6[%get3A_623, %get3A_624, %get3A_625] {strides = array<i32>} : memref<6x128x128xf32, #tpu.memory_space<vmem>>, vector<1x1x16xf32>,
          %get3A_627 = vector.shape_cast %get3A_626 : vector<1x1x16xf32> to vector<16xf32>
          %sub3A_628 = arith.subf %get3A_627, %get3A_499 : vector<16xf32>
          %swap3A_629 = arith.constant 1 : i32
          %swap3A_630 = arith.index_cast %swap3A_629 : i32 to index
          %swap3A_631 = arith.index_cast %add3A_539 : i32 to index
          %swap3A_632 = arith.constant 96 : index
          %swap3A_633 = tpu.vector_load %arg6[%swap3A_630, %swap3A_631, %swap3A_632] {strides = array<i32>} : memref<6x128x128xf32, #tpu.memory_space<vmem>>, vector<1x1x16xf32>,
          %swap3A_634 = vector.shape_cast %swap3A_633 : vector<1x1x16xf32> to vector<16xf32>
          %swap3A_635 = vector.shape_cast %sub3A_628 : vector<16xf32> to vector<1x1x16xf32>
          tpu.vector_store %arg6[%swap3A_630, %swap3A_631, %swap3A_632], %swap3A_635 {strides = array<i32>} : memref<6x128x128xf32, #tpu.memory_space<vmem>>, vector<1x1x16xf32>,
          %get3A_636 = arith.constant 1 : i32
          %get3A_637 = arith.index_cast %get3A_636 : i32 to index
          %get3A_638 = arith.index_cast %add3A_539 : i32 to index
          %get3A_639 = arith.constant 112 : index
          %get3A_640 = tpu.vector_load %arg6[%get3A_637, %get3A_638, %get3A_639] {strides = array<i32>} : memref<6x128x128xf32, #tpu.memory_space<vmem>>, vector<1x1x16xf32>,
          %get3A_641 = vector.shape_cast %get3A_640 : vector<1x1x16xf32> to vector<16xf32>
          %sub3A_642 = arith.subf %get3A_641, %get3A_506 : vector<16xf32>
          %swap3A_643 = arith.constant 1 : i32
          %swap3A_644 = arith.index_cast %swap3A_643 : i32 to index
          %swap3A_645 = arith.index_cast %add3A_539 : i32 to index
          %swap3A_646 = arith.constant 112 : index
          %swap3A_647 = tpu.vector_load %arg6[%swap3A_644, %swap3A_645, %swap3A_646] {strides = array<i32>} : memref<6x128x128xf32, #tpu.memory_space<vmem>>, vector<1x1x16xf32>,
          %swap3A_648 = vector.shape_cast %swap3A_647 : vector<1x1x16xf32> to vector<16xf32>
          %swap3A_649 = vector.shape_cast %sub3A_642 : vector<16xf32> to vector<1x1x16xf32>
          tpu.vector_store %arg6[%swap3A_644, %swap3A_645, %swap3A_646], %swap3A_649 {strides = array<i32>} : memref<6x128x128xf32, #tpu.memory_space<vmem>>, vector<1x1x16xf32>,
          %scan3A_650 = arith.constant 0 : i32
          scf.yield %scan3A_650 : i32
        }
        %scan3A_513 = arith.constant 32 : i32
        %add3A_514 = arith.addi %add3A_4, %add3A_201 : i32
        %mul3A_515 = arith.constant 128 : i32
        %mul3A_516 = arith.muli %add3A_514, %mul3A_515 : i32
        %dma_start3A_517 = arith.constant 1 : i32
        %dma_start3A_518 = arith.constant 0 : i32
        %dma_start3A_519 = arith.constant 0 : i32
        %dma_start3A_520 = tpu.memref_slice %arg6[%dma_start3A_517, %dma_start3A_518, %dma_start3A_519] : memref<6x128x128xf32, #tpu.memory_space<vmem>> -> memref<1x128x128xf32, #tpu.memory_space<vmem>>
        %dma_start3A_521 = tpu.memref_squeeze %dma_start3A_520 : memref<1x128x128xf32, #tpu.memory_space<vmem>> -> memref<128x128xf32, #tpu.memory_space<vmem>>
        %dma_start3A_522 = arith.constant 0 : i32
        %dma_start3A_523 = tpu.memref_slice %arg4[%mul3A_516, %dma_start3A_522] : memref<320000x128xf32, #tpu.memory_space<hbm>> -> memref<128x128xf32, #tpu.memory_space<hbm>>
        %dma_start3A_524 = arith.constant 0 : i32
        %dma_start3A_525 = tpu.memref_slice %arg4[%mul3A_516, %dma_start3A_524] : memref<320000x128xf32, #tpu.memory_space<hbm>> -> memref<128x128xf32, #tpu.memory_space<hbm>>
        %dma_start3A_526 = arith.constant 0 : i32
        %dma_start3A_527 = arith.constant 0 : i32
        %dma_start3A_528 = tpu.memref_slice %arg6[%dma_start3A_517, %dma_start3A_526, %dma_start3A_527] : memref<6x128x128xf32, #tpu.memory_space<vmem>> -> memref<1x128x128xf32, #tpu.memory_space<vmem>>
        %dma_start3A_529 = tpu.memref_squeeze %dma_start3A_528 : memref<1x128x128xf32, #tpu.memory_space<vmem>> -> memref<128x128xf32, #tpu.memory_space<vmem>>
        tpu.enqueue_dma source(%dma_start3A_529 : memref<128x128xf32, #tpu.memory_space<vmem>>) target(%dma_start3A_525 : memref<128x128xf32, #tpu.memory_space<hbm>>) target_semaphore(%arg10 : memref<!tpu.dma_semaphore, #tpu.memory_space<semaphore_mem>>)
        %add3A_530 = arith.constant 3 : i32
        %add3A_531 = arith.addi %add3A_201, %add3A_530 : i32
        %lt3A_532 = arith.cmpi slt, %add3A_531, %add3A_8 : i32
        %convert_element_type3A_533 = arith.extui %lt3A_532 : i1 to i32
        %cond3A_534 = arith.constant 0 : i32
        %cond3A_535 = arith.cmpi ne, %convert_element_type3A_533, %cond3A_534 : i32
        scf.if %cond3A_535 {
          %ge3A = arith.constant 3 : i32
          %ge3A_536 = arith.cmpi sge, %add3A_201, %ge3A : i32
          %convert_element_type3A_537 = arith.extui %ge3A_536 : i1 to i32
          %cond3A_538 = arith.constant 0 : i32
          %cond3A_539 = arith.cmpi ne, %convert_element_type3A_537, %cond3A_538 : i32
          scf.if %cond3A_539 {
            %mul3A_569 = arith.constant 128 : i32
            %mul3A_570 = arith.muli %add3A_4, %mul3A_569 : i32
            %dma_wait3A_571 = arith.constant 1 : i32
            %dma_wait3A_572 = arith.constant 0 : i32
            %dma_wait3A_573 = arith.constant 0 : i32
            %dma_wait3A_574 = tpu.memref_slice %arg6[%dma_wait3A_571, %dma_wait3A_572, %dma_wait3A_573] : memref<6x128x128xf32, #tpu.memory_space<vmem>> -> memref<1x128x128xf32, #tpu.memory_space<vmem>>
            %dma_wait3A_575 = tpu.memref_squeeze %dma_wait3A_574 : memref<1x128x128xf32, #tpu.memory_space<vmem>> -> memref<128x128xf32, #tpu.memory_space<vmem>>
            %dma_wait3A_576 = arith.constant 0 : i32
            %dma_wait3A_577 = tpu.memref_slice %arg4[%mul3A_570, %dma_wait3A_576] : memref<320000x128xf32, #tpu.memory_space<hbm>> -> memref<128x128xf32, #tpu.memory_space<hbm>>
            %dma_wait3A_578 = arith.constant 0 : i32
            %dma_wait3A_579 = tpu.memref_slice %arg4[%mul3A_570, %dma_wait3A_578] : memref<320000x128xf32, #tpu.memory_space<hbm>> -> memref<128x128xf32, #tpu.memory_space<hbm>>
            %dma_wait3A_580 = arith.constant 0 : i32
            %dma_wait3A_581 = arith.constant 0 : i32
            %dma_wait3A_582 = tpu.memref_slice %arg6[%dma_wait3A_571, %dma_wait3A_580, %dma_wait3A_581] : memref<6x128x128xf32, #tpu.memory_space<vmem>> -> memref<1x128x128xf32, #tpu.memory_space<vmem>>
            %dma_wait3A_583 = tpu.memref_squeeze %dma_wait3A_582 : memref<1x128x128xf32, #tpu.memory_space<vmem>> -> memref<128x128xf32, #tpu.memory_space<vmem>>
            tpu.wait_dma2 semaphore(%arg10 : memref<!tpu.dma_semaphore, #tpu.memory_space<semaphore_mem>>) src(%dma_wait3A_583 : memref<128x128xf32, #tpu.memory_space<vmem>>) dst(%dma_wait3A_579 : memref<128x128xf32, #tpu.memory_space<hbm>>)
          } else {
          }
          %add3A_540 = arith.constant 3 : i32
          %add3A_541 = arith.addi %add3A_201, %add3A_540 : i32
          %mul3A_542 = arith.constant 128 : i32
          %mul3A_543 = arith.muli %add3A_541, %mul3A_542 : i32
          %dma_start3A_544 = arith.constant 4 : i32
          %dma_start3A_545 = arith.constant 0 : i32
          %dma_start3A_546 = arith.constant 0 : i32
          %dma_start3A_547 = tpu.memref_slice %arg6[%dma_start3A_544, %dma_start3A_545, %dma_start3A_546] : memref<6x128x128xf32, #tpu.memory_space<vmem>> -> memref<1x128x128xf32, #tpu.memory_space<vmem>>
          %dma_start3A_548 = tpu.memref_squeeze %dma_start3A_547 : memref<1x128x128xf32, #tpu.memory_space<vmem>> -> memref<128x128xf32, #tpu.memory_space<vmem>>
          %dma_start3A_549 = tpu.memref_slice %arg5[%mul3A_543] : memref<10112xi32, #tpu.memory_space<vmem>> -> memref<128xi32, #tpu.memory_space<vmem>>
          %dma_start3A_550 = arith.constant 0 : i32
          %dma_start3A_551 = arith.constant 0 : i32
          %dma_start3A_552 = tpu.memref_slice %arg2[%dma_start3A_550, %dma_start3A_551] : memref<10000x128xf32, #tpu.memory_space<hbm>> -> memref<10000x128xf32, #tpu.memory_space<hbm>>
          tpu.enqueue_indirect_dma source(%dma_start3A_552 : memref<10000x128xf32, #tpu.memory_space<hbm>>) target(%dma_start3A_548 : memref<128x128xf32, #tpu.memory_space<vmem>>) offsets(%dma_start3A_549 : memref<128xi32, #tpu.memory_space<vmem>>) semaphore(%arg8 : memref<!tpu.dma_semaphore, #tpu.memory_space<semaphore_mem>>)
          %add3A_553 = arith.addi %add3A_4, %add3A_541 : i32
          %mul3A_554 = arith.constant 4 : i32
          %mul3A_555 = arith.muli %add3A_553, %mul3A_554 : i32
          %dma_start3A_556 = arith.constant 4 : i32
          %dma_start3A_557 = arith.constant 0 : i32
          %dma_start3A_558 = arith.constant 0 : i32
          %dma_start3A_559 = tpu.memref_slice %arg7[%dma_start3A_556, %dma_start3A_557, %dma_start3A_558] : memref<6x4x128xf32, #tpu.memory_space<vmem>> -> memref<1x4x128xf32, #tpu.memory_space<vmem>>
          %dma_start3A_560 = tpu.memref_squeeze %dma_start3A_559 : memref<1x4x128xf32, #tpu.memory_space<vmem>> -> memref<4x128xf32, #tpu.memory_space<vmem>>
          %dma_start3A_561 = arith.constant 0 : i32
          %dma_start3A_562 = tpu.memref_slice %arg2[%mul3A_555, %dma_start3A_561] : memref<10000x128xf32, #tpu.memory_space<hbm>> -> memref<4x128xf32, #tpu.memory_space<hbm>>
          %dma_start3A_563 = arith.constant 0 : i32
          %dma_start3A_564 = arith.constant 0 : i32
          %dma_start3A_565 = tpu.memref_slice %arg7[%dma_start3A_556, %dma_start3A_563, %dma_start3A_564] : memref<6x4x128xf32, #tpu.memory_space<vmem>> -> memref<1x4x128xf32, #tpu.memory_space<vmem>>
          %dma_start3A_566 = tpu.memref_squeeze %dma_start3A_565 : memref<1x4x128xf32, #tpu.memory_space<vmem>> -> memref<4x128xf32, #tpu.memory_space<vmem>>
          %dma_start3A_567 = arith.constant 0 : i32
          %dma_start3A_568 = tpu.memref_slice %arg2[%mul3A_555, %dma_start3A_567] : memref<10000x128xf32, #tpu.memory_space<hbm>> -> memref<4x128xf32, #tpu.memory_space<hbm>>
          tpu.enqueue_dma source(%dma_start3A_568 : memref<4x128xf32, #tpu.memory_space<hbm>>) target(%dma_start3A_566 : memref<4x128xf32, #tpu.memory_space<vmem>>) target_semaphore(%arg9 : memref<!tpu.dma_semaphore, #tpu.memory_space<semaphore_mem>>)
        } else {
        }
      } else {
      }
      %mul3A_206 = arith.constant 6 : i32
      %mul3A_207 = arith.muli %scan3A_191, %mul3A_206 : i32
      %add3A_208 = arith.constant 2 : i32
      %add3A_209 = arith.addi %mul3A_207, %add3A_208 : i32
      %lt3A_210 = arith.cmpi slt, %add3A_209, %add3A_8 : i32
      %convert_element_type3A_211 = arith.extui %lt3A_210 : i1 to i32
      %cond3A_212 = arith.constant 0 : i32
      %cond3A_213 = arith.cmpi ne, %convert_element_type3A_211, %cond3A_212 : i32
      scf.if %cond3A_213 {
        %mul3A_238 = arith.constant 4 : i32
        %mul3A_239 = arith.muli %add3A_4, %mul3A_238 : i32
        %dma_wait3A_240 = arith.constant 2 : i32
        %dma_wait3A_241 = arith.constant 0 : i32
        %dma_wait3A_242 = arith.constant 0 : i32
        %dma_wait3A_243 = tpu.memref_slice %arg7[%dma_wait3A_240, %dma_wait3A_241, %dma_wait3A_242] : memref<6x4x128xf32, #tpu.memory_space<vmem>> -> memref<1x4x128xf32, #tpu.memory_space<vmem>>
        %dma_wait3A_244 = tpu.memref_squeeze %dma_wait3A_243 : memref<1x4x128xf32, #tpu.memory_space<vmem>> -> memref<4x128xf32, #tpu.memory_space<vmem>>
        %dma_wait3A_245 = arith.constant 0 : i32
        %dma_wait3A_246 = tpu.memref_slice %arg2[%mul3A_239, %dma_wait3A_245] : memref<10000x128xf32, #tpu.memory_space<hbm>> -> memref<4x128xf32, #tpu.memory_space<hbm>>
        %dma_wait3A_247 = arith.constant 0 : i32
        %dma_wait3A_248 = arith.constant 0 : i32
        %dma_wait3A_249 = tpu.memref_slice %arg7[%dma_wait3A_240, %dma_wait3A_247, %dma_wait3A_248] : memref<6x4x128xf32, #tpu.memory_space<vmem>> -> memref<1x4x128xf32, #tpu.memory_space<vmem>>
        %dma_wait3A_250 = tpu.memref_squeeze %dma_wait3A_249 : memref<1x4x128xf32, #tpu.memory_space<vmem>> -> memref<4x128xf32, #tpu.memory_space<vmem>>
        %dma_wait3A_251 = arith.constant 0 : i32
        %dma_wait3A_252 = tpu.memref_slice %arg2[%mul3A_239, %dma_wait3A_251] : memref<10000x128xf32, #tpu.memory_space<hbm>> -> memref<4x128xf32, #tpu.memory_space<hbm>>
        tpu.wait_dma2 semaphore(%arg9 : memref<!tpu.dma_semaphore, #tpu.memory_space<semaphore_mem>>) src(%dma_wait3A_252 : memref<4x128xf32, #tpu.memory_space<hbm>>) dst(%dma_wait3A_250 : memref<4x128xf32, #tpu.memory_space<vmem>>)
        %dma_wait3A_253 = arith.constant 2 : i32
        %dma_wait3A_254 = arith.constant 0 : i32
        %dma_wait3A_255 = arith.constant 0 : i32
        %dma_wait3A_256 = tpu.memref_slice %arg6[%dma_wait3A_253, %dma_wait3A_254, %dma_wait3A_255] : memref<6x128x128xf32, #tpu.memory_space<vmem>> -> memref<1x128x128xf32, #tpu.memory_space<vmem>>
        %dma_wait3A_257 = tpu.memref_squeeze %dma_wait3A_256 : memref<1x128x128xf32, #tpu.memory_space<vmem>> -> memref<128x128xf32, #tpu.memory_space<vmem>>
        %dma_wait3A_258 = arith.constant 0 : i32
        %dma_wait3A_259 = tpu.memref_slice %arg5[%dma_wait3A_258] : memref<10112xi32, #tpu.memory_space<vmem>> -> memref<128xi32, #tpu.memory_space<vmem>>
        %dma_wait3A_260 = arith.constant 0 : i32
        %dma_wait3A_261 = arith.constant 0 : i32
        %dma_wait3A_262 = tpu.memref_slice %arg2[%dma_wait3A_260, %dma_wait3A_261] : memref<10000x128xf32, #tpu.memory_space<hbm>> -> memref<10000x128xf32, #tpu.memory_space<hbm>>
        tpu.wait_indirect_dma semaphore(%arg8 : memref<!tpu.dma_semaphore, #tpu.memory_space<semaphore_mem>>) src(%dma_wait3A_262 : memref<10000x128xf32, #tpu.memory_space<hbm>>) dst(%dma_wait3A_257 : memref<128x128xf32, #tpu.memory_space<vmem>>)
        %get3A = arith.constant 2 : i32
        %get3A_263 = arith.constant 0 : i32
        %get3A_264 = arith.index_cast %get3A : i32 to index
        %get3A_265 = arith.index_cast %get3A_263 : i32 to index
        %get3A_266 = arith.constant 0 : index
        %get3A_267 = tpu.vector_load %arg7[%get3A_264, %get3A_265, %get3A_266] {strides = array<i32>} : memref<6x4x128xf32, #tpu.memory_space<vmem>>, vector<1x1x16xf32>,
        %get3A_268 = vector.shape_cast %get3A_267 : vector<1x1x16xf32> to vector<16xf32>
        %get3A_269 = arith.constant 2 : i32
        %get3A_270 = arith.constant 0 : i32
        %get3A_271 = arith.index_cast %get3A_269 : i32 to index
        %get3A_272 = arith.index_cast %get3A_270 : i32 to index
        %get3A_273 = arith.constant 16 : index
        %get3A_274 = tpu.vector_load %arg7[%get3A_271, %get3A_272, %get3A_273] {strides = array<i32>} : memref<6x4x128xf32, #tpu.memory_space<vmem>>, vector<1x1x16xf32>,
        %get3A_275 = vector.shape_cast %get3A_274 : vector<1x1x16xf32> to vector<16xf32>
        %get3A_276 = arith.constant 2 : i32
        %get3A_277 = arith.constant 0 : i32
        %get3A_278 = arith.index_cast %get3A_276 : i32 to index
        %get3A_279 = arith.index_cast %get3A_277 : i32 to index
        %get3A_280 = arith.constant 32 : index
        %get3A_281 = tpu.vector_load %arg7[%get3A_278, %get3A_279, %get3A_280] {strides = array<i32>} : memref<6x4x128xf32, #tpu.memory_space<vmem>>, vector<1x1x16xf32>,
        %get3A_282 = vector.shape_cast %get3A_281 : vector<1x1x16xf32> to vector<16xf32>
        %get3A_283 = arith.constant 2 : i32
        %get3A_284 = arith.constant 0 : i32
        %get3A_285 = arith.index_cast %get3A_283 : i32 to index
        %get3A_286 = arith.index_cast %get3A_284 : i32 to index
        %get3A_287 = arith.constant 48 : index
        %get3A_288 = tpu.vector_load %arg7[%get3A_285, %get3A_286, %get3A_287] {strides = array<i32>} : memref<6x4x128xf32, #tpu.memory_space<vmem>>, vector<1x1x16xf32>,
        %get3A_289 = vector.shape_cast %get3A_288 : vector<1x1x16xf32> to vector<16xf32>
        %get3A_290 = arith.constant 2 : i32
        %get3A_291 = arith.constant 0 : i32
        %get3A_292 = arith.index_cast %get3A_290 : i32 to index
        %get3A_293 = arith.index_cast %get3A_291 : i32 to index
        %get3A_294 = arith.constant 64 : index
        %get3A_295 = tpu.vector_load %arg7[%get3A_292, %get3A_293, %get3A_294] {strides = array<i32>} : memref<6x4x128xf32, #tpu.memory_space<vmem>>, vector<1x1x16xf32>,
        %get3A_296 = vector.shape_cast %get3A_295 : vector<1x1x16xf32> to vector<16xf32>
        %get3A_297 = arith.constant 2 : i32
        %get3A_298 = arith.constant 0 : i32
        %get3A_299 = arith.index_cast %get3A_297 : i32 to index
        %get3A_300 = arith.index_cast %get3A_298 : i32 to index
        %get3A_301 = arith.constant 80 : index
        %get3A_302 = tpu.vector_load %arg7[%get3A_299, %get3A_300, %get3A_301] {strides = array<i32>} : memref<6x4x128xf32, #tpu.memory_space<vmem>>, vector<1x1x16xf32>,
        %get3A_303 = vector.shape_cast %get3A_302 : vector<1x1x16xf32> to vector<16xf32>
        %get3A_304 = arith.constant 2 : i32
        %get3A_305 = arith.constant 0 : i32
        %get3A_306 = arith.index_cast %get3A_304 : i32 to index
        %get3A_307 = arith.index_cast %get3A_305 : i32 to index
        %get3A_308 = arith.constant 96 : index
        %get3A_309 = tpu.vector_load %arg7[%get3A_306, %get3A_307, %get3A_308] {strides = array<i32>} : memref<6x4x128xf32, #tpu.memory_space<vmem>>, vector<1x1x16xf32>,
        %get3A_310 = vector.shape_cast %get3A_309 : vector<1x1x16xf32> to vector<16xf32>
        %get3A_311 = arith.constant 2 : i32
        %get3A_312 = arith.constant 0 : i32
        %get3A_313 = arith.index_cast %get3A_311 : i32 to index
        %get3A_314 = arith.index_cast %get3A_312 : i32 to index
        %get3A_315 = arith.constant 112 : index
        %get3A_316 = tpu.vector_load %arg7[%get3A_313, %get3A_314, %get3A_315] {strides = array<i32>} : memref<6x4x128xf32, #tpu.memory_space<vmem>>, vector<1x1x16xf32>,
        %get3A_317 = vector.shape_cast %get3A_316 : vector<1x1x16xf32> to vector<16xf32>
        %scan3A_318 = arith.constant 0 : i32
        %scan3A_319 = arith.constant 0 : i32
        %scan3A_320 = arith.constant 32 : i32
        %scan3A_321 = arith.addi %scan3A_319, %scan3A_320 : i32
        %scan3A_322 = arith.constant 1 : i32
        %scan3A_323 = scf.for %scan3A_536 = %scan3A_319 to %scan3A_321 step %scan3A_322 iter_args(%scan3A_537 = %scan3A_318) -> (i32)  : i32 {
          %add3A_538 = arith.constant 0 : i32
          %add3A_539 = arith.addi %add3A_538, %scan3A_536 : i32
          %get3A_540 = arith.constant 2 : i32
          %get3A_541 = arith.index_cast %get3A_540 : i32 to index
          %get3A_542 = arith.index_cast %add3A_539 : i32 to index
          %get3A_543 = arith.constant 0 : index
          %get3A_544 = tpu.vector_load %arg6[%get3A_541, %get3A_542, %get3A_543] {strides = array<i32>} : memref<6x128x128xf32, #tpu.memory_space<vmem>>, vector<1x1x16xf32>,
          %get3A_545 = vector.shape_cast %get3A_544 : vector<1x1x16xf32> to vector<16xf32>
          %sub3A = arith.subf %get3A_545, %get3A_268 : vector<16xf32>
          %swap3A = arith.constant 2 : i32
          %swap3A_546 = arith.index_cast %swap3A : i32 to index
          %swap3A_547 = arith.index_cast %add3A_539 : i32 to index
          %swap3A_548 = arith.constant 0 : index
          %swap3A_549 = tpu.vector_load %arg6[%swap3A_546, %swap3A_547, %swap3A_548] {strides = array<i32>} : memref<6x128x128xf32, #tpu.memory_space<vmem>>, vector<1x1x16xf32>,
          %swap3A_550 = vector.shape_cast %swap3A_549 : vector<1x1x16xf32> to vector<16xf32>
          %swap3A_551 = vector.shape_cast %sub3A : vector<16xf32> to vector<1x1x16xf32>
          tpu.vector_store %arg6[%swap3A_546, %swap3A_547, %swap3A_548], %swap3A_551 {strides = array<i32>} : memref<6x128x128xf32, #tpu.memory_space<vmem>>, vector<1x1x16xf32>,
          %get3A_552 = arith.constant 2 : i32
          %get3A_553 = arith.index_cast %get3A_552 : i32 to index
          %get3A_554 = arith.index_cast %add3A_539 : i32 to index
          %get3A_555 = arith.constant 16 : index
          %get3A_556 = tpu.vector_load %arg6[%get3A_553, %get3A_554, %get3A_555] {strides = array<i32>} : memref<6x128x128xf32, #tpu.memory_space<vmem>>, vector<1x1x16xf32>,
          %get3A_557 = vector.shape_cast %get3A_556 : vector<1x1x16xf32> to vector<16xf32>
          %sub3A_558 = arith.subf %get3A_557, %get3A_275 : vector<16xf32>
          %swap3A_559 = arith.constant 2 : i32
          %swap3A_560 = arith.index_cast %swap3A_559 : i32 to index
          %swap3A_561 = arith.index_cast %add3A_539 : i32 to index
          %swap3A_562 = arith.constant 16 : index
          %swap3A_563 = tpu.vector_load %arg6[%swap3A_560, %swap3A_561, %swap3A_562] {strides = array<i32>} : memref<6x128x128xf32, #tpu.memory_space<vmem>>, vector<1x1x16xf32>,
          %swap3A_564 = vector.shape_cast %swap3A_563 : vector<1x1x16xf32> to vector<16xf32>
          %swap3A_565 = vector.shape_cast %sub3A_558 : vector<16xf32> to vector<1x1x16xf32>
          tpu.vector_store %arg6[%swap3A_560, %swap3A_561, %swap3A_562], %swap3A_565 {strides = array<i32>} : memref<6x128x128xf32, #tpu.memory_space<vmem>>, vector<1x1x16xf32>,
          %get3A_566 = arith.constant 2 : i32
          %get3A_567 = arith.index_cast %get3A_566 : i32 to index
          %get3A_568 = arith.index_cast %add3A_539 : i32 to index
          %get3A_569 = arith.constant 32 : index
          %get3A_570 = tpu.vector_load %arg6[%get3A_567, %get3A_568, %get3A_569] {strides = array<i32>} : memref<6x128x128xf32, #tpu.memory_space<vmem>>, vector<1x1x16xf32>,
          %get3A_571 = vector.shape_cast %get3A_570 : vector<1x1x16xf32> to vector<16xf32>
          %sub3A_572 = arith.subf %get3A_571, %get3A_282 : vector<16xf32>
          %swap3A_573 = arith.constant 2 : i32
          %swap3A_574 = arith.index_cast %swap3A_573 : i32 to index
          %swap3A_575 = arith.index_cast %add3A_539 : i32 to index
          %swap3A_576 = arith.constant 32 : index
          %swap3A_577 = tpu.vector_load %arg6[%swap3A_574, %swap3A_575, %swap3A_576] {strides = array<i32>} : memref<6x128x128xf32, #tpu.memory_space<vmem>>, vector<1x1x16xf32>,
          %swap3A_578 = vector.shape_cast %swap3A_577 : vector<1x1x16xf32> to vector<16xf32>
          %swap3A_579 = vector.shape_cast %sub3A_572 : vector<16xf32> to vector<1x1x16xf32>
          tpu.vector_store %arg6[%swap3A_574, %swap3A_575, %swap3A_576], %swap3A_579 {strides = array<i32>} : memref<6x128x128xf32, #tpu.memory_space<vmem>>, vector<1x1x16xf32>,
          %get3A_580 = arith.constant 2 : i32
          %get3A_581 = arith.index_cast %get3A_580 : i32 to index
          %get3A_582 = arith.index_cast %add3A_539 : i32 to index
          %get3A_583 = arith.constant 48 : index
          %get3A_584 = tpu.vector_load %arg6[%get3A_581, %get3A_582, %get3A_583] {strides = array<i32>} : memref<6x128x128xf32, #tpu.memory_space<vmem>>, vector<1x1x16xf32>,
          %get3A_585 = vector.shape_cast %get3A_584 : vector<1x1x16xf32> to vector<16xf32>
          %sub3A_586 = arith.subf %get3A_585, %get3A_289 : vector<16xf32>
          %swap3A_587 = arith.constant 2 : i32
          %swap3A_588 = arith.index_cast %swap3A_587 : i32 to index
          %swap3A_589 = arith.index_cast %add3A_539 : i32 to index
          %swap3A_590 = arith.constant 48 : index
          %swap3A_591 = tpu.vector_load %arg6[%swap3A_588, %swap3A_589, %swap3A_590] {strides = array<i32>} : memref<6x128x128xf32, #tpu.memory_space<vmem>>, vector<1x1x16xf32>,
          %swap3A_592 = vector.shape_cast %swap3A_591 : vector<1x1x16xf32> to vector<16xf32>
          %swap3A_593 = vector.shape_cast %sub3A_586 : vector<16xf32> to vector<1x1x16xf32>
          tpu.vector_store %arg6[%swap3A_588, %swap3A_589, %swap3A_590], %swap3A_593 {strides = array<i32>} : memref<6x128x128xf32, #tpu.memory_space<vmem>>, vector<1x1x16xf32>,
          %get3A_594 = arith.constant 2 : i32
          %get3A_595 = arith.index_cast %get3A_594 : i32 to index
          %get3A_596 = arith.index_cast %add3A_539 : i32 to index
          %get3A_597 = arith.constant 64 : index
          %get3A_598 = tpu.vector_load %arg6[%get3A_595, %get3A_596, %get3A_597] {strides = array<i32>} : memref<6x128x128xf32, #tpu.memory_space<vmem>>, vector<1x1x16xf32>,
          %get3A_599 = vector.shape_cast %get3A_598 : vector<1x1x16xf32> to vector<16xf32>
          %sub3A_600 = arith.subf %get3A_599, %get3A_296 : vector<16xf32>
          %swap3A_601 = arith.constant 2 : i32
          %swap3A_602 = arith.index_cast %swap3A_601 : i32 to index
          %swap3A_603 = arith.index_cast %add3A_539 : i32 to index
          %swap3A_604 = arith.constant 64 : index
          %swap3A_605 = tpu.vector_load %arg6[%swap3A_602, %swap3A_603, %swap3A_604] {strides = array<i32>} : memref<6x128x128xf32, #tpu.memory_space<vmem>>, vector<1x1x16xf32>,
          %swap3A_606 = vector.shape_cast %swap3A_605 : vector<1x1x16xf32> to vector<16xf32>
          %swap3A_607 = vector.shape_cast %sub3A_600 : vector<16xf32> to vector<1x1x16xf32>
          tpu.vector_store %arg6[%swap3A_602, %swap3A_603, %swap3A_604], %swap3A_607 {strides = array<i32>} : memref<6x128x128xf32, #tpu.memory_space<vmem>>, vector<1x1x16xf32>,
          %get3A_608 = arith.constant 2 : i32
          %get3A_609 = arith.index_cast %get3A_608 : i32 to index
          %get3A_610 = arith.index_cast %add3A_539 : i32 to index
          %get3A_611 = arith.constant 80 : index
          %get3A_612 = tpu.vector_load %arg6[%get3A_609, %get3A_610, %get3A_611] {strides = array<i32>} : memref<6x128x128xf32, #tpu.memory_space<vmem>>, vector<1x1x16xf32>,
          %get3A_613 = vector.shape_cast %get3A_612 : vector<1x1x16xf32> to vector<16xf32>
          %sub3A_614 = arith.subf %get3A_613, %get3A_303 : vector<16xf32>
          %swap3A_615 = arith.constant 2 : i32
          %swap3A_616 = arith.index_cast %swap3A_615 : i32 to index
          %swap3A_617 = arith.index_cast %add3A_539 : i32 to index
          %swap3A_618 = arith.constant 80 : index
          %swap3A_619 = tpu.vector_load %arg6[%swap3A_616, %swap3A_617, %swap3A_618] {strides = array<i32>} : memref<6x128x128xf32, #tpu.memory_space<vmem>>, vector<1x1x16xf32>,
          %swap3A_620 = vector.shape_cast %swap3A_619 : vector<1x1x16xf32> to vector<16xf32>
          %swap3A_621 = vector.shape_cast %sub3A_614 : vector<16xf32> to vector<1x1x16xf32>
          tpu.vector_store %arg6[%swap3A_616, %swap3A_617, %swap3A_618], %swap3A_621 {strides = array<i32>} : memref<6x128x128xf32, #tpu.memory_space<vmem>>, vector<1x1x16xf32>,
          %get3A_622 = arith.constant 2 : i32
          %get3A_623 = arith.index_cast %get3A_622 : i32 to index
          %get3A_624 = arith.index_cast %add3A_539 : i32 to index
          %get3A_625 = arith.constant 96 : index
          %get3A_626 = tpu.vector_load %arg6[%get3A_623, %get3A_624, %get3A_625] {strides = array<i32>} : memref<6x128x128xf32, #tpu.memory_space<vmem>>, vector<1x1x16xf32>,
          %get3A_627 = vector.shape_cast %get3A_626 : vector<1x1x16xf32> to vector<16xf32>
          %sub3A_628 = arith.subf %get3A_627, %get3A_310 : vector<16xf32>
          %swap3A_629 = arith.constant 2 : i32
          %swap3A_630 = arith.index_cast %swap3A_629 : i32 to index
          %swap3A_631 = arith.index_cast %add3A_539 : i32 to index
          %swap3A_632 = arith.constant 96 : index
          %swap3A_633 = tpu.vector_load %arg6[%swap3A_630, %swap3A_631, %swap3A_632] {strides = array<i32>} : memref<6x128x128xf32, #tpu.memory_space<vmem>>, vector<1x1x16xf32>,
          %swap3A_634 = vector.shape_cast %swap3A_633 : vector<1x1x16xf32> to vector<16xf32>
          %swap3A_635 = vector.shape_cast %sub3A_628 : vector<16xf32> to vector<1x1x16xf32>
          tpu.vector_store %arg6[%swap3A_630, %swap3A_631, %swap3A_632], %swap3A_635 {strides = array<i32>} : memref<6x128x128xf32, #tpu.memory_space<vmem>>, vector<1x1x16xf32>,
          %get3A_636 = arith.constant 2 : i32
          %get3A_637 = arith.index_cast %get3A_636 : i32 to index
          %get3A_638 = arith.index_cast %add3A_539 : i32 to index
          %get3A_639 = arith.constant 112 : index
          %get3A_640 = tpu.vector_load %arg6[%get3A_637, %get3A_638, %get3A_639] {strides = array<i32>} : memref<6x128x128xf32, #tpu.memory_space<vmem>>, vector<1x1x16xf32>,
          %get3A_641 = vector.shape_cast %get3A_640 : vector<1x1x16xf32> to vector<16xf32>
          %sub3A_642 = arith.subf %get3A_641, %get3A_317 : vector<16xf32>
          %swap3A_643 = arith.constant 2 : i32
          %swap3A_644 = arith.index_cast %swap3A_643 : i32 to index
          %swap3A_645 = arith.index_cast %add3A_539 : i32 to index
          %swap3A_646 = arith.constant 112 : index
          %swap3A_647 = tpu.vector_load %arg6[%swap3A_644, %swap3A_645, %swap3A_646] {strides = array<i32>} : memref<6x128x128xf32, #tpu.memory_space<vmem>>, vector<1x1x16xf32>,
          %swap3A_648 = vector.shape_cast %swap3A_647 : vector<1x1x16xf32> to vector<16xf32>
          %swap3A_649 = vector.shape_cast %sub3A_642 : vector<16xf32> to vector<1x1x16xf32>
          tpu.vector_store %arg6[%swap3A_644, %swap3A_645, %swap3A_646], %swap3A_649 {strides = array<i32>} : memref<6x128x128xf32, #tpu.memory_space<vmem>>, vector<1x1x16xf32>,
          %scan3A_650 = arith.constant 0 : i32
          scf.yield %scan3A_650 : i32
        }
        %scan3A_324 = arith.constant 32 : i32
        %get3A_325 = arith.constant 2 : i32
        %get3A_326 = arith.constant 1 : i32
        %get3A_327 = arith.index_cast %get3A_325 : i32 to index
        %get3A_328 = arith.index_cast %get3A_326 : i32 to index
        %get3A_329 = arith.constant 0 : index
        %get3A_330 = tpu.vector_load %arg7[%get3A_327, %get3A_328, %get3A_329] {strides = array<i32>} : memref<6x4x128xf32, #tpu.memory_space<vmem>>, vector<1x1x16xf32>,
        %get3A_331 = vector.shape_cast %get3A_330 : vector<1x1x16xf32> to vector<16xf32>
        %get3A_332 = arith.constant 2 : i32
        %get3A_333 = arith.constant 1 : i32
        %get3A_334 = arith.index_cast %get3A_332 : i32 to index
        %get3A_335 = arith.index_cast %get3A_333 : i32 to index
        %get3A_336 = arith.constant 16 : index
        %get3A_337 = tpu.vector_load %arg7[%get3A_334, %get3A_335, %get3A_336] {strides = array<i32>} : memref<6x4x128xf32, #tpu.memory_space<vmem>>, vector<1x1x16xf32>,
        %get3A_338 = vector.shape_cast %get3A_337 : vector<1x1x16xf32> to vector<16xf32>
        %get3A_339 = arith.constant 2 : i32
        %get3A_340 = arith.constant 1 : i32
        %get3A_341 = arith.index_cast %get3A_339 : i32 to index
        %get3A_342 = arith.index_cast %get3A_340 : i32 to index
        %get3A_343 = arith.constant 32 : index
        %get3A_344 = tpu.vector_load %arg7[%get3A_341, %get3A_342, %get3A_343] {strides = array<i32>} : memref<6x4x128xf32, #tpu.memory_space<vmem>>, vector<1x1x16xf32>,
        %get3A_345 = vector.shape_cast %get3A_344 : vector<1x1x16xf32> to vector<16xf32>
        %get3A_346 = arith.constant 2 : i32
        %get3A_347 = arith.constant 1 : i32
        %get3A_348 = arith.index_cast %get3A_346 : i32 to index
        %get3A_349 = arith.index_cast %get3A_347 : i32 to index
        %get3A_350 = arith.constant 48 : index
        %get3A_351 = tpu.vector_load %arg7[%get3A_348, %get3A_349, %get3A_350] {strides = array<i32>} : memref<6x4x128xf32, #tpu.memory_space<vmem>>, vector<1x1x16xf32>,
        %get3A_352 = vector.shape_cast %get3A_351 : vector<1x1x16xf32> to vector<16xf32>
        %get3A_353 = arith.constant 2 : i32
        %get3A_354 = arith.constant 1 : i32
        %get3A_355 = arith.index_cast %get3A_353 : i32 to index
        %get3A_356 = arith.index_cast %get3A_354 : i32 to index
        %get3A_357 = arith.constant 64 : index
        %get3A_358 = tpu.vector_load %arg7[%get3A_355, %get3A_356, %get3A_357] {strides = array<i32>} : memref<6x4x128xf32, #tpu.memory_space<vmem>>, vector<1x1x16xf32>,
        %get3A_359 = vector.shape_cast %get3A_358 : vector<1x1x16xf32> to vector<16xf32>
        %get3A_360 = arith.constant 2 : i32
        %get3A_361 = arith.constant 1 : i32
        %get3A_362 = arith.index_cast %get3A_360 : i32 to index
        %get3A_363 = arith.index_cast %get3A_361 : i32 to index
        %get3A_364 = arith.constant 80 : index
        %get3A_365 = tpu.vector_load %arg7[%get3A_362, %get3A_363, %get3A_364] {strides = array<i32>} : memref<6x4x128xf32, #tpu.memory_space<vmem>>, vector<1x1x16xf32>,
        %get3A_366 = vector.shape_cast %get3A_365 : vector<1x1x16xf32> to vector<16xf32>
        %get3A_367 = arith.constant 2 : i32
        %get3A_368 = arith.constant 1 : i32
        %get3A_369 = arith.index_cast %get3A_367 : i32 to index
        %get3A_370 = arith.index_cast %get3A_368 : i32 to index
        %get3A_371 = arith.constant 96 : index
        %get3A_372 = tpu.vector_load %arg7[%get3A_369, %get3A_370, %get3A_371] {strides = array<i32>} : memref<6x4x128xf32, #tpu.memory_space<vmem>>, vector<1x1x16xf32>,
        %get3A_373 = vector.shape_cast %get3A_372 : vector<1x1x16xf32> to vector<16xf32>
        %get3A_374 = arith.constant 2 : i32
        %get3A_375 = arith.constant 1 : i32
        %get3A_376 = arith.index_cast %get3A_374 : i32 to index
        %get3A_377 = arith.index_cast %get3A_375 : i32 to index
        %get3A_378 = arith.constant 112 : index
        %get3A_379 = tpu.vector_load %arg7[%get3A_376, %get3A_377, %get3A_378] {strides = array<i32>} : memref<6x4x128xf32, #tpu.memory_space<vmem>>, vector<1x1x16xf32>,
        %get3A_380 = vector.shape_cast %get3A_379 : vector<1x1x16xf32> to vector<16xf32>
        %scan3A_381 = arith.constant 0 : i32
        %scan3A_382 = arith.constant 0 : i32
        %scan3A_383 = arith.constant 32 : i32
        %scan3A_384 = arith.addi %scan3A_382, %scan3A_383 : i32
        %scan3A_385 = arith.constant 1 : i32
        %scan3A_386 = scf.for %scan3A_536 = %scan3A_382 to %scan3A_384 step %scan3A_385 iter_args(%scan3A_537 = %scan3A_381) -> (i32)  : i32 {
          %add3A_538 = arith.constant 32 : i32
          %add3A_539 = arith.addi %add3A_538, %scan3A_536 : i32
          %get3A_540 = arith.constant 2 : i32
          %get3A_541 = arith.index_cast %get3A_540 : i32 to index
          %get3A_542 = arith.index_cast %add3A_539 : i32 to index
          %get3A_543 = arith.constant 0 : index
          %get3A_544 = tpu.vector_load %arg6[%get3A_541, %get3A_542, %get3A_543] {strides = array<i32>} : memref<6x128x128xf32, #tpu.memory_space<vmem>>, vector<1x1x16xf32>,
          %get3A_545 = vector.shape_cast %get3A_544 : vector<1x1x16xf32> to vector<16xf32>
          %sub3A = arith.subf %get3A_545, %get3A_331 : vector<16xf32>
          %swap3A = arith.constant 2 : i32
          %swap3A_546 = arith.index_cast %swap3A : i32 to index
          %swap3A_547 = arith.index_cast %add3A_539 : i32 to index
          %swap3A_548 = arith.constant 0 : index
          %swap3A_549 = tpu.vector_load %arg6[%swap3A_546, %swap3A_547, %swap3A_548] {strides = array<i32>} : memref<6x128x128xf32, #tpu.memory_space<vmem>>, vector<1x1x16xf32>,
          %swap3A_550 = vector.shape_cast %swap3A_549 : vector<1x1x16xf32> to vector<16xf32>
          %swap3A_551 = vector.shape_cast %sub3A : vector<16xf32> to vector<1x1x16xf32>
          tpu.vector_store %arg6[%swap3A_546, %swap3A_547, %swap3A_548], %swap3A_551 {strides = array<i32>} : memref<6x128x128xf32, #tpu.memory_space<vmem>>, vector<1x1x16xf32>,
          %get3A_552 = arith.constant 2 : i32
          %get3A_553 = arith.index_cast %get3A_552 : i32 to index
          %get3A_554 = arith.index_cast %add3A_539 : i32 to index
          %get3A_555 = arith.constant 16 : index
          %get3A_556 = tpu.vector_load %arg6[%get3A_553, %get3A_554, %get3A_555] {strides = array<i32>} : memref<6x128x128xf32, #tpu.memory_space<vmem>>, vector<1x1x16xf32>,
          %get3A_557 = vector.shape_cast %get3A_556 : vector<1x1x16xf32> to vector<16xf32>
          %sub3A_558 = arith.subf %get3A_557, %get3A_338 : vector<16xf32>
          %swap3A_559 = arith.constant 2 : i32
          %swap3A_560 = arith.index_cast %swap3A_559 : i32 to index
          %swap3A_561 = arith.index_cast %add3A_539 : i32 to index
          %swap3A_562 = arith.constant 16 : index
          %swap3A_563 = tpu.vector_load %arg6[%swap3A_560, %swap3A_561, %swap3A_562] {strides = array<i32>} : memref<6x128x128xf32, #tpu.memory_space<vmem>>, vector<1x1x16xf32>,
          %swap3A_564 = vector.shape_cast %swap3A_563 : vector<1x1x16xf32> to vector<16xf32>
          %swap3A_565 = vector.shape_cast %sub3A_558 : vector<16xf32> to vector<1x1x16xf32>
          tpu.vector_store %arg6[%swap3A_560, %swap3A_561, %swap3A_562], %swap3A_565 {strides = array<i32>} : memref<6x128x128xf32, #tpu.memory_space<vmem>>, vector<1x1x16xf32>,
          %get3A_566 = arith.constant 2 : i32
          %get3A_567 = arith.index_cast %get3A_566 : i32 to index
          %get3A_568 = arith.index_cast %add3A_539 : i32 to index
          %get3A_569 = arith.constant 32 : index
          %get3A_570 = tpu.vector_load %arg6[%get3A_567, %get3A_568, %get3A_569] {strides = array<i32>} : memref<6x128x128xf32, #tpu.memory_space<vmem>>, vector<1x1x16xf32>,
          %get3A_571 = vector.shape_cast %get3A_570 : vector<1x1x16xf32> to vector<16xf32>
          %sub3A_572 = arith.subf %get3A_571, %get3A_345 : vector<16xf32>
          %swap3A_573 = arith.constant 2 : i32
          %swap3A_574 = arith.index_cast %swap3A_573 : i32 to index
          %swap3A_575 = arith.index_cast %add3A_539 : i32 to index
          %swap3A_576 = arith.constant 32 : index
          %swap3A_577 = tpu.vector_load %arg6[%swap3A_574, %swap3A_575, %swap3A_576] {strides = array<i32>} : memref<6x128x128xf32, #tpu.memory_space<vmem>>, vector<1x1x16xf32>,
          %swap3A_578 = vector.shape_cast %swap3A_577 : vector<1x1x16xf32> to vector<16xf32>
          %swap3A_579 = vector.shape_cast %sub3A_572 : vector<16xf32> to vector<1x1x16xf32>
          tpu.vector_store %arg6[%swap3A_574, %swap3A_575, %swap3A_576], %swap3A_579 {strides = array<i32>} : memref<6x128x128xf32, #tpu.memory_space<vmem>>, vector<1x1x16xf32>,
          %get3A_580 = arith.constant 2 : i32
          %get3A_581 = arith.index_cast %get3A_580 : i32 to index
          %get3A_582 = arith.index_cast %add3A_539 : i32 to index
          %get3A_583 = arith.constant 48 : index
          %get3A_584 = tpu.vector_load %arg6[%get3A_581, %get3A_582, %get3A_583] {strides = array<i32>} : memref<6x128x128xf32, #tpu.memory_space<vmem>>, vector<1x1x16xf32>,
          %get3A_585 = vector.shape_cast %get3A_584 : vector<1x1x16xf32> to vector<16xf32>
          %sub3A_586 = arith.subf %get3A_585, %get3A_352 : vector<16xf32>
          %swap3A_587 = arith.constant 2 : i32
          %swap3A_588 = arith.index_cast %swap3A_587 : i32 to index
          %swap3A_589 = arith.index_cast %add3A_539 : i32 to index
          %swap3A_590 = arith.constant 48 : index
          %swap3A_591 = tpu.vector_load %arg6[%swap3A_588, %swap3A_589, %swap3A_590] {strides = array<i32>} : memref<6x128x128xf32, #tpu.memory_space<vmem>>, vector<1x1x16xf32>,
          %swap3A_592 = vector.shape_cast %swap3A_591 : vector<1x1x16xf32> to vector<16xf32>
          %swap3A_593 = vector.shape_cast %sub3A_586 : vector<16xf32> to vector<1x1x16xf32>
          tpu.vector_store %arg6[%swap3A_588, %swap3A_589, %swap3A_590], %swap3A_593 {strides = array<i32>} : memref<6x128x128xf32, #tpu.memory_space<vmem>>, vector<1x1x16xf32>,
          %get3A_594 = arith.constant 2 : i32
          %get3A_595 = arith.index_cast %get3A_594 : i32 to index
          %get3A_596 = arith.index_cast %add3A_539 : i32 to index
          %get3A_597 = arith.constant 64 : index
          %get3A_598 = tpu.vector_load %arg6[%get3A_595, %get3A_596, %get3A_597] {strides = array<i32>} : memref<6x128x128xf32, #tpu.memory_space<vmem>>, vector<1x1x16xf32>,
          %get3A_599 = vector.shape_cast %get3A_598 : vector<1x1x16xf32> to vector<16xf32>
          %sub3A_600 = arith.subf %get3A_599, %get3A_359 : vector<16xf32>
          %swap3A_601 = arith.constant 2 : i32
          %swap3A_602 = arith.index_cast %swap3A_601 : i32 to index
          %swap3A_603 = arith.index_cast %add3A_539 : i32 to index
          %swap3A_604 = arith.constant 64 : index
          %swap3A_605 = tpu.vector_load %arg6[%swap3A_602, %swap3A_603, %swap3A_604] {strides = array<i32>} : memref<6x128x128xf32, #tpu.memory_space<vmem>>, vector<1x1x16xf32>,
          %swap3A_606 = vector.shape_cast %swap3A_605 : vector<1x1x16xf32> to vector<16xf32>
          %swap3A_607 = vector.shape_cast %sub3A_600 : vector<16xf32> to vector<1x1x16xf32>
          tpu.vector_store %arg6[%swap3A_602, %swap3A_603, %swap3A_604], %swap3A_607 {strides = array<i32>} : memref<6x128x128xf32, #tpu.memory_space<vmem>>, vector<1x1x16xf32>,
          %get3A_608 = arith.constant 2 : i32
          %get3A_609 = arith.index_cast %get3A_608 : i32 to index
          %get3A_610 = arith.index_cast %add3A_539 : i32 to index
          %get3A_611 = arith.constant 80 : index
          %get3A_612 = tpu.vector_load %arg6[%get3A_609, %get3A_610, %get3A_611] {strides = array<i32>} : memref<6x128x128xf32, #tpu.memory_space<vmem>>, vector<1x1x16xf32>,
          %get3A_613 = vector.shape_cast %get3A_612 : vector<1x1x16xf32> to vector<16xf32>
          %sub3A_614 = arith.subf %get3A_613, %get3A_366 : vector<16xf32>
          %swap3A_615 = arith.constant 2 : i32
          %swap3A_616 = arith.index_cast %swap3A_615 : i32 to index
          %swap3A_617 = arith.index_cast %add3A_539 : i32 to index
          %swap3A_618 = arith.constant 80 : index
          %swap3A_619 = tpu.vector_load %arg6[%swap3A_616, %swap3A_617, %swap3A_618] {strides = array<i32>} : memref<6x128x128xf32, #tpu.memory_space<vmem>>, vector<1x1x16xf32>,
          %swap3A_620 = vector.shape_cast %swap3A_619 : vector<1x1x16xf32> to vector<16xf32>
          %swap3A_621 = vector.shape_cast %sub3A_614 : vector<16xf32> to vector<1x1x16xf32>
          tpu.vector_store %arg6[%swap3A_616, %swap3A_617, %swap3A_618], %swap3A_621 {strides = array<i32>} : memref<6x128x128xf32, #tpu.memory_space<vmem>>, vector<1x1x16xf32>,
          %get3A_622 = arith.constant 2 : i32
          %get3A_623 = arith.index_cast %get3A_622 : i32 to index
          %get3A_624 = arith.index_cast %add3A_539 : i32 to index
          %get3A_625 = arith.constant 96 : index
          %get3A_626 = tpu.vector_load %arg6[%get3A_623, %get3A_624, %get3A_625] {strides = array<i32>} : memref<6x128x128xf32, #tpu.memory_space<vmem>>, vector<1x1x16xf32>,
          %get3A_627 = vector.shape_cast %get3A_626 : vector<1x1x16xf32> to vector<16xf32>
          %sub3A_628 = arith.subf %get3A_627, %get3A_373 : vector<16xf32>
          %swap3A_629 = arith.constant 2 : i32
          %swap3A_630 = arith.index_cast %swap3A_629 : i32 to index
          %swap3A_631 = arith.index_cast %add3A_539 : i32 to index
          %swap3A_632 = arith.constant 96 : index
          %swap3A_633 = tpu.vector_load %arg6[%swap3A_630, %swap3A_631, %swap3A_632] {strides = array<i32>} : memref<6x128x128xf32, #tpu.memory_space<vmem>>, vector<1x1x16xf32>,
          %swap3A_634 = vector.shape_cast %swap3A_633 : vector<1x1x16xf32> to vector<16xf32>
          %swap3A_635 = vector.shape_cast %sub3A_628 : vector<16xf32> to vector<1x1x16xf32>
          tpu.vector_store %arg6[%swap3A_630, %swap3A_631, %swap3A_632], %swap3A_635 {strides = array<i32>} : memref<6x128x128xf32, #tpu.memory_space<vmem>>, vector<1x1x16xf32>,
          %get3A_636 = arith.constant 2 : i32
          %get3A_637 = arith.index_cast %get3A_636 : i32 to index
          %get3A_638 = arith.index_cast %add3A_539 : i32 to index
          %get3A_639 = arith.constant 112 : index
          %get3A_640 = tpu.vector_load %arg6[%get3A_637, %get3A_638, %get3A_639] {strides = array<i32>} : memref<6x128x128xf32, #tpu.memory_space<vmem>>, vector<1x1x16xf32>,
          %get3A_641 = vector.shape_cast %get3A_640 : vector<1x1x16xf32> to vector<16xf32>
          %sub3A_642 = arith.subf %get3A_641, %get3A_380 : vector<16xf32>
          %swap3A_643 = arith.constant 2 : i32
          %swap3A_644 = arith.index_cast %swap3A_643 : i32 to index
          %swap3A_645 = arith.index_cast %add3A_539 : i32 to index
          %swap3A_646 = arith.constant 112 : index
          %swap3A_647 = tpu.vector_load %arg6[%swap3A_644, %swap3A_645, %swap3A_646] {strides = array<i32>} : memref<6x128x128xf32, #tpu.memory_space<vmem>>, vector<1x1x16xf32>,
          %swap3A_648 = vector.shape_cast %swap3A_647 : vector<1x1x16xf32> to vector<16xf32>
          %swap3A_649 = vector.shape_cast %sub3A_642 : vector<16xf32> to vector<1x1x16xf32>
          tpu.vector_store %arg6[%swap3A_644, %swap3A_645, %swap3A_646], %swap3A_649 {strides = array<i32>} : memref<6x128x128xf32, #tpu.memory_space<vmem>>, vector<1x1x16xf32>,
          %scan3A_650 = arith.constant 0 : i32
          scf.yield %scan3A_650 : i32
        }
        %scan3A_387 = arith.constant 32 : i32
        %get3A_388 = arith.constant 2 : i32
        %get3A_389 = arith.constant 2 : i32
        %get3A_390 = arith.index_cast %get3A_388 : i32 to index
        %get3A_391 = arith.index_cast %get3A_389 : i32 to index
        %get3A_392 = arith.constant 0 : index
        %get3A_393 = tpu.vector_load %arg7[%get3A_390, %get3A_391, %get3A_392] {strides = array<i32>} : memref<6x4x128xf32, #tpu.memory_space<vmem>>, vector<1x1x16xf32>,
        %get3A_394 = vector.shape_cast %get3A_393 : vector<1x1x16xf32> to vector<16xf32>
        %get3A_395 = arith.constant 2 : i32
        %get3A_396 = arith.constant 2 : i32
        %get3A_397 = arith.index_cast %get3A_395 : i32 to index
        %get3A_398 = arith.index_cast %get3A_396 : i32 to index
        %get3A_399 = arith.constant 16 : index
        %get3A_400 = tpu.vector_load %arg7[%get3A_397, %get3A_398, %get3A_399] {strides = array<i32>} : memref<6x4x128xf32, #tpu.memory_space<vmem>>, vector<1x1x16xf32>,
        %get3A_401 = vector.shape_cast %get3A_400 : vector<1x1x16xf32> to vector<16xf32>
        %get3A_402 = arith.constant 2 : i32
        %get3A_403 = arith.constant 2 : i32
        %get3A_404 = arith.index_cast %get3A_402 : i32 to index
        %get3A_405 = arith.index_cast %get3A_403 : i32 to index
        %get3A_406 = arith.constant 32 : index
        %get3A_407 = tpu.vector_load %arg7[%get3A_404, %get3A_405, %get3A_406] {strides = array<i32>} : memref<6x4x128xf32, #tpu.memory_space<vmem>>, vector<1x1x16xf32>,
        %get3A_408 = vector.shape_cast %get3A_407 : vector<1x1x16xf32> to vector<16xf32>
        %get3A_409 = arith.constant 2 : i32
        %get3A_410 = arith.constant 2 : i32
        %get3A_411 = arith.index_cast %get3A_409 : i32 to index
        %get3A_412 = arith.index_cast %get3A_410 : i32 to index
        %get3A_413 = arith.constant 48 : index
        %get3A_414 = tpu.vector_load %arg7[%get3A_411, %get3A_412, %get3A_413] {strides = array<i32>} : memref<6x4x128xf32, #tpu.memory_space<vmem>>, vector<1x1x16xf32>,
        %get3A_415 = vector.shape_cast %get3A_414 : vector<1x1x16xf32> to vector<16xf32>
        %get3A_416 = arith.constant 2 : i32
        %get3A_417 = arith.constant 2 : i32
        %get3A_418 = arith.index_cast %get3A_416 : i32 to index
        %get3A_419 = arith.index_cast %get3A_417 : i32 to index
        %get3A_420 = arith.constant 64 : index
        %get3A_421 = tpu.vector_load %arg7[%get3A_418, %get3A_419, %get3A_420] {strides = array<i32>} : memref<6x4x128xf32, #tpu.memory_space<vmem>>, vector<1x1x16xf32>,
        %get3A_422 = vector.shape_cast %get3A_421 : vector<1x1x16xf32> to vector<16xf32>
        %get3A_423 = arith.constant 2 : i32
        %get3A_424 = arith.constant 2 : i32
        %get3A_425 = arith.index_cast %get3A_423 : i32 to index
        %get3A_426 = arith.index_cast %get3A_424 : i32 to index
        %get3A_427 = arith.constant 80 : index
        %get3A_428 = tpu.vector_load %arg7[%get3A_425, %get3A_426, %get3A_427] {strides = array<i32>} : memref<6x4x128xf32, #tpu.memory_space<vmem>>, vector<1x1x16xf32>,
        %get3A_429 = vector.shape_cast %get3A_428 : vector<1x1x16xf32> to vector<16xf32>
        %get3A_430 = arith.constant 2 : i32
        %get3A_431 = arith.constant 2 : i32
        %get3A_432 = arith.index_cast %get3A_430 : i32 to index
        %get3A_433 = arith.index_cast %get3A_431 : i32 to index
        %get3A_434 = arith.constant 96 : index
        %get3A_435 = tpu.vector_load %arg7[%get3A_432, %get3A_433, %get3A_434] {strides = array<i32>} : memref<6x4x128xf32, #tpu.memory_space<vmem>>, vector<1x1x16xf32>,
        %get3A_436 = vector.shape_cast %get3A_435 : vector<1x1x16xf32> to vector<16xf32>
        %get3A_437 = arith.constant 2 : i32
        %get3A_438 = arith.constant 2 : i32
        %get3A_439 = arith.index_cast %get3A_437 : i32 to index
        %get3A_440 = arith.index_cast %get3A_438 : i32 to index
        %get3A_441 = arith.constant 112 : index
        %get3A_442 = tpu.vector_load %arg7[%get3A_439, %get3A_440, %get3A_441] {strides = array<i32>} : memref<6x4x128xf32, #tpu.memory_space<vmem>>, vector<1x1x16xf32>,
        %get3A_443 = vector.shape_cast %get3A_442 : vector<1x1x16xf32> to vector<16xf32>
        %scan3A_444 = arith.constant 0 : i32
        %scan3A_445 = arith.constant 0 : i32
        %scan3A_446 = arith.constant 32 : i32
        %scan3A_447 = arith.addi %scan3A_445, %scan3A_446 : i32
        %scan3A_448 = arith.constant 1 : i32
        %scan3A_449 = scf.for %scan3A_536 = %scan3A_445 to %scan3A_447 step %scan3A_448 iter_args(%scan3A_537 = %scan3A_444) -> (i32)  : i32 {
          %add3A_538 = arith.constant 64 : i32
          %add3A_539 = arith.addi %add3A_538, %scan3A_536 : i32
          %get3A_540 = arith.constant 2 : i32
          %get3A_541 = arith.index_cast %get3A_540 : i32 to index
          %get3A_542 = arith.index_cast %add3A_539 : i32 to index
          %get3A_543 = arith.constant 0 : index
          %get3A_544 = tpu.vector_load %arg6[%get3A_541, %get3A_542, %get3A_543] {strides = array<i32>} : memref<6x128x128xf32, #tpu.memory_space<vmem>>, vector<1x1x16xf32>,
          %get3A_545 = vector.shape_cast %get3A_544 : vector<1x1x16xf32> to vector<16xf32>
          %sub3A = arith.subf %get3A_545, %get3A_394 : vector<16xf32>
          %swap3A = arith.constant 2 : i32
          %swap3A_546 = arith.index_cast %swap3A : i32 to index
          %swap3A_547 = arith.index_cast %add3A_539 : i32 to index
          %swap3A_548 = arith.constant 0 : index
          %swap3A_549 = tpu.vector_load %arg6[%swap3A_546, %swap3A_547, %swap3A_548] {strides = array<i32>} : memref<6x128x128xf32, #tpu.memory_space<vmem>>, vector<1x1x16xf32>,
          %swap3A_550 = vector.shape_cast %swap3A_549 : vector<1x1x16xf32> to vector<16xf32>
          %swap3A_551 = vector.shape_cast %sub3A : vector<16xf32> to vector<1x1x16xf32>
          tpu.vector_store %arg6[%swap3A_546, %swap3A_547, %swap3A_548], %swap3A_551 {strides = array<i32>} : memref<6x128x128xf32, #tpu.memory_space<vmem>>, vector<1x1x16xf32>,
          %get3A_552 = arith.constant 2 : i32
          %get3A_553 = arith.index_cast %get3A_552 : i32 to index
          %get3A_554 = arith.index_cast %add3A_539 : i32 to index
          %get3A_555 = arith.constant 16 : index
          %get3A_556 = tpu.vector_load %arg6[%get3A_553, %get3A_554, %get3A_555] {strides = array<i32>} : memref<6x128x128xf32, #tpu.memory_space<vmem>>, vector<1x1x16xf32>,
          %get3A_557 = vector.shape_cast %get3A_556 : vector<1x1x16xf32> to vector<16xf32>
          %sub3A_558 = arith.subf %get3A_557, %get3A_401 : vector<16xf32>
          %swap3A_559 = arith.constant 2 : i32
          %swap3A_560 = arith.index_cast %swap3A_559 : i32 to index
          %swap3A_561 = arith.index_cast %add3A_539 : i32 to index
          %swap3A_562 = arith.constant 16 : index
          %swap3A_563 = tpu.vector_load %arg6[%swap3A_560, %swap3A_561, %swap3A_562] {strides = array<i32>} : memref<6x128x128xf32, #tpu.memory_space<vmem>>, vector<1x1x16xf32>,
          %swap3A_564 = vector.shape_cast %swap3A_563 : vector<1x1x16xf32> to vector<16xf32>
          %swap3A_565 = vector.shape_cast %sub3A_558 : vector<16xf32> to vector<1x1x16xf32>
          tpu.vector_store %arg6[%swap3A_560, %swap3A_561, %swap3A_562], %swap3A_565 {strides = array<i32>} : memref<6x128x128xf32, #tpu.memory_space<vmem>>, vector<1x1x16xf32>,
          %get3A_566 = arith.constant 2 : i32
          %get3A_567 = arith.index_cast %get3A_566 : i32 to index
          %get3A_568 = arith.index_cast %add3A_539 : i32 to index
          %get3A_569 = arith.constant 32 : index
          %get3A_570 = tpu.vector_load %arg6[%get3A_567, %get3A_568, %get3A_569] {strides = array<i32>} : memref<6x128x128xf32, #tpu.memory_space<vmem>>, vector<1x1x16xf32>,
          %get3A_571 = vector.shape_cast %get3A_570 : vector<1x1x16xf32> to vector<16xf32>
          %sub3A_572 = arith.subf %get3A_571, %get3A_408 : vector<16xf32>
          %swap3A_573 = arith.constant 2 : i32
          %swap3A_574 = arith.index_cast %swap3A_573 : i32 to index
          %swap3A_575 = arith.index_cast %add3A_539 : i32 to index
          %swap3A_576 = arith.constant 32 : index
          %swap3A_577 = tpu.vector_load %arg6[%swap3A_574, %swap3A_575, %swap3A_576] {strides = array<i32>} : memref<6x128x128xf32, #tpu.memory_space<vmem>>, vector<1x1x16xf32>,
          %swap3A_578 = vector.shape_cast %swap3A_577 : vector<1x1x16xf32> to vector<16xf32>
          %swap3A_579 = vector.shape_cast %sub3A_572 : vector<16xf32> to vector<1x1x16xf32>
          tpu.vector_store %arg6[%swap3A_574, %swap3A_575, %swap3A_576], %swap3A_579 {strides = array<i32>} : memref<6x128x128xf32, #tpu.memory_space<vmem>>, vector<1x1x16xf32>,
          %get3A_580 = arith.constant 2 : i32
          %get3A_581 = arith.index_cast %get3A_580 : i32 to index
          %get3A_582 = arith.index_cast %add3A_539 : i32 to index
          %get3A_583 = arith.constant 48 : index
          %get3A_584 = tpu.vector_load %arg6[%get3A_581, %get3A_582, %get3A_583] {strides = array<i32>} : memref<6x128x128xf32, #tpu.memory_space<vmem>>, vector<1x1x16xf32>,
          %get3A_585 = vector.shape_cast %get3A_584 : vector<1x1x16xf32> to vector<16xf32>
          %sub3A_586 = arith.subf %get3A_585, %get3A_415 : vector<16xf32>
          %swap3A_587 = arith.constant 2 : i32
          %swap3A_588 = arith.index_cast %swap3A_587 : i32 to index
          %swap3A_589 = arith.index_cast %add3A_539 : i32 to index
          %swap3A_590 = arith.constant 48 : index
          %swap3A_591 = tpu.vector_load %arg6[%swap3A_588, %swap3A_589, %swap3A_590] {strides = array<i32>} : memref<6x128x128xf32, #tpu.memory_space<vmem>>, vector<1x1x16xf32>,
          %swap3A_592 = vector.shape_cast %swap3A_591 : vector<1x1x16xf32> to vector<16xf32>
          %swap3A_593 = vector.shape_cast %sub3A_586 : vector<16xf32> to vector<1x1x16xf32>
          tpu.vector_store %arg6[%swap3A_588, %swap3A_589, %swap3A_590], %swap3A_593 {strides = array<i32>} : memref<6x128x128xf32, #tpu.memory_space<vmem>>, vector<1x1x16xf32>,
          %get3A_594 = arith.constant 2 : i32
          %get3A_595 = arith.index_cast %get3A_594 : i32 to index
          %get3A_596 = arith.index_cast %add3A_539 : i32 to index
          %get3A_597 = arith.constant 64 : index
          %get3A_598 = tpu.vector_load %arg6[%get3A_595, %get3A_596, %get3A_597] {strides = array<i32>} : memref<6x128x128xf32, #tpu.memory_space<vmem>>, vector<1x1x16xf32>,
          %get3A_599 = vector.shape_cast %get3A_598 : vector<1x1x16xf32> to vector<16xf32>
          %sub3A_600 = arith.subf %get3A_599, %get3A_422 : vector<16xf32>
          %swap3A_601 = arith.constant 2 : i32
          %swap3A_602 = arith.index_cast %swap3A_601 : i32 to index
          %swap3A_603 = arith.index_cast %add3A_539 : i32 to index
          %swap3A_604 = arith.constant 64 : index
          %swap3A_605 = tpu.vector_load %arg6[%swap3A_602, %swap3A_603, %swap3A_604] {strides = array<i32>} : memref<6x128x128xf32, #tpu.memory_space<vmem>>, vector<1x1x16xf32>,
          %swap3A_606 = vector.shape_cast %swap3A_605 : vector<1x1x16xf32> to vector<16xf32>
          %swap3A_607 = vector.shape_cast %sub3A_600 : vector<16xf32> to vector<1x1x16xf32>
          tpu.vector_store %arg6[%swap3A_602, %swap3A_603, %swap3A_604], %swap3A_607 {strides = array<i32>} : memref<6x128x128xf32, #tpu.memory_space<vmem>>, vector<1x1x16xf32>,
          %get3A_608 = arith.constant 2 : i32
          %get3A_609 = arith.index_cast %get3A_608 : i32 to index
          %get3A_610 = arith.index_cast %add3A_539 : i32 to index
          %get3A_611 = arith.constant 80 : index
          %get3A_612 = tpu.vector_load %arg6[%get3A_609, %get3A_610, %get3A_611] {strides = array<i32>} : memref<6x128x128xf32, #tpu.memory_space<vmem>>, vector<1x1x16xf32>,
          %get3A_613 = vector.shape_cast %get3A_612 : vector<1x1x16xf32> to vector<16xf32>
          %sub3A_614 = arith.subf %get3A_613, %get3A_429 : vector<16xf32>
          %swap3A_615 = arith.constant 2 : i32
          %swap3A_616 = arith.index_cast %swap3A_615 : i32 to index
          %swap3A_617 = arith.index_cast %add3A_539 : i32 to index
          %swap3A_618 = arith.constant 80 : index
          %swap3A_619 = tpu.vector_load %arg6[%swap3A_616, %swap3A_617, %swap3A_618] {strides = array<i32>} : memref<6x128x128xf32, #tpu.memory_space<vmem>>, vector<1x1x16xf32>,
          %swap3A_620 = vector.shape_cast %swap3A_619 : vector<1x1x16xf32> to vector<16xf32>
          %swap3A_621 = vector.shape_cast %sub3A_614 : vector<16xf32> to vector<1x1x16xf32>
          tpu.vector_store %arg6[%swap3A_616, %swap3A_617, %swap3A_618], %swap3A_621 {strides = array<i32>} : memref<6x128x128xf32, #tpu.memory_space<vmem>>, vector<1x1x16xf32>,
          %get3A_622 = arith.constant 2 : i32
          %get3A_623 = arith.index_cast %get3A_622 : i32 to index
          %get3A_624 = arith.index_cast %add3A_539 : i32 to index
          %get3A_625 = arith.constant 96 : index
          %get3A_626 = tpu.vector_load %arg6[%get3A_623, %get3A_624, %get3A_625] {strides = array<i32>} : memref<6x128x128xf32, #tpu.memory_space<vmem>>, vector<1x1x16xf32>,
          %get3A_627 = vector.shape_cast %get3A_626 : vector<1x1x16xf32> to vector<16xf32>
          %sub3A_628 = arith.subf %get3A_627, %get3A_436 : vector<16xf32>
          %swap3A_629 = arith.constant 2 : i32
          %swap3A_630 = arith.index_cast %swap3A_629 : i32 to index
          %swap3A_631 = arith.index_cast %add3A_539 : i32 to index
          %swap3A_632 = arith.constant 96 : index
          %swap3A_633 = tpu.vector_load %arg6[%swap3A_630, %swap3A_631, %swap3A_632] {strides = array<i32>} : memref<6x128x128xf32, #tpu.memory_space<vmem>>, vector<1x1x16xf32>,
          %swap3A_634 = vector.shape_cast %swap3A_633 : vector<1x1x16xf32> to vector<16xf32>
          %swap3A_635 = vector.shape_cast %sub3A_628 : vector<16xf32> to vector<1x1x16xf32>
          tpu.vector_store %arg6[%swap3A_630, %swap3A_631, %swap3A_632], %swap3A_635 {strides = array<i32>} : memref<6x128x128xf32, #tpu.memory_space<vmem>>, vector<1x1x16xf32>,
          %get3A_636 = arith.constant 2 : i32
          %get3A_637 = arith.index_cast %get3A_636 : i32 to index
          %get3A_638 = arith.index_cast %add3A_539 : i32 to index
          %get3A_639 = arith.constant 112 : index
          %get3A_640 = tpu.vector_load %arg6[%get3A_637, %get3A_638, %get3A_639] {strides = array<i32>} : memref<6x128x128xf32, #tpu.memory_space<vmem>>, vector<1x1x16xf32>,
          %get3A_641 = vector.shape_cast %get3A_640 : vector<1x1x16xf32> to vector<16xf32>
          %sub3A_642 = arith.subf %get3A_641, %get3A_443 : vector<16xf32>
          %swap3A_643 = arith.constant 2 : i32
          %swap3A_644 = arith.index_cast %swap3A_643 : i32 to index
          %swap3A_645 = arith.index_cast %add3A_539 : i32 to index
          %swap3A_646 = arith.constant 112 : index
          %swap3A_647 = tpu.vector_load %arg6[%swap3A_644, %swap3A_645, %swap3A_646] {strides = array<i32>} : memref<6x128x128xf32, #tpu.memory_space<vmem>>, vector<1x1x16xf32>,
          %swap3A_648 = vector.shape_cast %swap3A_647 : vector<1x1x16xf32> to vector<16xf32>
          %swap3A_649 = vector.shape_cast %sub3A_642 : vector<16xf32> to vector<1x1x16xf32>
          tpu.vector_store %arg6[%swap3A_644, %swap3A_645, %swap3A_646], %swap3A_649 {strides = array<i32>} : memref<6x128x128xf32, #tpu.memory_space<vmem>>, vector<1x1x16xf32>,
          %scan3A_650 = arith.constant 0 : i32
          scf.yield %scan3A_650 : i32
        }
        %scan3A_450 = arith.constant 32 : i32
        %get3A_451 = arith.constant 2 : i32
        %get3A_452 = arith.constant 3 : i32
        %get3A_453 = arith.index_cast %get3A_451 : i32 to index
        %get3A_454 = arith.index_cast %get3A_452 : i32 to index
        %get3A_455 = arith.constant 0 : index
        %get3A_456 = tpu.vector_load %arg7[%get3A_453, %get3A_454, %get3A_455] {strides = array<i32>} : memref<6x4x128xf32, #tpu.memory_space<vmem>>, vector<1x1x16xf32>,
        %get3A_457 = vector.shape_cast %get3A_456 : vector<1x1x16xf32> to vector<16xf32>
        %get3A_458 = arith.constant 2 : i32
        %get3A_459 = arith.constant 3 : i32
        %get3A_460 = arith.index_cast %get3A_458 : i32 to index
        %get3A_461 = arith.index_cast %get3A_459 : i32 to index
        %get3A_462 = arith.constant 16 : index
        %get3A_463 = tpu.vector_load %arg7[%get3A_460, %get3A_461, %get3A_462] {strides = array<i32>} : memref<6x4x128xf32, #tpu.memory_space<vmem>>, vector<1x1x16xf32>,
        %get3A_464 = vector.shape_cast %get3A_463 : vector<1x1x16xf32> to vector<16xf32>
        %get3A_465 = arith.constant 2 : i32
        %get3A_466 = arith.constant 3 : i32
        %get3A_467 = arith.index_cast %get3A_465 : i32 to index
        %get3A_468 = arith.index_cast %get3A_466 : i32 to index
        %get3A_469 = arith.constant 32 : index
        %get3A_470 = tpu.vector_load %arg7[%get3A_467, %get3A_468, %get3A_469] {strides = array<i32>} : memref<6x4x128xf32, #tpu.memory_space<vmem>>, vector<1x1x16xf32>,
        %get3A_471 = vector.shape_cast %get3A_470 : vector<1x1x16xf32> to vector<16xf32>
        %get3A_472 = arith.constant 2 : i32
        %get3A_473 = arith.constant 3 : i32
        %get3A_474 = arith.index_cast %get3A_472 : i32 to index
        %get3A_475 = arith.index_cast %get3A_473 : i32 to index
        %get3A_476 = arith.constant 48 : index
        %get3A_477 = tpu.vector_load %arg7[%get3A_474, %get3A_475, %get3A_476] {strides = array<i32>} : memref<6x4x128xf32, #tpu.memory_space<vmem>>, vector<1x1x16xf32>,
        %get3A_478 = vector.shape_cast %get3A_477 : vector<1x1x16xf32> to vector<16xf32>
        %get3A_479 = arith.constant 2 : i32
        %get3A_480 = arith.constant 3 : i32
        %get3A_481 = arith.index_cast %get3A_479 : i32 to index
        %get3A_482 = arith.index_cast %get3A_480 : i32 to index
        %get3A_483 = arith.constant 64 : index
        %get3A_484 = tpu.vector_load %arg7[%get3A_481, %get3A_482, %get3A_483] {strides = array<i32>} : memref<6x4x128xf32, #tpu.memory_space<vmem>>, vector<1x1x16xf32>,
        %get3A_485 = vector.shape_cast %get3A_484 : vector<1x1x16xf32> to vector<16xf32>
        %get3A_486 = arith.constant 2 : i32
        %get3A_487 = arith.constant 3 : i32
        %get3A_488 = arith.index_cast %get3A_486 : i32 to index
        %get3A_489 = arith.index_cast %get3A_487 : i32 to index
        %get3A_490 = arith.constant 80 : index
        %get3A_491 = tpu.vector_load %arg7[%get3A_488, %get3A_489, %get3A_490] {strides = array<i32>} : memref<6x4x128xf32, #tpu.memory_space<vmem>>, vector<1x1x16xf32>,
        %get3A_492 = vector.shape_cast %get3A_491 : vector<1x1x16xf32> to vector<16xf32>
        %get3A_493 = arith.constant 2 : i32
        %get3A_494 = arith.constant 3 : i32
        %get3A_495 = arith.index_cast %get3A_493 : i32 to index
        %get3A_496 = arith.index_cast %get3A_494 : i32 to index
        %get3A_497 = arith.constant 96 : index
        %get3A_498 = tpu.vector_load %arg7[%get3A_495, %get3A_496, %get3A_497] {strides = array<i32>} : memref<6x4x128xf32, #tpu.memory_space<vmem>>, vector<1x1x16xf32>,
        %get3A_499 = vector.shape_cast %get3A_498 : vector<1x1x16xf32> to vector<16xf32>
        %get3A_500 = arith.constant 2 : i32
        %get3A_501 = arith.constant 3 : i32
        %get3A_502 = arith.index_cast %get3A_500 : i32 to index
        %get3A_503 = arith.index_cast %get3A_501 : i32 to index
        %get3A_504 = arith.constant 112 : index
        %get3A_505 = tpu.vector_load %arg7[%get3A_502, %get3A_503, %get3A_504] {strides = array<i32>} : memref<6x4x128xf32, #tpu.memory_space<vmem>>, vector<1x1x16xf32>,
        %get3A_506 = vector.shape_cast %get3A_505 : vector<1x1x16xf32> to vector<16xf32>
        %scan3A_507 = arith.constant 0 : i32
        %scan3A_508 = arith.constant 0 : i32
        %scan3A_509 = arith.constant 32 : i32
        %scan3A_510 = arith.addi %scan3A_508, %scan3A_509 : i32
        %scan3A_511 = arith.constant 1 : i32
        %scan3A_512 = scf.for %scan3A_536 = %scan3A_508 to %scan3A_510 step %scan3A_511 iter_args(%scan3A_537 = %scan3A_507) -> (i32)  : i32 {
          %add3A_538 = arith.constant 96 : i32
          %add3A_539 = arith.addi %add3A_538, %scan3A_536 : i32
          %get3A_540 = arith.constant 2 : i32
          %get3A_541 = arith.index_cast %get3A_540 : i32 to index
          %get3A_542 = arith.index_cast %add3A_539 : i32 to index
          %get3A_543 = arith.constant 0 : index
          %get3A_544 = tpu.vector_load %arg6[%get3A_541, %get3A_542, %get3A_543] {strides = array<i32>} : memref<6x128x128xf32, #tpu.memory_space<vmem>>, vector<1x1x16xf32>,
          %get3A_545 = vector.shape_cast %get3A_544 : vector<1x1x16xf32> to vector<16xf32>
          %sub3A = arith.subf %get3A_545, %get3A_457 : vector<16xf32>
          %swap3A = arith.constant 2 : i32
          %swap3A_546 = arith.index_cast %swap3A : i32 to index
          %swap3A_547 = arith.index_cast %add3A_539 : i32 to index
          %swap3A_548 = arith.constant 0 : index
          %swap3A_549 = tpu.vector_load %arg6[%swap3A_546, %swap3A_547, %swap3A_548] {strides = array<i32>} : memref<6x128x128xf32, #tpu.memory_space<vmem>>, vector<1x1x16xf32>,
          %swap3A_550 = vector.shape_cast %swap3A_549 : vector<1x1x16xf32> to vector<16xf32>
          %swap3A_551 = vector.shape_cast %sub3A : vector<16xf32> to vector<1x1x16xf32>
          tpu.vector_store %arg6[%swap3A_546, %swap3A_547, %swap3A_548], %swap3A_551 {strides = array<i32>} : memref<6x128x128xf32, #tpu.memory_space<vmem>>, vector<1x1x16xf32>,
          %get3A_552 = arith.constant 2 : i32
          %get3A_553 = arith.index_cast %get3A_552 : i32 to index
          %get3A_554 = arith.index_cast %add3A_539 : i32 to index
          %get3A_555 = arith.constant 16 : index
          %get3A_556 = tpu.vector_load %arg6[%get3A_553, %get3A_554, %get3A_555] {strides = array<i32>} : memref<6x128x128xf32, #tpu.memory_space<vmem>>, vector<1x1x16xf32>,
          %get3A_557 = vector.shape_cast %get3A_556 : vector<1x1x16xf32> to vector<16xf32>
          %sub3A_558 = arith.subf %get3A_557, %get3A_464 : vector<16xf32>
          %swap3A_559 = arith.constant 2 : i32
          %swap3A_560 = arith.index_cast %swap3A_559 : i32 to index
          %swap3A_561 = arith.index_cast %add3A_539 : i32 to index
          %swap3A_562 = arith.constant 16 : index
          %swap3A_563 = tpu.vector_load %arg6[%swap3A_560, %swap3A_561, %swap3A_562] {strides = array<i32>} : memref<6x128x128xf32, #tpu.memory_space<vmem>>, vector<1x1x16xf32>,
          %swap3A_564 = vector.shape_cast %swap3A_563 : vector<1x1x16xf32> to vector<16xf32>
          %swap3A_565 = vector.shape_cast %sub3A_558 : vector<16xf32> to vector<1x1x16xf32>
          tpu.vector_store %arg6[%swap3A_560, %swap3A_561, %swap3A_562], %swap3A_565 {strides = array<i32>} : memref<6x128x128xf32, #tpu.memory_space<vmem>>, vector<1x1x16xf32>,
          %get3A_566 = arith.constant 2 : i32
          %get3A_567 = arith.index_cast %get3A_566 : i32 to index
          %get3A_568 = arith.index_cast %add3A_539 : i32 to index
          %get3A_569 = arith.constant 32 : index
          %get3A_570 = tpu.vector_load %arg6[%get3A_567, %get3A_568, %get3A_569] {strides = array<i32>} : memref<6x128x128xf32, #tpu.memory_space<vmem>>, vector<1x1x16xf32>,
          %get3A_571 = vector.shape_cast %get3A_570 : vector<1x1x16xf32> to vector<16xf32>
          %sub3A_572 = arith.subf %get3A_571, %get3A_471 : vector<16xf32>
          %swap3A_573 = arith.constant 2 : i32
          %swap3A_574 = arith.index_cast %swap3A_573 : i32 to index
          %swap3A_575 = arith.index_cast %add3A_539 : i32 to index
          %swap3A_576 = arith.constant 32 : index
          %swap3A_577 = tpu.vector_load %arg6[%swap3A_574, %swap3A_575, %swap3A_576] {strides = array<i32>} : memref<6x128x128xf32, #tpu.memory_space<vmem>>, vector<1x1x16xf32>,
          %swap3A_578 = vector.shape_cast %swap3A_577 : vector<1x1x16xf32> to vector<16xf32>
          %swap3A_579 = vector.shape_cast %sub3A_572 : vector<16xf32> to vector<1x1x16xf32>
          tpu.vector_store %arg6[%swap3A_574, %swap3A_575, %swap3A_576], %swap3A_579 {strides = array<i32>} : memref<6x128x128xf32, #tpu.memory_space<vmem>>, vector<1x1x16xf32>,
          %get3A_580 = arith.constant 2 : i32
          %get3A_581 = arith.index_cast %get3A_580 : i32 to index
          %get3A_582 = arith.index_cast %add3A_539 : i32 to index
          %get3A_583 = arith.constant 48 : index
          %get3A_584 = tpu.vector_load %arg6[%get3A_581, %get3A_582, %get3A_583] {strides = array<i32>} : memref<6x128x128xf32, #tpu.memory_space<vmem>>, vector<1x1x16xf32>,
          %get3A_585 = vector.shape_cast %get3A_584 : vector<1x1x16xf32> to vector<16xf32>
          %sub3A_586 = arith.subf %get3A_585, %get3A_478 : vector<16xf32>
          %swap3A_587 = arith.constant 2 : i32
          %swap3A_588 = arith.index_cast %swap3A_587 : i32 to index
          %swap3A_589 = arith.index_cast %add3A_539 : i32 to index
          %swap3A_590 = arith.constant 48 : index
          %swap3A_591 = tpu.vector_load %arg6[%swap3A_588, %swap3A_589, %swap3A_590] {strides = array<i32>} : memref<6x128x128xf32, #tpu.memory_space<vmem>>, vector<1x1x16xf32>,
          %swap3A_592 = vector.shape_cast %swap3A_591 : vector<1x1x16xf32> to vector<16xf32>
          %swap3A_593 = vector.shape_cast %sub3A_586 : vector<16xf32> to vector<1x1x16xf32>
          tpu.vector_store %arg6[%swap3A_588, %swap3A_589, %swap3A_590], %swap3A_593 {strides = array<i32>} : memref<6x128x128xf32, #tpu.memory_space<vmem>>, vector<1x1x16xf32>,
          %get3A_594 = arith.constant 2 : i32
          %get3A_595 = arith.index_cast %get3A_594 : i32 to index
          %get3A_596 = arith.index_cast %add3A_539 : i32 to index
          %get3A_597 = arith.constant 64 : index
          %get3A_598 = tpu.vector_load %arg6[%get3A_595, %get3A_596, %get3A_597] {strides = array<i32>} : memref<6x128x128xf32, #tpu.memory_space<vmem>>, vector<1x1x16xf32>,
          %get3A_599 = vector.shape_cast %get3A_598 : vector<1x1x16xf32> to vector<16xf32>
          %sub3A_600 = arith.subf %get3A_599, %get3A_485 : vector<16xf32>
          %swap3A_601 = arith.constant 2 : i32
          %swap3A_602 = arith.index_cast %swap3A_601 : i32 to index
          %swap3A_603 = arith.index_cast %add3A_539 : i32 to index
          %swap3A_604 = arith.constant 64 : index
          %swap3A_605 = tpu.vector_load %arg6[%swap3A_602, %swap3A_603, %swap3A_604] {strides = array<i32>} : memref<6x128x128xf32, #tpu.memory_space<vmem>>, vector<1x1x16xf32>,
          %swap3A_606 = vector.shape_cast %swap3A_605 : vector<1x1x16xf32> to vector<16xf32>
          %swap3A_607 = vector.shape_cast %sub3A_600 : vector<16xf32> to vector<1x1x16xf32>
          tpu.vector_store %arg6[%swap3A_602, %swap3A_603, %swap3A_604], %swap3A_607 {strides = array<i32>} : memref<6x128x128xf32, #tpu.memory_space<vmem>>, vector<1x1x16xf32>,
          %get3A_608 = arith.constant 2 : i32
          %get3A_609 = arith.index_cast %get3A_608 : i32 to index
          %get3A_610 = arith.index_cast %add3A_539 : i32 to index
          %get3A_611 = arith.constant 80 : index
          %get3A_612 = tpu.vector_load %arg6[%get3A_609, %get3A_610, %get3A_611] {strides = array<i32>} : memref<6x128x128xf32, #tpu.memory_space<vmem>>, vector<1x1x16xf32>,
          %get3A_613 = vector.shape_cast %get3A_612 : vector<1x1x16xf32> to vector<16xf32>
          %sub3A_614 = arith.subf %get3A_613, %get3A_492 : vector<16xf32>
          %swap3A_615 = arith.constant 2 : i32
          %swap3A_616 = arith.index_cast %swap3A_615 : i32 to index
          %swap3A_617 = arith.index_cast %add3A_539 : i32 to index
          %swap3A_618 = arith.constant 80 : index
          %swap3A_619 = tpu.vector_load %arg6[%swap3A_616, %swap3A_617, %swap3A_618] {strides = array<i32>} : memref<6x128x128xf32, #tpu.memory_space<vmem>>, vector<1x1x16xf32>,
          %swap3A_620 = vector.shape_cast %swap3A_619 : vector<1x1x16xf32> to vector<16xf32>
          %swap3A_621 = vector.shape_cast %sub3A_614 : vector<16xf32> to vector<1x1x16xf32>
          tpu.vector_store %arg6[%swap3A_616, %swap3A_617, %swap3A_618], %swap3A_621 {strides = array<i32>} : memref<6x128x128xf32, #tpu.memory_space<vmem>>, vector<1x1x16xf32>,
          %get3A_622 = arith.constant 2 : i32
          %get3A_623 = arith.index_cast %get3A_622 : i32 to index
          %get3A_624 = arith.index_cast %add3A_539 : i32 to index
          %get3A_625 = arith.constant 96 : index
          %get3A_626 = tpu.vector_load %arg6[%get3A_623, %get3A_624, %get3A_625] {strides = array<i32>} : memref<6x128x128xf32, #tpu.memory_space<vmem>>, vector<1x1x16xf32>,
          %get3A_627 = vector.shape_cast %get3A_626 : vector<1x1x16xf32> to vector<16xf32>
          %sub3A_628 = arith.subf %get3A_627, %get3A_499 : vector<16xf32>
          %swap3A_629 = arith.constant 2 : i32
          %swap3A_630 = arith.index_cast %swap3A_629 : i32 to index
          %swap3A_631 = arith.index_cast %add3A_539 : i32 to index
          %swap3A_632 = arith.constant 96 : index
          %swap3A_633 = tpu.vector_load %arg6[%swap3A_630, %swap3A_631, %swap3A_632] {strides = array<i32>} : memref<6x128x128xf32, #tpu.memory_space<vmem>>, vector<1x1x16xf32>,
          %swap3A_634 = vector.shape_cast %swap3A_633 : vector<1x1x16xf32> to vector<16xf32>
          %swap3A_635 = vector.shape_cast %sub3A_628 : vector<16xf32> to vector<1x1x16xf32>
          tpu.vector_store %arg6[%swap3A_630, %swap3A_631, %swap3A_632], %swap3A_635 {strides = array<i32>} : memref<6x128x128xf32, #tpu.memory_space<vmem>>, vector<1x1x16xf32>,
          %get3A_636 = arith.constant 2 : i32
          %get3A_637 = arith.index_cast %get3A_636 : i32 to index
          %get3A_638 = arith.index_cast %add3A_539 : i32 to index
          %get3A_639 = arith.constant 112 : index
          %get3A_640 = tpu.vector_load %arg6[%get3A_637, %get3A_638, %get3A_639] {strides = array<i32>} : memref<6x128x128xf32, #tpu.memory_space<vmem>>, vector<1x1x16xf32>,
          %get3A_641 = vector.shape_cast %get3A_640 : vector<1x1x16xf32> to vector<16xf32>
          %sub3A_642 = arith.subf %get3A_641, %get3A_506 : vector<16xf32>
          %swap3A_643 = arith.constant 2 : i32
          %swap3A_644 = arith.index_cast %swap3A_643 : i32 to index
          %swap3A_645 = arith.index_cast %add3A_539 : i32 to index
          %swap3A_646 = arith.constant 112 : index
          %swap3A_647 = tpu.vector_load %arg6[%swap3A_644, %swap3A_645, %swap3A_646] {strides = array<i32>} : memref<6x128x128xf32, #tpu.memory_space<vmem>>, vector<1x1x16xf32>,
          %swap3A_648 = vector.shape_cast %swap3A_647 : vector<1x1x16xf32> to vector<16xf32>
          %swap3A_649 = vector.shape_cast %sub3A_642 : vector<16xf32> to vector<1x1x16xf32>
          tpu.vector_store %arg6[%swap3A_644, %swap3A_645, %swap3A_646], %swap3A_649 {strides = array<i32>} : memref<6x128x128xf32, #tpu.memory_space<vmem>>, vector<1x1x16xf32>,
          %scan3A_650 = arith.constant 0 : i32
          scf.yield %scan3A_650 : i32
        }
        %scan3A_513 = arith.constant 32 : i32
        %add3A_514 = arith.addi %add3A_4, %add3A_209 : i32
        %mul3A_515 = arith.constant 128 : i32
        %mul3A_516 = arith.muli %add3A_514, %mul3A_515 : i32
        %dma_start3A_517 = arith.constant 2 : i32
        %dma_start3A_518 = arith.constant 0 : i32
        %dma_start3A_519 = arith.constant 0 : i32
        %dma_start3A_520 = tpu.memref_slice %arg6[%dma_start3A_517, %dma_start3A_518, %dma_start3A_519] : memref<6x128x128xf32, #tpu.memory_space<vmem>> -> memref<1x128x128xf32, #tpu.memory_space<vmem>>
        %dma_start3A_521 = tpu.memref_squeeze %dma_start3A_520 : memref<1x128x128xf32, #tpu.memory_space<vmem>> -> memref<128x128xf32, #tpu.memory_space<vmem>>
        %dma_start3A_522 = arith.constant 0 : i32
        %dma_start3A_523 = tpu.memref_slice %arg4[%mul3A_516, %dma_start3A_522] : memref<320000x128xf32, #tpu.memory_space<hbm>> -> memref<128x128xf32, #tpu.memory_space<hbm>>
        %dma_start3A_524 = arith.constant 0 : i32
        %dma_start3A_525 = tpu.memref_slice %arg4[%mul3A_516, %dma_start3A_524] : memref<320000x128xf32, #tpu.memory_space<hbm>> -> memref<128x128xf32, #tpu.memory_space<hbm>>
        %dma_start3A_526 = arith.constant 0 : i32
        %dma_start3A_527 = arith.constant 0 : i32
        %dma_start3A_528 = tpu.memref_slice %arg6[%dma_start3A_517, %dma_start3A_526, %dma_start3A_527] : memref<6x128x128xf32, #tpu.memory_space<vmem>> -> memref<1x128x128xf32, #tpu.memory_space<vmem>>
        %dma_start3A_529 = tpu.memref_squeeze %dma_start3A_528 : memref<1x128x128xf32, #tpu.memory_space<vmem>> -> memref<128x128xf32, #tpu.memory_space<vmem>>
        tpu.enqueue_dma source(%dma_start3A_529 : memref<128x128xf32, #tpu.memory_space<vmem>>) target(%dma_start3A_525 : memref<128x128xf32, #tpu.memory_space<hbm>>) target_semaphore(%arg10 : memref<!tpu.dma_semaphore, #tpu.memory_space<semaphore_mem>>)
        %add3A_530 = arith.constant 3 : i32
        %add3A_531 = arith.addi %add3A_209, %add3A_530 : i32
        %lt3A_532 = arith.cmpi slt, %add3A_531, %add3A_8 : i32
        %convert_element_type3A_533 = arith.extui %lt3A_532 : i1 to i32
        %cond3A_534 = arith.constant 0 : i32
        %cond3A_535 = arith.cmpi ne, %convert_element_type3A_533, %cond3A_534 : i32
        scf.if %cond3A_535 {
          %ge3A = arith.constant 3 : i32
          %ge3A_536 = arith.cmpi sge, %add3A_209, %ge3A : i32
          %convert_element_type3A_537 = arith.extui %ge3A_536 : i1 to i32
          %cond3A_538 = arith.constant 0 : i32
          %cond3A_539 = arith.cmpi ne, %convert_element_type3A_537, %cond3A_538 : i32
          scf.if %cond3A_539 {
            %mul3A_569 = arith.constant 128 : i32
            %mul3A_570 = arith.muli %add3A_4, %mul3A_569 : i32
            %dma_wait3A_571 = arith.constant 2 : i32
            %dma_wait3A_572 = arith.constant 0 : i32
            %dma_wait3A_573 = arith.constant 0 : i32
            %dma_wait3A_574 = tpu.memref_slice %arg6[%dma_wait3A_571, %dma_wait3A_572, %dma_wait3A_573] : memref<6x128x128xf32, #tpu.memory_space<vmem>> -> memref<1x128x128xf32, #tpu.memory_space<vmem>>
            %dma_wait3A_575 = tpu.memref_squeeze %dma_wait3A_574 : memref<1x128x128xf32, #tpu.memory_space<vmem>> -> memref<128x128xf32, #tpu.memory_space<vmem>>
            %dma_wait3A_576 = arith.constant 0 : i32
            %dma_wait3A_577 = tpu.memref_slice %arg4[%mul3A_570, %dma_wait3A_576] : memref<320000x128xf32, #tpu.memory_space<hbm>> -> memref<128x128xf32, #tpu.memory_space<hbm>>
            %dma_wait3A_578 = arith.constant 0 : i32
            %dma_wait3A_579 = tpu.memref_slice %arg4[%mul3A_570, %dma_wait3A_578] : memref<320000x128xf32, #tpu.memory_space<hbm>> -> memref<128x128xf32, #tpu.memory_space<hbm>>
            %dma_wait3A_580 = arith.constant 0 : i32
            %dma_wait3A_581 = arith.constant 0 : i32
            %dma_wait3A_582 = tpu.memref_slice %arg6[%dma_wait3A_571, %dma_wait3A_580, %dma_wait3A_581] : memref<6x128x128xf32, #tpu.memory_space<vmem>> -> memref<1x128x128xf32, #tpu.memory_space<vmem>>
            %dma_wait3A_583 = tpu.memref_squeeze %dma_wait3A_582 : memref<1x128x128xf32, #tpu.memory_space<vmem>> -> memref<128x128xf32, #tpu.memory_space<vmem>>
            tpu.wait_dma2 semaphore(%arg10 : memref<!tpu.dma_semaphore, #tpu.memory_space<semaphore_mem>>) src(%dma_wait3A_583 : memref<128x128xf32, #tpu.memory_space<vmem>>) dst(%dma_wait3A_579 : memref<128x128xf32, #tpu.memory_space<hbm>>)
          } else {
          }
          %add3A_540 = arith.constant 3 : i32
          %add3A_541 = arith.addi %add3A_209, %add3A_540 : i32
          %mul3A_542 = arith.constant 128 : i32
          %mul3A_543 = arith.muli %add3A_541, %mul3A_542 : i32
          %dma_start3A_544 = arith.constant 5 : i32
          %dma_start3A_545 = arith.constant 0 : i32
          %dma_start3A_546 = arith.constant 0 : i32
          %dma_start3A_547 = tpu.memref_slice %arg6[%dma_start3A_544, %dma_start3A_545, %dma_start3A_546] : memref<6x128x128xf32, #tpu.memory_space<vmem>> -> memref<1x128x128xf32, #tpu.memory_space<vmem>>
          %dma_start3A_548 = tpu.memref_squeeze %dma_start3A_547 : memref<1x128x128xf32, #tpu.memory_space<vmem>> -> memref<128x128xf32, #tpu.memory_space<vmem>>
          %dma_start3A_549 = tpu.memref_slice %arg5[%mul3A_543] : memref<10112xi32, #tpu.memory_space<vmem>> -> memref<128xi32, #tpu.memory_space<vmem>>
          %dma_start3A_550 = arith.constant 0 : i32
          %dma_start3A_551 = arith.constant 0 : i32
          %dma_start3A_552 = tpu.memref_slice %arg2[%dma_start3A_550, %dma_start3A_551] : memref<10000x128xf32, #tpu.memory_space<hbm>> -> memref<10000x128xf32, #tpu.memory_space<hbm>>
          tpu.enqueue_indirect_dma source(%dma_start3A_552 : memref<10000x128xf32, #tpu.memory_space<hbm>>) target(%dma_start3A_548 : memref<128x128xf32, #tpu.memory_space<vmem>>) offsets(%dma_start3A_549 : memref<128xi32, #tpu.memory_space<vmem>>) semaphore(%arg8 : memref<!tpu.dma_semaphore, #tpu.memory_space<semaphore_mem>>)
          %add3A_553 = arith.addi %add3A_4, %add3A_541 : i32
          %mul3A_554 = arith.constant 4 : i32
          %mul3A_555 = arith.muli %add3A_553, %mul3A_554 : i32
          %dma_start3A_556 = arith.constant 5 : i32
          %dma_start3A_557 = arith.constant 0 : i32
          %dma_start3A_558 = arith.constant 0 : i32
          %dma_start3A_559 = tpu.memref_slice %arg7[%dma_start3A_556, %dma_start3A_557, %dma_start3A_558] : memref<6x4x128xf32, #tpu.memory_space<vmem>> -> memref<1x4x128xf32, #tpu.memory_space<vmem>>
          %dma_start3A_560 = tpu.memref_squeeze %dma_start3A_559 : memref<1x4x128xf32, #tpu.memory_space<vmem>> -> memref<4x128xf32, #tpu.memory_space<vmem>>
          %dma_start3A_561 = arith.constant 0 : i32
          %dma_start3A_562 = tpu.memref_slice %arg2[%mul3A_555, %dma_start3A_561] : memref<10000x128xf32, #tpu.memory_space<hbm>> -> memref<4x128xf32, #tpu.memory_space<hbm>>
          %dma_start3A_563 = arith.constant 0 : i32
          %dma_start3A_564 = arith.constant 0 : i32
          %dma_start3A_565 = tpu.memref_slice %arg7[%dma_start3A_556, %dma_start3A_563, %dma_start3A_564] : memref<6x4x128xf32, #tpu.memory_space<vmem>> -> memref<1x4x128xf32, #tpu.memory_space<vmem>>
          %dma_start3A_566 = tpu.memref_squeeze %dma_start3A_565 : memref<1x4x128xf32, #tpu.memory_space<vmem>> -> memref<4x128xf32, #tpu.memory_space<vmem>>
          %dma_start3A_567 = arith.constant 0 : i32
          %dma_start3A_568 = tpu.memref_slice %arg2[%mul3A_555, %dma_start3A_567] : memref<10000x128xf32, #tpu.memory_space<hbm>> -> memref<4x128xf32, #tpu.memory_space<hbm>>
          tpu.enqueue_dma source(%dma_start3A_568 : memref<4x128xf32, #tpu.memory_space<hbm>>) target(%dma_start3A_566 : memref<4x128xf32, #tpu.memory_space<vmem>>) target_semaphore(%arg9 : memref<!tpu.dma_semaphore, #tpu.memory_space<semaphore_mem>>)
        } else {
        }
      } else {
      }
      %mul3A_214 = arith.constant 6 : i32
      %mul3A_215 = arith.muli %scan3A_191, %mul3A_214 : i32
      %add3A_216 = arith.constant 3 : i32
      %add3A_217 = arith.addi %mul3A_215, %add3A_216 : i32
      %lt3A_218 = arith.cmpi slt, %add3A_217, %add3A_8 : i32
      %convert_element_type3A_219 = arith.extui %lt3A_218 : i1 to i32
      %cond3A_220 = arith.constant 0 : i32
      %cond3A_221 = arith.cmpi ne, %convert_element_type3A_219, %cond3A_220 : i32
      scf.if %cond3A_221 {
        %mul3A_238 = arith.constant 4 : i32
        %mul3A_239 = arith.muli %add3A_4, %mul3A_238 : i32
        %dma_wait3A_240 = arith.constant 3 : i32
        %dma_wait3A_241 = arith.constant 0 : i32
        %dma_wait3A_242 = arith.constant 0 : i32
        %dma_wait3A_243 = tpu.memref_slice %arg7[%dma_wait3A_240, %dma_wait3A_241, %dma_wait3A_242] : memref<6x4x128xf32, #tpu.memory_space<vmem>> -> memref<1x4x128xf32, #tpu.memory_space<vmem>>
        %dma_wait3A_244 = tpu.memref_squeeze %dma_wait3A_243 : memref<1x4x128xf32, #tpu.memory_space<vmem>> -> memref<4x128xf32, #tpu.memory_space<vmem>>
        %dma_wait3A_245 = arith.constant 0 : i32
        %dma_wait3A_246 = tpu.memref_slice %arg2[%mul3A_239, %dma_wait3A_245] : memref<10000x128xf32, #tpu.memory_space<hbm>> -> memref<4x128xf32, #tpu.memory_space<hbm>>
        %dma_wait3A_247 = arith.constant 0 : i32
        %dma_wait3A_248 = arith.constant 0 : i32
        %dma_wait3A_249 = tpu.memref_slice %arg7[%dma_wait3A_240, %dma_wait3A_247, %dma_wait3A_248] : memref<6x4x128xf32, #tpu.memory_space<vmem>> -> memref<1x4x128xf32, #tpu.memory_space<vmem>>
        %dma_wait3A_250 = tpu.memref_squeeze %dma_wait3A_249 : memref<1x4x128xf32, #tpu.memory_space<vmem>> -> memref<4x128xf32, #tpu.memory_space<vmem>>
        %dma_wait3A_251 = arith.constant 0 : i32
        %dma_wait3A_252 = tpu.memref_slice %arg2[%mul3A_239, %dma_wait3A_251] : memref<10000x128xf32, #tpu.memory_space<hbm>> -> memref<4x128xf32, #tpu.memory_space<hbm>>
        tpu.wait_dma2 semaphore(%arg9 : memref<!tpu.dma_semaphore, #tpu.memory_space<semaphore_mem>>) src(%dma_wait3A_252 : memref<4x128xf32, #tpu.memory_space<hbm>>) dst(%dma_wait3A_250 : memref<4x128xf32, #tpu.memory_space<vmem>>)
        %dma_wait3A_253 = arith.constant 3 : i32
        %dma_wait3A_254 = arith.constant 0 : i32
        %dma_wait3A_255 = arith.constant 0 : i32
        %dma_wait3A_256 = tpu.memref_slice %arg6[%dma_wait3A_253, %dma_wait3A_254, %dma_wait3A_255] : memref<6x128x128xf32, #tpu.memory_space<vmem>> -> memref<1x128x128xf32, #tpu.memory_space<vmem>>
        %dma_wait3A_257 = tpu.memref_squeeze %dma_wait3A_256 : memref<1x128x128xf32, #tpu.memory_space<vmem>> -> memref<128x128xf32, #tpu.memory_space<vmem>>
        %dma_wait3A_258 = arith.constant 0 : i32
        %dma_wait3A_259 = tpu.memref_slice %arg5[%dma_wait3A_258] : memref<10112xi32, #tpu.memory_space<vmem>> -> memref<128xi32, #tpu.memory_space<vmem>>
        %dma_wait3A_260 = arith.constant 0 : i32
        %dma_wait3A_261 = arith.constant 0 : i32
        %dma_wait3A_262 = tpu.memref_slice %arg2[%dma_wait3A_260, %dma_wait3A_261] : memref<10000x128xf32, #tpu.memory_space<hbm>> -> memref<10000x128xf32, #tpu.memory_space<hbm>>
        tpu.wait_indirect_dma semaphore(%arg8 : memref<!tpu.dma_semaphore, #tpu.memory_space<semaphore_mem>>) src(%dma_wait3A_262 : memref<10000x128xf32, #tpu.memory_space<hbm>>) dst(%dma_wait3A_257 : memref<128x128xf32, #tpu.memory_space<vmem>>)
        %get3A = arith.constant 3 : i32
        %get3A_263 = arith.constant 0 : i32
        %get3A_264 = arith.index_cast %get3A : i32 to index
        %get3A_265 = arith.index_cast %get3A_263 : i32 to index
        %get3A_266 = arith.constant 0 : index
        %get3A_267 = tpu.vector_load %arg7[%get3A_264, %get3A_265, %get3A_266] {strides = array<i32>} : memref<6x4x128xf32, #tpu.memory_space<vmem>>, vector<1x1x16xf32>,
        %get3A_268 = vector.shape_cast %get3A_267 : vector<1x1x16xf32> to vector<16xf32>
        %get3A_269 = arith.constant 3 : i32
        %get3A_270 = arith.constant 0 : i32
        %get3A_271 = arith.index_cast %get3A_269 : i32 to index
        %get3A_272 = arith.index_cast %get3A_270 : i32 to index
        %get3A_273 = arith.constant 16 : index
        %get3A_274 = tpu.vector_load %arg7[%get3A_271, %get3A_272, %get3A_273] {strides = array<i32>} : memref<6x4x128xf32, #tpu.memory_space<vmem>>, vector<1x1x16xf32>,
        %get3A_275 = vector.shape_cast %get3A_274 : vector<1x1x16xf32> to vector<16xf32>
        %get3A_276 = arith.constant 3 : i32
        %get3A_277 = arith.constant 0 : i32
        %get3A_278 = arith.index_cast %get3A_276 : i32 to index
        %get3A_279 = arith.index_cast %get3A_277 : i32 to index
        %get3A_280 = arith.constant 32 : index
        %get3A_281 = tpu.vector_load %arg7[%get3A_278, %get3A_279, %get3A_280] {strides = array<i32>} : memref<6x4x128xf32, #tpu.memory_space<vmem>>, vector<1x1x16xf32>,
        %get3A_282 = vector.shape_cast %get3A_281 : vector<1x1x16xf32> to vector<16xf32>
        %get3A_283 = arith.constant 3 : i32
        %get3A_284 = arith.constant 0 : i32
        %get3A_285 = arith.index_cast %get3A_283 : i32 to index
        %get3A_286 = arith.index_cast %get3A_284 : i32 to index
        %get3A_287 = arith.constant 48 : index
        %get3A_288 = tpu.vector_load %arg7[%get3A_285, %get3A_286, %get3A_287] {strides = array<i32>} : memref<6x4x128xf32, #tpu.memory_space<vmem>>, vector<1x1x16xf32>,
        %get3A_289 = vector.shape_cast %get3A_288 : vector<1x1x16xf32> to vector<16xf32>
        %get3A_290 = arith.constant 3 : i32
        %get3A_291 = arith.constant 0 : i32
        %get3A_292 = arith.index_cast %get3A_290 : i32 to index
        %get3A_293 = arith.index_cast %get3A_291 : i32 to index
        %get3A_294 = arith.constant 64 : index
        %get3A_295 = tpu.vector_load %arg7[%get3A_292, %get3A_293, %get3A_294] {strides = array<i32>} : memref<6x4x128xf32, #tpu.memory_space<vmem>>, vector<1x1x16xf32>,
        %get3A_296 = vector.shape_cast %get3A_295 : vector<1x1x16xf32> to vector<16xf32>
        %get3A_297 = arith.constant 3 : i32
        %get3A_298 = arith.constant 0 : i32
        %get3A_299 = arith.index_cast %get3A_297 : i32 to index
        %get3A_300 = arith.index_cast %get3A_298 : i32 to index
        %get3A_301 = arith.constant 80 : index
        %get3A_302 = tpu.vector_load %arg7[%get3A_299, %get3A_300, %get3A_301] {strides = array<i32>} : memref<6x4x128xf32, #tpu.memory_space<vmem>>, vector<1x1x16xf32>,
        %get3A_303 = vector.shape_cast %get3A_302 : vector<1x1x16xf32> to vector<16xf32>
        %get3A_304 = arith.constant 3 : i32
        %get3A_305 = arith.constant 0 : i32
        %get3A_306 = arith.index_cast %get3A_304 : i32 to index
        %get3A_307 = arith.index_cast %get3A_305 : i32 to index
        %get3A_308 = arith.constant 96 : index
        %get3A_309 = tpu.vector_load %arg7[%get3A_306, %get3A_307, %get3A_308] {strides = array<i32>} : memref<6x4x128xf32, #tpu.memory_space<vmem>>, vector<1x1x16xf32>,
        %get3A_310 = vector.shape_cast %get3A_309 : vector<1x1x16xf32> to vector<16xf32>
        %get3A_311 = arith.constant 3 : i32
        %get3A_312 = arith.constant 0 : i32
        %get3A_313 = arith.index_cast %get3A_311 : i32 to index
        %get3A_314 = arith.index_cast %get3A_312 : i32 to index
        %get3A_315 = arith.constant 112 : index
        %get3A_316 = tpu.vector_load %arg7[%get3A_313, %get3A_314, %get3A_315] {strides = array<i32>} : memref<6x4x128xf32, #tpu.memory_space<vmem>>, vector<1x1x16xf32>,
        %get3A_317 = vector.shape_cast %get3A_316 : vector<1x1x16xf32> to vector<16xf32>
        %scan3A_318 = arith.constant 0 : i32
        %scan3A_319 = arith.constant 0 : i32
        %scan3A_320 = arith.constant 32 : i32
        %scan3A_321 = arith.addi %scan3A_319, %scan3A_320 : i32
        %scan3A_322 = arith.constant 1 : i32
        %scan3A_323 = scf.for %scan3A_536 = %scan3A_319 to %scan3A_321 step %scan3A_322 iter_args(%scan3A_537 = %scan3A_318) -> (i32)  : i32 {
          %add3A_538 = arith.constant 0 : i32
          %add3A_539 = arith.addi %add3A_538, %scan3A_536 : i32
          %get3A_540 = arith.constant 3 : i32
          %get3A_541 = arith.index_cast %get3A_540 : i32 to index
          %get3A_542 = arith.index_cast %add3A_539 : i32 to index
          %get3A_543 = arith.constant 0 : index
          %get3A_544 = tpu.vector_load %arg6[%get3A_541, %get3A_542, %get3A_543] {strides = array<i32>} : memref<6x128x128xf32, #tpu.memory_space<vmem>>, vector<1x1x16xf32>,
          %get3A_545 = vector.shape_cast %get3A_544 : vector<1x1x16xf32> to vector<16xf32>
          %sub3A = arith.subf %get3A_545, %get3A_268 : vector<16xf32>
          %swap3A = arith.constant 3 : i32
          %swap3A_546 = arith.index_cast %swap3A : i32 to index
          %swap3A_547 = arith.index_cast %add3A_539 : i32 to index
          %swap3A_548 = arith.constant 0 : index
          %swap3A_549 = tpu.vector_load %arg6[%swap3A_546, %swap3A_547, %swap3A_548] {strides = array<i32>} : memref<6x128x128xf32, #tpu.memory_space<vmem>>, vector<1x1x16xf32>,
          %swap3A_550 = vector.shape_cast %swap3A_549 : vector<1x1x16xf32> to vector<16xf32>
          %swap3A_551 = vector.shape_cast %sub3A : vector<16xf32> to vector<1x1x16xf32>
          tpu.vector_store %arg6[%swap3A_546, %swap3A_547, %swap3A_548], %swap3A_551 {strides = array<i32>} : memref<6x128x128xf32, #tpu.memory_space<vmem>>, vector<1x1x16xf32>,
          %get3A_552 = arith.constant 3 : i32
          %get3A_553 = arith.index_cast %get3A_552 : i32 to index
          %get3A_554 = arith.index_cast %add3A_539 : i32 to index
          %get3A_555 = arith.constant 16 : index
          %get3A_556 = tpu.vector_load %arg6[%get3A_553, %get3A_554, %get3A_555] {strides = array<i32>} : memref<6x128x128xf32, #tpu.memory_space<vmem>>, vector<1x1x16xf32>,
          %get3A_557 = vector.shape_cast %get3A_556 : vector<1x1x16xf32> to vector<16xf32>
          %sub3A_558 = arith.subf %get3A_557, %get3A_275 : vector<16xf32>
          %swap3A_559 = arith.constant 3 : i32
          %swap3A_560 = arith.index_cast %swap3A_559 : i32 to index
          %swap3A_561 = arith.index_cast %add3A_539 : i32 to index
          %swap3A_562 = arith.constant 16 : index
          %swap3A_563 = tpu.vector_load %arg6[%swap3A_560, %swap3A_561, %swap3A_562] {strides = array<i32>} : memref<6x128x128xf32, #tpu.memory_space<vmem>>, vector<1x1x16xf32>,
          %swap3A_564 = vector.shape_cast %swap3A_563 : vector<1x1x16xf32> to vector<16xf32>
          %swap3A_565 = vector.shape_cast %sub3A_558 : vector<16xf32> to vector<1x1x16xf32>
          tpu.vector_store %arg6[%swap3A_560, %swap3A_561, %swap3A_562], %swap3A_565 {strides = array<i32>} : memref<6x128x128xf32, #tpu.memory_space<vmem>>, vector<1x1x16xf32>,
          %get3A_566 = arith.constant 3 : i32
          %get3A_567 = arith.index_cast %get3A_566 : i32 to index
          %get3A_568 = arith.index_cast %add3A_539 : i32 to index
          %get3A_569 = arith.constant 32 : index
          %get3A_570 = tpu.vector_load %arg6[%get3A_567, %get3A_568, %get3A_569] {strides = array<i32>} : memref<6x128x128xf32, #tpu.memory_space<vmem>>, vector<1x1x16xf32>,
          %get3A_571 = vector.shape_cast %get3A_570 : vector<1x1x16xf32> to vector<16xf32>
          %sub3A_572 = arith.subf %get3A_571, %get3A_282 : vector<16xf32>
          %swap3A_573 = arith.constant 3 : i32
          %swap3A_574 = arith.index_cast %swap3A_573 : i32 to index
          %swap3A_575 = arith.index_cast %add3A_539 : i32 to index
          %swap3A_576 = arith.constant 32 : index
          %swap3A_577 = tpu.vector_load %arg6[%swap3A_574, %swap3A_575, %swap3A_576] {strides = array<i32>} : memref<6x128x128xf32, #tpu.memory_space<vmem>>, vector<1x1x16xf32>,
          %swap3A_578 = vector.shape_cast %swap3A_577 : vector<1x1x16xf32> to vector<16xf32>
          %swap3A_579 = vector.shape_cast %sub3A_572 : vector<16xf32> to vector<1x1x16xf32>
          tpu.vector_store %arg6[%swap3A_574, %swap3A_575, %swap3A_576], %swap3A_579 {strides = array<i32>} : memref<6x128x128xf32, #tpu.memory_space<vmem>>, vector<1x1x16xf32>,
          %get3A_580 = arith.constant 3 : i32
          %get3A_581 = arith.index_cast %get3A_580 : i32 to index
          %get3A_582 = arith.index_cast %add3A_539 : i32 to index
          %get3A_583 = arith.constant 48 : index
          %get3A_584 = tpu.vector_load %arg6[%get3A_581, %get3A_582, %get3A_583] {strides = array<i32>} : memref<6x128x128xf32, #tpu.memory_space<vmem>>, vector<1x1x16xf32>,
          %get3A_585 = vector.shape_cast %get3A_584 : vector<1x1x16xf32> to vector<16xf32>
          %sub3A_586 = arith.subf %get3A_585, %get3A_289 : vector<16xf32>
          %swap3A_587 = arith.constant 3 : i32
          %swap3A_588 = arith.index_cast %swap3A_587 : i32 to index
          %swap3A_589 = arith.index_cast %add3A_539 : i32 to index
          %swap3A_590 = arith.constant 48 : index
          %swap3A_591 = tpu.vector_load %arg6[%swap3A_588, %swap3A_589, %swap3A_590] {strides = array<i32>} : memref<6x128x128xf32, #tpu.memory_space<vmem>>, vector<1x1x16xf32>,
          %swap3A_592 = vector.shape_cast %swap3A_591 : vector<1x1x16xf32> to vector<16xf32>
          %swap3A_593 = vector.shape_cast %sub3A_586 : vector<16xf32> to vector<1x1x16xf32>
          tpu.vector_store %arg6[%swap3A_588, %swap3A_589, %swap3A_590], %swap3A_593 {strides = array<i32>} : memref<6x128x128xf32, #tpu.memory_space<vmem>>, vector<1x1x16xf32>,
          %get3A_594 = arith.constant 3 : i32
          %get3A_595 = arith.index_cast %get3A_594 : i32 to index
          %get3A_596 = arith.index_cast %add3A_539 : i32 to index
          %get3A_597 = arith.constant 64 : index
          %get3A_598 = tpu.vector_load %arg6[%get3A_595, %get3A_596, %get3A_597] {strides = array<i32>} : memref<6x128x128xf32, #tpu.memory_space<vmem>>, vector<1x1x16xf32>,
          %get3A_599 = vector.shape_cast %get3A_598 : vector<1x1x16xf32> to vector<16xf32>
          %sub3A_600 = arith.subf %get3A_599, %get3A_296 : vector<16xf32>
          %swap3A_601 = arith.constant 3 : i32
          %swap3A_602 = arith.index_cast %swap3A_601 : i32 to index
          %swap3A_603 = arith.index_cast %add3A_539 : i32 to index
          %swap3A_604 = arith.constant 64 : index
          %swap3A_605 = tpu.vector_load %arg6[%swap3A_602, %swap3A_603, %swap3A_604] {strides = array<i32>} : memref<6x128x128xf32, #tpu.memory_space<vmem>>, vector<1x1x16xf32>,
          %swap3A_606 = vector.shape_cast %swap3A_605 : vector<1x1x16xf32> to vector<16xf32>
          %swap3A_607 = vector.shape_cast %sub3A_600 : vector<16xf32> to vector<1x1x16xf32>
          tpu.vector_store %arg6[%swap3A_602, %swap3A_603, %swap3A_604], %swap3A_607 {strides = array<i32>} : memref<6x128x128xf32, #tpu.memory_space<vmem>>, vector<1x1x16xf32>,
          %get3A_608 = arith.constant 3 : i32
          %get3A_609 = arith.index_cast %get3A_608 : i32 to index
          %get3A_610 = arith.index_cast %add3A_539 : i32 to index
          %get3A_611 = arith.constant 80 : index
          %get3A_612 = tpu.vector_load %arg6[%get3A_609, %get3A_610, %get3A_611] {strides = array<i32>} : memref<6x128x128xf32, #tpu.memory_space<vmem>>, vector<1x1x16xf32>,
          %get3A_613 = vector.shape_cast %get3A_612 : vector<1x1x16xf32> to vector<16xf32>
          %sub3A_614 = arith.subf %get3A_613, %get3A_303 : vector<16xf32>
          %swap3A_615 = arith.constant 3 : i32
          %swap3A_616 = arith.index_cast %swap3A_615 : i32 to index
          %swap3A_617 = arith.index_cast %add3A_539 : i32 to index
          %swap3A_618 = arith.constant 80 : index
          %swap3A_619 = tpu.vector_load %arg6[%swap3A_616, %swap3A_617, %swap3A_618] {strides = array<i32>} : memref<6x128x128xf32, #tpu.memory_space<vmem>>, vector<1x1x16xf32>,
          %swap3A_620 = vector.shape_cast %swap3A_619 : vector<1x1x16xf32> to vector<16xf32>
          %swap3A_621 = vector.shape_cast %sub3A_614 : vector<16xf32> to vector<1x1x16xf32>
          tpu.vector_store %arg6[%swap3A_616, %swap3A_617, %swap3A_618], %swap3A_621 {strides = array<i32>} : memref<6x128x128xf32, #tpu.memory_space<vmem>>, vector<1x1x16xf32>,
          %get3A_622 = arith.constant 3 : i32
          %get3A_623 = arith.index_cast %get3A_622 : i32 to index
          %get3A_624 = arith.index_cast %add3A_539 : i32 to index
          %get3A_625 = arith.constant 96 : index
          %get3A_626 = tpu.vector_load %arg6[%get3A_623, %get3A_624, %get3A_625] {strides = array<i32>} : memref<6x128x128xf32, #tpu.memory_space<vmem>>, vector<1x1x16xf32>,
          %get3A_627 = vector.shape_cast %get3A_626 : vector<1x1x16xf32> to vector<16xf32>
          %sub3A_628 = arith.subf %get3A_627, %get3A_310 : vector<16xf32>
          %swap3A_629 = arith.constant 3 : i32
          %swap3A_630 = arith.index_cast %swap3A_629 : i32 to index
          %swap3A_631 = arith.index_cast %add3A_539 : i32 to index
          %swap3A_632 = arith.constant 96 : index
          %swap3A_633 = tpu.vector_load %arg6[%swap3A_630, %swap3A_631, %swap3A_632] {strides = array<i32>} : memref<6x128x128xf32, #tpu.memory_space<vmem>>, vector<1x1x16xf32>,
          %swap3A_634 = vector.shape_cast %swap3A_633 : vector<1x1x16xf32> to vector<16xf32>
          %swap3A_635 = vector.shape_cast %sub3A_628 : vector<16xf32> to vector<1x1x16xf32>
          tpu.vector_store %arg6[%swap3A_630, %swap3A_631, %swap3A_632], %swap3A_635 {strides = array<i32>} : memref<6x128x128xf32, #tpu.memory_space<vmem>>, vector<1x1x16xf32>,
          %get3A_636 = arith.constant 3 : i32
          %get3A_637 = arith.index_cast %get3A_636 : i32 to index
          %get3A_638 = arith.index_cast %add3A_539 : i32 to index
          %get3A_639 = arith.constant 112 : index
          %get3A_640 = tpu.vector_load %arg6[%get3A_637, %get3A_638, %get3A_639] {strides = array<i32>} : memref<6x128x128xf32, #tpu.memory_space<vmem>>, vector<1x1x16xf32>,
          %get3A_641 = vector.shape_cast %get3A_640 : vector<1x1x16xf32> to vector<16xf32>
          %sub3A_642 = arith.subf %get3A_641, %get3A_317 : vector<16xf32>
          %swap3A_643 = arith.constant 3 : i32
          %swap3A_644 = arith.index_cast %swap3A_643 : i32 to index
          %swap3A_645 = arith.index_cast %add3A_539 : i32 to index
          %swap3A_646 = arith.constant 112 : index
          %swap3A_647 = tpu.vector_load %arg6[%swap3A_644, %swap3A_645, %swap3A_646] {strides = array<i32>} : memref<6x128x128xf32, #tpu.memory_space<vmem>>, vector<1x1x16xf32>,
          %swap3A_648 = vector.shape_cast %swap3A_647 : vector<1x1x16xf32> to vector<16xf32>
          %swap3A_649 = vector.shape_cast %sub3A_642 : vector<16xf32> to vector<1x1x16xf32>
          tpu.vector_store %arg6[%swap3A_644, %swap3A_645, %swap3A_646], %swap3A_649 {strides = array<i32>} : memref<6x128x128xf32, #tpu.memory_space<vmem>>, vector<1x1x16xf32>,
          %scan3A_650 = arith.constant 0 : i32
          scf.yield %scan3A_650 : i32
        }
        %scan3A_324 = arith.constant 32 : i32
        %get3A_325 = arith.constant 3 : i32
        %get3A_326 = arith.constant 1 : i32
        %get3A_327 = arith.index_cast %get3A_325 : i32 to index
        %get3A_328 = arith.index_cast %get3A_326 : i32 to index
        %get3A_329 = arith.constant 0 : index
        %get3A_330 = tpu.vector_load %arg7[%get3A_327, %get3A_328, %get3A_329] {strides = array<i32>} : memref<6x4x128xf32, #tpu.memory_space<vmem>>, vector<1x1x16xf32>,
        %get3A_331 = vector.shape_cast %get3A_330 : vector<1x1x16xf32> to vector<16xf32>
        %get3A_332 = arith.constant 3 : i32
        %get3A_333 = arith.constant 1 : i32
        %get3A_334 = arith.index_cast %get3A_332 : i32 to index
        %get3A_335 = arith.index_cast %get3A_333 : i32 to index
        %get3A_336 = arith.constant 16 : index
        %get3A_337 = tpu.vector_load %arg7[%get3A_334, %get3A_335, %get3A_336] {strides = array<i32>} : memref<6x4x128xf32, #tpu.memory_space<vmem>>, vector<1x1x16xf32>,
        %get3A_338 = vector.shape_cast %get3A_337 : vector<1x1x16xf32> to vector<16xf32>
        %get3A_339 = arith.constant 3 : i32
        %get3A_340 = arith.constant 1 : i32
        %get3A_341 = arith.index_cast %get3A_339 : i32 to index
        %get3A_342 = arith.index_cast %get3A_340 : i32 to index
        %get3A_343 = arith.constant 32 : index
        %get3A_344 = tpu.vector_load %arg7[%get3A_341, %get3A_342, %get3A_343] {strides = array<i32>} : memref<6x4x128xf32, #tpu.memory_space<vmem>>, vector<1x1x16xf32>,
        %get3A_345 = vector.shape_cast %get3A_344 : vector<1x1x16xf32> to vector<16xf32>
        %get3A_346 = arith.constant 3 : i32
        %get3A_347 = arith.constant 1 : i32
        %get3A_348 = arith.index_cast %get3A_346 : i32 to index
        %get3A_349 = arith.index_cast %get3A_347 : i32 to index
        %get3A_350 = arith.constant 48 : index
        %get3A_351 = tpu.vector_load %arg7[%get3A_348, %get3A_349, %get3A_350] {strides = array<i32>} : memref<6x4x128xf32, #tpu.memory_space<vmem>>, vector<1x1x16xf32>,
        %get3A_352 = vector.shape_cast %get3A_351 : vector<1x1x16xf32> to vector<16xf32>
        %get3A_353 = arith.constant 3 : i32
        %get3A_354 = arith.constant 1 : i32
        %get3A_355 = arith.index_cast %get3A_353 : i32 to index
        %get3A_356 = arith.index_cast %get3A_354 : i32 to index
        %get3A_357 = arith.constant 64 : index
        %get3A_358 = tpu.vector_load %arg7[%get3A_355, %get3A_356, %get3A_357] {strides = array<i32>} : memref<6x4x128xf32, #tpu.memory_space<vmem>>, vector<1x1x16xf32>,
        %get3A_359 = vector.shape_cast %get3A_358 : vector<1x1x16xf32> to vector<16xf32>
        %get3A_360 = arith.constant 3 : i32
        %get3A_361 = arith.constant 1 : i32
        %get3A_362 = arith.index_cast %get3A_360 : i32 to index
        %get3A_363 = arith.index_cast %get3A_361 : i32 to index
        %get3A_364 = arith.constant 80 : index
        %get3A_365 = tpu.vector_load %arg7[%get3A_362, %get3A_363, %get3A_364] {strides = array<i32>} : memref<6x4x128xf32, #tpu.memory_space<vmem>>, vector<1x1x16xf32>,
        %get3A_366 = vector.shape_cast %get3A_365 : vector<1x1x16xf32> to vector<16xf32>
        %get3A_367 = arith.constant 3 : i32
        %get3A_368 = arith.constant 1 : i32
        %get3A_369 = arith.index_cast %get3A_367 : i32 to index
        %get3A_370 = arith.index_cast %get3A_368 : i32 to index
        %get3A_371 = arith.constant 96 : index
        %get3A_372 = tpu.vector_load %arg7[%get3A_369, %get3A_370, %get3A_371] {strides = array<i32>} : memref<6x4x128xf32, #tpu.memory_space<vmem>>, vector<1x1x16xf32>,
        %get3A_373 = vector.shape_cast %get3A_372 : vector<1x1x16xf32> to vector<16xf32>
        %get3A_374 = arith.constant 3 : i32
        %get3A_375 = arith.constant 1 : i32
        %get3A_376 = arith.index_cast %get3A_374 : i32 to index
        %get3A_377 = arith.index_cast %get3A_375 : i32 to index
        %get3A_378 = arith.constant 112 : index
        %get3A_379 = tpu.vector_load %arg7[%get3A_376, %get3A_377, %get3A_378] {strides = array<i32>} : memref<6x4x128xf32, #tpu.memory_space<vmem>>, vector<1x1x16xf32>,
        %get3A_380 = vector.shape_cast %get3A_379 : vector<1x1x16xf32> to vector<16xf32>
        %scan3A_381 = arith.constant 0 : i32
        %scan3A_382 = arith.constant 0 : i32
        %scan3A_383 = arith.constant 32 : i32
        %scan3A_384 = arith.addi %scan3A_382, %scan3A_383 : i32
        %scan3A_385 = arith.constant 1 : i32
        %scan3A_386 = scf.for %scan3A_536 = %scan3A_382 to %scan3A_384 step %scan3A_385 iter_args(%scan3A_537 = %scan3A_381) -> (i32)  : i32 {
          %add3A_538 = arith.constant 32 : i32
          %add3A_539 = arith.addi %add3A_538, %scan3A_536 : i32
          %get3A_540 = arith.constant 3 : i32
          %get3A_541 = arith.index_cast %get3A_540 : i32 to index
          %get3A_542 = arith.index_cast %add3A_539 : i32 to index
          %get3A_543 = arith.constant 0 : index
          %get3A_544 = tpu.vector_load %arg6[%get3A_541, %get3A_542, %get3A_543] {strides = array<i32>} : memref<6x128x128xf32, #tpu.memory_space<vmem>>, vector<1x1x16xf32>,
          %get3A_545 = vector.shape_cast %get3A_544 : vector<1x1x16xf32> to vector<16xf32>
          %sub3A = arith.subf %get3A_545, %get3A_331 : vector<16xf32>
          %swap3A = arith.constant 3 : i32
          %swap3A_546 = arith.index_cast %swap3A : i32 to index
          %swap3A_547 = arith.index_cast %add3A_539 : i32 to index
          %swap3A_548 = arith.constant 0 : index
          %swap3A_549 = tpu.vector_load %arg6[%swap3A_546, %swap3A_547, %swap3A_548] {strides = array<i32>} : memref<6x128x128xf32, #tpu.memory_space<vmem>>, vector<1x1x16xf32>,
          %swap3A_550 = vector.shape_cast %swap3A_549 : vector<1x1x16xf32> to vector<16xf32>
          %swap3A_551 = vector.shape_cast %sub3A : vector<16xf32> to vector<1x1x16xf32>
          tpu.vector_store %arg6[%swap3A_546, %swap3A_547, %swap3A_548], %swap3A_551 {strides = array<i32>} : memref<6x128x128xf32, #tpu.memory_space<vmem>>, vector<1x1x16xf32>,
          %get3A_552 = arith.constant 3 : i32
          %get3A_553 = arith.index_cast %get3A_552 : i32 to index
          %get3A_554 = arith.index_cast %add3A_539 : i32 to index
          %get3A_555 = arith.constant 16 : index
          %get3A_556 = tpu.vector_load %arg6[%get3A_553, %get3A_554, %get3A_555] {strides = array<i32>} : memref<6x128x128xf32, #tpu.memory_space<vmem>>, vector<1x1x16xf32>,
          %get3A_557 = vector.shape_cast %get3A_556 : vector<1x1x16xf32> to vector<16xf32>
          %sub3A_558 = arith.subf %get3A_557, %get3A_338 : vector<16xf32>
          %swap3A_559 = arith.constant 3 : i32
          %swap3A_560 = arith.index_cast %swap3A_559 : i32 to index
          %swap3A_561 = arith.index_cast %add3A_539 : i32 to index
          %swap3A_562 = arith.constant 16 : index
          %swap3A_563 = tpu.vector_load %arg6[%swap3A_560, %swap3A_561, %swap3A_562] {strides = array<i32>} : memref<6x128x128xf32, #tpu.memory_space<vmem>>, vector<1x1x16xf32>,
          %swap3A_564 = vector.shape_cast %swap3A_563 : vector<1x1x16xf32> to vector<16xf32>
          %swap3A_565 = vector.shape_cast %sub3A_558 : vector<16xf32> to vector<1x1x16xf32>
          tpu.vector_store %arg6[%swap3A_560, %swap3A_561, %swap3A_562], %swap3A_565 {strides = array<i32>} : memref<6x128x128xf32, #tpu.memory_space<vmem>>, vector<1x1x16xf32>,
          %get3A_566 = arith.constant 3 : i32
          %get3A_567 = arith.index_cast %get3A_566 : i32 to index
          %get3A_568 = arith.index_cast %add3A_539 : i32 to index
          %get3A_569 = arith.constant 32 : index
          %get3A_570 = tpu.vector_load %arg6[%get3A_567, %get3A_568, %get3A_569] {strides = array<i32>} : memref<6x128x128xf32, #tpu.memory_space<vmem>>, vector<1x1x16xf32>,
          %get3A_571 = vector.shape_cast %get3A_570 : vector<1x1x16xf32> to vector<16xf32>
          %sub3A_572 = arith.subf %get3A_571, %get3A_345 : vector<16xf32>
          %swap3A_573 = arith.constant 3 : i32
          %swap3A_574 = arith.index_cast %swap3A_573 : i32 to index
          %swap3A_575 = arith.index_cast %add3A_539 : i32 to index
          %swap3A_576 = arith.constant 32 : index
          %swap3A_577 = tpu.vector_load %arg6[%swap3A_574, %swap3A_575, %swap3A_576] {strides = array<i32>} : memref<6x128x128xf32, #tpu.memory_space<vmem>>, vector<1x1x16xf32>,
          %swap3A_578 = vector.shape_cast %swap3A_577 : vector<1x1x16xf32> to vector<16xf32>
          %swap3A_579 = vector.shape_cast %sub3A_572 : vector<16xf32> to vector<1x1x16xf32>
          tpu.vector_store %arg6[%swap3A_574, %swap3A_575, %swap3A_576], %swap3A_579 {strides = array<i32>} : memref<6x128x128xf32, #tpu.memory_space<vmem>>, vector<1x1x16xf32>,
          %get3A_580 = arith.constant 3 : i32
          %get3A_581 = arith.index_cast %get3A_580 : i32 to index
          %get3A_582 = arith.index_cast %add3A_539 : i32 to index
          %get3A_583 = arith.constant 48 : index
          %get3A_584 = tpu.vector_load %arg6[%get3A_581, %get3A_582, %get3A_583] {strides = array<i32>} : memref<6x128x128xf32, #tpu.memory_space<vmem>>, vector<1x1x16xf32>,
          %get3A_585 = vector.shape_cast %get3A_584 : vector<1x1x16xf32> to vector<16xf32>
          %sub3A_586 = arith.subf %get3A_585, %get3A_352 : vector<16xf32>
          %swap3A_587 = arith.constant 3 : i32
          %swap3A_588 = arith.index_cast %swap3A_587 : i32 to index
          %swap3A_589 = arith.index_cast %add3A_539 : i32 to index
          %swap3A_590 = arith.constant 48 : index
          %swap3A_591 = tpu.vector_load %arg6[%swap3A_588, %swap3A_589, %swap3A_590] {strides = array<i32>} : memref<6x128x128xf32, #tpu.memory_space<vmem>>, vector<1x1x16xf32>,
          %swap3A_592 = vector.shape_cast %swap3A_591 : vector<1x1x16xf32> to vector<16xf32>
          %swap3A_593 = vector.shape_cast %sub3A_586 : vector<16xf32> to vector<1x1x16xf32>
          tpu.vector_store %arg6[%swap3A_588, %swap3A_589, %swap3A_590], %swap3A_593 {strides = array<i32>} : memref<6x128x128xf32, #tpu.memory_space<vmem>>, vector<1x1x16xf32>,
          %get3A_594 = arith.constant 3 : i32
          %get3A_595 = arith.index_cast %get3A_594 : i32 to index
          %get3A_596 = arith.index_cast %add3A_539 : i32 to index
          %get3A_597 = arith.constant 64 : index
          %get3A_598 = tpu.vector_load %arg6[%get3A_595, %get3A_596, %get3A_597] {strides = array<i32>} : memref<6x128x128xf32, #tpu.memory_space<vmem>>, vector<1x1x16xf32>,
          %get3A_599 = vector.shape_cast %get3A_598 : vector<1x1x16xf32> to vector<16xf32>
          %sub3A_600 = arith.subf %get3A_599, %get3A_359 : vector<16xf32>
          %swap3A_601 = arith.constant 3 : i32
          %swap3A_602 = arith.index_cast %swap3A_601 : i32 to index
          %swap3A_603 = arith.index_cast %add3A_539 : i32 to index
          %swap3A_604 = arith.constant 64 : index
          %swap3A_605 = tpu.vector_load %arg6[%swap3A_602, %swap3A_603, %swap3A_604] {strides = array<i32>} : memref<6x128x128xf32, #tpu.memory_space<vmem>>, vector<1x1x16xf32>,
          %swap3A_606 = vector.shape_cast %swap3A_605 : vector<1x1x16xf32> to vector<16xf32>
          %swap3A_607 = vector.shape_cast %sub3A_600 : vector<16xf32> to vector<1x1x16xf32>
          tpu.vector_store %arg6[%swap3A_602, %swap3A_603, %swap3A_604], %swap3A_607 {strides = array<i32>} : memref<6x128x128xf32, #tpu.memory_space<vmem>>, vector<1x1x16xf32>,
          %get3A_608 = arith.constant 3 : i32
          %get3A_609 = arith.index_cast %get3A_608 : i32 to index
          %get3A_610 = arith.index_cast %add3A_539 : i32 to index
          %get3A_611 = arith.constant 80 : index
          %get3A_612 = tpu.vector_load %arg6[%get3A_609, %get3A_610, %get3A_611] {strides = array<i32>} : memref<6x128x128xf32, #tpu.memory_space<vmem>>, vector<1x1x16xf32>,
          %get3A_613 = vector.shape_cast %get3A_612 : vector<1x1x16xf32> to vector<16xf32>
          %sub3A_614 = arith.subf %get3A_613, %get3A_366 : vector<16xf32>
          %swap3A_615 = arith.constant 3 : i32
          %swap3A_616 = arith.index_cast %swap3A_615 : i32 to index
          %swap3A_617 = arith.index_cast %add3A_539 : i32 to index
          %swap3A_618 = arith.constant 80 : index
          %swap3A_619 = tpu.vector_load %arg6[%swap3A_616, %swap3A_617, %swap3A_618] {strides = array<i32>} : memref<6x128x128xf32, #tpu.memory_space<vmem>>, vector<1x1x16xf32>,
          %swap3A_620 = vector.shape_cast %swap3A_619 : vector<1x1x16xf32> to vector<16xf32>
          %swap3A_621 = vector.shape_cast %sub3A_614 : vector<16xf32> to vector<1x1x16xf32>
          tpu.vector_store %arg6[%swap3A_616, %swap3A_617, %swap3A_618], %swap3A_621 {strides = array<i32>} : memref<6x128x128xf32, #tpu.memory_space<vmem>>, vector<1x1x16xf32>,
          %get3A_622 = arith.constant 3 : i32
          %get3A_623 = arith.index_cast %get3A_622 : i32 to index
          %get3A_624 = arith.index_cast %add3A_539 : i32 to index
          %get3A_625 = arith.constant 96 : index
          %get3A_626 = tpu.vector_load %arg6[%get3A_623, %get3A_624, %get3A_625] {strides = array<i32>} : memref<6x128x128xf32, #tpu.memory_space<vmem>>, vector<1x1x16xf32>,
          %get3A_627 = vector.shape_cast %get3A_626 : vector<1x1x16xf32> to vector<16xf32>
          %sub3A_628 = arith.subf %get3A_627, %get3A_373 : vector<16xf32>
          %swap3A_629 = arith.constant 3 : i32
          %swap3A_630 = arith.index_cast %swap3A_629 : i32 to index
          %swap3A_631 = arith.index_cast %add3A_539 : i32 to index
          %swap3A_632 = arith.constant 96 : index
          %swap3A_633 = tpu.vector_load %arg6[%swap3A_630, %swap3A_631, %swap3A_632] {strides = array<i32>} : memref<6x128x128xf32, #tpu.memory_space<vmem>>, vector<1x1x16xf32>,
          %swap3A_634 = vector.shape_cast %swap3A_633 : vector<1x1x16xf32> to vector<16xf32>
          %swap3A_635 = vector.shape_cast %sub3A_628 : vector<16xf32> to vector<1x1x16xf32>
          tpu.vector_store %arg6[%swap3A_630, %swap3A_631, %swap3A_632], %swap3A_635 {strides = array<i32>} : memref<6x128x128xf32, #tpu.memory_space<vmem>>, vector<1x1x16xf32>,
          %get3A_636 = arith.constant 3 : i32
          %get3A_637 = arith.index_cast %get3A_636 : i32 to index
          %get3A_638 = arith.index_cast %add3A_539 : i32 to index
          %get3A_639 = arith.constant 112 : index
          %get3A_640 = tpu.vector_load %arg6[%get3A_637, %get3A_638, %get3A_639] {strides = array<i32>} : memref<6x128x128xf32, #tpu.memory_space<vmem>>, vector<1x1x16xf32>,
          %get3A_641 = vector.shape_cast %get3A_640 : vector<1x1x16xf32> to vector<16xf32>
          %sub3A_642 = arith.subf %get3A_641, %get3A_380 : vector<16xf32>
          %swap3A_643 = arith.constant 3 : i32
          %swap3A_644 = arith.index_cast %swap3A_643 : i32 to index
          %swap3A_645 = arith.index_cast %add3A_539 : i32 to index
          %swap3A_646 = arith.constant 112 : index
          %swap3A_647 = tpu.vector_load %arg6[%swap3A_644, %swap3A_645, %swap3A_646] {strides = array<i32>} : memref<6x128x128xf32, #tpu.memory_space<vmem>>, vector<1x1x16xf32>,
          %swap3A_648 = vector.shape_cast %swap3A_647 : vector<1x1x16xf32> to vector<16xf32>
          %swap3A_649 = vector.shape_cast %sub3A_642 : vector<16xf32> to vector<1x1x16xf32>
          tpu.vector_store %arg6[%swap3A_644, %swap3A_645, %swap3A_646], %swap3A_649 {strides = array<i32>} : memref<6x128x128xf32, #tpu.memory_space<vmem>>, vector<1x1x16xf32>,
          %scan3A_650 = arith.constant 0 : i32
          scf.yield %scan3A_650 : i32
        }
        %scan3A_387 = arith.constant 32 : i32
        %get3A_388 = arith.constant 3 : i32
        %get3A_389 = arith.constant 2 : i32
        %get3A_390 = arith.index_cast %get3A_388 : i32 to index
        %get3A_391 = arith.index_cast %get3A_389 : i32 to index
        %get3A_392 = arith.constant 0 : index
        %get3A_393 = tpu.vector_load %arg7[%get3A_390, %get3A_391, %get3A_392] {strides = array<i32>} : memref<6x4x128xf32, #tpu.memory_space<vmem>>, vector<1x1x16xf32>,
        %get3A_394 = vector.shape_cast %get3A_393 : vector<1x1x16xf32> to vector<16xf32>
        %get3A_395 = arith.constant 3 : i32
        %get3A_396 = arith.constant 2 : i32
        %get3A_397 = arith.index_cast %get3A_395 : i32 to index
        %get3A_398 = arith.index_cast %get3A_396 : i32 to index
        %get3A_399 = arith.constant 16 : index
        %get3A_400 = tpu.vector_load %arg7[%get3A_397, %get3A_398, %get3A_399] {strides = array<i32>} : memref<6x4x128xf32, #tpu.memory_space<vmem>>, vector<1x1x16xf32>,
        %get3A_401 = vector.shape_cast %get3A_400 : vector<1x1x16xf32> to vector<16xf32>
        %get3A_402 = arith.constant 3 : i32
        %get3A_403 = arith.constant 2 : i32
        %get3A_404 = arith.index_cast %get3A_402 : i32 to index
        %get3A_405 = arith.index_cast %get3A_403 : i32 to index
        %get3A_406 = arith.constant 32 : index
        %get3A_407 = tpu.vector_load %arg7[%get3A_404, %get3A_405, %get3A_406] {strides = array<i32>} : memref<6x4x128xf32, #tpu.memory_space<vmem>>, vector<1x1x16xf32>,
        %get3A_408 = vector.shape_cast %get3A_407 : vector<1x1x16xf32> to vector<16xf32>
        %get3A_409 = arith.constant 3 : i32
        %get3A_410 = arith.constant 2 : i32
        %get3A_411 = arith.index_cast %get3A_409 : i32 to index
        %get3A_412 = arith.index_cast %get3A_410 : i32 to index
        %get3A_413 = arith.constant 48 : index
        %get3A_414 = tpu.vector_load %arg7[%get3A_411, %get3A_412, %get3A_413] {strides = array<i32>} : memref<6x4x128xf32, #tpu.memory_space<vmem>>, vector<1x1x16xf32>,
        %get3A_415 = vector.shape_cast %get3A_414 : vector<1x1x16xf32> to vector<16xf32>
        %get3A_416 = arith.constant 3 : i32
        %get3A_417 = arith.constant 2 : i32
        %get3A_418 = arith.index_cast %get3A_416 : i32 to index
        %get3A_419 = arith.index_cast %get3A_417 : i32 to index
        %get3A_420 = arith.constant 64 : index
        %get3A_421 = tpu.vector_load %arg7[%get3A_418, %get3A_419, %get3A_420] {strides = array<i32>} : memref<6x4x128xf32, #tpu.memory_space<vmem>>, vector<1x1x16xf32>,
        %get3A_422 = vector.shape_cast %get3A_421 : vector<1x1x16xf32> to vector<16xf32>
        %get3A_423 = arith.constant 3 : i32
        %get3A_424 = arith.constant 2 : i32
        %get3A_425 = arith.index_cast %get3A_423 : i32 to index
        %get3A_426 = arith.index_cast %get3A_424 : i32 to index
        %get3A_427 = arith.constant 80 : index
        %get3A_428 = tpu.vector_load %arg7[%get3A_425, %get3A_426, %get3A_427] {strides = array<i32>} : memref<6x4x128xf32, #tpu.memory_space<vmem>>, vector<1x1x16xf32>,
        %get3A_429 = vector.shape_cast %get3A_428 : vector<1x1x16xf32> to vector<16xf32>
        %get3A_430 = arith.constant 3 : i32
        %get3A_431 = arith.constant 2 : i32
        %get3A_432 = arith.index_cast %get3A_430 : i32 to index
        %get3A_433 = arith.index_cast %get3A_431 : i32 to index
        %get3A_434 = arith.constant 96 : index
        %get3A_435 = tpu.vector_load %arg7[%get3A_432, %get3A_433, %get3A_434] {strides = array<i32>} : memref<6x4x128xf32, #tpu.memory_space<vmem>>, vector<1x1x16xf32>,
        %get3A_436 = vector.shape_cast %get3A_435 : vector<1x1x16xf32> to vector<16xf32>
        %get3A_437 = arith.constant 3 : i32
        %get3A_438 = arith.constant 2 : i32
        %get3A_439 = arith.index_cast %get3A_437 : i32 to index
        %get3A_440 = arith.index_cast %get3A_438 : i32 to index
        %get3A_441 = arith.constant 112 : index
        %get3A_442 = tpu.vector_load %arg7[%get3A_439, %get3A_440, %get3A_441] {strides = array<i32>} : memref<6x4x128xf32, #tpu.memory_space<vmem>>, vector<1x1x16xf32>,
        %get3A_443 = vector.shape_cast %get3A_442 : vector<1x1x16xf32> to vector<16xf32>
        %scan3A_444 = arith.constant 0 : i32
        %scan3A_445 = arith.constant 0 : i32
        %scan3A_446 = arith.constant 32 : i32
        %scan3A_447 = arith.addi %scan3A_445, %scan3A_446 : i32
        %scan3A_448 = arith.constant 1 : i32
        %scan3A_449 = scf.for %scan3A_536 = %scan3A_445 to %scan3A_447 step %scan3A_448 iter_args(%scan3A_537 = %scan3A_444) -> (i32)  : i32 {
          %add3A_538 = arith.constant 64 : i32
          %add3A_539 = arith.addi %add3A_538, %scan3A_536 : i32
          %get3A_540 = arith.constant 3 : i32
          %get3A_541 = arith.index_cast %get3A_540 : i32 to index
          %get3A_542 = arith.index_cast %add3A_539 : i32 to index
          %get3A_543 = arith.constant 0 : index
          %get3A_544 = tpu.vector_load %arg6[%get3A_541, %get3A_542, %get3A_543] {strides = array<i32>} : memref<6x128x128xf32, #tpu.memory_space<vmem>>, vector<1x1x16xf32>,
          %get3A_545 = vector.shape_cast %get3A_544 : vector<1x1x16xf32> to vector<16xf32>
          %sub3A = arith.subf %get3A_545, %get3A_394 : vector<16xf32>
          %swap3A = arith.constant 3 : i32
          %swap3A_546 = arith.index_cast %swap3A : i32 to index
          %swap3A_547 = arith.index_cast %add3A_539 : i32 to index
          %swap3A_548 = arith.constant 0 : index
          %swap3A_549 = tpu.vector_load %arg6[%swap3A_546, %swap3A_547, %swap3A_548] {strides = array<i32>} : memref<6x128x128xf32, #tpu.memory_space<vmem>>, vector<1x1x16xf32>,
          %swap3A_550 = vector.shape_cast %swap3A_549 : vector<1x1x16xf32> to vector<16xf32>
          %swap3A_551 = vector.shape_cast %sub3A : vector<16xf32> to vector<1x1x16xf32>
          tpu.vector_store %arg6[%swap3A_546, %swap3A_547, %swap3A_548], %swap3A_551 {strides = array<i32>} : memref<6x128x128xf32, #tpu.memory_space<vmem>>, vector<1x1x16xf32>,
          %get3A_552 = arith.constant 3 : i32
          %get3A_553 = arith.index_cast %get3A_552 : i32 to index
          %get3A_554 = arith.index_cast %add3A_539 : i32 to index
          %get3A_555 = arith.constant 16 : index
          %get3A_556 = tpu.vector_load %arg6[%get3A_553, %get3A_554, %get3A_555] {strides = array<i32>} : memref<6x128x128xf32, #tpu.memory_space<vmem>>, vector<1x1x16xf32>,
          %get3A_557 = vector.shape_cast %get3A_556 : vector<1x1x16xf32> to vector<16xf32>
          %sub3A_558 = arith.subf %get3A_557, %get3A_401 : vector<16xf32>
          %swap3A_559 = arith.constant 3 : i32
          %swap3A_560 = arith.index_cast %swap3A_559 : i32 to index
          %swap3A_561 = arith.index_cast %add3A_539 : i32 to index
          %swap3A_562 = arith.constant 16 : index
          %swap3A_563 = tpu.vector_load %arg6[%swap3A_560, %swap3A_561, %swap3A_562] {strides = array<i32>} : memref<6x128x128xf32, #tpu.memory_space<vmem>>, vector<1x1x16xf32>,
          %swap3A_564 = vector.shape_cast %swap3A_563 : vector<1x1x16xf32> to vector<16xf32>
          %swap3A_565 = vector.shape_cast %sub3A_558 : vector<16xf32> to vector<1x1x16xf32>
          tpu.vector_store %arg6[%swap3A_560, %swap3A_561, %swap3A_562], %swap3A_565 {strides = array<i32>} : memref<6x128x128xf32, #tpu.memory_space<vmem>>, vector<1x1x16xf32>,
          %get3A_566 = arith.constant 3 : i32
          %get3A_567 = arith.index_cast %get3A_566 : i32 to index
          %get3A_568 = arith.index_cast %add3A_539 : i32 to index
          %get3A_569 = arith.constant 32 : index
          %get3A_570 = tpu.vector_load %arg6[%get3A_567, %get3A_568, %get3A_569] {strides = array<i32>} : memref<6x128x128xf32, #tpu.memory_space<vmem>>, vector<1x1x16xf32>,
          %get3A_571 = vector.shape_cast %get3A_570 : vector<1x1x16xf32> to vector<16xf32>
          %sub3A_572 = arith.subf %get3A_571, %get3A_408 : vector<16xf32>
          %swap3A_573 = arith.constant 3 : i32
          %swap3A_574 = arith.index_cast %swap3A_573 : i32 to index
          %swap3A_575 = arith.index_cast %add3A_539 : i32 to index
          %swap3A_576 = arith.constant 32 : index
          %swap3A_577 = tpu.vector_load %arg6[%swap3A_574, %swap3A_575, %swap3A_576] {strides = array<i32>} : memref<6x128x128xf32, #tpu.memory_space<vmem>>, vector<1x1x16xf32>,
          %swap3A_578 = vector.shape_cast %swap3A_577 : vector<1x1x16xf32> to vector<16xf32>
          %swap3A_579 = vector.shape_cast %sub3A_572 : vector<16xf32> to vector<1x1x16xf32>
          tpu.vector_store %arg6[%swap3A_574, %swap3A_575, %swap3A_576], %swap3A_579 {strides = array<i32>} : memref<6x128x128xf32, #tpu.memory_space<vmem>>, vector<1x1x16xf32>,
          %get3A_580 = arith.constant 3 : i32
          %get3A_581 = arith.index_cast %get3A_580 : i32 to index
          %get3A_582 = arith.index_cast %add3A_539 : i32 to index
          %get3A_583 = arith.constant 48 : index
          %get3A_584 = tpu.vector_load %arg6[%get3A_581, %get3A_582, %get3A_583] {strides = array<i32>} : memref<6x128x128xf32, #tpu.memory_space<vmem>>, vector<1x1x16xf32>,
          %get3A_585 = vector.shape_cast %get3A_584 : vector<1x1x16xf32> to vector<16xf32>
          %sub3A_586 = arith.subf %get3A_585, %get3A_415 : vector<16xf32>
          %swap3A_587 = arith.constant 3 : i32
          %swap3A_588 = arith.index_cast %swap3A_587 : i32 to index
          %swap3A_589 = arith.index_cast %add3A_539 : i32 to index
          %swap3A_590 = arith.constant 48 : index
          %swap3A_591 = tpu.vector_load %arg6[%swap3A_588, %swap3A_589, %swap3A_590] {strides = array<i32>} : memref<6x128x128xf32, #tpu.memory_space<vmem>>, vector<1x1x16xf32>,
          %swap3A_592 = vector.shape_cast %swap3A_591 : vector<1x1x16xf32> to vector<16xf32>
          %swap3A_593 = vector.shape_cast %sub3A_586 : vector<16xf32> to vector<1x1x16xf32>
          tpu.vector_store %arg6[%swap3A_588, %swap3A_589, %swap3A_590], %swap3A_593 {strides = array<i32>} : memref<6x128x128xf32, #tpu.memory_space<vmem>>, vector<1x1x16xf32>,
          %get3A_594 = arith.constant 3 : i32
          %get3A_595 = arith.index_cast %get3A_594 : i32 to index
          %get3A_596 = arith.index_cast %add3A_539 : i32 to index
          %get3A_597 = arith.constant 64 : index
          %get3A_598 = tpu.vector_load %arg6[%get3A_595, %get3A_596, %get3A_597] {strides = array<i32>} : memref<6x128x128xf32, #tpu.memory_space<vmem>>, vector<1x1x16xf32>,
          %get3A_599 = vector.shape_cast %get3A_598 : vector<1x1x16xf32> to vector<16xf32>
          %sub3A_600 = arith.subf %get3A_599, %get3A_422 : vector<16xf32>
          %swap3A_601 = arith.constant 3 : i32
          %swap3A_602 = arith.index_cast %swap3A_601 : i32 to index
          %swap3A_603 = arith.index_cast %add3A_539 : i32 to index
          %swap3A_604 = arith.constant 64 : index
          %swap3A_605 = tpu.vector_load %arg6[%swap3A_602, %swap3A_603, %swap3A_604] {strides = array<i32>} : memref<6x128x128xf32, #tpu.memory_space<vmem>>, vector<1x1x16xf32>,
          %swap3A_606 = vector.shape_cast %swap3A_605 : vector<1x1x16xf32> to vector<16xf32>
          %swap3A_607 = vector.shape_cast %sub3A_600 : vector<16xf32> to vector<1x1x16xf32>
          tpu.vector_store %arg6[%swap3A_602, %swap3A_603, %swap3A_604], %swap3A_607 {strides = array<i32>} : memref<6x128x128xf32, #tpu.memory_space<vmem>>, vector<1x1x16xf32>,
          %get3A_608 = arith.constant 3 : i32
          %get3A_609 = arith.index_cast %get3A_608 : i32 to index
          %get3A_610 = arith.index_cast %add3A_539 : i32 to index
          %get3A_611 = arith.constant 80 : index
          %get3A_612 = tpu.vector_load %arg6[%get3A_609, %get3A_610, %get3A_611] {strides = array<i32>} : memref<6x128x128xf32, #tpu.memory_space<vmem>>, vector<1x1x16xf32>,
          %get3A_613 = vector.shape_cast %get3A_612 : vector<1x1x16xf32> to vector<16xf32>
          %sub3A_614 = arith.subf %get3A_613, %get3A_429 : vector<16xf32>
          %swap3A_615 = arith.constant 3 : i32
          %swap3A_616 = arith.index_cast %swap3A_615 : i32 to index
          %swap3A_617 = arith.index_cast %add3A_539 : i32 to index
          %swap3A_618 = arith.constant 80 : index
          %swap3A_619 = tpu.vector_load %arg6[%swap3A_616, %swap3A_617, %swap3A_618] {strides = array<i32>} : memref<6x128x128xf32, #tpu.memory_space<vmem>>, vector<1x1x16xf32>,
          %swap3A_620 = vector.shape_cast %swap3A_619 : vector<1x1x16xf32> to vector<16xf32>
          %swap3A_621 = vector.shape_cast %sub3A_614 : vector<16xf32> to vector<1x1x16xf32>
          tpu.vector_store %arg6[%swap3A_616, %swap3A_617, %swap3A_618], %swap3A_621 {strides = array<i32>} : memref<6x128x128xf32, #tpu.memory_space<vmem>>, vector<1x1x16xf32>,
          %get3A_622 = arith.constant 3 : i32
          %get3A_623 = arith.index_cast %get3A_622 : i32 to index
          %get3A_624 = arith.index_cast %add3A_539 : i32 to index
          %get3A_625 = arith.constant 96 : index
          %get3A_626 = tpu.vector_load %arg6[%get3A_623, %get3A_624, %get3A_625] {strides = array<i32>} : memref<6x128x128xf32, #tpu.memory_space<vmem>>, vector<1x1x16xf32>,
          %get3A_627 = vector.shape_cast %get3A_626 : vector<1x1x16xf32> to vector<16xf32>
          %sub3A_628 = arith.subf %get3A_627, %get3A_436 : vector<16xf32>
          %swap3A_629 = arith.constant 3 : i32
          %swap3A_630 = arith.index_cast %swap3A_629 : i32 to index
          %swap3A_631 = arith.index_cast %add3A_539 : i32 to index
          %swap3A_632 = arith.constant 96 : index
          %swap3A_633 = tpu.vector_load %arg6[%swap3A_630, %swap3A_631, %swap3A_632] {strides = array<i32>} : memref<6x128x128xf32, #tpu.memory_space<vmem>>, vector<1x1x16xf32>,
          %swap3A_634 = vector.shape_cast %swap3A_633 : vector<1x1x16xf32> to vector<16xf32>
          %swap3A_635 = vector.shape_cast %sub3A_628 : vector<16xf32> to vector<1x1x16xf32>
          tpu.vector_store %arg6[%swap3A_630, %swap3A_631, %swap3A_632], %swap3A_635 {strides = array<i32>} : memref<6x128x128xf32, #tpu.memory_space<vmem>>, vector<1x1x16xf32>,
          %get3A_636 = arith.constant 3 : i32
          %get3A_637 = arith.index_cast %get3A_636 : i32 to index
          %get3A_638 = arith.index_cast %add3A_539 : i32 to index
          %get3A_639 = arith.constant 112 : index
          %get3A_640 = tpu.vector_load %arg6[%get3A_637, %get3A_638, %get3A_639] {strides = array<i32>} : memref<6x128x128xf32, #tpu.memory_space<vmem>>, vector<1x1x16xf32>,
          %get3A_641 = vector.shape_cast %get3A_640 : vector<1x1x16xf32> to vector<16xf32>
          %sub3A_642 = arith.subf %get3A_641, %get3A_443 : vector<16xf32>
          %swap3A_643 = arith.constant 3 : i32
          %swap3A_644 = arith.index_cast %swap3A_643 : i32 to index
          %swap3A_645 = arith.index_cast %add3A_539 : i32 to index
          %swap3A_646 = arith.constant 112 : index
          %swap3A_647 = tpu.vector_load %arg6[%swap3A_644, %swap3A_645, %swap3A_646] {strides = array<i32>} : memref<6x128x128xf32, #tpu.memory_space<vmem>>, vector<1x1x16xf32>,
          %swap3A_648 = vector.shape_cast %swap3A_647 : vector<1x1x16xf32> to vector<16xf32>
          %swap3A_649 = vector.shape_cast %sub3A_642 : vector<16xf32> to vector<1x1x16xf32>
          tpu.vector_store %arg6[%swap3A_644, %swap3A_645, %swap3A_646], %swap3A_649 {strides = array<i32>} : memref<6x128x128xf32, #tpu.memory_space<vmem>>, vector<1x1x16xf32>,
          %scan3A_650 = arith.constant 0 : i32
          scf.yield %scan3A_650 : i32
        }
        %scan3A_450 = arith.constant 32 : i32
        %get3A_451 = arith.constant 3 : i32
        %get3A_452 = arith.constant 3 : i32
        %get3A_453 = arith.index_cast %get3A_451 : i32 to index
        %get3A_454 = arith.index_cast %get3A_452 : i32 to index
        %get3A_455 = arith.constant 0 : index
        %get3A_456 = tpu.vector_load %arg7[%get3A_453, %get3A_454, %get3A_455] {strides = array<i32>} : memref<6x4x128xf32, #tpu.memory_space<vmem>>, vector<1x1x16xf32>,
        %get3A_457 = vector.shape_cast %get3A_456 : vector<1x1x16xf32> to vector<16xf32>
        %get3A_458 = arith.constant 3 : i32
        %get3A_459 = arith.constant 3 : i32
        %get3A_460 = arith.index_cast %get3A_458 : i32 to index
        %get3A_461 = arith.index_cast %get3A_459 : i32 to index
        %get3A_462 = arith.constant 16 : index
        %get3A_463 = tpu.vector_load %arg7[%get3A_460, %get3A_461, %get3A_462] {strides = array<i32>} : memref<6x4x128xf32, #tpu.memory_space<vmem>>, vector<1x1x16xf32>,
        %get3A_464 = vector.shape_cast %get3A_463 : vector<1x1x16xf32> to vector<16xf32>
        %get3A_465 = arith.constant 3 : i32
        %get3A_466 = arith.constant 3 : i32
        %get3A_467 = arith.index_cast %get3A_465 : i32 to index
        %get3A_468 = arith.index_cast %get3A_466 : i32 to index
        %get3A_469 = arith.constant 32 : index
        %get3A_470 = tpu.vector_load %arg7[%get3A_467, %get3A_468, %get3A_469] {strides = array<i32>} : memref<6x4x128xf32, #tpu.memory_space<vmem>>, vector<1x1x16xf32>,
        %get3A_471 = vector.shape_cast %get3A_470 : vector<1x1x16xf32> to vector<16xf32>
        %get3A_472 = arith.constant 3 : i32
        %get3A_473 = arith.constant 3 : i32
        %get3A_474 = arith.index_cast %get3A_472 : i32 to index
        %get3A_475 = arith.index_cast %get3A_473 : i32 to index
        %get3A_476 = arith.constant 48 : index
        %get3A_477 = tpu.vector_load %arg7[%get3A_474, %get3A_475, %get3A_476] {strides = array<i32>} : memref<6x4x128xf32, #tpu.memory_space<vmem>>, vector<1x1x16xf32>,
        %get3A_478 = vector.shape_cast %get3A_477 : vector<1x1x16xf32> to vector<16xf32>
        %get3A_479 = arith.constant 3 : i32
        %get3A_480 = arith.constant 3 : i32
        %get3A_481 = arith.index_cast %get3A_479 : i32 to index
        %get3A_482 = arith.index_cast %get3A_480 : i32 to index
        %get3A_483 = arith.constant 64 : index
        %get3A_484 = tpu.vector_load %arg7[%get3A_481, %get3A_482, %get3A_483] {strides = array<i32>} : memref<6x4x128xf32, #tpu.memory_space<vmem>>, vector<1x1x16xf32>,
        %get3A_485 = vector.shape_cast %get3A_484 : vector<1x1x16xf32> to vector<16xf32>
        %get3A_486 = arith.constant 3 : i32
        %get3A_487 = arith.constant 3 : i32
        %get3A_488 = arith.index_cast %get3A_486 : i32 to index
        %get3A_489 = arith.index_cast %get3A_487 : i32 to index
        %get3A_490 = arith.constant 80 : index
        %get3A_491 = tpu.vector_load %arg7[%get3A_488, %get3A_489, %get3A_490] {strides = array<i32>} : memref<6x4x128xf32, #tpu.memory_space<vmem>>, vector<1x1x16xf32>,
        %get3A_492 = vector.shape_cast %get3A_491 : vector<1x1x16xf32> to vector<16xf32>
        %get3A_493 = arith.constant 3 : i32
        %get3A_494 = arith.constant 3 : i32
        %get3A_495 = arith.index_cast %get3A_493 : i32 to index
        %get3A_496 = arith.index_cast %get3A_494 : i32 to index
        %get3A_497 = arith.constant 96 : index
        %get3A_498 = tpu.vector_load %arg7[%get3A_495, %get3A_496, %get3A_497] {strides = array<i32>} : memref<6x4x128xf32, #tpu.memory_space<vmem>>, vector<1x1x16xf32>,
        %get3A_499 = vector.shape_cast %get3A_498 : vector<1x1x16xf32> to vector<16xf32>
        %get3A_500 = arith.constant 3 : i32
        %get3A_501 = arith.constant 3 : i32
        %get3A_502 = arith.index_cast %get3A_500 : i32 to index
        %get3A_503 = arith.index_cast %get3A_501 : i32 to index
        %get3A_504 = arith.constant 112 : index
        %get3A_505 = tpu.vector_load %arg7[%get3A_502, %get3A_503, %get3A_504] {strides = array<i32>} : memref<6x4x128xf32, #tpu.memory_space<vmem>>, vector<1x1x16xf32>,
        %get3A_506 = vector.shape_cast %get3A_505 : vector<1x1x16xf32> to vector<16xf32>
        %scan3A_507 = arith.constant 0 : i32
        %scan3A_508 = arith.constant 0 : i32
        %scan3A_509 = arith.constant 32 : i32
        %scan3A_510 = arith.addi %scan3A_508, %scan3A_509 : i32
        %scan3A_511 = arith.constant 1 : i32
        %scan3A_512 = scf.for %scan3A_536 = %scan3A_508 to %scan3A_510 step %scan3A_511 iter_args(%scan3A_537 = %scan3A_507) -> (i32)  : i32 {
          %add3A_538 = arith.constant 96 : i32
          %add3A_539 = arith.addi %add3A_538, %scan3A_536 : i32
          %get3A_540 = arith.constant 3 : i32
          %get3A_541 = arith.index_cast %get3A_540 : i32 to index
          %get3A_542 = arith.index_cast %add3A_539 : i32 to index
          %get3A_543 = arith.constant 0 : index
          %get3A_544 = tpu.vector_load %arg6[%get3A_541, %get3A_542, %get3A_543] {strides = array<i32>} : memref<6x128x128xf32, #tpu.memory_space<vmem>>, vector<1x1x16xf32>,
          %get3A_545 = vector.shape_cast %get3A_544 : vector<1x1x16xf32> to vector<16xf32>
          %sub3A = arith.subf %get3A_545, %get3A_457 : vector<16xf32>
          %swap3A = arith.constant 3 : i32
          %swap3A_546 = arith.index_cast %swap3A : i32 to index
          %swap3A_547 = arith.index_cast %add3A_539 : i32 to index
          %swap3A_548 = arith.constant 0 : index
          %swap3A_549 = tpu.vector_load %arg6[%swap3A_546, %swap3A_547, %swap3A_548] {strides = array<i32>} : memref<6x128x128xf32, #tpu.memory_space<vmem>>, vector<1x1x16xf32>,
          %swap3A_550 = vector.shape_cast %swap3A_549 : vector<1x1x16xf32> to vector<16xf32>
          %swap3A_551 = vector.shape_cast %sub3A : vector<16xf32> to vector<1x1x16xf32>
          tpu.vector_store %arg6[%swap3A_546, %swap3A_547, %swap3A_548], %swap3A_551 {strides = array<i32>} : memref<6x128x128xf32, #tpu.memory_space<vmem>>, vector<1x1x16xf32>,
          %get3A_552 = arith.constant 3 : i32
          %get3A_553 = arith.index_cast %get3A_552 : i32 to index
          %get3A_554 = arith.index_cast %add3A_539 : i32 to index
          %get3A_555 = arith.constant 16 : index
          %get3A_556 = tpu.vector_load %arg6[%get3A_553, %get3A_554, %get3A_555] {strides = array<i32>} : memref<6x128x128xf32, #tpu.memory_space<vmem>>, vector<1x1x16xf32>,
          %get3A_557 = vector.shape_cast %get3A_556 : vector<1x1x16xf32> to vector<16xf32>
          %sub3A_558 = arith.subf %get3A_557, %get3A_464 : vector<16xf32>
          %swap3A_559 = arith.constant 3 : i32
          %swap3A_560 = arith.index_cast %swap3A_559 : i32 to index
          %swap3A_561 = arith.index_cast %add3A_539 : i32 to index
          %swap3A_562 = arith.constant 16 : index
          %swap3A_563 = tpu.vector_load %arg6[%swap3A_560, %swap3A_561, %swap3A_562] {strides = array<i32>} : memref<6x128x128xf32, #tpu.memory_space<vmem>>, vector<1x1x16xf32>,
          %swap3A_564 = vector.shape_cast %swap3A_563 : vector<1x1x16xf32> to vector<16xf32>
          %swap3A_565 = vector.shape_cast %sub3A_558 : vector<16xf32> to vector<1x1x16xf32>
          tpu.vector_store %arg6[%swap3A_560, %swap3A_561, %swap3A_562], %swap3A_565 {strides = array<i32>} : memref<6x128x128xf32, #tpu.memory_space<vmem>>, vector<1x1x16xf32>,
          %get3A_566 = arith.constant 3 : i32
          %get3A_567 = arith.index_cast %get3A_566 : i32 to index
          %get3A_568 = arith.index_cast %add3A_539 : i32 to index
          %get3A_569 = arith.constant 32 : index
          %get3A_570 = tpu.vector_load %arg6[%get3A_567, %get3A_568, %get3A_569] {strides = array<i32>} : memref<6x128x128xf32, #tpu.memory_space<vmem>>, vector<1x1x16xf32>,
          %get3A_571 = vector.shape_cast %get3A_570 : vector<1x1x16xf32> to vector<16xf32>
          %sub3A_572 = arith.subf %get3A_571, %get3A_471 : vector<16xf32>
          %swap3A_573 = arith.constant 3 : i32
          %swap3A_574 = arith.index_cast %swap3A_573 : i32 to index
          %swap3A_575 = arith.index_cast %add3A_539 : i32 to index
          %swap3A_576 = arith.constant 32 : index
          %swap3A_577 = tpu.vector_load %arg6[%swap3A_574, %swap3A_575, %swap3A_576] {strides = array<i32>} : memref<6x128x128xf32, #tpu.memory_space<vmem>>, vector<1x1x16xf32>,
          %swap3A_578 = vector.shape_cast %swap3A_577 : vector<1x1x16xf32> to vector<16xf32>
          %swap3A_579 = vector.shape_cast %sub3A_572 : vector<16xf32> to vector<1x1x16xf32>
          tpu.vector_store %arg6[%swap3A_574, %swap3A_575, %swap3A_576], %swap3A_579 {strides = array<i32>} : memref<6x128x128xf32, #tpu.memory_space<vmem>>, vector<1x1x16xf32>,
          %get3A_580 = arith.constant 3 : i32
          %get3A_581 = arith.index_cast %get3A_580 : i32 to index
          %get3A_582 = arith.index_cast %add3A_539 : i32 to index
          %get3A_583 = arith.constant 48 : index
          %get3A_584 = tpu.vector_load %arg6[%get3A_581, %get3A_582, %get3A_583] {strides = array<i32>} : memref<6x128x128xf32, #tpu.memory_space<vmem>>, vector<1x1x16xf32>,
          %get3A_585 = vector.shape_cast %get3A_584 : vector<1x1x16xf32> to vector<16xf32>
          %sub3A_586 = arith.subf %get3A_585, %get3A_478 : vector<16xf32>
          %swap3A_587 = arith.constant 3 : i32
          %swap3A_588 = arith.index_cast %swap3A_587 : i32 to index
          %swap3A_589 = arith.index_cast %add3A_539 : i32 to index
          %swap3A_590 = arith.constant 48 : index
          %swap3A_591 = tpu.vector_load %arg6[%swap3A_588, %swap3A_589, %swap3A_590] {strides = array<i32>} : memref<6x128x128xf32, #tpu.memory_space<vmem>>, vector<1x1x16xf32>,
          %swap3A_592 = vector.shape_cast %swap3A_591 : vector<1x1x16xf32> to vector<16xf32>
          %swap3A_593 = vector.shape_cast %sub3A_586 : vector<16xf32> to vector<1x1x16xf32>
          tpu.vector_store %arg6[%swap3A_588, %swap3A_589, %swap3A_590], %swap3A_593 {strides = array<i32>} : memref<6x128x128xf32, #tpu.memory_space<vmem>>, vector<1x1x16xf32>,
          %get3A_594 = arith.constant 3 : i32
          %get3A_595 = arith.index_cast %get3A_594 : i32 to index
          %get3A_596 = arith.index_cast %add3A_539 : i32 to index
          %get3A_597 = arith.constant 64 : index
          %get3A_598 = tpu.vector_load %arg6[%get3A_595, %get3A_596, %get3A_597] {strides = array<i32>} : memref<6x128x128xf32, #tpu.memory_space<vmem>>, vector<1x1x16xf32>,
          %get3A_599 = vector.shape_cast %get3A_598 : vector<1x1x16xf32> to vector<16xf32>
          %sub3A_600 = arith.subf %get3A_599, %get3A_485 : vector<16xf32>
          %swap3A_601 = arith.constant 3 : i32
          %swap3A_602 = arith.index_cast %swap3A_601 : i32 to index
          %swap3A_603 = arith.index_cast %add3A_539 : i32 to index
          %swap3A_604 = arith.constant 64 : index
          %swap3A_605 = tpu.vector_load %arg6[%swap3A_602, %swap3A_603, %swap3A_604] {strides = array<i32>} : memref<6x128x128xf32, #tpu.memory_space<vmem>>, vector<1x1x16xf32>,
          %swap3A_606 = vector.shape_cast %swap3A_605 : vector<1x1x16xf32> to vector<16xf32>
          %swap3A_607 = vector.shape_cast %sub3A_600 : vector<16xf32> to vector<1x1x16xf32>
          tpu.vector_store %arg6[%swap3A_602, %swap3A_603, %swap3A_604], %swap3A_607 {strides = array<i32>} : memref<6x128x128xf32, #tpu.memory_space<vmem>>, vector<1x1x16xf32>,
          %get3A_608 = arith.constant 3 : i32
          %get3A_609 = arith.index_cast %get3A_608 : i32 to index
          %get3A_610 = arith.index_cast %add3A_539 : i32 to index
          %get3A_611 = arith.constant 80 : index
          %get3A_612 = tpu.vector_load %arg6[%get3A_609, %get3A_610, %get3A_611] {strides = array<i32>} : memref<6x128x128xf32, #tpu.memory_space<vmem>>, vector<1x1x16xf32>,
          %get3A_613 = vector.shape_cast %get3A_612 : vector<1x1x16xf32> to vector<16xf32>
          %sub3A_614 = arith.subf %get3A_613, %get3A_492 : vector<16xf32>
          %swap3A_615 = arith.constant 3 : i32
          %swap3A_616 = arith.index_cast %swap3A_615 : i32 to index
          %swap3A_617 = arith.index_cast %add3A_539 : i32 to index
          %swap3A_618 = arith.constant 80 : index
          %swap3A_619 = tpu.vector_load %arg6[%swap3A_616, %swap3A_617, %swap3A_618] {strides = array<i32>} : memref<6x128x128xf32, #tpu.memory_space<vmem>>, vector<1x1x16xf32>,
          %swap3A_620 = vector.shape_cast %swap3A_619 : vector<1x1x16xf32> to vector<16xf32>
          %swap3A_621 = vector.shape_cast %sub3A_614 : vector<16xf32> to vector<1x1x16xf32>
          tpu.vector_store %arg6[%swap3A_616, %swap3A_617, %swap3A_618], %swap3A_621 {strides = array<i32>} : memref<6x128x128xf32, #tpu.memory_space<vmem>>, vector<1x1x16xf32>,
          %get3A_622 = arith.constant 3 : i32
          %get3A_623 = arith.index_cast %get3A_622 : i32 to index
          %get3A_624 = arith.index_cast %add3A_539 : i32 to index
          %get3A_625 = arith.constant 96 : index
          %get3A_626 = tpu.vector_load %arg6[%get3A_623, %get3A_624, %get3A_625] {strides = array<i32>} : memref<6x128x128xf32, #tpu.memory_space<vmem>>, vector<1x1x16xf32>,
          %get3A_627 = vector.shape_cast %get3A_626 : vector<1x1x16xf32> to vector<16xf32>
          %sub3A_628 = arith.subf %get3A_627, %get3A_499 : vector<16xf32>
          %swap3A_629 = arith.constant 3 : i32
          %swap3A_630 = arith.index_cast %swap3A_629 : i32 to index
          %swap3A_631 = arith.index_cast %add3A_539 : i32 to index
          %swap3A_632 = arith.constant 96 : index
          %swap3A_633 = tpu.vector_load %arg6[%swap3A_630, %swap3A_631, %swap3A_632] {strides = array<i32>} : memref<6x128x128xf32, #tpu.memory_space<vmem>>, vector<1x1x16xf32>,
          %swap3A_634 = vector.shape_cast %swap3A_633 : vector<1x1x16xf32> to vector<16xf32>
          %swap3A_635 = vector.shape_cast %sub3A_628 : vector<16xf32> to vector<1x1x16xf32>
          tpu.vector_store %arg6[%swap3A_630, %swap3A_631, %swap3A_632], %swap3A_635 {strides = array<i32>} : memref<6x128x128xf32, #tpu.memory_space<vmem>>, vector<1x1x16xf32>,
          %get3A_636 = arith.constant 3 : i32
          %get3A_637 = arith.index_cast %get3A_636 : i32 to index
          %get3A_638 = arith.index_cast %add3A_539 : i32 to index
          %get3A_639 = arith.constant 112 : index
          %get3A_640 = tpu.vector_load %arg6[%get3A_637, %get3A_638, %get3A_639] {strides = array<i32>} : memref<6x128x128xf32, #tpu.memory_space<vmem>>, vector<1x1x16xf32>,
          %get3A_641 = vector.shape_cast %get3A_640 : vector<1x1x16xf32> to vector<16xf32>
          %sub3A_642 = arith.subf %get3A_641, %get3A_506 : vector<16xf32>
          %swap3A_643 = arith.constant 3 : i32
          %swap3A_644 = arith.index_cast %swap3A_643 : i32 to index
          %swap3A_645 = arith.index_cast %add3A_539 : i32 to index
          %swap3A_646 = arith.constant 112 : index
          %swap3A_647 = tpu.vector_load %arg6[%swap3A_644, %swap3A_645, %swap3A_646] {strides = array<i32>} : memref<6x128x128xf32, #tpu.memory_space<vmem>>, vector<1x1x16xf32>,
          %swap3A_648 = vector.shape_cast %swap3A_647 : vector<1x1x16xf32> to vector<16xf32>
          %swap3A_649 = vector.shape_cast %sub3A_642 : vector<16xf32> to vector<1x1x16xf32>
          tpu.vector_store %arg6[%swap3A_644, %swap3A_645, %swap3A_646], %swap3A_649 {strides = array<i32>} : memref<6x128x128xf32, #tpu.memory_space<vmem>>, vector<1x1x16xf32>,
          %scan3A_650 = arith.constant 0 : i32
          scf.yield %scan3A_650 : i32
        }
        %scan3A_513 = arith.constant 32 : i32
        %add3A_514 = arith.addi %add3A_4, %add3A_217 : i32
        %mul3A_515 = arith.constant 128 : i32
        %mul3A_516 = arith.muli %add3A_514, %mul3A_515 : i32
        %dma_start3A_517 = arith.constant 3 : i32
        %dma_start3A_518 = arith.constant 0 : i32
        %dma_start3A_519 = arith.constant 0 : i32
        %dma_start3A_520 = tpu.memref_slice %arg6[%dma_start3A_517, %dma_start3A_518, %dma_start3A_519] : memref<6x128x128xf32, #tpu.memory_space<vmem>> -> memref<1x128x128xf32, #tpu.memory_space<vmem>>
        %dma_start3A_521 = tpu.memref_squeeze %dma_start3A_520 : memref<1x128x128xf32, #tpu.memory_space<vmem>> -> memref<128x128xf32, #tpu.memory_space<vmem>>
        %dma_start3A_522 = arith.constant 0 : i32
        %dma_start3A_523 = tpu.memref_slice %arg4[%mul3A_516, %dma_start3A_522] : memref<320000x128xf32, #tpu.memory_space<hbm>> -> memref<128x128xf32, #tpu.memory_space<hbm>>
        %dma_start3A_524 = arith.constant 0 : i32
        %dma_start3A_525 = tpu.memref_slice %arg4[%mul3A_516, %dma_start3A_524] : memref<320000x128xf32, #tpu.memory_space<hbm>> -> memref<128x128xf32, #tpu.memory_space<hbm>>
        %dma_start3A_526 = arith.constant 0 : i32
        %dma_start3A_527 = arith.constant 0 : i32
        %dma_start3A_528 = tpu.memref_slice %arg6[%dma_start3A_517, %dma_start3A_526, %dma_start3A_527] : memref<6x128x128xf32, #tpu.memory_space<vmem>> -> memref<1x128x128xf32, #tpu.memory_space<vmem>>
        %dma_start3A_529 = tpu.memref_squeeze %dma_start3A_528 : memref<1x128x128xf32, #tpu.memory_space<vmem>> -> memref<128x128xf32, #tpu.memory_space<vmem>>
        tpu.enqueue_dma source(%dma_start3A_529 : memref<128x128xf32, #tpu.memory_space<vmem>>) target(%dma_start3A_525 : memref<128x128xf32, #tpu.memory_space<hbm>>) target_semaphore(%arg10 : memref<!tpu.dma_semaphore, #tpu.memory_space<semaphore_mem>>)
        %add3A_530 = arith.constant 3 : i32
        %add3A_531 = arith.addi %add3A_217, %add3A_530 : i32
        %lt3A_532 = arith.cmpi slt, %add3A_531, %add3A_8 : i32
        %convert_element_type3A_533 = arith.extui %lt3A_532 : i1 to i32
        %cond3A_534 = arith.constant 0 : i32
        %cond3A_535 = arith.cmpi ne, %convert_element_type3A_533, %cond3A_534 : i32
        scf.if %cond3A_535 {
          %ge3A = arith.constant 3 : i32
          %ge3A_536 = arith.cmpi sge, %add3A_217, %ge3A : i32
          %convert_element_type3A_537 = arith.extui %ge3A_536 : i1 to i32
          %cond3A_538 = arith.constant 0 : i32
          %cond3A_539 = arith.cmpi ne, %convert_element_type3A_537, %cond3A_538 : i32
          scf.if %cond3A_539 {
            %mul3A_569 = arith.constant 128 : i32
            %mul3A_570 = arith.muli %add3A_4, %mul3A_569 : i32
            %dma_wait3A_571 = arith.constant 3 : i32
            %dma_wait3A_572 = arith.constant 0 : i32
            %dma_wait3A_573 = arith.constant 0 : i32
            %dma_wait3A_574 = tpu.memref_slice %arg6[%dma_wait3A_571, %dma_wait3A_572, %dma_wait3A_573] : memref<6x128x128xf32, #tpu.memory_space<vmem>> -> memref<1x128x128xf32, #tpu.memory_space<vmem>>
            %dma_wait3A_575 = tpu.memref_squeeze %dma_wait3A_574 : memref<1x128x128xf32, #tpu.memory_space<vmem>> -> memref<128x128xf32, #tpu.memory_space<vmem>>
            %dma_wait3A_576 = arith.constant 0 : i32
            %dma_wait3A_577 = tpu.memref_slice %arg4[%mul3A_570, %dma_wait3A_576] : memref<320000x128xf32, #tpu.memory_space<hbm>> -> memref<128x128xf32, #tpu.memory_space<hbm>>
            %dma_wait3A_578 = arith.constant 0 : i32
            %dma_wait3A_579 = tpu.memref_slice %arg4[%mul3A_570, %dma_wait3A_578] : memref<320000x128xf32, #tpu.memory_space<hbm>> -> memref<128x128xf32, #tpu.memory_space<hbm>>
            %dma_wait3A_580 = arith.constant 0 : i32
            %dma_wait3A_581 = arith.constant 0 : i32
            %dma_wait3A_582 = tpu.memref_slice %arg6[%dma_wait3A_571, %dma_wait3A_580, %dma_wait3A_581] : memref<6x128x128xf32, #tpu.memory_space<vmem>> -> memref<1x128x128xf32, #tpu.memory_space<vmem>>
            %dma_wait3A_583 = tpu.memref_squeeze %dma_wait3A_582 : memref<1x128x128xf32, #tpu.memory_space<vmem>> -> memref<128x128xf32, #tpu.memory_space<vmem>>
            tpu.wait_dma2 semaphore(%arg10 : memref<!tpu.dma_semaphore, #tpu.memory_space<semaphore_mem>>) src(%dma_wait3A_583 : memref<128x128xf32, #tpu.memory_space<vmem>>) dst(%dma_wait3A_579 : memref<128x128xf32, #tpu.memory_space<hbm>>)
          } else {
          }
          %add3A_540 = arith.constant 3 : i32
          %add3A_541 = arith.addi %add3A_217, %add3A_540 : i32
          %mul3A_542 = arith.constant 128 : i32
          %mul3A_543 = arith.muli %add3A_541, %mul3A_542 : i32
          %dma_start3A_544 = arith.constant 0 : i32
          %dma_start3A_545 = arith.constant 0 : i32
          %dma_start3A_546 = arith.constant 0 : i32
          %dma_start3A_547 = tpu.memref_slice %arg6[%dma_start3A_544, %dma_start3A_545, %dma_start3A_546] : memref<6x128x128xf32, #tpu.memory_space<vmem>> -> memref<1x128x128xf32, #tpu.memory_space<vmem>>
          %dma_start3A_548 = tpu.memref_squeeze %dma_start3A_547 : memref<1x128x128xf32, #tpu.memory_space<vmem>> -> memref<128x128xf32, #tpu.memory_space<vmem>>
          %dma_start3A_549 = tpu.memref_slice %arg5[%mul3A_543] : memref<10112xi32, #tpu.memory_space<vmem>> -> memref<128xi32, #tpu.memory_space<vmem>>
          %dma_start3A_550 = arith.constant 0 : i32
          %dma_start3A_551 = arith.constant 0 : i32
          %dma_start3A_552 = tpu.memref_slice %arg2[%dma_start3A_550, %dma_start3A_551] : memref<10000x128xf32, #tpu.memory_space<hbm>> -> memref<10000x128xf32, #tpu.memory_space<hbm>>
          tpu.enqueue_indirect_dma source(%dma_start3A_552 : memref<10000x128xf32, #tpu.memory_space<hbm>>) target(%dma_start3A_548 : memref<128x128xf32, #tpu.memory_space<vmem>>) offsets(%dma_start3A_549 : memref<128xi32, #tpu.memory_space<vmem>>) semaphore(%arg8 : memref<!tpu.dma_semaphore, #tpu.memory_space<semaphore_mem>>)
          %add3A_553 = arith.addi %add3A_4, %add3A_541 : i32
          %mul3A_554 = arith.constant 4 : i32
          %mul3A_555 = arith.muli %add3A_553, %mul3A_554 : i32
          %dma_start3A_556 = arith.constant 0 : i32
          %dma_start3A_557 = arith.constant 0 : i32
          %dma_start3A_558 = arith.constant 0 : i32
          %dma_start3A_559 = tpu.memref_slice %arg7[%dma_start3A_556, %dma_start3A_557, %dma_start3A_558] : memref<6x4x128xf32, #tpu.memory_space<vmem>> -> memref<1x4x128xf32, #tpu.memory_space<vmem>>
          %dma_start3A_560 = tpu.memref_squeeze %dma_start3A_559 : memref<1x4x128xf32, #tpu.memory_space<vmem>> -> memref<4x128xf32, #tpu.memory_space<vmem>>
          %dma_start3A_561 = arith.constant 0 : i32
          %dma_start3A_562 = tpu.memref_slice %arg2[%mul3A_555, %dma_start3A_561] : memref<10000x128xf32, #tpu.memory_space<hbm>> -> memref<4x128xf32, #tpu.memory_space<hbm>>
          %dma_start3A_563 = arith.constant 0 : i32
          %dma_start3A_564 = arith.constant 0 : i32
          %dma_start3A_565 = tpu.memref_slice %arg7[%dma_start3A_556, %dma_start3A_563, %dma_start3A_564] : memref<6x4x128xf32, #tpu.memory_space<vmem>> -> memref<1x4x128xf32, #tpu.memory_space<vmem>>
          %dma_start3A_566 = tpu.memref_squeeze %dma_start3A_565 : memref<1x4x128xf32, #tpu.memory_space<vmem>> -> memref<4x128xf32, #tpu.memory_space<vmem>>
          %dma_start3A_567 = arith.constant 0 : i32
          %dma_start3A_568 = tpu.memref_slice %arg2[%mul3A_555, %dma_start3A_567] : memref<10000x128xf32, #tpu.memory_space<hbm>> -> memref<4x128xf32, #tpu.memory_space<hbm>>
          tpu.enqueue_dma source(%dma_start3A_568 : memref<4x128xf32, #tpu.memory_space<hbm>>) target(%dma_start3A_566 : memref<4x128xf32, #tpu.memory_space<vmem>>) target_semaphore(%arg9 : memref<!tpu.dma_semaphore, #tpu.memory_space<semaphore_mem>>)
        } else {
        }
      } else {
      }
      %mul3A_222 = arith.constant 6 : i32
      %mul3A_223 = arith.muli %scan3A_191, %mul3A_222 : i32
      %add3A_224 = arith.constant 4 : i32
      %add3A_225 = arith.addi %mul3A_223, %add3A_224 : i32
      %lt3A_226 = arith.cmpi slt, %add3A_225, %add3A_8 : i32
      %convert_element_type3A_227 = arith.extui %lt3A_226 : i1 to i32
      %cond3A_228 = arith.constant 0 : i32
      %cond3A_229 = arith.cmpi ne, %convert_element_type3A_227, %cond3A_228 : i32
      scf.if %cond3A_229 {
        %mul3A_238 = arith.constant 4 : i32
        %mul3A_239 = arith.muli %add3A_4, %mul3A_238 : i32
        %dma_wait3A_240 = arith.constant 4 : i32
        %dma_wait3A_241 = arith.constant 0 : i32
        %dma_wait3A_242 = arith.constant 0 : i32
        %dma_wait3A_243 = tpu.memref_slice %arg7[%dma_wait3A_240, %dma_wait3A_241, %dma_wait3A_242] : memref<6x4x128xf32, #tpu.memory_space<vmem>> -> memref<1x4x128xf32, #tpu.memory_space<vmem>>
        %dma_wait3A_244 = tpu.memref_squeeze %dma_wait3A_243 : memref<1x4x128xf32, #tpu.memory_space<vmem>> -> memref<4x128xf32, #tpu.memory_space<vmem>>
        %dma_wait3A_245 = arith.constant 0 : i32
        %dma_wait3A_246 = tpu.memref_slice %arg2[%mul3A_239, %dma_wait3A_245] : memref<10000x128xf32, #tpu.memory_space<hbm>> -> memref<4x128xf32, #tpu.memory_space<hbm>>
        %dma_wait3A_247 = arith.constant 0 : i32
        %dma_wait3A_248 = arith.constant 0 : i32
        %dma_wait3A_249 = tpu.memref_slice %arg7[%dma_wait3A_240, %dma_wait3A_247, %dma_wait3A_248] : memref<6x4x128xf32, #tpu.memory_space<vmem>> -> memref<1x4x128xf32, #tpu.memory_space<vmem>>
        %dma_wait3A_250 = tpu.memref_squeeze %dma_wait3A_249 : memref<1x4x128xf32, #tpu.memory_space<vmem>> -> memref<4x128xf32, #tpu.memory_space<vmem>>
        %dma_wait3A_251 = arith.constant 0 : i32
        %dma_wait3A_252 = tpu.memref_slice %arg2[%mul3A_239, %dma_wait3A_251] : memref<10000x128xf32, #tpu.memory_space<hbm>> -> memref<4x128xf32, #tpu.memory_space<hbm>>
        tpu.wait_dma2 semaphore(%arg9 : memref<!tpu.dma_semaphore, #tpu.memory_space<semaphore_mem>>) src(%dma_wait3A_252 : memref<4x128xf32, #tpu.memory_space<hbm>>) dst(%dma_wait3A_250 : memref<4x128xf32, #tpu.memory_space<vmem>>)
        %dma_wait3A_253 = arith.constant 4 : i32
        %dma_wait3A_254 = arith.constant 0 : i32
        %dma_wait3A_255 = arith.constant 0 : i32
        %dma_wait3A_256 = tpu.memref_slice %arg6[%dma_wait3A_253, %dma_wait3A_254, %dma_wait3A_255] : memref<6x128x128xf32, #tpu.memory_space<vmem>> -> memref<1x128x128xf32, #tpu.memory_space<vmem>>
        %dma_wait3A_257 = tpu.memref_squeeze %dma_wait3A_256 : memref<1x128x128xf32, #tpu.memory_space<vmem>> -> memref<128x128xf32, #tpu.memory_space<vmem>>
        %dma_wait3A_258 = arith.constant 0 : i32
        %dma_wait3A_259 = tpu.memref_slice %arg5[%dma_wait3A_258] : memref<10112xi32, #tpu.memory_space<vmem>> -> memref<128xi32, #tpu.memory_space<vmem>>
        %dma_wait3A_260 = arith.constant 0 : i32
        %dma_wait3A_261 = arith.constant 0 : i32
        %dma_wait3A_262 = tpu.memref_slice %arg2[%dma_wait3A_260, %dma_wait3A_261] : memref<10000x128xf32, #tpu.memory_space<hbm>> -> memref<10000x128xf32, #tpu.memory_space<hbm>>
        tpu.wait_indirect_dma semaphore(%arg8 : memref<!tpu.dma_semaphore, #tpu.memory_space<semaphore_mem>>) src(%dma_wait3A_262 : memref<10000x128xf32, #tpu.memory_space<hbm>>) dst(%dma_wait3A_257 : memref<128x128xf32, #tpu.memory_space<vmem>>)
        %get3A = arith.constant 4 : i32
        %get3A_263 = arith.constant 0 : i32
        %get3A_264 = arith.index_cast %get3A : i32 to index
        %get3A_265 = arith.index_cast %get3A_263 : i32 to index
        %get3A_266 = arith.constant 0 : index
        %get3A_267 = tpu.vector_load %arg7[%get3A_264, %get3A_265, %get3A_266] {strides = array<i32>} : memref<6x4x128xf32, #tpu.memory_space<vmem>>, vector<1x1x16xf32>,
        %get3A_268 = vector.shape_cast %get3A_267 : vector<1x1x16xf32> to vector<16xf32>
        %get3A_269 = arith.constant 4 : i32
        %get3A_270 = arith.constant 0 : i32
        %get3A_271 = arith.index_cast %get3A_269 : i32 to index
        %get3A_272 = arith.index_cast %get3A_270 : i32 to index
        %get3A_273 = arith.constant 16 : index
        %get3A_274 = tpu.vector_load %arg7[%get3A_271, %get3A_272, %get3A_273] {strides = array<i32>} : memref<6x4x128xf32, #tpu.memory_space<vmem>>, vector<1x1x16xf32>,
        %get3A_275 = vector.shape_cast %get3A_274 : vector<1x1x16xf32> to vector<16xf32>
        %get3A_276 = arith.constant 4 : i32
        %get3A_277 = arith.constant 0 : i32
        %get3A_278 = arith.index_cast %get3A_276 : i32 to index
        %get3A_279 = arith.index_cast %get3A_277 : i32 to index
        %get3A_280 = arith.constant 32 : index
        %get3A_281 = tpu.vector_load %arg7[%get3A_278, %get3A_279, %get3A_280] {strides = array<i32>} : memref<6x4x128xf32, #tpu.memory_space<vmem>>, vector<1x1x16xf32>,
        %get3A_282 = vector.shape_cast %get3A_281 : vector<1x1x16xf32> to vector<16xf32>
        %get3A_283 = arith.constant 4 : i32
        %get3A_284 = arith.constant 0 : i32
        %get3A_285 = arith.index_cast %get3A_283 : i32 to index
        %get3A_286 = arith.index_cast %get3A_284 : i32 to index
        %get3A_287 = arith.constant 48 : index
        %get3A_288 = tpu.vector_load %arg7[%get3A_285, %get3A_286, %get3A_287] {strides = array<i32>} : memref<6x4x128xf32, #tpu.memory_space<vmem>>, vector<1x1x16xf32>,
        %get3A_289 = vector.shape_cast %get3A_288 : vector<1x1x16xf32> to vector<16xf32>
        %get3A_290 = arith.constant 4 : i32
        %get3A_291 = arith.constant 0 : i32
        %get3A_292 = arith.index_cast %get3A_290 : i32 to index
        %get3A_293 = arith.index_cast %get3A_291 : i32 to index
        %get3A_294 = arith.constant 64 : index
        %get3A_295 = tpu.vector_load %arg7[%get3A_292, %get3A_293, %get3A_294] {strides = array<i32>} : memref<6x4x128xf32, #tpu.memory_space<vmem>>, vector<1x1x16xf32>,
        %get3A_296 = vector.shape_cast %get3A_295 : vector<1x1x16xf32> to vector<16xf32>
        %get3A_297 = arith.constant 4 : i32
        %get3A_298 = arith.constant 0 : i32
        %get3A_299 = arith.index_cast %get3A_297 : i32 to index
        %get3A_300 = arith.index_cast %get3A_298 : i32 to index
        %get3A_301 = arith.constant 80 : index
        %get3A_302 = tpu.vector_load %arg7[%get3A_299, %get3A_300, %get3A_301] {strides = array<i32>} : memref<6x4x128xf32, #tpu.memory_space<vmem>>, vector<1x1x16xf32>,
        %get3A_303 = vector.shape_cast %get3A_302 : vector<1x1x16xf32> to vector<16xf32>
        %get3A_304 = arith.constant 4 : i32
        %get3A_305 = arith.constant 0 : i32
        %get3A_306 = arith.index_cast %get3A_304 : i32 to index
        %get3A_307 = arith.index_cast %get3A_305 : i32 to index
        %get3A_308 = arith.constant 96 : index
        %get3A_309 = tpu.vector_load %arg7[%get3A_306, %get3A_307, %get3A_308] {strides = array<i32>} : memref<6x4x128xf32, #tpu.memory_space<vmem>>, vector<1x1x16xf32>,
        %get3A_310 = vector.shape_cast %get3A_309 : vector<1x1x16xf32> to vector<16xf32>
        %get3A_311 = arith.constant 4 : i32
        %get3A_312 = arith.constant 0 : i32
        %get3A_313 = arith.index_cast %get3A_311 : i32 to index
        %get3A_314 = arith.index_cast %get3A_312 : i32 to index
        %get3A_315 = arith.constant 112 : index
        %get3A_316 = tpu.vector_load %arg7[%get3A_313, %get3A_314, %get3A_315] {strides = array<i32>} : memref<6x4x128xf32, #tpu.memory_space<vmem>>, vector<1x1x16xf32>,
        %get3A_317 = vector.shape_cast %get3A_316 : vector<1x1x16xf32> to vector<16xf32>
        %scan3A_318 = arith.constant 0 : i32
        %scan3A_319 = arith.constant 0 : i32
        %scan3A_320 = arith.constant 32 : i32
        %scan3A_321 = arith.addi %scan3A_319, %scan3A_320 : i32
        %scan3A_322 = arith.constant 1 : i32
        %scan3A_323 = scf.for %scan3A_536 = %scan3A_319 to %scan3A_321 step %scan3A_322 iter_args(%scan3A_537 = %scan3A_318) -> (i32)  : i32 {
          %add3A_538 = arith.constant 0 : i32
          %add3A_539 = arith.addi %add3A_538, %scan3A_536 : i32
          %get3A_540 = arith.constant 4 : i32
          %get3A_541 = arith.index_cast %get3A_540 : i32 to index
          %get3A_542 = arith.index_cast %add3A_539 : i32 to index
          %get3A_543 = arith.constant 0 : index
          %get3A_544 = tpu.vector_load %arg6[%get3A_541, %get3A_542, %get3A_543] {strides = array<i32>} : memref<6x128x128xf32, #tpu.memory_space<vmem>>, vector<1x1x16xf32>,
          %get3A_545 = vector.shape_cast %get3A_544 : vector<1x1x16xf32> to vector<16xf32>
          %sub3A = arith.subf %get3A_545, %get3A_268 : vector<16xf32>
          %swap3A = arith.constant 4 : i32
          %swap3A_546 = arith.index_cast %swap3A : i32 to index
          %swap3A_547 = arith.index_cast %add3A_539 : i32 to index
          %swap3A_548 = arith.constant 0 : index
          %swap3A_549 = tpu.vector_load %arg6[%swap3A_546, %swap3A_547, %swap3A_548] {strides = array<i32>} : memref<6x128x128xf32, #tpu.memory_space<vmem>>, vector<1x1x16xf32>,
          %swap3A_550 = vector.shape_cast %swap3A_549 : vector<1x1x16xf32> to vector<16xf32>
          %swap3A_551 = vector.shape_cast %sub3A : vector<16xf32> to vector<1x1x16xf32>
          tpu.vector_store %arg6[%swap3A_546, %swap3A_547, %swap3A_548], %swap3A_551 {strides = array<i32>} : memref<6x128x128xf32, #tpu.memory_space<vmem>>, vector<1x1x16xf32>,
          %get3A_552 = arith.constant 4 : i32
          %get3A_553 = arith.index_cast %get3A_552 : i32 to index
          %get3A_554 = arith.index_cast %add3A_539 : i32 to index
          %get3A_555 = arith.constant 16 : index
          %get3A_556 = tpu.vector_load %arg6[%get3A_553, %get3A_554, %get3A_555] {strides = array<i32>} : memref<6x128x128xf32, #tpu.memory_space<vmem>>, vector<1x1x16xf32>,
          %get3A_557 = vector.shape_cast %get3A_556 : vector<1x1x16xf32> to vector<16xf32>
          %sub3A_558 = arith.subf %get3A_557, %get3A_275 : vector<16xf32>
          %swap3A_559 = arith.constant 4 : i32
          %swap3A_560 = arith.index_cast %swap3A_559 : i32 to index
          %swap3A_561 = arith.index_cast %add3A_539 : i32 to index
          %swap3A_562 = arith.constant 16 : index
          %swap3A_563 = tpu.vector_load %arg6[%swap3A_560, %swap3A_561, %swap3A_562] {strides = array<i32>} : memref<6x128x128xf32, #tpu.memory_space<vmem>>, vector<1x1x16xf32>,
          %swap3A_564 = vector.shape_cast %swap3A_563 : vector<1x1x16xf32> to vector<16xf32>
          %swap3A_565 = vector.shape_cast %sub3A_558 : vector<16xf32> to vector<1x1x16xf32>
          tpu.vector_store %arg6[%swap3A_560, %swap3A_561, %swap3A_562], %swap3A_565 {strides = array<i32>} : memref<6x128x128xf32, #tpu.memory_space<vmem>>, vector<1x1x16xf32>,
          %get3A_566 = arith.constant 4 : i32
          %get3A_567 = arith.index_cast %get3A_566 : i32 to index
          %get3A_568 = arith.index_cast %add3A_539 : i32 to index
          %get3A_569 = arith.constant 32 : index
          %get3A_570 = tpu.vector_load %arg6[%get3A_567, %get3A_568, %get3A_569] {strides = array<i32>} : memref<6x128x128xf32, #tpu.memory_space<vmem>>, vector<1x1x16xf32>,
          %get3A_571 = vector.shape_cast %get3A_570 : vector<1x1x16xf32> to vector<16xf32>
          %sub3A_572 = arith.subf %get3A_571, %get3A_282 : vector<16xf32>
          %swap3A_573 = arith.constant 4 : i32
          %swap3A_574 = arith.index_cast %swap3A_573 : i32 to index
          %swap3A_575 = arith.index_cast %add3A_539 : i32 to index
          %swap3A_576 = arith.constant 32 : index
          %swap3A_577 = tpu.vector_load %arg6[%swap3A_574, %swap3A_575, %swap3A_576] {strides = array<i32>} : memref<6x128x128xf32, #tpu.memory_space<vmem>>, vector<1x1x16xf32>,
          %swap3A_578 = vector.shape_cast %swap3A_577 : vector<1x1x16xf32> to vector<16xf32>
          %swap3A_579 = vector.shape_cast %sub3A_572 : vector<16xf32> to vector<1x1x16xf32>
          tpu.vector_store %arg6[%swap3A_574, %swap3A_575, %swap3A_576], %swap3A_579 {strides = array<i32>} : memref<6x128x128xf32, #tpu.memory_space<vmem>>, vector<1x1x16xf32>,
          %get3A_580 = arith.constant 4 : i32
          %get3A_581 = arith.index_cast %get3A_580 : i32 to index
          %get3A_582 = arith.index_cast %add3A_539 : i32 to index
          %get3A_583 = arith.constant 48 : index
          %get3A_584 = tpu.vector_load %arg6[%get3A_581, %get3A_582, %get3A_583] {strides = array<i32>} : memref<6x128x128xf32, #tpu.memory_space<vmem>>, vector<1x1x16xf32>,
          %get3A_585 = vector.shape_cast %get3A_584 : vector<1x1x16xf32> to vector<16xf32>
          %sub3A_586 = arith.subf %get3A_585, %get3A_289 : vector<16xf32>
          %swap3A_587 = arith.constant 4 : i32
          %swap3A_588 = arith.index_cast %swap3A_587 : i32 to index
          %swap3A_589 = arith.index_cast %add3A_539 : i32 to index
          %swap3A_590 = arith.constant 48 : index
          %swap3A_591 = tpu.vector_load %arg6[%swap3A_588, %swap3A_589, %swap3A_590] {strides = array<i32>} : memref<6x128x128xf32, #tpu.memory_space<vmem>>, vector<1x1x16xf32>,
          %swap3A_592 = vector.shape_cast %swap3A_591 : vector<1x1x16xf32> to vector<16xf32>
          %swap3A_593 = vector.shape_cast %sub3A_586 : vector<16xf32> to vector<1x1x16xf32>
          tpu.vector_store %arg6[%swap3A_588, %swap3A_589, %swap3A_590], %swap3A_593 {strides = array<i32>} : memref<6x128x128xf32, #tpu.memory_space<vmem>>, vector<1x1x16xf32>,
          %get3A_594 = arith.constant 4 : i32
          %get3A_595 = arith.index_cast %get3A_594 : i32 to index
          %get3A_596 = arith.index_cast %add3A_539 : i32 to index
          %get3A_597 = arith.constant 64 : index
          %get3A_598 = tpu.vector_load %arg6[%get3A_595, %get3A_596, %get3A_597] {strides = array<i32>} : memref<6x128x128xf32, #tpu.memory_space<vmem>>, vector<1x1x16xf32>,
          %get3A_599 = vector.shape_cast %get3A_598 : vector<1x1x16xf32> to vector<16xf32>
          %sub3A_600 = arith.subf %get3A_599, %get3A_296 : vector<16xf32>
          %swap3A_601 = arith.constant 4 : i32
          %swap3A_602 = arith.index_cast %swap3A_601 : i32 to index
          %swap3A_603 = arith.index_cast %add3A_539 : i32 to index
          %swap3A_604 = arith.constant 64 : index
          %swap3A_605 = tpu.vector_load %arg6[%swap3A_602, %swap3A_603, %swap3A_604] {strides = array<i32>} : memref<6x128x128xf32, #tpu.memory_space<vmem>>, vector<1x1x16xf32>,
          %swap3A_606 = vector.shape_cast %swap3A_605 : vector<1x1x16xf32> to vector<16xf32>
          %swap3A_607 = vector.shape_cast %sub3A_600 : vector<16xf32> to vector<1x1x16xf32>
          tpu.vector_store %arg6[%swap3A_602, %swap3A_603, %swap3A_604], %swap3A_607 {strides = array<i32>} : memref<6x128x128xf32, #tpu.memory_space<vmem>>, vector<1x1x16xf32>,
          %get3A_608 = arith.constant 4 : i32
          %get3A_609 = arith.index_cast %get3A_608 : i32 to index
          %get3A_610 = arith.index_cast %add3A_539 : i32 to index
          %get3A_611 = arith.constant 80 : index
          %get3A_612 = tpu.vector_load %arg6[%get3A_609, %get3A_610, %get3A_611] {strides = array<i32>} : memref<6x128x128xf32, #tpu.memory_space<vmem>>, vector<1x1x16xf32>,
          %get3A_613 = vector.shape_cast %get3A_612 : vector<1x1x16xf32> to vector<16xf32>
          %sub3A_614 = arith.subf %get3A_613, %get3A_303 : vector<16xf32>
          %swap3A_615 = arith.constant 4 : i32
          %swap3A_616 = arith.index_cast %swap3A_615 : i32 to index
          %swap3A_617 = arith.index_cast %add3A_539 : i32 to index
          %swap3A_618 = arith.constant 80 : index
          %swap3A_619 = tpu.vector_load %arg6[%swap3A_616, %swap3A_617, %swap3A_618] {strides = array<i32>} : memref<6x128x128xf32, #tpu.memory_space<vmem>>, vector<1x1x16xf32>,
          %swap3A_620 = vector.shape_cast %swap3A_619 : vector<1x1x16xf32> to vector<16xf32>
          %swap3A_621 = vector.shape_cast %sub3A_614 : vector<16xf32> to vector<1x1x16xf32>
          tpu.vector_store %arg6[%swap3A_616, %swap3A_617, %swap3A_618], %swap3A_621 {strides = array<i32>} : memref<6x128x128xf32, #tpu.memory_space<vmem>>, vector<1x1x16xf32>,
          %get3A_622 = arith.constant 4 : i32
          %get3A_623 = arith.index_cast %get3A_622 : i32 to index
          %get3A_624 = arith.index_cast %add3A_539 : i32 to index
          %get3A_625 = arith.constant 96 : index
          %get3A_626 = tpu.vector_load %arg6[%get3A_623, %get3A_624, %get3A_625] {strides = array<i32>} : memref<6x128x128xf32, #tpu.memory_space<vmem>>, vector<1x1x16xf32>,
          %get3A_627 = vector.shape_cast %get3A_626 : vector<1x1x16xf32> to vector<16xf32>
          %sub3A_628 = arith.subf %get3A_627, %get3A_310 : vector<16xf32>
          %swap3A_629 = arith.constant 4 : i32
          %swap3A_630 = arith.index_cast %swap3A_629 : i32 to index
          %swap3A_631 = arith.index_cast %add3A_539 : i32 to index
          %swap3A_632 = arith.constant 96 : index
          %swap3A_633 = tpu.vector_load %arg6[%swap3A_630, %swap3A_631, %swap3A_632] {strides = array<i32>} : memref<6x128x128xf32, #tpu.memory_space<vmem>>, vector<1x1x16xf32>,
          %swap3A_634 = vector.shape_cast %swap3A_633 : vector<1x1x16xf32> to vector<16xf32>
          %swap3A_635 = vector.shape_cast %sub3A_628 : vector<16xf32> to vector<1x1x16xf32>
          tpu.vector_store %arg6[%swap3A_630, %swap3A_631, %swap3A_632], %swap3A_635 {strides = array<i32>} : memref<6x128x128xf32, #tpu.memory_space<vmem>>, vector<1x1x16xf32>,
          %get3A_636 = arith.constant 4 : i32
          %get3A_637 = arith.index_cast %get3A_636 : i32 to index
          %get3A_638 = arith.index_cast %add3A_539 : i32 to index
          %get3A_639 = arith.constant 112 : index
          %get3A_640 = tpu.vector_load %arg6[%get3A_637, %get3A_638, %get3A_639] {strides = array<i32>} : memref<6x128x128xf32, #tpu.memory_space<vmem>>, vector<1x1x16xf32>,
          %get3A_641 = vector.shape_cast %get3A_640 : vector<1x1x16xf32> to vector<16xf32>
          %sub3A_642 = arith.subf %get3A_641, %get3A_317 : vector<16xf32>
          %swap3A_643 = arith.constant 4 : i32
          %swap3A_644 = arith.index_cast %swap3A_643 : i32 to index
          %swap3A_645 = arith.index_cast %add3A_539 : i32 to index
          %swap3A_646 = arith.constant 112 : index
          %swap3A_647 = tpu.vector_load %arg6[%swap3A_644, %swap3A_645, %swap3A_646] {strides = array<i32>} : memref<6x128x128xf32, #tpu.memory_space<vmem>>, vector<1x1x16xf32>,
          %swap3A_648 = vector.shape_cast %swap3A_647 : vector<1x1x16xf32> to vector<16xf32>
          %swap3A_649 = vector.shape_cast %sub3A_642 : vector<16xf32> to vector<1x1x16xf32>
          tpu.vector_store %arg6[%swap3A_644, %swap3A_645, %swap3A_646], %swap3A_649 {strides = array<i32>} : memref<6x128x128xf32, #tpu.memory_space<vmem>>, vector<1x1x16xf32>,
          %scan3A_650 = arith.constant 0 : i32
          scf.yield %scan3A_650 : i32
        }
        %scan3A_324 = arith.constant 32 : i32
        %get3A_325 = arith.constant 4 : i32
        %get3A_326 = arith.constant 1 : i32
        %get3A_327 = arith.index_cast %get3A_325 : i32 to index
        %get3A_328 = arith.index_cast %get3A_326 : i32 to index
        %get3A_329 = arith.constant 0 : index
        %get3A_330 = tpu.vector_load %arg7[%get3A_327, %get3A_328, %get3A_329] {strides = array<i32>} : memref<6x4x128xf32, #tpu.memory_space<vmem>>, vector<1x1x16xf32>,
        %get3A_331 = vector.shape_cast %get3A_330 : vector<1x1x16xf32> to vector<16xf32>
        %get3A_332 = arith.constant 4 : i32
        %get3A_333 = arith.constant 1 : i32
        %get3A_334 = arith.index_cast %get3A_332 : i32 to index
        %get3A_335 = arith.index_cast %get3A_333 : i32 to index
        %get3A_336 = arith.constant 16 : index
        %get3A_337 = tpu.vector_load %arg7[%get3A_334, %get3A_335, %get3A_336] {strides = array<i32>} : memref<6x4x128xf32, #tpu.memory_space<vmem>>, vector<1x1x16xf32>,
        %get3A_338 = vector.shape_cast %get3A_337 : vector<1x1x16xf32> to vector<16xf32>
        %get3A_339 = arith.constant 4 : i32
        %get3A_340 = arith.constant 1 : i32
        %get3A_341 = arith.index_cast %get3A_339 : i32 to index
        %get3A_342 = arith.index_cast %get3A_340 : i32 to index
        %get3A_343 = arith.constant 32 : index
        %get3A_344 = tpu.vector_load %arg7[%get3A_341, %get3A_342, %get3A_343] {strides = array<i32>} : memref<6x4x128xf32, #tpu.memory_space<vmem>>, vector<1x1x16xf32>,
        %get3A_345 = vector.shape_cast %get3A_344 : vector<1x1x16xf32> to vector<16xf32>
        %get3A_346 = arith.constant 4 : i32
        %get3A_347 = arith.constant 1 : i32
        %get3A_348 = arith.index_cast %get3A_346 : i32 to index
        %get3A_349 = arith.index_cast %get3A_347 : i32 to index
        %get3A_350 = arith.constant 48 : index
        %get3A_351 = tpu.vector_load %arg7[%get3A_348, %get3A_349, %get3A_350] {strides = array<i32>} : memref<6x4x128xf32, #tpu.memory_space<vmem>>, vector<1x1x16xf32>,
        %get3A_352 = vector.shape_cast %get3A_351 : vector<1x1x16xf32> to vector<16xf32>
        %get3A_353 = arith.constant 4 : i32
        %get3A_354 = arith.constant 1 : i32
        %get3A_355 = arith.index_cast %get3A_353 : i32 to index
        %get3A_356 = arith.index_cast %get3A_354 : i32 to index
        %get3A_357 = arith.constant 64 : index
        %get3A_358 = tpu.vector_load %arg7[%get3A_355, %get3A_356, %get3A_357] {strides = array<i32>} : memref<6x4x128xf32, #tpu.memory_space<vmem>>, vector<1x1x16xf32>,
        %get3A_359 = vector.shape_cast %get3A_358 : vector<1x1x16xf32> to vector<16xf32>
        %get3A_360 = arith.constant 4 : i32
        %get3A_361 = arith.constant 1 : i32
        %get3A_362 = arith.index_cast %get3A_360 : i32 to index
        %get3A_363 = arith.index_cast %get3A_361 : i32 to index
        %get3A_364 = arith.constant 80 : index
        %get3A_365 = tpu.vector_load %arg7[%get3A_362, %get3A_363, %get3A_364] {strides = array<i32>} : memref<6x4x128xf32, #tpu.memory_space<vmem>>, vector<1x1x16xf32>,
        %get3A_366 = vector.shape_cast %get3A_365 : vector<1x1x16xf32> to vector<16xf32>
        %get3A_367 = arith.constant 4 : i32
        %get3A_368 = arith.constant 1 : i32
        %get3A_369 = arith.index_cast %get3A_367 : i32 to index
        %get3A_370 = arith.index_cast %get3A_368 : i32 to index
        %get3A_371 = arith.constant 96 : index
        %get3A_372 = tpu.vector_load %arg7[%get3A_369, %get3A_370, %get3A_371] {strides = array<i32>} : memref<6x4x128xf32, #tpu.memory_space<vmem>>, vector<1x1x16xf32>,
        %get3A_373 = vector.shape_cast %get3A_372 : vector<1x1x16xf32> to vector<16xf32>
        %get3A_374 = arith.constant 4 : i32
        %get3A_375 = arith.constant 1 : i32
        %get3A_376 = arith.index_cast %get3A_374 : i32 to index
        %get3A_377 = arith.index_cast %get3A_375 : i32 to index
        %get3A_378 = arith.constant 112 : index
        %get3A_379 = tpu.vector_load %arg7[%get3A_376, %get3A_377, %get3A_378] {strides = array<i32>} : memref<6x4x128xf32, #tpu.memory_space<vmem>>, vector<1x1x16xf32>,
        %get3A_380 = vector.shape_cast %get3A_379 : vector<1x1x16xf32> to vector<16xf32>
        %scan3A_381 = arith.constant 0 : i32
        %scan3A_382 = arith.constant 0 : i32
        %scan3A_383 = arith.constant 32 : i32
        %scan3A_384 = arith.addi %scan3A_382, %scan3A_383 : i32
        %scan3A_385 = arith.constant 1 : i32
        %scan3A_386 = scf.for %scan3A_536 = %scan3A_382 to %scan3A_384 step %scan3A_385 iter_args(%scan3A_537 = %scan3A_381) -> (i32)  : i32 {
          %add3A_538 = arith.constant 32 : i32
          %add3A_539 = arith.addi %add3A_538, %scan3A_536 : i32
          %get3A_540 = arith.constant 4 : i32
          %get3A_541 = arith.index_cast %get3A_540 : i32 to index
          %get3A_542 = arith.index_cast %add3A_539 : i32 to index
          %get3A_543 = arith.constant 0 : index
          %get3A_544 = tpu.vector_load %arg6[%get3A_541, %get3A_542, %get3A_543] {strides = array<i32>} : memref<6x128x128xf32, #tpu.memory_space<vmem>>, vector<1x1x16xf32>,
          %get3A_545 = vector.shape_cast %get3A_544 : vector<1x1x16xf32> to vector<16xf32>
          %sub3A = arith.subf %get3A_545, %get3A_331 : vector<16xf32>
          %swap3A = arith.constant 4 : i32
          %swap3A_546 = arith.index_cast %swap3A : i32 to index
          %swap3A_547 = arith.index_cast %add3A_539 : i32 to index
          %swap3A_548 = arith.constant 0 : index
          %swap3A_549 = tpu.vector_load %arg6[%swap3A_546, %swap3A_547, %swap3A_548] {strides = array<i32>} : memref<6x128x128xf32, #tpu.memory_space<vmem>>, vector<1x1x16xf32>,
          %swap3A_550 = vector.shape_cast %swap3A_549 : vector<1x1x16xf32> to vector<16xf32>
          %swap3A_551 = vector.shape_cast %sub3A : vector<16xf32> to vector<1x1x16xf32>
          tpu.vector_store %arg6[%swap3A_546, %swap3A_547, %swap3A_548], %swap3A_551 {strides = array<i32>} : memref<6x128x128xf32, #tpu.memory_space<vmem>>, vector<1x1x16xf32>,
          %get3A_552 = arith.constant 4 : i32
          %get3A_553 = arith.index_cast %get3A_552 : i32 to index
          %get3A_554 = arith.index_cast %add3A_539 : i32 to index
          %get3A_555 = arith.constant 16 : index
          %get3A_556 = tpu.vector_load %arg6[%get3A_553, %get3A_554, %get3A_555] {strides = array<i32>} : memref<6x128x128xf32, #tpu.memory_space<vmem>>, vector<1x1x16xf32>,
          %get3A_557 = vector.shape_cast %get3A_556 : vector<1x1x16xf32> to vector<16xf32>
          %sub3A_558 = arith.subf %get3A_557, %get3A_338 : vector<16xf32>
          %swap3A_559 = arith.constant 4 : i32
          %swap3A_560 = arith.index_cast %swap3A_559 : i32 to index
          %swap3A_561 = arith.index_cast %add3A_539 : i32 to index
          %swap3A_562 = arith.constant 16 : index
          %swap3A_563 = tpu.vector_load %arg6[%swap3A_560, %swap3A_561, %swap3A_562] {strides = array<i32>} : memref<6x128x128xf32, #tpu.memory_space<vmem>>, vector<1x1x16xf32>,
          %swap3A_564 = vector.shape_cast %swap3A_563 : vector<1x1x16xf32> to vector<16xf32>
          %swap3A_565 = vector.shape_cast %sub3A_558 : vector<16xf32> to vector<1x1x16xf32>
          tpu.vector_store %arg6[%swap3A_560, %swap3A_561, %swap3A_562], %swap3A_565 {strides = array<i32>} : memref<6x128x128xf32, #tpu.memory_space<vmem>>, vector<1x1x16xf32>,
          %get3A_566 = arith.constant 4 : i32
          %get3A_567 = arith.index_cast %get3A_566 : i32 to index
          %get3A_568 = arith.index_cast %add3A_539 : i32 to index
          %get3A_569 = arith.constant 32 : index
          %get3A_570 = tpu.vector_load %arg6[%get3A_567, %get3A_568, %get3A_569] {strides = array<i32>} : memref<6x128x128xf32, #tpu.memory_space<vmem>>, vector<1x1x16xf32>,
          %get3A_571 = vector.shape_cast %get3A_570 : vector<1x1x16xf32> to vector<16xf32>
          %sub3A_572 = arith.subf %get3A_571, %get3A_345 : vector<16xf32>
          %swap3A_573 = arith.constant 4 : i32
          %swap3A_574 = arith.index_cast %swap3A_573 : i32 to index
          %swap3A_575 = arith.index_cast %add3A_539 : i32 to index
          %swap3A_576 = arith.constant 32 : index
          %swap3A_577 = tpu.vector_load %arg6[%swap3A_574, %swap3A_575, %swap3A_576] {strides = array<i32>} : memref<6x128x128xf32, #tpu.memory_space<vmem>>, vector<1x1x16xf32>,
          %swap3A_578 = vector.shape_cast %swap3A_577 : vector<1x1x16xf32> to vector<16xf32>
          %swap3A_579 = vector.shape_cast %sub3A_572 : vector<16xf32> to vector<1x1x16xf32>
          tpu.vector_store %arg6[%swap3A_574, %swap3A_575, %swap3A_576], %swap3A_579 {strides = array<i32>} : memref<6x128x128xf32, #tpu.memory_space<vmem>>, vector<1x1x16xf32>,
          %get3A_580 = arith.constant 4 : i32
          %get3A_581 = arith.index_cast %get3A_580 : i32 to index
          %get3A_582 = arith.index_cast %add3A_539 : i32 to index
          %get3A_583 = arith.constant 48 : index
          %get3A_584 = tpu.vector_load %arg6[%get3A_581, %get3A_582, %get3A_583] {strides = array<i32>} : memref<6x128x128xf32, #tpu.memory_space<vmem>>, vector<1x1x16xf32>,
          %get3A_585 = vector.shape_cast %get3A_584 : vector<1x1x16xf32> to vector<16xf32>
          %sub3A_586 = arith.subf %get3A_585, %get3A_352 : vector<16xf32>
          %swap3A_587 = arith.constant 4 : i32
          %swap3A_588 = arith.index_cast %swap3A_587 : i32 to index
          %swap3A_589 = arith.index_cast %add3A_539 : i32 to index
          %swap3A_590 = arith.constant 48 : index
          %swap3A_591 = tpu.vector_load %arg6[%swap3A_588, %swap3A_589, %swap3A_590] {strides = array<i32>} : memref<6x128x128xf32, #tpu.memory_space<vmem>>, vector<1x1x16xf32>,
          %swap3A_592 = vector.shape_cast %swap3A_591 : vector<1x1x16xf32> to vector<16xf32>
          %swap3A_593 = vector.shape_cast %sub3A_586 : vector<16xf32> to vector<1x1x16xf32>
          tpu.vector_store %arg6[%swap3A_588, %swap3A_589, %swap3A_590], %swap3A_593 {strides = array<i32>} : memref<6x128x128xf32, #tpu.memory_space<vmem>>, vector<1x1x16xf32>,
          %get3A_594 = arith.constant 4 : i32
          %get3A_595 = arith.index_cast %get3A_594 : i32 to index
          %get3A_596 = arith.index_cast %add3A_539 : i32 to index
          %get3A_597 = arith.constant 64 : index
          %get3A_598 = tpu.vector_load %arg6[%get3A_595, %get3A_596, %get3A_597] {strides = array<i32>} : memref<6x128x128xf32, #tpu.memory_space<vmem>>, vector<1x1x16xf32>,
          %get3A_599 = vector.shape_cast %get3A_598 : vector<1x1x16xf32> to vector<16xf32>
          %sub3A_600 = arith.subf %get3A_599, %get3A_359 : vector<16xf32>
          %swap3A_601 = arith.constant 4 : i32
          %swap3A_602 = arith.index_cast %swap3A_601 : i32 to index
          %swap3A_603 = arith.index_cast %add3A_539 : i32 to index
          %swap3A_604 = arith.constant 64 : index
          %swap3A_605 = tpu.vector_load %arg6[%swap3A_602, %swap3A_603, %swap3A_604] {strides = array<i32>} : memref<6x128x128xf32, #tpu.memory_space<vmem>>, vector<1x1x16xf32>,
          %swap3A_606 = vector.shape_cast %swap3A_605 : vector<1x1x16xf32> to vector<16xf32>
          %swap3A_607 = vector.shape_cast %sub3A_600 : vector<16xf32> to vector<1x1x16xf32>
          tpu.vector_store %arg6[%swap3A_602, %swap3A_603, %swap3A_604], %swap3A_607 {strides = array<i32>} : memref<6x128x128xf32, #tpu.memory_space<vmem>>, vector<1x1x16xf32>,
          %get3A_608 = arith.constant 4 : i32
          %get3A_609 = arith.index_cast %get3A_608 : i32 to index
          %get3A_610 = arith.index_cast %add3A_539 : i32 to index
          %get3A_611 = arith.constant 80 : index
          %get3A_612 = tpu.vector_load %arg6[%get3A_609, %get3A_610, %get3A_611] {strides = array<i32>} : memref<6x128x128xf32, #tpu.memory_space<vmem>>, vector<1x1x16xf32>,
          %get3A_613 = vector.shape_cast %get3A_612 : vector<1x1x16xf32> to vector<16xf32>
          %sub3A_614 = arith.subf %get3A_613, %get3A_366 : vector<16xf32>
          %swap3A_615 = arith.constant 4 : i32
          %swap3A_616 = arith.index_cast %swap3A_615 : i32 to index
          %swap3A_617 = arith.index_cast %add3A_539 : i32 to index
          %swap3A_618 = arith.constant 80 : index
          %swap3A_619 = tpu.vector_load %arg6[%swap3A_616, %swap3A_617, %swap3A_618] {strides = array<i32>} : memref<6x128x128xf32, #tpu.memory_space<vmem>>, vector<1x1x16xf32>,
          %swap3A_620 = vector.shape_cast %swap3A_619 : vector<1x1x16xf32> to vector<16xf32>
          %swap3A_621 = vector.shape_cast %sub3A_614 : vector<16xf32> to vector<1x1x16xf32>
          tpu.vector_store %arg6[%swap3A_616, %swap3A_617, %swap3A_618], %swap3A_621 {strides = array<i32>} : memref<6x128x128xf32, #tpu.memory_space<vmem>>, vector<1x1x16xf32>,
          %get3A_622 = arith.constant 4 : i32
          %get3A_623 = arith.index_cast %get3A_622 : i32 to index
          %get3A_624 = arith.index_cast %add3A_539 : i32 to index
          %get3A_625 = arith.constant 96 : index
          %get3A_626 = tpu.vector_load %arg6[%get3A_623, %get3A_624, %get3A_625] {strides = array<i32>} : memref<6x128x128xf32, #tpu.memory_space<vmem>>, vector<1x1x16xf32>,
          %get3A_627 = vector.shape_cast %get3A_626 : vector<1x1x16xf32> to vector<16xf32>
          %sub3A_628 = arith.subf %get3A_627, %get3A_373 : vector<16xf32>
          %swap3A_629 = arith.constant 4 : i32
          %swap3A_630 = arith.index_cast %swap3A_629 : i32 to index
          %swap3A_631 = arith.index_cast %add3A_539 : i32 to index
          %swap3A_632 = arith.constant 96 : index
          %swap3A_633 = tpu.vector_load %arg6[%swap3A_630, %swap3A_631, %swap3A_632] {strides = array<i32>} : memref<6x128x128xf32, #tpu.memory_space<vmem>>, vector<1x1x16xf32>,
          %swap3A_634 = vector.shape_cast %swap3A_633 : vector<1x1x16xf32> to vector<16xf32>
          %swap3A_635 = vector.shape_cast %sub3A_628 : vector<16xf32> to vector<1x1x16xf32>
          tpu.vector_store %arg6[%swap3A_630, %swap3A_631, %swap3A_632], %swap3A_635 {strides = array<i32>} : memref<6x128x128xf32, #tpu.memory_space<vmem>>, vector<1x1x16xf32>,
          %get3A_636 = arith.constant 4 : i32
          %get3A_637 = arith.index_cast %get3A_636 : i32 to index
          %get3A_638 = arith.index_cast %add3A_539 : i32 to index
          %get3A_639 = arith.constant 112 : index
          %get3A_640 = tpu.vector_load %arg6[%get3A_637, %get3A_638, %get3A_639] {strides = array<i32>} : memref<6x128x128xf32, #tpu.memory_space<vmem>>, vector<1x1x16xf32>,
          %get3A_641 = vector.shape_cast %get3A_640 : vector<1x1x16xf32> to vector<16xf32>
          %sub3A_642 = arith.subf %get3A_641, %get3A_380 : vector<16xf32>
          %swap3A_643 = arith.constant 4 : i32
          %swap3A_644 = arith.index_cast %swap3A_643 : i32 to index
          %swap3A_645 = arith.index_cast %add3A_539 : i32 to index
          %swap3A_646 = arith.constant 112 : index
          %swap3A_647 = tpu.vector_load %arg6[%swap3A_644, %swap3A_645, %swap3A_646] {strides = array<i32>} : memref<6x128x128xf32, #tpu.memory_space<vmem>>, vector<1x1x16xf32>,
          %swap3A_648 = vector.shape_cast %swap3A_647 : vector<1x1x16xf32> to vector<16xf32>
          %swap3A_649 = vector.shape_cast %sub3A_642 : vector<16xf32> to vector<1x1x16xf32>
          tpu.vector_store %arg6[%swap3A_644, %swap3A_645, %swap3A_646], %swap3A_649 {strides = array<i32>} : memref<6x128x128xf32, #tpu.memory_space<vmem>>, vector<1x1x16xf32>,
          %scan3A_650 = arith.constant 0 : i32
          scf.yield %scan3A_650 : i32
        }
        %scan3A_387 = arith.constant 32 : i32
        %get3A_388 = arith.constant 4 : i32
        %get3A_389 = arith.constant 2 : i32
        %get3A_390 = arith.index_cast %get3A_388 : i32 to index
        %get3A_391 = arith.index_cast %get3A_389 : i32 to index
        %get3A_392 = arith.constant 0 : index
        %get3A_393 = tpu.vector_load %arg7[%get3A_390, %get3A_391, %get3A_392] {strides = array<i32>} : memref<6x4x128xf32, #tpu.memory_space<vmem>>, vector<1x1x16xf32>,
        %get3A_394 = vector.shape_cast %get3A_393 : vector<1x1x16xf32> to vector<16xf32>
        %get3A_395 = arith.constant 4 : i32
        %get3A_396 = arith.constant 2 : i32
        %get3A_397 = arith.index_cast %get3A_395 : i32 to index
        %get3A_398 = arith.index_cast %get3A_396 : i32 to index
        %get3A_399 = arith.constant 16 : index
        %get3A_400 = tpu.vector_load %arg7[%get3A_397, %get3A_398, %get3A_399] {strides = array<i32>} : memref<6x4x128xf32, #tpu.memory_space<vmem>>, vector<1x1x16xf32>,
        %get3A_401 = vector.shape_cast %get3A_400 : vector<1x1x16xf32> to vector<16xf32>
        %get3A_402 = arith.constant 4 : i32
        %get3A_403 = arith.constant 2 : i32
        %get3A_404 = arith.index_cast %get3A_402 : i32 to index
        %get3A_405 = arith.index_cast %get3A_403 : i32 to index
        %get3A_406 = arith.constant 32 : index
        %get3A_407 = tpu.vector_load %arg7[%get3A_404, %get3A_405, %get3A_406] {strides = array<i32>} : memref<6x4x128xf32, #tpu.memory_space<vmem>>, vector<1x1x16xf32>,
        %get3A_408 = vector.shape_cast %get3A_407 : vector<1x1x16xf32> to vector<16xf32>
        %get3A_409 = arith.constant 4 : i32
        %get3A_410 = arith.constant 2 : i32
        %get3A_411 = arith.index_cast %get3A_409 : i32 to index
        %get3A_412 = arith.index_cast %get3A_410 : i32 to index
        %get3A_413 = arith.constant 48 : index
        %get3A_414 = tpu.vector_load %arg7[%get3A_411, %get3A_412, %get3A_413] {strides = array<i32>} : memref<6x4x128xf32, #tpu.memory_space<vmem>>, vector<1x1x16xf32>,
        %get3A_415 = vector.shape_cast %get3A_414 : vector<1x1x16xf32> to vector<16xf32>
        %get3A_416 = arith.constant 4 : i32
        %get3A_417 = arith.constant 2 : i32
        %get3A_418 = arith.index_cast %get3A_416 : i32 to index
        %get3A_419 = arith.index_cast %get3A_417 : i32 to index
        %get3A_420 = arith.constant 64 : index
        %get3A_421 = tpu.vector_load %arg7[%get3A_418, %get3A_419, %get3A_420] {strides = array<i32>} : memref<6x4x128xf32, #tpu.memory_space<vmem>>, vector<1x1x16xf32>,
        %get3A_422 = vector.shape_cast %get3A_421 : vector<1x1x16xf32> to vector<16xf32>
        %get3A_423 = arith.constant 4 : i32
        %get3A_424 = arith.constant 2 : i32
        %get3A_425 = arith.index_cast %get3A_423 : i32 to index
        %get3A_426 = arith.index_cast %get3A_424 : i32 to index
        %get3A_427 = arith.constant 80 : index
        %get3A_428 = tpu.vector_load %arg7[%get3A_425, %get3A_426, %get3A_427] {strides = array<i32>} : memref<6x4x128xf32, #tpu.memory_space<vmem>>, vector<1x1x16xf32>,
        %get3A_429 = vector.shape_cast %get3A_428 : vector<1x1x16xf32> to vector<16xf32>
        %get3A_430 = arith.constant 4 : i32
        %get3A_431 = arith.constant 2 : i32
        %get3A_432 = arith.index_cast %get3A_430 : i32 to index
        %get3A_433 = arith.index_cast %get3A_431 : i32 to index
        %get3A_434 = arith.constant 96 : index
        %get3A_435 = tpu.vector_load %arg7[%get3A_432, %get3A_433, %get3A_434] {strides = array<i32>} : memref<6x4x128xf32, #tpu.memory_space<vmem>>, vector<1x1x16xf32>,
        %get3A_436 = vector.shape_cast %get3A_435 : vector<1x1x16xf32> to vector<16xf32>
        %get3A_437 = arith.constant 4 : i32
        %get3A_438 = arith.constant 2 : i32
        %get3A_439 = arith.index_cast %get3A_437 : i32 to index
        %get3A_440 = arith.index_cast %get3A_438 : i32 to index
        %get3A_441 = arith.constant 112 : index
        %get3A_442 = tpu.vector_load %arg7[%get3A_439, %get3A_440, %get3A_441] {strides = array<i32>} : memref<6x4x128xf32, #tpu.memory_space<vmem>>, vector<1x1x16xf32>,
        %get3A_443 = vector.shape_cast %get3A_442 : vector<1x1x16xf32> to vector<16xf32>
        %scan3A_444 = arith.constant 0 : i32
        %scan3A_445 = arith.constant 0 : i32
        %scan3A_446 = arith.constant 32 : i32
        %scan3A_447 = arith.addi %scan3A_445, %scan3A_446 : i32
        %scan3A_448 = arith.constant 1 : i32
        %scan3A_449 = scf.for %scan3A_536 = %scan3A_445 to %scan3A_447 step %scan3A_448 iter_args(%scan3A_537 = %scan3A_444) -> (i32)  : i32 {
          %add3A_538 = arith.constant 64 : i32
          %add3A_539 = arith.addi %add3A_538, %scan3A_536 : i32
          %get3A_540 = arith.constant 4 : i32
          %get3A_541 = arith.index_cast %get3A_540 : i32 to index
          %get3A_542 = arith.index_cast %add3A_539 : i32 to index
          %get3A_543 = arith.constant 0 : index
          %get3A_544 = tpu.vector_load %arg6[%get3A_541, %get3A_542, %get3A_543] {strides = array<i32>} : memref<6x128x128xf32, #tpu.memory_space<vmem>>, vector<1x1x16xf32>,
          %get3A_545 = vector.shape_cast %get3A_544 : vector<1x1x16xf32> to vector<16xf32>
          %sub3A = arith.subf %get3A_545, %get3A_394 : vector<16xf32>
          %swap3A = arith.constant 4 : i32
          %swap3A_546 = arith.index_cast %swap3A : i32 to index
          %swap3A_547 = arith.index_cast %add3A_539 : i32 to index
          %swap3A_548 = arith.constant 0 : index
          %swap3A_549 = tpu.vector_load %arg6[%swap3A_546, %swap3A_547, %swap3A_548] {strides = array<i32>} : memref<6x128x128xf32, #tpu.memory_space<vmem>>, vector<1x1x16xf32>,
          %swap3A_550 = vector.shape_cast %swap3A_549 : vector<1x1x16xf32> to vector<16xf32>
          %swap3A_551 = vector.shape_cast %sub3A : vector<16xf32> to vector<1x1x16xf32>
          tpu.vector_store %arg6[%swap3A_546, %swap3A_547, %swap3A_548], %swap3A_551 {strides = array<i32>} : memref<6x128x128xf32, #tpu.memory_space<vmem>>, vector<1x1x16xf32>,
          %get3A_552 = arith.constant 4 : i32
          %get3A_553 = arith.index_cast %get3A_552 : i32 to index
          %get3A_554 = arith.index_cast %add3A_539 : i32 to index
          %get3A_555 = arith.constant 16 : index
          %get3A_556 = tpu.vector_load %arg6[%get3A_553, %get3A_554, %get3A_555] {strides = array<i32>} : memref<6x128x128xf32, #tpu.memory_space<vmem>>, vector<1x1x16xf32>,
          %get3A_557 = vector.shape_cast %get3A_556 : vector<1x1x16xf32> to vector<16xf32>
          %sub3A_558 = arith.subf %get3A_557, %get3A_401 : vector<16xf32>
          %swap3A_559 = arith.constant 4 : i32
          %swap3A_560 = arith.index_cast %swap3A_559 : i32 to index
          %swap3A_561 = arith.index_cast %add3A_539 : i32 to index
          %swap3A_562 = arith.constant 16 : index
          %swap3A_563 = tpu.vector_load %arg6[%swap3A_560, %swap3A_561, %swap3A_562] {strides = array<i32>} : memref<6x128x128xf32, #tpu.memory_space<vmem>>, vector<1x1x16xf32>,
          %swap3A_564 = vector.shape_cast %swap3A_563 : vector<1x1x16xf32> to vector<16xf32>
          %swap3A_565 = vector.shape_cast %sub3A_558 : vector<16xf32> to vector<1x1x16xf32>
          tpu.vector_store %arg6[%swap3A_560, %swap3A_561, %swap3A_562], %swap3A_565 {strides = array<i32>} : memref<6x128x128xf32, #tpu.memory_space<vmem>>, vector<1x1x16xf32>,
          %get3A_566 = arith.constant 4 : i32
          %get3A_567 = arith.index_cast %get3A_566 : i32 to index
          %get3A_568 = arith.index_cast %add3A_539 : i32 to index
          %get3A_569 = arith.constant 32 : index
          %get3A_570 = tpu.vector_load %arg6[%get3A_567, %get3A_568, %get3A_569] {strides = array<i32>} : memref<6x128x128xf32, #tpu.memory_space<vmem>>, vector<1x1x16xf32>,
          %get3A_571 = vector.shape_cast %get3A_570 : vector<1x1x16xf32> to vector<16xf32>
          %sub3A_572 = arith.subf %get3A_571, %get3A_408 : vector<16xf32>
          %swap3A_573 = arith.constant 4 : i32
          %swap3A_574 = arith.index_cast %swap3A_573 : i32 to index
          %swap3A_575 = arith.index_cast %add3A_539 : i32 to index
          %swap3A_576 = arith.constant 32 : index
          %swap3A_577 = tpu.vector_load %arg6[%swap3A_574, %swap3A_575, %swap3A_576] {strides = array<i32>} : memref<6x128x128xf32, #tpu.memory_space<vmem>>, vector<1x1x16xf32>,
          %swap3A_578 = vector.shape_cast %swap3A_577 : vector<1x1x16xf32> to vector<16xf32>
          %swap3A_579 = vector.shape_cast %sub3A_572 : vector<16xf32> to vector<1x1x16xf32>
          tpu.vector_store %arg6[%swap3A_574, %swap3A_575, %swap3A_576], %swap3A_579 {strides = array<i32>} : memref<6x128x128xf32, #tpu.memory_space<vmem>>, vector<1x1x16xf32>,
          %get3A_580 = arith.constant 4 : i32
          %get3A_581 = arith.index_cast %get3A_580 : i32 to index
          %get3A_582 = arith.index_cast %add3A_539 : i32 to index
          %get3A_583 = arith.constant 48 : index
          %get3A_584 = tpu.vector_load %arg6[%get3A_581, %get3A_582, %get3A_583] {strides = array<i32>} : memref<6x128x128xf32, #tpu.memory_space<vmem>>, vector<1x1x16xf32>,
          %get3A_585 = vector.shape_cast %get3A_584 : vector<1x1x16xf32> to vector<16xf32>
          %sub3A_586 = arith.subf %get3A_585, %get3A_415 : vector<16xf32>
          %swap3A_587 = arith.constant 4 : i32
          %swap3A_588 = arith.index_cast %swap3A_587 : i32 to index
          %swap3A_589 = arith.index_cast %add3A_539 : i32 to index
          %swap3A_590 = arith.constant 48 : index
          %swap3A_591 = tpu.vector_load %arg6[%swap3A_588, %swap3A_589, %swap3A_590] {strides = array<i32>} : memref<6x128x128xf32, #tpu.memory_space<vmem>>, vector<1x1x16xf32>,
          %swap3A_592 = vector.shape_cast %swap3A_591 : vector<1x1x16xf32> to vector<16xf32>
          %swap3A_593 = vector.shape_cast %sub3A_586 : vector<16xf32> to vector<1x1x16xf32>
          tpu.vector_store %arg6[%swap3A_588, %swap3A_589, %swap3A_590], %swap3A_593 {strides = array<i32>} : memref<6x128x128xf32, #tpu.memory_space<vmem>>, vector<1x1x16xf32>,
          %get3A_594 = arith.constant 4 : i32
          %get3A_595 = arith.index_cast %get3A_594 : i32 to index
          %get3A_596 = arith.index_cast %add3A_539 : i32 to index
          %get3A_597 = arith.constant 64 : index
          %get3A_598 = tpu.vector_load %arg6[%get3A_595, %get3A_596, %get3A_597] {strides = array<i32>} : memref<6x128x128xf32, #tpu.memory_space<vmem>>, vector<1x1x16xf32>,
          %get3A_599 = vector.shape_cast %get3A_598 : vector<1x1x16xf32> to vector<16xf32>
          %sub3A_600 = arith.subf %get3A_599, %get3A_422 : vector<16xf32>
          %swap3A_601 = arith.constant 4 : i32
          %swap3A_602 = arith.index_cast %swap3A_601 : i32 to index
          %swap3A_603 = arith.index_cast %add3A_539 : i32 to index
          %swap3A_604 = arith.constant 64 : index
          %swap3A_605 = tpu.vector_load %arg6[%swap3A_602, %swap3A_603, %swap3A_604] {strides = array<i32>} : memref<6x128x128xf32, #tpu.memory_space<vmem>>, vector<1x1x16xf32>,
          %swap3A_606 = vector.shape_cast %swap3A_605 : vector<1x1x16xf32> to vector<16xf32>
          %swap3A_607 = vector.shape_cast %sub3A_600 : vector<16xf32> to vector<1x1x16xf32>
          tpu.vector_store %arg6[%swap3A_602, %swap3A_603, %swap3A_604], %swap3A_607 {strides = array<i32>} : memref<6x128x128xf32, #tpu.memory_space<vmem>>, vector<1x1x16xf32>,
          %get3A_608 = arith.constant 4 : i32
          %get3A_609 = arith.index_cast %get3A_608 : i32 to index
          %get3A_610 = arith.index_cast %add3A_539 : i32 to index
          %get3A_611 = arith.constant 80 : index
          %get3A_612 = tpu.vector_load %arg6[%get3A_609, %get3A_610, %get3A_611] {strides = array<i32>} : memref<6x128x128xf32, #tpu.memory_space<vmem>>, vector<1x1x16xf32>,
          %get3A_613 = vector.shape_cast %get3A_612 : vector<1x1x16xf32> to vector<16xf32>
          %sub3A_614 = arith.subf %get3A_613, %get3A_429 : vector<16xf32>
          %swap3A_615 = arith.constant 4 : i32
          %swap3A_616 = arith.index_cast %swap3A_615 : i32 to index
          %swap3A_617 = arith.index_cast %add3A_539 : i32 to index
          %swap3A_618 = arith.constant 80 : index
          %swap3A_619 = tpu.vector_load %arg6[%swap3A_616, %swap3A_617, %swap3A_618] {strides = array<i32>} : memref<6x128x128xf32, #tpu.memory_space<vmem>>, vector<1x1x16xf32>,
          %swap3A_620 = vector.shape_cast %swap3A_619 : vector<1x1x16xf32> to vector<16xf32>
          %swap3A_621 = vector.shape_cast %sub3A_614 : vector<16xf32> to vector<1x1x16xf32>
          tpu.vector_store %arg6[%swap3A_616, %swap3A_617, %swap3A_618], %swap3A_621 {strides = array<i32>} : memref<6x128x128xf32, #tpu.memory_space<vmem>>, vector<1x1x16xf32>,
          %get3A_622 = arith.constant 4 : i32
          %get3A_623 = arith.index_cast %get3A_622 : i32 to index
          %get3A_624 = arith.index_cast %add3A_539 : i32 to index
          %get3A_625 = arith.constant 96 : index
          %get3A_626 = tpu.vector_load %arg6[%get3A_623, %get3A_624, %get3A_625] {strides = array<i32>} : memref<6x128x128xf32, #tpu.memory_space<vmem>>, vector<1x1x16xf32>,
          %get3A_627 = vector.shape_cast %get3A_626 : vector<1x1x16xf32> to vector<16xf32>
          %sub3A_628 = arith.subf %get3A_627, %get3A_436 : vector<16xf32>
          %swap3A_629 = arith.constant 4 : i32
          %swap3A_630 = arith.index_cast %swap3A_629 : i32 to index
          %swap3A_631 = arith.index_cast %add3A_539 : i32 to index
          %swap3A_632 = arith.constant 96 : index
          %swap3A_633 = tpu.vector_load %arg6[%swap3A_630, %swap3A_631, %swap3A_632] {strides = array<i32>} : memref<6x128x128xf32, #tpu.memory_space<vmem>>, vector<1x1x16xf32>,
          %swap3A_634 = vector.shape_cast %swap3A_633 : vector<1x1x16xf32> to vector<16xf32>
          %swap3A_635 = vector.shape_cast %sub3A_628 : vector<16xf32> to vector<1x1x16xf32>
          tpu.vector_store %arg6[%swap3A_630, %swap3A_631, %swap3A_632], %swap3A_635 {strides = array<i32>} : memref<6x128x128xf32, #tpu.memory_space<vmem>>, vector<1x1x16xf32>,
          %get3A_636 = arith.constant 4 : i32
          %get3A_637 = arith.index_cast %get3A_636 : i32 to index
          %get3A_638 = arith.index_cast %add3A_539 : i32 to index
          %get3A_639 = arith.constant 112 : index
          %get3A_640 = tpu.vector_load %arg6[%get3A_637, %get3A_638, %get3A_639] {strides = array<i32>} : memref<6x128x128xf32, #tpu.memory_space<vmem>>, vector<1x1x16xf32>,
          %get3A_641 = vector.shape_cast %get3A_640 : vector<1x1x16xf32> to vector<16xf32>
          %sub3A_642 = arith.subf %get3A_641, %get3A_443 : vector<16xf32>
          %swap3A_643 = arith.constant 4 : i32
          %swap3A_644 = arith.index_cast %swap3A_643 : i32 to index
          %swap3A_645 = arith.index_cast %add3A_539 : i32 to index
          %swap3A_646 = arith.constant 112 : index
          %swap3A_647 = tpu.vector_load %arg6[%swap3A_644, %swap3A_645, %swap3A_646] {strides = array<i32>} : memref<6x128x128xf32, #tpu.memory_space<vmem>>, vector<1x1x16xf32>,
          %swap3A_648 = vector.shape_cast %swap3A_647 : vector<1x1x16xf32> to vector<16xf32>
          %swap3A_649 = vector.shape_cast %sub3A_642 : vector<16xf32> to vector<1x1x16xf32>
          tpu.vector_store %arg6[%swap3A_644, %swap3A_645, %swap3A_646], %swap3A_649 {strides = array<i32>} : memref<6x128x128xf32, #tpu.memory_space<vmem>>, vector<1x1x16xf32>,
          %scan3A_650 = arith.constant 0 : i32
          scf.yield %scan3A_650 : i32
        }
        %scan3A_450 = arith.constant 32 : i32
        %get3A_451 = arith.constant 4 : i32
        %get3A_452 = arith.constant 3 : i32
        %get3A_453 = arith.index_cast %get3A_451 : i32 to index
        %get3A_454 = arith.index_cast %get3A_452 : i32 to index
        %get3A_455 = arith.constant 0 : index
        %get3A_456 = tpu.vector_load %arg7[%get3A_453, %get3A_454, %get3A_455] {strides = array<i32>} : memref<6x4x128xf32, #tpu.memory_space<vmem>>, vector<1x1x16xf32>,
        %get3A_457 = vector.shape_cast %get3A_456 : vector<1x1x16xf32> to vector<16xf32>
        %get3A_458 = arith.constant 4 : i32
        %get3A_459 = arith.constant 3 : i32
        %get3A_460 = arith.index_cast %get3A_458 : i32 to index
        %get3A_461 = arith.index_cast %get3A_459 : i32 to index
        %get3A_462 = arith.constant 16 : index
        %get3A_463 = tpu.vector_load %arg7[%get3A_460, %get3A_461, %get3A_462] {strides = array<i32>} : memref<6x4x128xf32, #tpu.memory_space<vmem>>, vector<1x1x16xf32>,
        %get3A_464 = vector.shape_cast %get3A_463 : vector<1x1x16xf32> to vector<16xf32>
        %get3A_465 = arith.constant 4 : i32
        %get3A_466 = arith.constant 3 : i32
        %get3A_467 = arith.index_cast %get3A_465 : i32 to index
        %get3A_468 = arith.index_cast %get3A_466 : i32 to index
        %get3A_469 = arith.constant 32 : index
        %get3A_470 = tpu.vector_load %arg7[%get3A_467, %get3A_468, %get3A_469] {strides = array<i32>} : memref<6x4x128xf32, #tpu.memory_space<vmem>>, vector<1x1x16xf32>,
        %get3A_471 = vector.shape_cast %get3A_470 : vector<1x1x16xf32> to vector<16xf32>
        %get3A_472 = arith.constant 4 : i32
        %get3A_473 = arith.constant 3 : i32
        %get3A_474 = arith.index_cast %get3A_472 : i32 to index
        %get3A_475 = arith.index_cast %get3A_473 : i32 to index
        %get3A_476 = arith.constant 48 : index
        %get3A_477 = tpu.vector_load %arg7[%get3A_474, %get3A_475, %get3A_476] {strides = array<i32>} : memref<6x4x128xf32, #tpu.memory_space<vmem>>, vector<1x1x16xf32>,
        %get3A_478 = vector.shape_cast %get3A_477 : vector<1x1x16xf32> to vector<16xf32>
        %get3A_479 = arith.constant 4 : i32
        %get3A_480 = arith.constant 3 : i32
        %get3A_481 = arith.index_cast %get3A_479 : i32 to index
        %get3A_482 = arith.index_cast %get3A_480 : i32 to index
        %get3A_483 = arith.constant 64 : index
        %get3A_484 = tpu.vector_load %arg7[%get3A_481, %get3A_482, %get3A_483] {strides = array<i32>} : memref<6x4x128xf32, #tpu.memory_space<vmem>>, vector<1x1x16xf32>,
        %get3A_485 = vector.shape_cast %get3A_484 : vector<1x1x16xf32> to vector<16xf32>
        %get3A_486 = arith.constant 4 : i32
        %get3A_487 = arith.constant 3 : i32
        %get3A_488 = arith.index_cast %get3A_486 : i32 to index
        %get3A_489 = arith.index_cast %get3A_487 : i32 to index
        %get3A_490 = arith.constant 80 : index
        %get3A_491 = tpu.vector_load %arg7[%get3A_488, %get3A_489, %get3A_490] {strides = array<i32>} : memref<6x4x128xf32, #tpu.memory_space<vmem>>, vector<1x1x16xf32>,
        %get3A_492 = vector.shape_cast %get3A_491 : vector<1x1x16xf32> to vector<16xf32>
        %get3A_493 = arith.constant 4 : i32
        %get3A_494 = arith.constant 3 : i32
        %get3A_495 = arith.index_cast %get3A_493 : i32 to index
        %get3A_496 = arith.index_cast %get3A_494 : i32 to index
        %get3A_497 = arith.constant 96 : index
        %get3A_498 = tpu.vector_load %arg7[%get3A_495, %get3A_496, %get3A_497] {strides = array<i32>} : memref<6x4x128xf32, #tpu.memory_space<vmem>>, vector<1x1x16xf32>,
        %get3A_499 = vector.shape_cast %get3A_498 : vector<1x1x16xf32> to vector<16xf32>
        %get3A_500 = arith.constant 4 : i32
        %get3A_501 = arith.constant 3 : i32
        %get3A_502 = arith.index_cast %get3A_500 : i32 to index
        %get3A_503 = arith.index_cast %get3A_501 : i32 to index
        %get3A_504 = arith.constant 112 : index
        %get3A_505 = tpu.vector_load %arg7[%get3A_502, %get3A_503, %get3A_504] {strides = array<i32>} : memref<6x4x128xf32, #tpu.memory_space<vmem>>, vector<1x1x16xf32>,
        %get3A_506 = vector.shape_cast %get3A_505 : vector<1x1x16xf32> to vector<16xf32>
        %scan3A_507 = arith.constant 0 : i32
        %scan3A_508 = arith.constant 0 : i32
        %scan3A_509 = arith.constant 32 : i32
        %scan3A_510 = arith.addi %scan3A_508, %scan3A_509 : i32
        %scan3A_511 = arith.constant 1 : i32
        %scan3A_512 = scf.for %scan3A_536 = %scan3A_508 to %scan3A_510 step %scan3A_511 iter_args(%scan3A_537 = %scan3A_507) -> (i32)  : i32 {
          %add3A_538 = arith.constant 96 : i32
          %add3A_539 = arith.addi %add3A_538, %scan3A_536 : i32
          %get3A_540 = arith.constant 4 : i32
          %get3A_541 = arith.index_cast %get3A_540 : i32 to index
          %get3A_542 = arith.index_cast %add3A_539 : i32 to index
          %get3A_543 = arith.constant 0 : index
          %get3A_544 = tpu.vector_load %arg6[%get3A_541, %get3A_542, %get3A_543] {strides = array<i32>} : memref<6x128x128xf32, #tpu.memory_space<vmem>>, vector<1x1x16xf32>,
          %get3A_545 = vector.shape_cast %get3A_544 : vector<1x1x16xf32> to vector<16xf32>
          %sub3A = arith.subf %get3A_545, %get3A_457 : vector<16xf32>
          %swap3A = arith.constant 4 : i32
          %swap3A_546 = arith.index_cast %swap3A : i32 to index
          %swap3A_547 = arith.index_cast %add3A_539 : i32 to index
          %swap3A_548 = arith.constant 0 : index
          %swap3A_549 = tpu.vector_load %arg6[%swap3A_546, %swap3A_547, %swap3A_548] {strides = array<i32>} : memref<6x128x128xf32, #tpu.memory_space<vmem>>, vector<1x1x16xf32>,
          %swap3A_550 = vector.shape_cast %swap3A_549 : vector<1x1x16xf32> to vector<16xf32>
          %swap3A_551 = vector.shape_cast %sub3A : vector<16xf32> to vector<1x1x16xf32>
          tpu.vector_store %arg6[%swap3A_546, %swap3A_547, %swap3A_548], %swap3A_551 {strides = array<i32>} : memref<6x128x128xf32, #tpu.memory_space<vmem>>, vector<1x1x16xf32>,
          %get3A_552 = arith.constant 4 : i32
          %get3A_553 = arith.index_cast %get3A_552 : i32 to index
          %get3A_554 = arith.index_cast %add3A_539 : i32 to index
          %get3A_555 = arith.constant 16 : index
          %get3A_556 = tpu.vector_load %arg6[%get3A_553, %get3A_554, %get3A_555] {strides = array<i32>} : memref<6x128x128xf32, #tpu.memory_space<vmem>>, vector<1x1x16xf32>,
          %get3A_557 = vector.shape_cast %get3A_556 : vector<1x1x16xf32> to vector<16xf32>
          %sub3A_558 = arith.subf %get3A_557, %get3A_464 : vector<16xf32>
          %swap3A_559 = arith.constant 4 : i32
          %swap3A_560 = arith.index_cast %swap3A_559 : i32 to index
          %swap3A_561 = arith.index_cast %add3A_539 : i32 to index
          %swap3A_562 = arith.constant 16 : index
          %swap3A_563 = tpu.vector_load %arg6[%swap3A_560, %swap3A_561, %swap3A_562] {strides = array<i32>} : memref<6x128x128xf32, #tpu.memory_space<vmem>>, vector<1x1x16xf32>,
          %swap3A_564 = vector.shape_cast %swap3A_563 : vector<1x1x16xf32> to vector<16xf32>
          %swap3A_565 = vector.shape_cast %sub3A_558 : vector<16xf32> to vector<1x1x16xf32>
          tpu.vector_store %arg6[%swap3A_560, %swap3A_561, %swap3A_562], %swap3A_565 {strides = array<i32>} : memref<6x128x128xf32, #tpu.memory_space<vmem>>, vector<1x1x16xf32>,
          %get3A_566 = arith.constant 4 : i32
          %get3A_567 = arith.index_cast %get3A_566 : i32 to index
          %get3A_568 = arith.index_cast %add3A_539 : i32 to index
          %get3A_569 = arith.constant 32 : index
          %get3A_570 = tpu.vector_load %arg6[%get3A_567, %get3A_568, %get3A_569] {strides = array<i32>} : memref<6x128x128xf32, #tpu.memory_space<vmem>>, vector<1x1x16xf32>,
          %get3A_571 = vector.shape_cast %get3A_570 : vector<1x1x16xf32> to vector<16xf32>
          %sub3A_572 = arith.subf %get3A_571, %get3A_471 : vector<16xf32>
          %swap3A_573 = arith.constant 4 : i32
          %swap3A_574 = arith.index_cast %swap3A_573 : i32 to index
          %swap3A_575 = arith.index_cast %add3A_539 : i32 to index
          %swap3A_576 = arith.constant 32 : index
          %swap3A_577 = tpu.vector_load %arg6[%swap3A_574, %swap3A_575, %swap3A_576] {strides = array<i32>} : memref<6x128x128xf32, #tpu.memory_space<vmem>>, vector<1x1x16xf32>,
          %swap3A_578 = vector.shape_cast %swap3A_577 : vector<1x1x16xf32> to vector<16xf32>
          %swap3A_579 = vector.shape_cast %sub3A_572 : vector<16xf32> to vector<1x1x16xf32>
          tpu.vector_store %arg6[%swap3A_574, %swap3A_575, %swap3A_576], %swap3A_579 {strides = array<i32>} : memref<6x128x128xf32, #tpu.memory_space<vmem>>, vector<1x1x16xf32>,
          %get3A_580 = arith.constant 4 : i32
          %get3A_581 = arith.index_cast %get3A_580 : i32 to index
          %get3A_582 = arith.index_cast %add3A_539 : i32 to index
          %get3A_583 = arith.constant 48 : index
          %get3A_584 = tpu.vector_load %arg6[%get3A_581, %get3A_582, %get3A_583] {strides = array<i32>} : memref<6x128x128xf32, #tpu.memory_space<vmem>>, vector<1x1x16xf32>,
          %get3A_585 = vector.shape_cast %get3A_584 : vector<1x1x16xf32> to vector<16xf32>
          %sub3A_586 = arith.subf %get3A_585, %get3A_478 : vector<16xf32>
          %swap3A_587 = arith.constant 4 : i32
          %swap3A_588 = arith.index_cast %swap3A_587 : i32 to index
          %swap3A_589 = arith.index_cast %add3A_539 : i32 to index
          %swap3A_590 = arith.constant 48 : index
          %swap3A_591 = tpu.vector_load %arg6[%swap3A_588, %swap3A_589, %swap3A_590] {strides = array<i32>} : memref<6x128x128xf32, #tpu.memory_space<vmem>>, vector<1x1x16xf32>,
          %swap3A_592 = vector.shape_cast %swap3A_591 : vector<1x1x16xf32> to vector<16xf32>
          %swap3A_593 = vector.shape_cast %sub3A_586 : vector<16xf32> to vector<1x1x16xf32>
          tpu.vector_store %arg6[%swap3A_588, %swap3A_589, %swap3A_590], %swap3A_593 {strides = array<i32>} : memref<6x128x128xf32, #tpu.memory_space<vmem>>, vector<1x1x16xf32>,
          %get3A_594 = arith.constant 4 : i32
          %get3A_595 = arith.index_cast %get3A_594 : i32 to index
          %get3A_596 = arith.index_cast %add3A_539 : i32 to index
          %get3A_597 = arith.constant 64 : index
          %get3A_598 = tpu.vector_load %arg6[%get3A_595, %get3A_596, %get3A_597] {strides = array<i32>} : memref<6x128x128xf32, #tpu.memory_space<vmem>>, vector<1x1x16xf32>,
          %get3A_599 = vector.shape_cast %get3A_598 : vector<1x1x16xf32> to vector<16xf32>
          %sub3A_600 = arith.subf %get3A_599, %get3A_485 : vector<16xf32>
          %swap3A_601 = arith.constant 4 : i32
          %swap3A_602 = arith.index_cast %swap3A_601 : i32 to index
          %swap3A_603 = arith.index_cast %add3A_539 : i32 to index
          %swap3A_604 = arith.constant 64 : index
          %swap3A_605 = tpu.vector_load %arg6[%swap3A_602, %swap3A_603, %swap3A_604] {strides = array<i32>} : memref<6x128x128xf32, #tpu.memory_space<vmem>>, vector<1x1x16xf32>,
          %swap3A_606 = vector.shape_cast %swap3A_605 : vector<1x1x16xf32> to vector<16xf32>
          %swap3A_607 = vector.shape_cast %sub3A_600 : vector<16xf32> to vector<1x1x16xf32>
          tpu.vector_store %arg6[%swap3A_602, %swap3A_603, %swap3A_604], %swap3A_607 {strides = array<i32>} : memref<6x128x128xf32, #tpu.memory_space<vmem>>, vector<1x1x16xf32>,
          %get3A_608 = arith.constant 4 : i32
          %get3A_609 = arith.index_cast %get3A_608 : i32 to index
          %get3A_610 = arith.index_cast %add3A_539 : i32 to index
          %get3A_611 = arith.constant 80 : index
          %get3A_612 = tpu.vector_load %arg6[%get3A_609, %get3A_610, %get3A_611] {strides = array<i32>} : memref<6x128x128xf32, #tpu.memory_space<vmem>>, vector<1x1x16xf32>,
          %get3A_613 = vector.shape_cast %get3A_612 : vector<1x1x16xf32> to vector<16xf32>
          %sub3A_614 = arith.subf %get3A_613, %get3A_492 : vector<16xf32>
          %swap3A_615 = arith.constant 4 : i32
          %swap3A_616 = arith.index_cast %swap3A_615 : i32 to index
          %swap3A_617 = arith.index_cast %add3A_539 : i32 to index
          %swap3A_618 = arith.constant 80 : index
          %swap3A_619 = tpu.vector_load %arg6[%swap3A_616, %swap3A_617, %swap3A_618] {strides = array<i32>} : memref<6x128x128xf32, #tpu.memory_space<vmem>>, vector<1x1x16xf32>,
          %swap3A_620 = vector.shape_cast %swap3A_619 : vector<1x1x16xf32> to vector<16xf32>
          %swap3A_621 = vector.shape_cast %sub3A_614 : vector<16xf32> to vector<1x1x16xf32>
          tpu.vector_store %arg6[%swap3A_616, %swap3A_617, %swap3A_618], %swap3A_621 {strides = array<i32>} : memref<6x128x128xf32, #tpu.memory_space<vmem>>, vector<1x1x16xf32>,
          %get3A_622 = arith.constant 4 : i32
          %get3A_623 = arith.index_cast %get3A_622 : i32 to index
          %get3A_624 = arith.index_cast %add3A_539 : i32 to index
          %get3A_625 = arith.constant 96 : index
          %get3A_626 = tpu.vector_load %arg6[%get3A_623, %get3A_624, %get3A_625] {strides = array<i32>} : memref<6x128x128xf32, #tpu.memory_space<vmem>>, vector<1x1x16xf32>,
          %get3A_627 = vector.shape_cast %get3A_626 : vector<1x1x16xf32> to vector<16xf32>
          %sub3A_628 = arith.subf %get3A_627, %get3A_499 : vector<16xf32>
          %swap3A_629 = arith.constant 4 : i32
          %swap3A_630 = arith.index_cast %swap3A_629 : i32 to index
          %swap3A_631 = arith.index_cast %add3A_539 : i32 to index
          %swap3A_632 = arith.constant 96 : index
          %swap3A_633 = tpu.vector_load %arg6[%swap3A_630, %swap3A_631, %swap3A_632] {strides = array<i32>} : memref<6x128x128xf32, #tpu.memory_space<vmem>>, vector<1x1x16xf32>,
          %swap3A_634 = vector.shape_cast %swap3A_633 : vector<1x1x16xf32> to vector<16xf32>
          %swap3A_635 = vector.shape_cast %sub3A_628 : vector<16xf32> to vector<1x1x16xf32>
          tpu.vector_store %arg6[%swap3A_630, %swap3A_631, %swap3A_632], %swap3A_635 {strides = array<i32>} : memref<6x128x128xf32, #tpu.memory_space<vmem>>, vector<1x1x16xf32>,
          %get3A_636 = arith.constant 4 : i32
          %get3A_637 = arith.index_cast %get3A_636 : i32 to index
          %get3A_638 = arith.index_cast %add3A_539 : i32 to index
          %get3A_639 = arith.constant 112 : index
          %get3A_640 = tpu.vector_load %arg6[%get3A_637, %get3A_638, %get3A_639] {strides = array<i32>} : memref<6x128x128xf32, #tpu.memory_space<vmem>>, vector<1x1x16xf32>,
          %get3A_641 = vector.shape_cast %get3A_640 : vector<1x1x16xf32> to vector<16xf32>
          %sub3A_642 = arith.subf %get3A_641, %get3A_506 : vector<16xf32>
          %swap3A_643 = arith.constant 4 : i32
          %swap3A_644 = arith.index_cast %swap3A_643 : i32 to index
          %swap3A_645 = arith.index_cast %add3A_539 : i32 to index
          %swap3A_646 = arith.constant 112 : index
          %swap3A_647 = tpu.vector_load %arg6[%swap3A_644, %swap3A_645, %swap3A_646] {strides = array<i32>} : memref<6x128x128xf32, #tpu.memory_space<vmem>>, vector<1x1x16xf32>,
          %swap3A_648 = vector.shape_cast %swap3A_647 : vector<1x1x16xf32> to vector<16xf32>
          %swap3A_649 = vector.shape_cast %sub3A_642 : vector<16xf32> to vector<1x1x16xf32>
          tpu.vector_store %arg6[%swap3A_644, %swap3A_645, %swap3A_646], %swap3A_649 {strides = array<i32>} : memref<6x128x128xf32, #tpu.memory_space<vmem>>, vector<1x1x16xf32>,
          %scan3A_650 = arith.constant 0 : i32
          scf.yield %scan3A_650 : i32
        }
        %scan3A_513 = arith.constant 32 : i32
        %add3A_514 = arith.addi %add3A_4, %add3A_225 : i32
        %mul3A_515 = arith.constant 128 : i32
        %mul3A_516 = arith.muli %add3A_514, %mul3A_515 : i32
        %dma_start3A_517 = arith.constant 4 : i32
        %dma_start3A_518 = arith.constant 0 : i32
        %dma_start3A_519 = arith.constant 0 : i32
        %dma_start3A_520 = tpu.memref_slice %arg6[%dma_start3A_517, %dma_start3A_518, %dma_start3A_519] : memref<6x128x128xf32, #tpu.memory_space<vmem>> -> memref<1x128x128xf32, #tpu.memory_space<vmem>>
        %dma_start3A_521 = tpu.memref_squeeze %dma_start3A_520 : memref<1x128x128xf32, #tpu.memory_space<vmem>> -> memref<128x128xf32, #tpu.memory_space<vmem>>
        %dma_start3A_522 = arith.constant 0 : i32
        %dma_start3A_523 = tpu.memref_slice %arg4[%mul3A_516, %dma_start3A_522] : memref<320000x128xf32, #tpu.memory_space<hbm>> -> memref<128x128xf32, #tpu.memory_space<hbm>>
        %dma_start3A_524 = arith.constant 0 : i32
        %dma_start3A_525 = tpu.memref_slice %arg4[%mul3A_516, %dma_start3A_524] : memref<320000x128xf32, #tpu.memory_space<hbm>> -> memref<128x128xf32, #tpu.memory_space<hbm>>
        %dma_start3A_526 = arith.constant 0 : i32
        %dma_start3A_527 = arith.constant 0 : i32
        %dma_start3A_528 = tpu.memref_slice %arg6[%dma_start3A_517, %dma_start3A_526, %dma_start3A_527] : memref<6x128x128xf32, #tpu.memory_space<vmem>> -> memref<1x128x128xf32, #tpu.memory_space<vmem>>
        %dma_start3A_529 = tpu.memref_squeeze %dma_start3A_528 : memref<1x128x128xf32, #tpu.memory_space<vmem>> -> memref<128x128xf32, #tpu.memory_space<vmem>>
        tpu.enqueue_dma source(%dma_start3A_529 : memref<128x128xf32, #tpu.memory_space<vmem>>) target(%dma_start3A_525 : memref<128x128xf32, #tpu.memory_space<hbm>>) target_semaphore(%arg10 : memref<!tpu.dma_semaphore, #tpu.memory_space<semaphore_mem>>)
        %add3A_530 = arith.constant 3 : i32
        %add3A_531 = arith.addi %add3A_225, %add3A_530 : i32
        %lt3A_532 = arith.cmpi slt, %add3A_531, %add3A_8 : i32
        %convert_element_type3A_533 = arith.extui %lt3A_532 : i1 to i32
        %cond3A_534 = arith.constant 0 : i32
        %cond3A_535 = arith.cmpi ne, %convert_element_type3A_533, %cond3A_534 : i32
        scf.if %cond3A_535 {
          %ge3A = arith.constant 3 : i32
          %ge3A_536 = arith.cmpi sge, %add3A_225, %ge3A : i32
          %convert_element_type3A_537 = arith.extui %ge3A_536 : i1 to i32
          %cond3A_538 = arith.constant 0 : i32
          %cond3A_539 = arith.cmpi ne, %convert_element_type3A_537, %cond3A_538 : i32
          scf.if %cond3A_539 {
            %mul3A_569 = arith.constant 128 : i32
            %mul3A_570 = arith.muli %add3A_4, %mul3A_569 : i32
            %dma_wait3A_571 = arith.constant 4 : i32
            %dma_wait3A_572 = arith.constant 0 : i32
            %dma_wait3A_573 = arith.constant 0 : i32
            %dma_wait3A_574 = tpu.memref_slice %arg6[%dma_wait3A_571, %dma_wait3A_572, %dma_wait3A_573] : memref<6x128x128xf32, #tpu.memory_space<vmem>> -> memref<1x128x128xf32, #tpu.memory_space<vmem>>
            %dma_wait3A_575 = tpu.memref_squeeze %dma_wait3A_574 : memref<1x128x128xf32, #tpu.memory_space<vmem>> -> memref<128x128xf32, #tpu.memory_space<vmem>>
            %dma_wait3A_576 = arith.constant 0 : i32
            %dma_wait3A_577 = tpu.memref_slice %arg4[%mul3A_570, %dma_wait3A_576] : memref<320000x128xf32, #tpu.memory_space<hbm>> -> memref<128x128xf32, #tpu.memory_space<hbm>>
            %dma_wait3A_578 = arith.constant 0 : i32
            %dma_wait3A_579 = tpu.memref_slice %arg4[%mul3A_570, %dma_wait3A_578] : memref<320000x128xf32, #tpu.memory_space<hbm>> -> memref<128x128xf32, #tpu.memory_space<hbm>>
            %dma_wait3A_580 = arith.constant 0 : i32
            %dma_wait3A_581 = arith.constant 0 : i32
            %dma_wait3A_582 = tpu.memref_slice %arg6[%dma_wait3A_571, %dma_wait3A_580, %dma_wait3A_581] : memref<6x128x128xf32, #tpu.memory_space<vmem>> -> memref<1x128x128xf32, #tpu.memory_space<vmem>>
            %dma_wait3A_583 = tpu.memref_squeeze %dma_wait3A_582 : memref<1x128x128xf32, #tpu.memory_space<vmem>> -> memref<128x128xf32, #tpu.memory_space<vmem>>
            tpu.wait_dma2 semaphore(%arg10 : memref<!tpu.dma_semaphore, #tpu.memory_space<semaphore_mem>>) src(%dma_wait3A_583 : memref<128x128xf32, #tpu.memory_space<vmem>>) dst(%dma_wait3A_579 : memref<128x128xf32, #tpu.memory_space<hbm>>)
          } else {
          }
          %add3A_540 = arith.constant 3 : i32
          %add3A_541 = arith.addi %add3A_225, %add3A_540 : i32
          %mul3A_542 = arith.constant 128 : i32
          %mul3A_543 = arith.muli %add3A_541, %mul3A_542 : i32
          %dma_start3A_544 = arith.constant 1 : i32
          %dma_start3A_545 = arith.constant 0 : i32
          %dma_start3A_546 = arith.constant 0 : i32
          %dma_start3A_547 = tpu.memref_slice %arg6[%dma_start3A_544, %dma_start3A_545, %dma_start3A_546] : memref<6x128x128xf32, #tpu.memory_space<vmem>> -> memref<1x128x128xf32, #tpu.memory_space<vmem>>
          %dma_start3A_548 = tpu.memref_squeeze %dma_start3A_547 : memref<1x128x128xf32, #tpu.memory_space<vmem>> -> memref<128x128xf32, #tpu.memory_space<vmem>>
          %dma_start3A_549 = tpu.memref_slice %arg5[%mul3A_543] : memref<10112xi32, #tpu.memory_space<vmem>> -> memref<128xi32, #tpu.memory_space<vmem>>
          %dma_start3A_550 = arith.constant 0 : i32
          %dma_start3A_551 = arith.constant 0 : i32
          %dma_start3A_552 = tpu.memref_slice %arg2[%dma_start3A_550, %dma_start3A_551] : memref<10000x128xf32, #tpu.memory_space<hbm>> -> memref<10000x128xf32, #tpu.memory_space<hbm>>
          tpu.enqueue_indirect_dma source(%dma_start3A_552 : memref<10000x128xf32, #tpu.memory_space<hbm>>) target(%dma_start3A_548 : memref<128x128xf32, #tpu.memory_space<vmem>>) offsets(%dma_start3A_549 : memref<128xi32, #tpu.memory_space<vmem>>) semaphore(%arg8 : memref<!tpu.dma_semaphore, #tpu.memory_space<semaphore_mem>>)
          %add3A_553 = arith.addi %add3A_4, %add3A_541 : i32
          %mul3A_554 = arith.constant 4 : i32
          %mul3A_555 = arith.muli %add3A_553, %mul3A_554 : i32
          %dma_start3A_556 = arith.constant 1 : i32
          %dma_start3A_557 = arith.constant 0 : i32
          %dma_start3A_558 = arith.constant 0 : i32
          %dma_start3A_559 = tpu.memref_slice %arg7[%dma_start3A_556, %dma_start3A_557, %dma_start3A_558] : memref<6x4x128xf32, #tpu.memory_space<vmem>> -> memref<1x4x128xf32, #tpu.memory_space<vmem>>
          %dma_start3A_560 = tpu.memref_squeeze %dma_start3A_559 : memref<1x4x128xf32, #tpu.memory_space<vmem>> -> memref<4x128xf32, #tpu.memory_space<vmem>>
          %dma_start3A_561 = arith.constant 0 : i32
          %dma_start3A_562 = tpu.memref_slice %arg2[%mul3A_555, %dma_start3A_561] : memref<10000x128xf32, #tpu.memory_space<hbm>> -> memref<4x128xf32, #tpu.memory_space<hbm>>
          %dma_start3A_563 = arith.constant 0 : i32
          %dma_start3A_564 = arith.constant 0 : i32
          %dma_start3A_565 = tpu.memref_slice %arg7[%dma_start3A_556, %dma_start3A_563, %dma_start3A_564] : memref<6x4x128xf32, #tpu.memory_space<vmem>> -> memref<1x4x128xf32, #tpu.memory_space<vmem>>
          %dma_start3A_566 = tpu.memref_squeeze %dma_start3A_565 : memref<1x4x128xf32, #tpu.memory_space<vmem>> -> memref<4x128xf32, #tpu.memory_space<vmem>>
          %dma_start3A_567 = arith.constant 0 : i32
          %dma_start3A_568 = tpu.memref_slice %arg2[%mul3A_555, %dma_start3A_567] : memref<10000x128xf32, #tpu.memory_space<hbm>> -> memref<4x128xf32, #tpu.memory_space<hbm>>
          tpu.enqueue_dma source(%dma_start3A_568 : memref<4x128xf32, #tpu.memory_space<hbm>>) target(%dma_start3A_566 : memref<4x128xf32, #tpu.memory_space<vmem>>) target_semaphore(%arg9 : memref<!tpu.dma_semaphore, #tpu.memory_space<semaphore_mem>>)
        } else {
        }
      } else {
      }
      %mul3A_230 = arith.constant 6 : i32
      %mul3A_231 = arith.muli %scan3A_191, %mul3A_230 : i32
      %add3A_232 = arith.constant 5 : i32
      %add3A_233 = arith.addi %mul3A_231, %add3A_232 : i32
      %lt3A_234 = arith.cmpi slt, %add3A_233, %add3A_8 : i32
      %convert_element_type3A_235 = arith.extui %lt3A_234 : i1 to i32
      %cond3A_236 = arith.constant 0 : i32
      %cond3A_237 = arith.cmpi ne, %convert_element_type3A_235, %cond3A_236 : i32
      scf.if %cond3A_237 {
        %mul3A_238 = arith.constant 4 : i32
        %mul3A_239 = arith.muli %add3A_4, %mul3A_238 : i32
        %dma_wait3A_240 = arith.constant 5 : i32
        %dma_wait3A_241 = arith.constant 0 : i32
        %dma_wait3A_242 = arith.constant 0 : i32
        %dma_wait3A_243 = tpu.memref_slice %arg7[%dma_wait3A_240, %dma_wait3A_241, %dma_wait3A_242] : memref<6x4x128xf32, #tpu.memory_space<vmem>> -> memref<1x4x128xf32, #tpu.memory_space<vmem>>
        %dma_wait3A_244 = tpu.memref_squeeze %dma_wait3A_243 : memref<1x4x128xf32, #tpu.memory_space<vmem>> -> memref<4x128xf32, #tpu.memory_space<vmem>>
        %dma_wait3A_245 = arith.constant 0 : i32
        %dma_wait3A_246 = tpu.memref_slice %arg2[%mul3A_239, %dma_wait3A_245] : memref<10000x128xf32, #tpu.memory_space<hbm>> -> memref<4x128xf32, #tpu.memory_space<hbm>>
        %dma_wait3A_247 = arith.constant 0 : i32
        %dma_wait3A_248 = arith.constant 0 : i32
        %dma_wait3A_249 = tpu.memref_slice %arg7[%dma_wait3A_240, %dma_wait3A_247, %dma_wait3A_248] : memref<6x4x128xf32, #tpu.memory_space<vmem>> -> memref<1x4x128xf32, #tpu.memory_space<vmem>>
        %dma_wait3A_250 = tpu.memref_squeeze %dma_wait3A_249 : memref<1x4x128xf32, #tpu.memory_space<vmem>> -> memref<4x128xf32, #tpu.memory_space<vmem>>
        %dma_wait3A_251 = arith.constant 0 : i32
        %dma_wait3A_252 = tpu.memref_slice %arg2[%mul3A_239, %dma_wait3A_251] : memref<10000x128xf32, #tpu.memory_space<hbm>> -> memref<4x128xf32, #tpu.memory_space<hbm>>
        tpu.wait_dma2 semaphore(%arg9 : memref<!tpu.dma_semaphore, #tpu.memory_space<semaphore_mem>>) src(%dma_wait3A_252 : memref<4x128xf32, #tpu.memory_space<hbm>>) dst(%dma_wait3A_250 : memref<4x128xf32, #tpu.memory_space<vmem>>)
        %dma_wait3A_253 = arith.constant 5 : i32
        %dma_wait3A_254 = arith.constant 0 : i32
        %dma_wait3A_255 = arith.constant 0 : i32
        %dma_wait3A_256 = tpu.memref_slice %arg6[%dma_wait3A_253, %dma_wait3A_254, %dma_wait3A_255] : memref<6x128x128xf32, #tpu.memory_space<vmem>> -> memref<1x128x128xf32, #tpu.memory_space<vmem>>
        %dma_wait3A_257 = tpu.memref_squeeze %dma_wait3A_256 : memref<1x128x128xf32, #tpu.memory_space<vmem>> -> memref<128x128xf32, #tpu.memory_space<vmem>>
        %dma_wait3A_258 = arith.constant 0 : i32
        %dma_wait3A_259 = tpu.memref_slice %arg5[%dma_wait3A_258] : memref<10112xi32, #tpu.memory_space<vmem>> -> memref<128xi32, #tpu.memory_space<vmem>>
        %dma_wait3A_260 = arith.constant 0 : i32
        %dma_wait3A_261 = arith.constant 0 : i32
        %dma_wait3A_262 = tpu.memref_slice %arg2[%dma_wait3A_260, %dma_wait3A_261] : memref<10000x128xf32, #tpu.memory_space<hbm>> -> memref<10000x128xf32, #tpu.memory_space<hbm>>
        tpu.wait_indirect_dma semaphore(%arg8 : memref<!tpu.dma_semaphore, #tpu.memory_space<semaphore_mem>>) src(%dma_wait3A_262 : memref<10000x128xf32, #tpu.memory_space<hbm>>) dst(%dma_wait3A_257 : memref<128x128xf32, #tpu.memory_space<vmem>>)
        %get3A = arith.constant 5 : i32
        %get3A_263 = arith.constant 0 : i32
        %get3A_264 = arith.index_cast %get3A : i32 to index
        %get3A_265 = arith.index_cast %get3A_263 : i32 to index
        %get3A_266 = arith.constant 0 : index
        %get3A_267 = tpu.vector_load %arg7[%get3A_264, %get3A_265, %get3A_266] {strides = array<i32>} : memref<6x4x128xf32, #tpu.memory_space<vmem>>, vector<1x1x16xf32>,
        %get3A_268 = vector.shape_cast %get3A_267 : vector<1x1x16xf32> to vector<16xf32>
        %get3A_269 = arith.constant 5 : i32
        %get3A_270 = arith.constant 0 : i32
        %get3A_271 = arith.index_cast %get3A_269 : i32 to index
        %get3A_272 = arith.index_cast %get3A_270 : i32 to index
        %get3A_273 = arith.constant 16 : index
        %get3A_274 = tpu.vector_load %arg7[%get3A_271, %get3A_272, %get3A_273] {strides = array<i32>} : memref<6x4x128xf32, #tpu.memory_space<vmem>>, vector<1x1x16xf32>,
        %get3A_275 = vector.shape_cast %get3A_274 : vector<1x1x16xf32> to vector<16xf32>
        %get3A_276 = arith.constant 5 : i32
        %get3A_277 = arith.constant 0 : i32
        %get3A_278 = arith.index_cast %get3A_276 : i32 to index
        %get3A_279 = arith.index_cast %get3A_277 : i32 to index
        %get3A_280 = arith.constant 32 : index
        %get3A_281 = tpu.vector_load %arg7[%get3A_278, %get3A_279, %get3A_280] {strides = array<i32>} : memref<6x4x128xf32, #tpu.memory_space<vmem>>, vector<1x1x16xf32>,
        %get3A_282 = vector.shape_cast %get3A_281 : vector<1x1x16xf32> to vector<16xf32>
        %get3A_283 = arith.constant 5 : i32
        %get3A_284 = arith.constant 0 : i32
        %get3A_285 = arith.index_cast %get3A_283 : i32 to index
        %get3A_286 = arith.index_cast %get3A_284 : i32 to index
        %get3A_287 = arith.constant 48 : index
        %get3A_288 = tpu.vector_load %arg7[%get3A_285, %get3A_286, %get3A_287] {strides = array<i32>} : memref<6x4x128xf32, #tpu.memory_space<vmem>>, vector<1x1x16xf32>,
        %get3A_289 = vector.shape_cast %get3A_288 : vector<1x1x16xf32> to vector<16xf32>
        %get3A_290 = arith.constant 5 : i32
        %get3A_291 = arith.constant 0 : i32
        %get3A_292 = arith.index_cast %get3A_290 : i32 to index
        %get3A_293 = arith.index_cast %get3A_291 : i32 to index
        %get3A_294 = arith.constant 64 : index
        %get3A_295 = tpu.vector_load %arg7[%get3A_292, %get3A_293, %get3A_294] {strides = array<i32>} : memref<6x4x128xf32, #tpu.memory_space<vmem>>, vector<1x1x16xf32>,
        %get3A_296 = vector.shape_cast %get3A_295 : vector<1x1x16xf32> to vector<16xf32>
        %get3A_297 = arith.constant 5 : i32
        %get3A_298 = arith.constant 0 : i32
        %get3A_299 = arith.index_cast %get3A_297 : i32 to index
        %get3A_300 = arith.index_cast %get3A_298 : i32 to index
        %get3A_301 = arith.constant 80 : index
        %get3A_302 = tpu.vector_load %arg7[%get3A_299, %get3A_300, %get3A_301] {strides = array<i32>} : memref<6x4x128xf32, #tpu.memory_space<vmem>>, vector<1x1x16xf32>,
        %get3A_303 = vector.shape_cast %get3A_302 : vector<1x1x16xf32> to vector<16xf32>
        %get3A_304 = arith.constant 5 : i32
        %get3A_305 = arith.constant 0 : i32
        %get3A_306 = arith.index_cast %get3A_304 : i32 to index
        %get3A_307 = arith.index_cast %get3A_305 : i32 to index
        %get3A_308 = arith.constant 96 : index
        %get3A_309 = tpu.vector_load %arg7[%get3A_306, %get3A_307, %get3A_308] {strides = array<i32>} : memref<6x4x128xf32, #tpu.memory_space<vmem>>, vector<1x1x16xf32>,
        %get3A_310 = vector.shape_cast %get3A_309 : vector<1x1x16xf32> to vector<16xf32>
        %get3A_311 = arith.constant 5 : i32
        %get3A_312 = arith.constant 0 : i32
        %get3A_313 = arith.index_cast %get3A_311 : i32 to index
        %get3A_314 = arith.index_cast %get3A_312 : i32 to index
        %get3A_315 = arith.constant 112 : index
        %get3A_316 = tpu.vector_load %arg7[%get3A_313, %get3A_314, %get3A_315] {strides = array<i32>} : memref<6x4x128xf32, #tpu.memory_space<vmem>>, vector<1x1x16xf32>,
        %get3A_317 = vector.shape_cast %get3A_316 : vector<1x1x16xf32> to vector<16xf32>
        %scan3A_318 = arith.constant 0 : i32
        %scan3A_319 = arith.constant 0 : i32
        %scan3A_320 = arith.constant 32 : i32
        %scan3A_321 = arith.addi %scan3A_319, %scan3A_320 : i32
        %scan3A_322 = arith.constant 1 : i32
        %scan3A_323 = scf.for %scan3A_536 = %scan3A_319 to %scan3A_321 step %scan3A_322 iter_args(%scan3A_537 = %scan3A_318) -> (i32)  : i32 {
          %add3A_538 = arith.constant 0 : i32
          %add3A_539 = arith.addi %add3A_538, %scan3A_536 : i32
          %get3A_540 = arith.constant 5 : i32
          %get3A_541 = arith.index_cast %get3A_540 : i32 to index
          %get3A_542 = arith.index_cast %add3A_539 : i32 to index
          %get3A_543 = arith.constant 0 : index
          %get3A_544 = tpu.vector_load %arg6[%get3A_541, %get3A_542, %get3A_543] {strides = array<i32>} : memref<6x128x128xf32, #tpu.memory_space<vmem>>, vector<1x1x16xf32>,
          %get3A_545 = vector.shape_cast %get3A_544 : vector<1x1x16xf32> to vector<16xf32>
          %sub3A = arith.subf %get3A_545, %get3A_268 : vector<16xf32>
          %swap3A = arith.constant 5 : i32
          %swap3A_546 = arith.index_cast %swap3A : i32 to index
          %swap3A_547 = arith.index_cast %add3A_539 : i32 to index
          %swap3A_548 = arith.constant 0 : index
          %swap3A_549 = tpu.vector_load %arg6[%swap3A_546, %swap3A_547, %swap3A_548] {strides = array<i32>} : memref<6x128x128xf32, #tpu.memory_space<vmem>>, vector<1x1x16xf32>,
          %swap3A_550 = vector.shape_cast %swap3A_549 : vector<1x1x16xf32> to vector<16xf32>
          %swap3A_551 = vector.shape_cast %sub3A : vector<16xf32> to vector<1x1x16xf32>
          tpu.vector_store %arg6[%swap3A_546, %swap3A_547, %swap3A_548], %swap3A_551 {strides = array<i32>} : memref<6x128x128xf32, #tpu.memory_space<vmem>>, vector<1x1x16xf32>,
          %get3A_552 = arith.constant 5 : i32
          %get3A_553 = arith.index_cast %get3A_552 : i32 to index
          %get3A_554 = arith.index_cast %add3A_539 : i32 to index
          %get3A_555 = arith.constant 16 : index
          %get3A_556 = tpu.vector_load %arg6[%get3A_553, %get3A_554, %get3A_555] {strides = array<i32>} : memref<6x128x128xf32, #tpu.memory_space<vmem>>, vector<1x1x16xf32>,
          %get3A_557 = vector.shape_cast %get3A_556 : vector<1x1x16xf32> to vector<16xf32>
          %sub3A_558 = arith.subf %get3A_557, %get3A_275 : vector<16xf32>
          %swap3A_559 = arith.constant 5 : i32
          %swap3A_560 = arith.index_cast %swap3A_559 : i32 to index
          %swap3A_561 = arith.index_cast %add3A_539 : i32 to index
          %swap3A_562 = arith.constant 16 : index
          %swap3A_563 = tpu.vector_load %arg6[%swap3A_560, %swap3A_561, %swap3A_562] {strides = array<i32>} : memref<6x128x128xf32, #tpu.memory_space<vmem>>, vector<1x1x16xf32>,
          %swap3A_564 = vector.shape_cast %swap3A_563 : vector<1x1x16xf32> to vector<16xf32>
          %swap3A_565 = vector.shape_cast %sub3A_558 : vector<16xf32> to vector<1x1x16xf32>
          tpu.vector_store %arg6[%swap3A_560, %swap3A_561, %swap3A_562], %swap3A_565 {strides = array<i32>} : memref<6x128x128xf32, #tpu.memory_space<vmem>>, vector<1x1x16xf32>,
          %get3A_566 = arith.constant 5 : i32
          %get3A_567 = arith.index_cast %get3A_566 : i32 to index
          %get3A_568 = arith.index_cast %add3A_539 : i32 to index
          %get3A_569 = arith.constant 32 : index
          %get3A_570 = tpu.vector_load %arg6[%get3A_567, %get3A_568, %get3A_569] {strides = array<i32>} : memref<6x128x128xf32, #tpu.memory_space<vmem>>, vector<1x1x16xf32>,
          %get3A_571 = vector.shape_cast %get3A_570 : vector<1x1x16xf32> to vector<16xf32>
          %sub3A_572 = arith.subf %get3A_571, %get3A_282 : vector<16xf32>
          %swap3A_573 = arith.constant 5 : i32
          %swap3A_574 = arith.index_cast %swap3A_573 : i32 to index
          %swap3A_575 = arith.index_cast %add3A_539 : i32 to index
          %swap3A_576 = arith.constant 32 : index
          %swap3A_577 = tpu.vector_load %arg6[%swap3A_574, %swap3A_575, %swap3A_576] {strides = array<i32>} : memref<6x128x128xf32, #tpu.memory_space<vmem>>, vector<1x1x16xf32>,
          %swap3A_578 = vector.shape_cast %swap3A_577 : vector<1x1x16xf32> to vector<16xf32>
          %swap3A_579 = vector.shape_cast %sub3A_572 : vector<16xf32> to vector<1x1x16xf32>
          tpu.vector_store %arg6[%swap3A_574, %swap3A_575, %swap3A_576], %swap3A_579 {strides = array<i32>} : memref<6x128x128xf32, #tpu.memory_space<vmem>>, vector<1x1x16xf32>,
          %get3A_580 = arith.constant 5 : i32
          %get3A_581 = arith.index_cast %get3A_580 : i32 to index
          %get3A_582 = arith.index_cast %add3A_539 : i32 to index
          %get3A_583 = arith.constant 48 : index
          %get3A_584 = tpu.vector_load %arg6[%get3A_581, %get3A_582, %get3A_583] {strides = array<i32>} : memref<6x128x128xf32, #tpu.memory_space<vmem>>, vector<1x1x16xf32>,
          %get3A_585 = vector.shape_cast %get3A_584 : vector<1x1x16xf32> to vector<16xf32>
          %sub3A_586 = arith.subf %get3A_585, %get3A_289 : vector<16xf32>
          %swap3A_587 = arith.constant 5 : i32
          %swap3A_588 = arith.index_cast %swap3A_587 : i32 to index
          %swap3A_589 = arith.index_cast %add3A_539 : i32 to index
          %swap3A_590 = arith.constant 48 : index
          %swap3A_591 = tpu.vector_load %arg6[%swap3A_588, %swap3A_589, %swap3A_590] {strides = array<i32>} : memref<6x128x128xf32, #tpu.memory_space<vmem>>, vector<1x1x16xf32>,
          %swap3A_592 = vector.shape_cast %swap3A_591 : vector<1x1x16xf32> to vector<16xf32>
          %swap3A_593 = vector.shape_cast %sub3A_586 : vector<16xf32> to vector<1x1x16xf32>
          tpu.vector_store %arg6[%swap3A_588, %swap3A_589, %swap3A_590], %swap3A_593 {strides = array<i32>} : memref<6x128x128xf32, #tpu.memory_space<vmem>>, vector<1x1x16xf32>,
          %get3A_594 = arith.constant 5 : i32
          %get3A_595 = arith.index_cast %get3A_594 : i32 to index
          %get3A_596 = arith.index_cast %add3A_539 : i32 to index
          %get3A_597 = arith.constant 64 : index
          %get3A_598 = tpu.vector_load %arg6[%get3A_595, %get3A_596, %get3A_597] {strides = array<i32>} : memref<6x128x128xf32, #tpu.memory_space<vmem>>, vector<1x1x16xf32>,
          %get3A_599 = vector.shape_cast %get3A_598 : vector<1x1x16xf32> to vector<16xf32>
          %sub3A_600 = arith.subf %get3A_599, %get3A_296 : vector<16xf32>
          %swap3A_601 = arith.constant 5 : i32
          %swap3A_602 = arith.index_cast %swap3A_601 : i32 to index
          %swap3A_603 = arith.index_cast %add3A_539 : i32 to index
          %swap3A_604 = arith.constant 64 : index
          %swap3A_605 = tpu.vector_load %arg6[%swap3A_602, %swap3A_603, %swap3A_604] {strides = array<i32>} : memref<6x128x128xf32, #tpu.memory_space<vmem>>, vector<1x1x16xf32>,
          %swap3A_606 = vector.shape_cast %swap3A_605 : vector<1x1x16xf32> to vector<16xf32>
          %swap3A_607 = vector.shape_cast %sub3A_600 : vector<16xf32> to vector<1x1x16xf32>
          tpu.vector_store %arg6[%swap3A_602, %swap3A_603, %swap3A_604], %swap3A_607 {strides = array<i32>} : memref<6x128x128xf32, #tpu.memory_space<vmem>>, vector<1x1x16xf32>,
          %get3A_608 = arith.constant 5 : i32
          %get3A_609 = arith.index_cast %get3A_608 : i32 to index
          %get3A_610 = arith.index_cast %add3A_539 : i32 to index
          %get3A_611 = arith.constant 80 : index
          %get3A_612 = tpu.vector_load %arg6[%get3A_609, %get3A_610, %get3A_611] {strides = array<i32>} : memref<6x128x128xf32, #tpu.memory_space<vmem>>, vector<1x1x16xf32>,
          %get3A_613 = vector.shape_cast %get3A_612 : vector<1x1x16xf32> to vector<16xf32>
          %sub3A_614 = arith.subf %get3A_613, %get3A_303 : vector<16xf32>
          %swap3A_615 = arith.constant 5 : i32
          %swap3A_616 = arith.index_cast %swap3A_615 : i32 to index
          %swap3A_617 = arith.index_cast %add3A_539 : i32 to index
          %swap3A_618 = arith.constant 80 : index
          %swap3A_619 = tpu.vector_load %arg6[%swap3A_616, %swap3A_617, %swap3A_618] {strides = array<i32>} : memref<6x128x128xf32, #tpu.memory_space<vmem>>, vector<1x1x16xf32>,
          %swap3A_620 = vector.shape_cast %swap3A_619 : vector<1x1x16xf32> to vector<16xf32>
          %swap3A_621 = vector.shape_cast %sub3A_614 : vector<16xf32> to vector<1x1x16xf32>
          tpu.vector_store %arg6[%swap3A_616, %swap3A_617, %swap3A_618], %swap3A_621 {strides = array<i32>} : memref<6x128x128xf32, #tpu.memory_space<vmem>>, vector<1x1x16xf32>,
          %get3A_622 = arith.constant 5 : i32
          %get3A_623 = arith.index_cast %get3A_622 : i32 to index
          %get3A_624 = arith.index_cast %add3A_539 : i32 to index
          %get3A_625 = arith.constant 96 : index
          %get3A_626 = tpu.vector_load %arg6[%get3A_623, %get3A_624, %get3A_625] {strides = array<i32>} : memref<6x128x128xf32, #tpu.memory_space<vmem>>, vector<1x1x16xf32>,
          %get3A_627 = vector.shape_cast %get3A_626 : vector<1x1x16xf32> to vector<16xf32>
          %sub3A_628 = arith.subf %get3A_627, %get3A_310 : vector<16xf32>
          %swap3A_629 = arith.constant 5 : i32
          %swap3A_630 = arith.index_cast %swap3A_629 : i32 to index
          %swap3A_631 = arith.index_cast %add3A_539 : i32 to index
          %swap3A_632 = arith.constant 96 : index
          %swap3A_633 = tpu.vector_load %arg6[%swap3A_630, %swap3A_631, %swap3A_632] {strides = array<i32>} : memref<6x128x128xf32, #tpu.memory_space<vmem>>, vector<1x1x16xf32>,
          %swap3A_634 = vector.shape_cast %swap3A_633 : vector<1x1x16xf32> to vector<16xf32>
          %swap3A_635 = vector.shape_cast %sub3A_628 : vector<16xf32> to vector<1x1x16xf32>
          tpu.vector_store %arg6[%swap3A_630, %swap3A_631, %swap3A_632], %swap3A_635 {strides = array<i32>} : memref<6x128x128xf32, #tpu.memory_space<vmem>>, vector<1x1x16xf32>,
          %get3A_636 = arith.constant 5 : i32
          %get3A_637 = arith.index_cast %get3A_636 : i32 to index
          %get3A_638 = arith.index_cast %add3A_539 : i32 to index
          %get3A_639 = arith.constant 112 : index
          %get3A_640 = tpu.vector_load %arg6[%get3A_637, %get3A_638, %get3A_639] {strides = array<i32>} : memref<6x128x128xf32, #tpu.memory_space<vmem>>, vector<1x1x16xf32>,
          %get3A_641 = vector.shape_cast %get3A_640 : vector<1x1x16xf32> to vector<16xf32>
          %sub3A_642 = arith.subf %get3A_641, %get3A_317 : vector<16xf32>
          %swap3A_643 = arith.constant 5 : i32
          %swap3A_644 = arith.index_cast %swap3A_643 : i32 to index
          %swap3A_645 = arith.index_cast %add3A_539 : i32 to index
          %swap3A_646 = arith.constant 112 : index
          %swap3A_647 = tpu.vector_load %arg6[%swap3A_644, %swap3A_645, %swap3A_646] {strides = array<i32>} : memref<6x128x128xf32, #tpu.memory_space<vmem>>, vector<1x1x16xf32>,
          %swap3A_648 = vector.shape_cast %swap3A_647 : vector<1x1x16xf32> to vector<16xf32>
          %swap3A_649 = vector.shape_cast %sub3A_642 : vector<16xf32> to vector<1x1x16xf32>
          tpu.vector_store %arg6[%swap3A_644, %swap3A_645, %swap3A_646], %swap3A_649 {strides = array<i32>} : memref<6x128x128xf32, #tpu.memory_space<vmem>>, vector<1x1x16xf32>,
          %scan3A_650 = arith.constant 0 : i32
          scf.yield %scan3A_650 : i32
        }
        %scan3A_324 = arith.constant 32 : i32
        %get3A_325 = arith.constant 5 : i32
        %get3A_326 = arith.constant 1 : i32
        %get3A_327 = arith.index_cast %get3A_325 : i32 to index
        %get3A_328 = arith.index_cast %get3A_326 : i32 to index
        %get3A_329 = arith.constant 0 : index
        %get3A_330 = tpu.vector_load %arg7[%get3A_327, %get3A_328, %get3A_329] {strides = array<i32>} : memref<6x4x128xf32, #tpu.memory_space<vmem>>, vector<1x1x16xf32>,
        %get3A_331 = vector.shape_cast %get3A_330 : vector<1x1x16xf32> to vector<16xf32>
        %get3A_332 = arith.constant 5 : i32
        %get3A_333 = arith.constant 1 : i32
        %get3A_334 = arith.index_cast %get3A_332 : i32 to index
        %get3A_335 = arith.index_cast %get3A_333 : i32 to index
        %get3A_336 = arith.constant 16 : index
        %get3A_337 = tpu.vector_load %arg7[%get3A_334, %get3A_335, %get3A_336] {strides = array<i32>} : memref<6x4x128xf32, #tpu.memory_space<vmem>>, vector<1x1x16xf32>,
        %get3A_338 = vector.shape_cast %get3A_337 : vector<1x1x16xf32> to vector<16xf32>
        %get3A_339 = arith.constant 5 : i32
        %get3A_340 = arith.constant 1 : i32
        %get3A_341 = arith.index_cast %get3A_339 : i32 to index
        %get3A_342 = arith.index_cast %get3A_340 : i32 to index
        %get3A_343 = arith.constant 32 : index
        %get3A_344 = tpu.vector_load %arg7[%get3A_341, %get3A_342, %get3A_343] {strides = array<i32>} : memref<6x4x128xf32, #tpu.memory_space<vmem>>, vector<1x1x16xf32>,
        %get3A_345 = vector.shape_cast %get3A_344 : vector<1x1x16xf32> to vector<16xf32>
        %get3A_346 = arith.constant 5 : i32
        %get3A_347 = arith.constant 1 : i32
        %get3A_348 = arith.index_cast %get3A_346 : i32 to index
        %get3A_349 = arith.index_cast %get3A_347 : i32 to index
        %get3A_350 = arith.constant 48 : index
        %get3A_351 = tpu.vector_load %arg7[%get3A_348, %get3A_349, %get3A_350] {strides = array<i32>} : memref<6x4x128xf32, #tpu.memory_space<vmem>>, vector<1x1x16xf32>,
        %get3A_352 = vector.shape_cast %get3A_351 : vector<1x1x16xf32> to vector<16xf32>
        %get3A_353 = arith.constant 5 : i32
        %get3A_354 = arith.constant 1 : i32
        %get3A_355 = arith.index_cast %get3A_353 : i32 to index
        %get3A_356 = arith.index_cast %get3A_354 : i32 to index
        %get3A_357 = arith.constant 64 : index
        %get3A_358 = tpu.vector_load %arg7[%get3A_355, %get3A_356, %get3A_357] {strides = array<i32>} : memref<6x4x128xf32, #tpu.memory_space<vmem>>, vector<1x1x16xf32>,
        %get3A_359 = vector.shape_cast %get3A_358 : vector<1x1x16xf32> to vector<16xf32>
        %get3A_360 = arith.constant 5 : i32
        %get3A_361 = arith.constant 1 : i32
        %get3A_362 = arith.index_cast %get3A_360 : i32 to index
        %get3A_363 = arith.index_cast %get3A_361 : i32 to index
        %get3A_364 = arith.constant 80 : index
        %get3A_365 = tpu.vector_load %arg7[%get3A_362, %get3A_363, %get3A_364] {strides = array<i32>} : memref<6x4x128xf32, #tpu.memory_space<vmem>>, vector<1x1x16xf32>,
        %get3A_366 = vector.shape_cast %get3A_365 : vector<1x1x16xf32> to vector<16xf32>
        %get3A_367 = arith.constant 5 : i32
        %get3A_368 = arith.constant 1 : i32
        %get3A_369 = arith.index_cast %get3A_367 : i32 to index
        %get3A_370 = arith.index_cast %get3A_368 : i32 to index
        %get3A_371 = arith.constant 96 : index
        %get3A_372 = tpu.vector_load %arg7[%get3A_369, %get3A_370, %get3A_371] {strides = array<i32>} : memref<6x4x128xf32, #tpu.memory_space<vmem>>, vector<1x1x16xf32>,
        %get3A_373 = vector.shape_cast %get3A_372 : vector<1x1x16xf32> to vector<16xf32>
        %get3A_374 = arith.constant 5 : i32
        %get3A_375 = arith.constant 1 : i32
        %get3A_376 = arith.index_cast %get3A_374 : i32 to index
        %get3A_377 = arith.index_cast %get3A_375 : i32 to index
        %get3A_378 = arith.constant 112 : index
        %get3A_379 = tpu.vector_load %arg7[%get3A_376, %get3A_377, %get3A_378] {strides = array<i32>} : memref<6x4x128xf32, #tpu.memory_space<vmem>>, vector<1x1x16xf32>,
        %get3A_380 = vector.shape_cast %get3A_379 : vector<1x1x16xf32> to vector<16xf32>
        %scan3A_381 = arith.constant 0 : i32
        %scan3A_382 = arith.constant 0 : i32
        %scan3A_383 = arith.constant 32 : i32
        %scan3A_384 = arith.addi %scan3A_382, %scan3A_383 : i32
        %scan3A_385 = arith.constant 1 : i32
        %scan3A_386 = scf.for %scan3A_536 = %scan3A_382 to %scan3A_384 step %scan3A_385 iter_args(%scan3A_537 = %scan3A_381) -> (i32)  : i32 {
          %add3A_538 = arith.constant 32 : i32
          %add3A_539 = arith.addi %add3A_538, %scan3A_536 : i32
          %get3A_540 = arith.constant 5 : i32
          %get3A_541 = arith.index_cast %get3A_540 : i32 to index
          %get3A_542 = arith.index_cast %add3A_539 : i32 to index
          %get3A_543 = arith.constant 0 : index
          %get3A_544 = tpu.vector_load %arg6[%get3A_541, %get3A_542, %get3A_543] {strides = array<i32>} : memref<6x128x128xf32, #tpu.memory_space<vmem>>, vector<1x1x16xf32>,
          %get3A_545 = vector.shape_cast %get3A_544 : vector<1x1x16xf32> to vector<16xf32>
          %sub3A = arith.subf %get3A_545, %get3A_331 : vector<16xf32>
          %swap3A = arith.constant 5 : i32
          %swap3A_546 = arith.index_cast %swap3A : i32 to index
          %swap3A_547 = arith.index_cast %add3A_539 : i32 to index
          %swap3A_548 = arith.constant 0 : index
          %swap3A_549 = tpu.vector_load %arg6[%swap3A_546, %swap3A_547, %swap3A_548] {strides = array<i32>} : memref<6x128x128xf32, #tpu.memory_space<vmem>>, vector<1x1x16xf32>,
          %swap3A_550 = vector.shape_cast %swap3A_549 : vector<1x1x16xf32> to vector<16xf32>
          %swap3A_551 = vector.shape_cast %sub3A : vector<16xf32> to vector<1x1x16xf32>
          tpu.vector_store %arg6[%swap3A_546, %swap3A_547, %swap3A_548], %swap3A_551 {strides = array<i32>} : memref<6x128x128xf32, #tpu.memory_space<vmem>>, vector<1x1x16xf32>,
          %get3A_552 = arith.constant 5 : i32
          %get3A_553 = arith.index_cast %get3A_552 : i32 to index
          %get3A_554 = arith.index_cast %add3A_539 : i32 to index
          %get3A_555 = arith.constant 16 : index
          %get3A_556 = tpu.vector_load %arg6[%get3A_553, %get3A_554, %get3A_555] {strides = array<i32>} : memref<6x128x128xf32, #tpu.memory_space<vmem>>, vector<1x1x16xf32>,
          %get3A_557 = vector.shape_cast %get3A_556 : vector<1x1x16xf32> to vector<16xf32>
          %sub3A_558 = arith.subf %get3A_557, %get3A_338 : vector<16xf32>
          %swap3A_559 = arith.constant 5 : i32
          %swap3A_560 = arith.index_cast %swap3A_559 : i32 to index
          %swap3A_561 = arith.index_cast %add3A_539 : i32 to index
          %swap3A_562 = arith.constant 16 : index
          %swap3A_563 = tpu.vector_load %arg6[%swap3A_560, %swap3A_561, %swap3A_562] {strides = array<i32>} : memref<6x128x128xf32, #tpu.memory_space<vmem>>, vector<1x1x16xf32>,
          %swap3A_564 = vector.shape_cast %swap3A_563 : vector<1x1x16xf32> to vector<16xf32>
          %swap3A_565 = vector.shape_cast %sub3A_558 : vector<16xf32> to vector<1x1x16xf32>
          tpu.vector_store %arg6[%swap3A_560, %swap3A_561, %swap3A_562], %swap3A_565 {strides = array<i32>} : memref<6x128x128xf32, #tpu.memory_space<vmem>>, vector<1x1x16xf32>,
          %get3A_566 = arith.constant 5 : i32
          %get3A_567 = arith.index_cast %get3A_566 : i32 to index
          %get3A_568 = arith.index_cast %add3A_539 : i32 to index
          %get3A_569 = arith.constant 32 : index
          %get3A_570 = tpu.vector_load %arg6[%get3A_567, %get3A_568, %get3A_569] {strides = array<i32>} : memref<6x128x128xf32, #tpu.memory_space<vmem>>, vector<1x1x16xf32>,
          %get3A_571 = vector.shape_cast %get3A_570 : vector<1x1x16xf32> to vector<16xf32>
          %sub3A_572 = arith.subf %get3A_571, %get3A_345 : vector<16xf32>
          %swap3A_573 = arith.constant 5 : i32
          %swap3A_574 = arith.index_cast %swap3A_573 : i32 to index
          %swap3A_575 = arith.index_cast %add3A_539 : i32 to index
          %swap3A_576 = arith.constant 32 : index
          %swap3A_577 = tpu.vector_load %arg6[%swap3A_574, %swap3A_575, %swap3A_576] {strides = array<i32>} : memref<6x128x128xf32, #tpu.memory_space<vmem>>, vector<1x1x16xf32>,
          %swap3A_578 = vector.shape_cast %swap3A_577 : vector<1x1x16xf32> to vector<16xf32>
          %swap3A_579 = vector.shape_cast %sub3A_572 : vector<16xf32> to vector<1x1x16xf32>
          tpu.vector_store %arg6[%swap3A_574, %swap3A_575, %swap3A_576], %swap3A_579 {strides = array<i32>} : memref<6x128x128xf32, #tpu.memory_space<vmem>>, vector<1x1x16xf32>,
          %get3A_580 = arith.constant 5 : i32
          %get3A_581 = arith.index_cast %get3A_580 : i32 to index
          %get3A_582 = arith.index_cast %add3A_539 : i32 to index
          %get3A_583 = arith.constant 48 : index
          %get3A_584 = tpu.vector_load %arg6[%get3A_581, %get3A_582, %get3A_583] {strides = array<i32>} : memref<6x128x128xf32, #tpu.memory_space<vmem>>, vector<1x1x16xf32>,
          %get3A_585 = vector.shape_cast %get3A_584 : vector<1x1x16xf32> to vector<16xf32>
          %sub3A_586 = arith.subf %get3A_585, %get3A_352 : vector<16xf32>
          %swap3A_587 = arith.constant 5 : i32
          %swap3A_588 = arith.index_cast %swap3A_587 : i32 to index
          %swap3A_589 = arith.index_cast %add3A_539 : i32 to index
          %swap3A_590 = arith.constant 48 : index
          %swap3A_591 = tpu.vector_load %arg6[%swap3A_588, %swap3A_589, %swap3A_590] {strides = array<i32>} : memref<6x128x128xf32, #tpu.memory_space<vmem>>, vector<1x1x16xf32>,
          %swap3A_592 = vector.shape_cast %swap3A_591 : vector<1x1x16xf32> to vector<16xf32>
          %swap3A_593 = vector.shape_cast %sub3A_586 : vector<16xf32> to vector<1x1x16xf32>
          tpu.vector_store %arg6[%swap3A_588, %swap3A_589, %swap3A_590], %swap3A_593 {strides = array<i32>} : memref<6x128x128xf32, #tpu.memory_space<vmem>>, vector<1x1x16xf32>,
          %get3A_594 = arith.constant 5 : i32
          %get3A_595 = arith.index_cast %get3A_594 : i32 to index
          %get3A_596 = arith.index_cast %add3A_539 : i32 to index
          %get3A_597 = arith.constant 64 : index
          %get3A_598 = tpu.vector_load %arg6[%get3A_595, %get3A_596, %get3A_597] {strides = array<i32>} : memref<6x128x128xf32, #tpu.memory_space<vmem>>, vector<1x1x16xf32>,
          %get3A_599 = vector.shape_cast %get3A_598 : vector<1x1x16xf32> to vector<16xf32>
          %sub3A_600 = arith.subf %get3A_599, %get3A_359 : vector<16xf32>
          %swap3A_601 = arith.constant 5 : i32
          %swap3A_602 = arith.index_cast %swap3A_601 : i32 to index
          %swap3A_603 = arith.index_cast %add3A_539 : i32 to index
          %swap3A_604 = arith.constant 64 : index
          %swap3A_605 = tpu.vector_load %arg6[%swap3A_602, %swap3A_603, %swap3A_604] {strides = array<i32>} : memref<6x128x128xf32, #tpu.memory_space<vmem>>, vector<1x1x16xf32>,
          %swap3A_606 = vector.shape_cast %swap3A_605 : vector<1x1x16xf32> to vector<16xf32>
          %swap3A_607 = vector.shape_cast %sub3A_600 : vector<16xf32> to vector<1x1x16xf32>
          tpu.vector_store %arg6[%swap3A_602, %swap3A_603, %swap3A_604], %swap3A_607 {strides = array<i32>} : memref<6x128x128xf32, #tpu.memory_space<vmem>>, vector<1x1x16xf32>,
          %get3A_608 = arith.constant 5 : i32
          %get3A_609 = arith.index_cast %get3A_608 : i32 to index
          %get3A_610 = arith.index_cast %add3A_539 : i32 to index
          %get3A_611 = arith.constant 80 : index
          %get3A_612 = tpu.vector_load %arg6[%get3A_609, %get3A_610, %get3A_611] {strides = array<i32>} : memref<6x128x128xf32, #tpu.memory_space<vmem>>, vector<1x1x16xf32>,
          %get3A_613 = vector.shape_cast %get3A_612 : vector<1x1x16xf32> to vector<16xf32>
          %sub3A_614 = arith.subf %get3A_613, %get3A_366 : vector<16xf32>
          %swap3A_615 = arith.constant 5 : i32
          %swap3A_616 = arith.index_cast %swap3A_615 : i32 to index
          %swap3A_617 = arith.index_cast %add3A_539 : i32 to index
          %swap3A_618 = arith.constant 80 : index
          %swap3A_619 = tpu.vector_load %arg6[%swap3A_616, %swap3A_617, %swap3A_618] {strides = array<i32>} : memref<6x128x128xf32, #tpu.memory_space<vmem>>, vector<1x1x16xf32>,
          %swap3A_620 = vector.shape_cast %swap3A_619 : vector<1x1x16xf32> to vector<16xf32>
          %swap3A_621 = vector.shape_cast %sub3A_614 : vector<16xf32> to vector<1x1x16xf32>
          tpu.vector_store %arg6[%swap3A_616, %swap3A_617, %swap3A_618], %swap3A_621 {strides = array<i32>} : memref<6x128x128xf32, #tpu.memory_space<vmem>>, vector<1x1x16xf32>,
          %get3A_622 = arith.constant 5 : i32
          %get3A_623 = arith.index_cast %get3A_622 : i32 to index
          %get3A_624 = arith.index_cast %add3A_539 : i32 to index
          %get3A_625 = arith.constant 96 : index
          %get3A_626 = tpu.vector_load %arg6[%get3A_623, %get3A_624, %get3A_625] {strides = array<i32>} : memref<6x128x128xf32, #tpu.memory_space<vmem>>, vector<1x1x16xf32>,
          %get3A_627 = vector.shape_cast %get3A_626 : vector<1x1x16xf32> to vector<16xf32>
          %sub3A_628 = arith.subf %get3A_627, %get3A_373 : vector<16xf32>
          %swap3A_629 = arith.constant 5 : i32
          %swap3A_630 = arith.index_cast %swap3A_629 : i32 to index
          %swap3A_631 = arith.index_cast %add3A_539 : i32 to index
          %swap3A_632 = arith.constant 96 : index
          %swap3A_633 = tpu.vector_load %arg6[%swap3A_630, %swap3A_631, %swap3A_632] {strides = array<i32>} : memref<6x128x128xf32, #tpu.memory_space<vmem>>, vector<1x1x16xf32>,
          %swap3A_634 = vector.shape_cast %swap3A_633 : vector<1x1x16xf32> to vector<16xf32>
          %swap3A_635 = vector.shape_cast %sub3A_628 : vector<16xf32> to vector<1x1x16xf32>
          tpu.vector_store %arg6[%swap3A_630, %swap3A_631, %swap3A_632], %swap3A_635 {strides = array<i32>} : memref<6x128x128xf32, #tpu.memory_space<vmem>>, vector<1x1x16xf32>,
          %get3A_636 = arith.constant 5 : i32
          %get3A_637 = arith.index_cast %get3A_636 : i32 to index
          %get3A_638 = arith.index_cast %add3A_539 : i32 to index
          %get3A_639 = arith.constant 112 : index
          %get3A_640 = tpu.vector_load %arg6[%get3A_637, %get3A_638, %get3A_639] {strides = array<i32>} : memref<6x128x128xf32, #tpu.memory_space<vmem>>, vector<1x1x16xf32>,
          %get3A_641 = vector.shape_cast %get3A_640 : vector<1x1x16xf32> to vector<16xf32>
          %sub3A_642 = arith.subf %get3A_641, %get3A_380 : vector<16xf32>
          %swap3A_643 = arith.constant 5 : i32
          %swap3A_644 = arith.index_cast %swap3A_643 : i32 to index
          %swap3A_645 = arith.index_cast %add3A_539 : i32 to index
          %swap3A_646 = arith.constant 112 : index
          %swap3A_647 = tpu.vector_load %arg6[%swap3A_644, %swap3A_645, %swap3A_646] {strides = array<i32>} : memref<6x128x128xf32, #tpu.memory_space<vmem>>, vector<1x1x16xf32>,
          %swap3A_648 = vector.shape_cast %swap3A_647 : vector<1x1x16xf32> to vector<16xf32>
          %swap3A_649 = vector.shape_cast %sub3A_642 : vector<16xf32> to vector<1x1x16xf32>
          tpu.vector_store %arg6[%swap3A_644, %swap3A_645, %swap3A_646], %swap3A_649 {strides = array<i32>} : memref<6x128x128xf32, #tpu.memory_space<vmem>>, vector<1x1x16xf32>,
          %scan3A_650 = arith.constant 0 : i32
          scf.yield %scan3A_650 : i32
        }
        %scan3A_387 = arith.constant 32 : i32
        %get3A_388 = arith.constant 5 : i32
        %get3A_389 = arith.constant 2 : i32
        %get3A_390 = arith.index_cast %get3A_388 : i32 to index
        %get3A_391 = arith.index_cast %get3A_389 : i32 to index
        %get3A_392 = arith.constant 0 : index
        %get3A_393 = tpu.vector_load %arg7[%get3A_390, %get3A_391, %get3A_392] {strides = array<i32>} : memref<6x4x128xf32, #tpu.memory_space<vmem>>, vector<1x1x16xf32>,
        %get3A_394 = vector.shape_cast %get3A_393 : vector<1x1x16xf32> to vector<16xf32>
        %get3A_395 = arith.constant 5 : i32
        %get3A_396 = arith.constant 2 : i32
        %get3A_397 = arith.index_cast %get3A_395 : i32 to index
        %get3A_398 = arith.index_cast %get3A_396 : i32 to index
        %get3A_399 = arith.constant 16 : index
        %get3A_400 = tpu.vector_load %arg7[%get3A_397, %get3A_398, %get3A_399] {strides = array<i32>} : memref<6x4x128xf32, #tpu.memory_space<vmem>>, vector<1x1x16xf32>,
        %get3A_401 = vector.shape_cast %get3A_400 : vector<1x1x16xf32> to vector<16xf32>
        %get3A_402 = arith.constant 5 : i32
        %get3A_403 = arith.constant 2 : i32
        %get3A_404 = arith.index_cast %get3A_402 : i32 to index
        %get3A_405 = arith.index_cast %get3A_403 : i32 to index
        %get3A_406 = arith.constant 32 : index
        %get3A_407 = tpu.vector_load %arg7[%get3A_404, %get3A_405, %get3A_406] {strides = array<i32>} : memref<6x4x128xf32, #tpu.memory_space<vmem>>, vector<1x1x16xf32>,
        %get3A_408 = vector.shape_cast %get3A_407 : vector<1x1x16xf32> to vector<16xf32>
        %get3A_409 = arith.constant 5 : i32
        %get3A_410 = arith.constant 2 : i32
        %get3A_411 = arith.index_cast %get3A_409 : i32 to index
        %get3A_412 = arith.index_cast %get3A_410 : i32 to index
        %get3A_413 = arith.constant 48 : index
        %get3A_414 = tpu.vector_load %arg7[%get3A_411, %get3A_412, %get3A_413] {strides = array<i32>} : memref<6x4x128xf32, #tpu.memory_space<vmem>>, vector<1x1x16xf32>,
        %get3A_415 = vector.shape_cast %get3A_414 : vector<1x1x16xf32> to vector<16xf32>
        %get3A_416 = arith.constant 5 : i32
        %get3A_417 = arith.constant 2 : i32
        %get3A_418 = arith.index_cast %get3A_416 : i32 to index
        %get3A_419 = arith.index_cast %get3A_417 : i32 to index
        %get3A_420 = arith.constant 64 : index
        %get3A_421 = tpu.vector_load %arg7[%get3A_418, %get3A_419, %get3A_420] {strides = array<i32>} : memref<6x4x128xf32, #tpu.memory_space<vmem>>, vector<1x1x16xf32>,
        %get3A_422 = vector.shape_cast %get3A_421 : vector<1x1x16xf32> to vector<16xf32>
        %get3A_423 = arith.constant 5 : i32
        %get3A_424 = arith.constant 2 : i32
        %get3A_425 = arith.index_cast %get3A_423 : i32 to index
        %get3A_426 = arith.index_cast %get3A_424 : i32 to index
        %get3A_427 = arith.constant 80 : index
        %get3A_428 = tpu.vector_load %arg7[%get3A_425, %get3A_426, %get3A_427] {strides = array<i32>} : memref<6x4x128xf32, #tpu.memory_space<vmem>>, vector<1x1x16xf32>,
        %get3A_429 = vector.shape_cast %get3A_428 : vector<1x1x16xf32> to vector<16xf32>
        %get3A_430 = arith.constant 5 : i32
        %get3A_431 = arith.constant 2 : i32
        %get3A_432 = arith.index_cast %get3A_430 : i32 to index
        %get3A_433 = arith.index_cast %get3A_431 : i32 to index
        %get3A_434 = arith.constant 96 : index
        %get3A_435 = tpu.vector_load %arg7[%get3A_432, %get3A_433, %get3A_434] {strides = array<i32>} : memref<6x4x128xf32, #tpu.memory_space<vmem>>, vector<1x1x16xf32>,
        %get3A_436 = vector.shape_cast %get3A_435 : vector<1x1x16xf32> to vector<16xf32>
        %get3A_437 = arith.constant 5 : i32
        %get3A_438 = arith.constant 2 : i32
        %get3A_439 = arith.index_cast %get3A_437 : i32 to index
        %get3A_440 = arith.index_cast %get3A_438 : i32 to index
        %get3A_441 = arith.constant 112 : index
        %get3A_442 = tpu.vector_load %arg7[%get3A_439, %get3A_440, %get3A_441] {strides = array<i32>} : memref<6x4x128xf32, #tpu.memory_space<vmem>>, vector<1x1x16xf32>,
        %get3A_443 = vector.shape_cast %get3A_442 : vector<1x1x16xf32> to vector<16xf32>
        %scan3A_444 = arith.constant 0 : i32
        %scan3A_445 = arith.constant 0 : i32
        %scan3A_446 = arith.constant 32 : i32
        %scan3A_447 = arith.addi %scan3A_445, %scan3A_446 : i32
        %scan3A_448 = arith.constant 1 : i32
        %scan3A_449 = scf.for %scan3A_536 = %scan3A_445 to %scan3A_447 step %scan3A_448 iter_args(%scan3A_537 = %scan3A_444) -> (i32)  : i32 {
          %add3A_538 = arith.constant 64 : i32
          %add3A_539 = arith.addi %add3A_538, %scan3A_536 : i32
          %get3A_540 = arith.constant 5 : i32
          %get3A_541 = arith.index_cast %get3A_540 : i32 to index
          %get3A_542 = arith.index_cast %add3A_539 : i32 to index
          %get3A_543 = arith.constant 0 : index
          %get3A_544 = tpu.vector_load %arg6[%get3A_541, %get3A_542, %get3A_543] {strides = array<i32>} : memref<6x128x128xf32, #tpu.memory_space<vmem>>, vector<1x1x16xf32>,
          %get3A_545 = vector.shape_cast %get3A_544 : vector<1x1x16xf32> to vector<16xf32>
          %sub3A = arith.subf %get3A_545, %get3A_394 : vector<16xf32>
          %swap3A = arith.constant 5 : i32
          %swap3A_546 = arith.index_cast %swap3A : i32 to index
          %swap3A_547 = arith.index_cast %add3A_539 : i32 to index
          %swap3A_548 = arith.constant 0 : index
          %swap3A_549 = tpu.vector_load %arg6[%swap3A_546, %swap3A_547, %swap3A_548] {strides = array<i32>} : memref<6x128x128xf32, #tpu.memory_space<vmem>>, vector<1x1x16xf32>,
          %swap3A_550 = vector.shape_cast %swap3A_549 : vector<1x1x16xf32> to vector<16xf32>
          %swap3A_551 = vector.shape_cast %sub3A : vector<16xf32> to vector<1x1x16xf32>
          tpu.vector_store %arg6[%swap3A_546, %swap3A_547, %swap3A_548], %swap3A_551 {strides = array<i32>} : memref<6x128x128xf32, #tpu.memory_space<vmem>>, vector<1x1x16xf32>,
          %get3A_552 = arith.constant 5 : i32
          %get3A_553 = arith.index_cast %get3A_552 : i32 to index
          %get3A_554 = arith.index_cast %add3A_539 : i32 to index
          %get3A_555 = arith.constant 16 : index
          %get3A_556 = tpu.vector_load %arg6[%get3A_553, %get3A_554, %get3A_555] {strides = array<i32>} : memref<6x128x128xf32, #tpu.memory_space<vmem>>, vector<1x1x16xf32>,
          %get3A_557 = vector.shape_cast %get3A_556 : vector<1x1x16xf32> to vector<16xf32>
          %sub3A_558 = arith.subf %get3A_557, %get3A_401 : vector<16xf32>
          %swap3A_559 = arith.constant 5 : i32
          %swap3A_560 = arith.index_cast %swap3A_559 : i32 to index
          %swap3A_561 = arith.index_cast %add3A_539 : i32 to index
          %swap3A_562 = arith.constant 16 : index
          %swap3A_563 = tpu.vector_load %arg6[%swap3A_560, %swap3A_561, %swap3A_562] {strides = array<i32>} : memref<6x128x128xf32, #tpu.memory_space<vmem>>, vector<1x1x16xf32>,
          %swap3A_564 = vector.shape_cast %swap3A_563 : vector<1x1x16xf32> to vector<16xf32>
          %swap3A_565 = vector.shape_cast %sub3A_558 : vector<16xf32> to vector<1x1x16xf32>
          tpu.vector_store %arg6[%swap3A_560, %swap3A_561, %swap3A_562], %swap3A_565 {strides = array<i32>} : memref<6x128x128xf32, #tpu.memory_space<vmem>>, vector<1x1x16xf32>,
          %get3A_566 = arith.constant 5 : i32
          %get3A_567 = arith.index_cast %get3A_566 : i32 to index
          %get3A_568 = arith.index_cast %add3A_539 : i32 to index
          %get3A_569 = arith.constant 32 : index
          %get3A_570 = tpu.vector_load %arg6[%get3A_567, %get3A_568, %get3A_569] {strides = array<i32>} : memref<6x128x128xf32, #tpu.memory_space<vmem>>, vector<1x1x16xf32>,
          %get3A_571 = vector.shape_cast %get3A_570 : vector<1x1x16xf32> to vector<16xf32>
          %sub3A_572 = arith.subf %get3A_571, %get3A_408 : vector<16xf32>
          %swap3A_573 = arith.constant 5 : i32
          %swap3A_574 = arith.index_cast %swap3A_573 : i32 to index
          %swap3A_575 = arith.index_cast %add3A_539 : i32 to index
          %swap3A_576 = arith.constant 32 : index
          %swap3A_577 = tpu.vector_load %arg6[%swap3A_574, %swap3A_575, %swap3A_576] {strides = array<i32>} : memref<6x128x128xf32, #tpu.memory_space<vmem>>, vector<1x1x16xf32>,
          %swap3A_578 = vector.shape_cast %swap3A_577 : vector<1x1x16xf32> to vector<16xf32>
          %swap3A_579 = vector.shape_cast %sub3A_572 : vector<16xf32> to vector<1x1x16xf32>
          tpu.vector_store %arg6[%swap3A_574, %swap3A_575, %swap3A_576], %swap3A_579 {strides = array<i32>} : memref<6x128x128xf32, #tpu.memory_space<vmem>>, vector<1x1x16xf32>,
          %get3A_580 = arith.constant 5 : i32
          %get3A_581 = arith.index_cast %get3A_580 : i32 to index
          %get3A_582 = arith.index_cast %add3A_539 : i32 to index
          %get3A_583 = arith.constant 48 : index
          %get3A_584 = tpu.vector_load %arg6[%get3A_581, %get3A_582, %get3A_583] {strides = array<i32>} : memref<6x128x128xf32, #tpu.memory_space<vmem>>, vector<1x1x16xf32>,
          %get3A_585 = vector.shape_cast %get3A_584 : vector<1x1x16xf32> to vector<16xf32>
          %sub3A_586 = arith.subf %get3A_585, %get3A_415 : vector<16xf32>
          %swap3A_587 = arith.constant 5 : i32
          %swap3A_588 = arith.index_cast %swap3A_587 : i32 to index
          %swap3A_589 = arith.index_cast %add3A_539 : i32 to index
          %swap3A_590 = arith.constant 48 : index
          %swap3A_591 = tpu.vector_load %arg6[%swap3A_588, %swap3A_589, %swap3A_590] {strides = array<i32>} : memref<6x128x128xf32, #tpu.memory_space<vmem>>, vector<1x1x16xf32>,
          %swap3A_592 = vector.shape_cast %swap3A_591 : vector<1x1x16xf32> to vector<16xf32>
          %swap3A_593 = vector.shape_cast %sub3A_586 : vector<16xf32> to vector<1x1x16xf32>
          tpu.vector_store %arg6[%swap3A_588, %swap3A_589, %swap3A_590], %swap3A_593 {strides = array<i32>} : memref<6x128x128xf32, #tpu.memory_space<vmem>>, vector<1x1x16xf32>,
          %get3A_594 = arith.constant 5 : i32
          %get3A_595 = arith.index_cast %get3A_594 : i32 to index
          %get3A_596 = arith.index_cast %add3A_539 : i32 to index
          %get3A_597 = arith.constant 64 : index
          %get3A_598 = tpu.vector_load %arg6[%get3A_595, %get3A_596, %get3A_597] {strides = array<i32>} : memref<6x128x128xf32, #tpu.memory_space<vmem>>, vector<1x1x16xf32>,
          %get3A_599 = vector.shape_cast %get3A_598 : vector<1x1x16xf32> to vector<16xf32>
          %sub3A_600 = arith.subf %get3A_599, %get3A_422 : vector<16xf32>
          %swap3A_601 = arith.constant 5 : i32
          %swap3A_602 = arith.index_cast %swap3A_601 : i32 to index
          %swap3A_603 = arith.index_cast %add3A_539 : i32 to index
          %swap3A_604 = arith.constant 64 : index
          %swap3A_605 = tpu.vector_load %arg6[%swap3A_602, %swap3A_603, %swap3A_604] {strides = array<i32>} : memref<6x128x128xf32, #tpu.memory_space<vmem>>, vector<1x1x16xf32>,
          %swap3A_606 = vector.shape_cast %swap3A_605 : vector<1x1x16xf32> to vector<16xf32>
          %swap3A_607 = vector.shape_cast %sub3A_600 : vector<16xf32> to vector<1x1x16xf32>
          tpu.vector_store %arg6[%swap3A_602, %swap3A_603, %swap3A_604], %swap3A_607 {strides = array<i32>} : memref<6x128x128xf32, #tpu.memory_space<vmem>>, vector<1x1x16xf32>,
          %get3A_608 = arith.constant 5 : i32
          %get3A_609 = arith.index_cast %get3A_608 : i32 to index
          %get3A_610 = arith.index_cast %add3A_539 : i32 to index
          %get3A_611 = arith.constant 80 : index
          %get3A_612 = tpu.vector_load %arg6[%get3A_609, %get3A_610, %get3A_611] {strides = array<i32>} : memref<6x128x128xf32, #tpu.memory_space<vmem>>, vector<1x1x16xf32>,
          %get3A_613 = vector.shape_cast %get3A_612 : vector<1x1x16xf32> to vector<16xf32>
          %sub3A_614 = arith.subf %get3A_613, %get3A_429 : vector<16xf32>
          %swap3A_615 = arith.constant 5 : i32
          %swap3A_616 = arith.index_cast %swap3A_615 : i32 to index
          %swap3A_617 = arith.index_cast %add3A_539 : i32 to index
          %swap3A_618 = arith.constant 80 : index
          %swap3A_619 = tpu.vector_load %arg6[%swap3A_616, %swap3A_617, %swap3A_618] {strides = array<i32>} : memref<6x128x128xf32, #tpu.memory_space<vmem>>, vector<1x1x16xf32>,
          %swap3A_620 = vector.shape_cast %swap3A_619 : vector<1x1x16xf32> to vector<16xf32>
          %swap3A_621 = vector.shape_cast %sub3A_614 : vector<16xf32> to vector<1x1x16xf32>
          tpu.vector_store %arg6[%swap3A_616, %swap3A_617, %swap3A_618], %swap3A_621 {strides = array<i32>} : memref<6x128x128xf32, #tpu.memory_space<vmem>>, vector<1x1x16xf32>,
          %get3A_622 = arith.constant 5 : i32
          %get3A_623 = arith.index_cast %get3A_622 : i32 to index
          %get3A_624 = arith.index_cast %add3A_539 : i32 to index
          %get3A_625 = arith.constant 96 : index
          %get3A_626 = tpu.vector_load %arg6[%get3A_623, %get3A_624, %get3A_625] {strides = array<i32>} : memref<6x128x128xf32, #tpu.memory_space<vmem>>, vector<1x1x16xf32>,
          %get3A_627 = vector.shape_cast %get3A_626 : vector<1x1x16xf32> to vector<16xf32>
          %sub3A_628 = arith.subf %get3A_627, %get3A_436 : vector<16xf32>
          %swap3A_629 = arith.constant 5 : i32
          %swap3A_630 = arith.index_cast %swap3A_629 : i32 to index
          %swap3A_631 = arith.index_cast %add3A_539 : i32 to index
          %swap3A_632 = arith.constant 96 : index
          %swap3A_633 = tpu.vector_load %arg6[%swap3A_630, %swap3A_631, %swap3A_632] {strides = array<i32>} : memref<6x128x128xf32, #tpu.memory_space<vmem>>, vector<1x1x16xf32>,
          %swap3A_634 = vector.shape_cast %swap3A_633 : vector<1x1x16xf32> to vector<16xf32>
          %swap3A_635 = vector.shape_cast %sub3A_628 : vector<16xf32> to vector<1x1x16xf32>
          tpu.vector_store %arg6[%swap3A_630, %swap3A_631, %swap3A_632], %swap3A_635 {strides = array<i32>} : memref<6x128x128xf32, #tpu.memory_space<vmem>>, vector<1x1x16xf32>,
          %get3A_636 = arith.constant 5 : i32
          %get3A_637 = arith.index_cast %get3A_636 : i32 to index
          %get3A_638 = arith.index_cast %add3A_539 : i32 to index
          %get3A_639 = arith.constant 112 : index
          %get3A_640 = tpu.vector_load %arg6[%get3A_637, %get3A_638, %get3A_639] {strides = array<i32>} : memref<6x128x128xf32, #tpu.memory_space<vmem>>, vector<1x1x16xf32>,
          %get3A_641 = vector.shape_cast %get3A_640 : vector<1x1x16xf32> to vector<16xf32>
          %sub3A_642 = arith.subf %get3A_641, %get3A_443 : vector<16xf32>
          %swap3A_643 = arith.constant 5 : i32
          %swap3A_644 = arith.index_cast %swap3A_643 : i32 to index
          %swap3A_645 = arith.index_cast %add3A_539 : i32 to index
          %swap3A_646 = arith.constant 112 : index
          %swap3A_647 = tpu.vector_load %arg6[%swap3A_644, %swap3A_645, %swap3A_646] {strides = array<i32>} : memref<6x128x128xf32, #tpu.memory_space<vmem>>, vector<1x1x16xf32>,
          %swap3A_648 = vector.shape_cast %swap3A_647 : vector<1x1x16xf32> to vector<16xf32>
          %swap3A_649 = vector.shape_cast %sub3A_642 : vector<16xf32> to vector<1x1x16xf32>
          tpu.vector_store %arg6[%swap3A_644, %swap3A_645, %swap3A_646], %swap3A_649 {strides = array<i32>} : memref<6x128x128xf32, #tpu.memory_space<vmem>>, vector<1x1x16xf32>,
          %scan3A_650 = arith.constant 0 : i32
          scf.yield %scan3A_650 : i32
        }
        %scan3A_450 = arith.constant 32 : i32
        %get3A_451 = arith.constant 5 : i32
        %get3A_452 = arith.constant 3 : i32
        %get3A_453 = arith.index_cast %get3A_451 : i32 to index
        %get3A_454 = arith.index_cast %get3A_452 : i32 to index
        %get3A_455 = arith.constant 0 : index
        %get3A_456 = tpu.vector_load %arg7[%get3A_453, %get3A_454, %get3A_455] {strides = array<i32>} : memref<6x4x128xf32, #tpu.memory_space<vmem>>, vector<1x1x16xf32>,
        %get3A_457 = vector.shape_cast %get3A_456 : vector<1x1x16xf32> to vector<16xf32>
        %get3A_458 = arith.constant 5 : i32
        %get3A_459 = arith.constant 3 : i32
        %get3A_460 = arith.index_cast %get3A_458 : i32 to index
        %get3A_461 = arith.index_cast %get3A_459 : i32 to index
        %get3A_462 = arith.constant 16 : index
        %get3A_463 = tpu.vector_load %arg7[%get3A_460, %get3A_461, %get3A_462] {strides = array<i32>} : memref<6x4x128xf32, #tpu.memory_space<vmem>>, vector<1x1x16xf32>,
        %get3A_464 = vector.shape_cast %get3A_463 : vector<1x1x16xf32> to vector<16xf32>
        %get3A_465 = arith.constant 5 : i32
        %get3A_466 = arith.constant 3 : i32
        %get3A_467 = arith.index_cast %get3A_465 : i32 to index
        %get3A_468 = arith.index_cast %get3A_466 : i32 to index
        %get3A_469 = arith.constant 32 : index
        %get3A_470 = tpu.vector_load %arg7[%get3A_467, %get3A_468, %get3A_469] {strides = array<i32>} : memref<6x4x128xf32, #tpu.memory_space<vmem>>, vector<1x1x16xf32>,
        %get3A_471 = vector.shape_cast %get3A_470 : vector<1x1x16xf32> to vector<16xf32>
        %get3A_472 = arith.constant 5 : i32
        %get3A_473 = arith.constant 3 : i32
        %get3A_474 = arith.index_cast %get3A_472 : i32 to index
        %get3A_475 = arith.index_cast %get3A_473 : i32 to index
        %get3A_476 = arith.constant 48 : index
        %get3A_477 = tpu.vector_load %arg7[%get3A_474, %get3A_475, %get3A_476] {strides = array<i32>} : memref<6x4x128xf32, #tpu.memory_space<vmem>>, vector<1x1x16xf32>,
        %get3A_478 = vector.shape_cast %get3A_477 : vector<1x1x16xf32> to vector<16xf32>
        %get3A_479 = arith.constant 5 : i32
        %get3A_480 = arith.constant 3 : i32
        %get3A_481 = arith.index_cast %get3A_479 : i32 to index
        %get3A_482 = arith.index_cast %get3A_480 : i32 to index
        %get3A_483 = arith.constant 64 : index
        %get3A_484 = tpu.vector_load %arg7[%get3A_481, %get3A_482, %get3A_483] {strides = array<i32>} : memref<6x4x128xf32, #tpu.memory_space<vmem>>, vector<1x1x16xf32>,
        %get3A_485 = vector.shape_cast %get3A_484 : vector<1x1x16xf32> to vector<16xf32>
        %get3A_486 = arith.constant 5 : i32
        %get3A_487 = arith.constant 3 : i32
        %get3A_488 = arith.index_cast %get3A_486 : i32 to index
        %get3A_489 = arith.index_cast %get3A_487 : i32 to index
        %get3A_490 = arith.constant 80 : index
        %get3A_491 = tpu.vector_load %arg7[%get3A_488, %get3A_489, %get3A_490] {strides = array<i32>} : memref<6x4x128xf32, #tpu.memory_space<vmem>>, vector<1x1x16xf32>,
        %get3A_492 = vector.shape_cast %get3A_491 : vector<1x1x16xf32> to vector<16xf32>
        %get3A_493 = arith.constant 5 : i32
        %get3A_494 = arith.constant 3 : i32
        %get3A_495 = arith.index_cast %get3A_493 : i32 to index
        %get3A_496 = arith.index_cast %get3A_494 : i32 to index
        %get3A_497 = arith.constant 96 : index
        %get3A_498 = tpu.vector_load %arg7[%get3A_495, %get3A_496, %get3A_497] {strides = array<i32>} : memref<6x4x128xf32, #tpu.memory_space<vmem>>, vector<1x1x16xf32>,
        %get3A_499 = vector.shape_cast %get3A_498 : vector<1x1x16xf32> to vector<16xf32>
        %get3A_500 = arith.constant 5 : i32
        %get3A_501 = arith.constant 3 : i32
        %get3A_502 = arith.index_cast %get3A_500 : i32 to index
        %get3A_503 = arith.index_cast %get3A_501 : i32 to index
        %get3A_504 = arith.constant 112 : index
        %get3A_505 = tpu.vector_load %arg7[%get3A_502, %get3A_503, %get3A_504] {strides = array<i32>} : memref<6x4x128xf32, #tpu.memory_space<vmem>>, vector<1x1x16xf32>,
        %get3A_506 = vector.shape_cast %get3A_505 : vector<1x1x16xf32> to vector<16xf32>
        %scan3A_507 = arith.constant 0 : i32
        %scan3A_508 = arith.constant 0 : i32
        %scan3A_509 = arith.constant 32 : i32
        %scan3A_510 = arith.addi %scan3A_508, %scan3A_509 : i32
        %scan3A_511 = arith.constant 1 : i32
        %scan3A_512 = scf.for %scan3A_536 = %scan3A_508 to %scan3A_510 step %scan3A_511 iter_args(%scan3A_537 = %scan3A_507) -> (i32)  : i32 {
          %add3A_538 = arith.constant 96 : i32
          %add3A_539 = arith.addi %add3A_538, %scan3A_536 : i32
          %get3A_540 = arith.constant 5 : i32
          %get3A_541 = arith.index_cast %get3A_540 : i32 to index
          %get3A_542 = arith.index_cast %add3A_539 : i32 to index
          %get3A_543 = arith.constant 0 : index
          %get3A_544 = tpu.vector_load %arg6[%get3A_541, %get3A_542, %get3A_543] {strides = array<i32>} : memref<6x128x128xf32, #tpu.memory_space<vmem>>, vector<1x1x16xf32>,
          %get3A_545 = vector.shape_cast %get3A_544 : vector<1x1x16xf32> to vector<16xf32>
          %sub3A = arith.subf %get3A_545, %get3A_457 : vector<16xf32>
          %swap3A = arith.constant 5 : i32
          %swap3A_546 = arith.index_cast %swap3A : i32 to index
          %swap3A_547 = arith.index_cast %add3A_539 : i32 to index
          %swap3A_548 = arith.constant 0 : index
          %swap3A_549 = tpu.vector_load %arg6[%swap3A_546, %swap3A_547, %swap3A_548] {strides = array<i32>} : memref<6x128x128xf32, #tpu.memory_space<vmem>>, vector<1x1x16xf32>,
          %swap3A_550 = vector.shape_cast %swap3A_549 : vector<1x1x16xf32> to vector<16xf32>
          %swap3A_551 = vector.shape_cast %sub3A : vector<16xf32> to vector<1x1x16xf32>
          tpu.vector_store %arg6[%swap3A_546, %swap3A_547, %swap3A_548], %swap3A_551 {strides = array<i32>} : memref<6x128x128xf32, #tpu.memory_space<vmem>>, vector<1x1x16xf32>,
          %get3A_552 = arith.constant 5 : i32
          %get3A_553 = arith.index_cast %get3A_552 : i32 to index
          %get3A_554 = arith.index_cast %add3A_539 : i32 to index
          %get3A_555 = arith.constant 16 : index
          %get3A_556 = tpu.vector_load %arg6[%get3A_553, %get3A_554, %get3A_555] {strides = array<i32>} : memref<6x128x128xf32, #tpu.memory_space<vmem>>, vector<1x1x16xf32>,
          %get3A_557 = vector.shape_cast %get3A_556 : vector<1x1x16xf32> to vector<16xf32>
          %sub3A_558 = arith.subf %get3A_557, %get3A_464 : vector<16xf32>
          %swap3A_559 = arith.constant 5 : i32
          %swap3A_560 = arith.index_cast %swap3A_559 : i32 to index
          %swap3A_561 = arith.index_cast %add3A_539 : i32 to index
          %swap3A_562 = arith.constant 16 : index
          %swap3A_563 = tpu.vector_load %arg6[%swap3A_560, %swap3A_561, %swap3A_562] {strides = array<i32>} : memref<6x128x128xf32, #tpu.memory_space<vmem>>, vector<1x1x16xf32>,
          %swap3A_564 = vector.shape_cast %swap3A_563 : vector<1x1x16xf32> to vector<16xf32>
          %swap3A_565 = vector.shape_cast %sub3A_558 : vector<16xf32> to vector<1x1x16xf32>
          tpu.vector_store %arg6[%swap3A_560, %swap3A_561, %swap3A_562], %swap3A_565 {strides = array<i32>} : memref<6x128x128xf32, #tpu.memory_space<vmem>>, vector<1x1x16xf32>,
          %get3A_566 = arith.constant 5 : i32
          %get3A_567 = arith.index_cast %get3A_566 : i32 to index
          %get3A_568 = arith.index_cast %add3A_539 : i32 to index
          %get3A_569 = arith.constant 32 : index
          %get3A_570 = tpu.vector_load %arg6[%get3A_567, %get3A_568, %get3A_569] {strides = array<i32>} : memref<6x128x128xf32, #tpu.memory_space<vmem>>, vector<1x1x16xf32>,
          %get3A_571 = vector.shape_cast %get3A_570 : vector<1x1x16xf32> to vector<16xf32>
          %sub3A_572 = arith.subf %get3A_571, %get3A_471 : vector<16xf32>
          %swap3A_573 = arith.constant 5 : i32
          %swap3A_574 = arith.index_cast %swap3A_573 : i32 to index
          %swap3A_575 = arith.index_cast %add3A_539 : i32 to index
          %swap3A_576 = arith.constant 32 : index
          %swap3A_577 = tpu.vector_load %arg6[%swap3A_574, %swap3A_575, %swap3A_576] {strides = array<i32>} : memref<6x128x128xf32, #tpu.memory_space<vmem>>, vector<1x1x16xf32>,
          %swap3A_578 = vector.shape_cast %swap3A_577 : vector<1x1x16xf32> to vector<16xf32>
          %swap3A_579 = vector.shape_cast %sub3A_572 : vector<16xf32> to vector<1x1x16xf32>
          tpu.vector_store %arg6[%swap3A_574, %swap3A_575, %swap3A_576], %swap3A_579 {strides = array<i32>} : memref<6x128x128xf32, #tpu.memory_space<vmem>>, vector<1x1x16xf32>,
          %get3A_580 = arith.constant 5 : i32
          %get3A_581 = arith.index_cast %get3A_580 : i32 to index
          %get3A_582 = arith.index_cast %add3A_539 : i32 to index
          %get3A_583 = arith.constant 48 : index
          %get3A_584 = tpu.vector_load %arg6[%get3A_581, %get3A_582, %get3A_583] {strides = array<i32>} : memref<6x128x128xf32, #tpu.memory_space<vmem>>, vector<1x1x16xf32>,
          %get3A_585 = vector.shape_cast %get3A_584 : vector<1x1x16xf32> to vector<16xf32>
          %sub3A_586 = arith.subf %get3A_585, %get3A_478 : vector<16xf32>
          %swap3A_587 = arith.constant 5 : i32
          %swap3A_588 = arith.index_cast %swap3A_587 : i32 to index
          %swap3A_589 = arith.index_cast %add3A_539 : i32 to index
          %swap3A_590 = arith.constant 48 : index
          %swap3A_591 = tpu.vector_load %arg6[%swap3A_588, %swap3A_589, %swap3A_590] {strides = array<i32>} : memref<6x128x128xf32, #tpu.memory_space<vmem>>, vector<1x1x16xf32>,
          %swap3A_592 = vector.shape_cast %swap3A_591 : vector<1x1x16xf32> to vector<16xf32>
          %swap3A_593 = vector.shape_cast %sub3A_586 : vector<16xf32> to vector<1x1x16xf32>
          tpu.vector_store %arg6[%swap3A_588, %swap3A_589, %swap3A_590], %swap3A_593 {strides = array<i32>} : memref<6x128x128xf32, #tpu.memory_space<vmem>>, vector<1x1x16xf32>,
          %get3A_594 = arith.constant 5 : i32
          %get3A_595 = arith.index_cast %get3A_594 : i32 to index
          %get3A_596 = arith.index_cast %add3A_539 : i32 to index
          %get3A_597 = arith.constant 64 : index
          %get3A_598 = tpu.vector_load %arg6[%get3A_595, %get3A_596, %get3A_597] {strides = array<i32>} : memref<6x128x128xf32, #tpu.memory_space<vmem>>, vector<1x1x16xf32>,
          %get3A_599 = vector.shape_cast %get3A_598 : vector<1x1x16xf32> to vector<16xf32>
          %sub3A_600 = arith.subf %get3A_599, %get3A_485 : vector<16xf32>
          %swap3A_601 = arith.constant 5 : i32
          %swap3A_602 = arith.index_cast %swap3A_601 : i32 to index
          %swap3A_603 = arith.index_cast %add3A_539 : i32 to index
          %swap3A_604 = arith.constant 64 : index
          %swap3A_605 = tpu.vector_load %arg6[%swap3A_602, %swap3A_603, %swap3A_604] {strides = array<i32>} : memref<6x128x128xf32, #tpu.memory_space<vmem>>, vector<1x1x16xf32>,
          %swap3A_606 = vector.shape_cast %swap3A_605 : vector<1x1x16xf32> to vector<16xf32>
          %swap3A_607 = vector.shape_cast %sub3A_600 : vector<16xf32> to vector<1x1x16xf32>
          tpu.vector_store %arg6[%swap3A_602, %swap3A_603, %swap3A_604], %swap3A_607 {strides = array<i32>} : memref<6x128x128xf32, #tpu.memory_space<vmem>>, vector<1x1x16xf32>,
          %get3A_608 = arith.constant 5 : i32
          %get3A_609 = arith.index_cast %get3A_608 : i32 to index
          %get3A_610 = arith.index_cast %add3A_539 : i32 to index
          %get3A_611 = arith.constant 80 : index
          %get3A_612 = tpu.vector_load %arg6[%get3A_609, %get3A_610, %get3A_611] {strides = array<i32>} : memref<6x128x128xf32, #tpu.memory_space<vmem>>, vector<1x1x16xf32>,
          %get3A_613 = vector.shape_cast %get3A_612 : vector<1x1x16xf32> to vector<16xf32>
          %sub3A_614 = arith.subf %get3A_613, %get3A_492 : vector<16xf32>
          %swap3A_615 = arith.constant 5 : i32
          %swap3A_616 = arith.index_cast %swap3A_615 : i32 to index
          %swap3A_617 = arith.index_cast %add3A_539 : i32 to index
          %swap3A_618 = arith.constant 80 : index
          %swap3A_619 = tpu.vector_load %arg6[%swap3A_616, %swap3A_617, %swap3A_618] {strides = array<i32>} : memref<6x128x128xf32, #tpu.memory_space<vmem>>, vector<1x1x16xf32>,
          %swap3A_620 = vector.shape_cast %swap3A_619 : vector<1x1x16xf32> to vector<16xf32>
          %swap3A_621 = vector.shape_cast %sub3A_614 : vector<16xf32> to vector<1x1x16xf32>
          tpu.vector_store %arg6[%swap3A_616, %swap3A_617, %swap3A_618], %swap3A_621 {strides = array<i32>} : memref<6x128x128xf32, #tpu.memory_space<vmem>>, vector<1x1x16xf32>,
          %get3A_622 = arith.constant 5 : i32
          %get3A_623 = arith.index_cast %get3A_622 : i32 to index
          %get3A_624 = arith.index_cast %add3A_539 : i32 to index
          %get3A_625 = arith.constant 96 : index
          %get3A_626 = tpu.vector_load %arg6[%get3A_623, %get3A_624, %get3A_625] {strides = array<i32>} : memref<6x128x128xf32, #tpu.memory_space<vmem>>, vector<1x1x16xf32>,
          %get3A_627 = vector.shape_cast %get3A_626 : vector<1x1x16xf32> to vector<16xf32>
          %sub3A_628 = arith.subf %get3A_627, %get3A_499 : vector<16xf32>
          %swap3A_629 = arith.constant 5 : i32
          %swap3A_630 = arith.index_cast %swap3A_629 : i32 to index
          %swap3A_631 = arith.index_cast %add3A_539 : i32 to index
          %swap3A_632 = arith.constant 96 : index
          %swap3A_633 = tpu.vector_load %arg6[%swap3A_630, %swap3A_631, %swap3A_632] {strides = array<i32>} : memref<6x128x128xf32, #tpu.memory_space<vmem>>, vector<1x1x16xf32>,
          %swap3A_634 = vector.shape_cast %swap3A_633 : vector<1x1x16xf32> to vector<16xf32>
          %swap3A_635 = vector.shape_cast %sub3A_628 : vector<16xf32> to vector<1x1x16xf32>
          tpu.vector_store %arg6[%swap3A_630, %swap3A_631, %swap3A_632], %swap3A_635 {strides = array<i32>} : memref<6x128x128xf32, #tpu.memory_space<vmem>>, vector<1x1x16xf32>,
          %get3A_636 = arith.constant 5 : i32
          %get3A_637 = arith.index_cast %get3A_636 : i32 to index
          %get3A_638 = arith.index_cast %add3A_539 : i32 to index
          %get3A_639 = arith.constant 112 : index
          %get3A_640 = tpu.vector_load %arg6[%get3A_637, %get3A_638, %get3A_639] {strides = array<i32>} : memref<6x128x128xf32, #tpu.memory_space<vmem>>, vector<1x1x16xf32>,
          %get3A_641 = vector.shape_cast %get3A_640 : vector<1x1x16xf32> to vector<16xf32>
          %sub3A_642 = arith.subf %get3A_641, %get3A_506 : vector<16xf32>
          %swap3A_643 = arith.constant 5 : i32
          %swap3A_644 = arith.index_cast %swap3A_643 : i32 to index
          %swap3A_645 = arith.index_cast %add3A_539 : i32 to index
          %swap3A_646 = arith.constant 112 : index
          %swap3A_647 = tpu.vector_load %arg6[%swap3A_644, %swap3A_645, %swap3A_646] {strides = array<i32>} : memref<6x128x128xf32, #tpu.memory_space<vmem>>, vector<1x1x16xf32>,
          %swap3A_648 = vector.shape_cast %swap3A_647 : vector<1x1x16xf32> to vector<16xf32>
          %swap3A_649 = vector.shape_cast %sub3A_642 : vector<16xf32> to vector<1x1x16xf32>
          tpu.vector_store %arg6[%swap3A_644, %swap3A_645, %swap3A_646], %swap3A_649 {strides = array<i32>} : memref<6x128x128xf32, #tpu.memory_space<vmem>>, vector<1x1x16xf32>,
          %scan3A_650 = arith.constant 0 : i32
          scf.yield %scan3A_650 : i32
        }
        %scan3A_513 = arith.constant 32 : i32
        %add3A_514 = arith.addi %add3A_4, %add3A_233 : i32
        %mul3A_515 = arith.constant 128 : i32
        %mul3A_516 = arith.muli %add3A_514, %mul3A_515 : i32
        %dma_start3A_517 = arith.constant 5 : i32
        %dma_start3A_518 = arith.constant 0 : i32
        %dma_start3A_519 = arith.constant 0 : i32
        %dma_start3A_520 = tpu.memref_slice %arg6[%dma_start3A_517, %dma_start3A_518, %dma_start3A_519] : memref<6x128x128xf32, #tpu.memory_space<vmem>> -> memref<1x128x128xf32, #tpu.memory_space<vmem>>
        %dma_start3A_521 = tpu.memref_squeeze %dma_start3A_520 : memref<1x128x128xf32, #tpu.memory_space<vmem>> -> memref<128x128xf32, #tpu.memory_space<vmem>>
        %dma_start3A_522 = arith.constant 0 : i32
        %dma_start3A_523 = tpu.memref_slice %arg4[%mul3A_516, %dma_start3A_522] : memref<320000x128xf32, #tpu.memory_space<hbm>> -> memref<128x128xf32, #tpu.memory_space<hbm>>
        %dma_start3A_524 = arith.constant 0 : i32
        %dma_start3A_525 = tpu.memref_slice %arg4[%mul3A_516, %dma_start3A_524] : memref<320000x128xf32, #tpu.memory_space<hbm>> -> memref<128x128xf32, #tpu.memory_space<hbm>>
        %dma_start3A_526 = arith.constant 0 : i32
        %dma_start3A_527 = arith.constant 0 : i32
        %dma_start3A_528 = tpu.memref_slice %arg6[%dma_start3A_517, %dma_start3A_526, %dma_start3A_527] : memref<6x128x128xf32, #tpu.memory_space<vmem>> -> memref<1x128x128xf32, #tpu.memory_space<vmem>>
        %dma_start3A_529 = tpu.memref_squeeze %dma_start3A_528 : memref<1x128x128xf32, #tpu.memory_space<vmem>> -> memref<128x128xf32, #tpu.memory_space<vmem>>
        tpu.enqueue_dma source(%dma_start3A_529 : memref<128x128xf32, #tpu.memory_space<vmem>>) target(%dma_start3A_525 : memref<128x128xf32, #tpu.memory_space<hbm>>) target_semaphore(%arg10 : memref<!tpu.dma_semaphore, #tpu.memory_space<semaphore_mem>>)
        %add3A_530 = arith.constant 3 : i32
        %add3A_531 = arith.addi %add3A_233, %add3A_530 : i32
        %lt3A_532 = arith.cmpi slt, %add3A_531, %add3A_8 : i32
        %convert_element_type3A_533 = arith.extui %lt3A_532 : i1 to i32
        %cond3A_534 = arith.constant 0 : i32
        %cond3A_535 = arith.cmpi ne, %convert_element_type3A_533, %cond3A_534 : i32
        scf.if %cond3A_535 {
          %ge3A = arith.constant 3 : i32
          %ge3A_536 = arith.cmpi sge, %add3A_233, %ge3A : i32
          %convert_element_type3A_537 = arith.extui %ge3A_536 : i1 to i32
          %cond3A_538 = arith.constant 0 : i32
          %cond3A_539 = arith.cmpi ne, %convert_element_type3A_537, %cond3A_538 : i32
          scf.if %cond3A_539 {
            %mul3A_569 = arith.constant 128 : i32
            %mul3A_570 = arith.muli %add3A_4, %mul3A_569 : i32
            %dma_wait3A_571 = arith.constant 5 : i32
            %dma_wait3A_572 = arith.constant 0 : i32
            %dma_wait3A_573 = arith.constant 0 : i32
            %dma_wait3A_574 = tpu.memref_slice %arg6[%dma_wait3A_571, %dma_wait3A_572, %dma_wait3A_573] : memref<6x128x128xf32, #tpu.memory_space<vmem>> -> memref<1x128x128xf32, #tpu.memory_space<vmem>>
            %dma_wait3A_575 = tpu.memref_squeeze %dma_wait3A_574 : memref<1x128x128xf32, #tpu.memory_space<vmem>> -> memref<128x128xf32, #tpu.memory_space<vmem>>
            %dma_wait3A_576 = arith.constant 0 : i32
            %dma_wait3A_577 = tpu.memref_slice %arg4[%mul3A_570, %dma_wait3A_576] : memref<320000x128xf32, #tpu.memory_space<hbm>> -> memref<128x128xf32, #tpu.memory_space<hbm>>
            %dma_wait3A_578 = arith.constant 0 : i32
            %dma_wait3A_579 = tpu.memref_slice %arg4[%mul3A_570, %dma_wait3A_578] : memref<320000x128xf32, #tpu.memory_space<hbm>> -> memref<128x128xf32, #tpu.memory_space<hbm>>
            %dma_wait3A_580 = arith.constant 0 : i32
            %dma_wait3A_581 = arith.constant 0 : i32
            %dma_wait3A_582 = tpu.memref_slice %arg6[%dma_wait3A_571, %dma_wait3A_580, %dma_wait3A_581] : memref<6x128x128xf32, #tpu.memory_space<vmem>> -> memref<1x128x128xf32, #tpu.memory_space<vmem>>
            %dma_wait3A_583 = tpu.memref_squeeze %dma_wait3A_582 : memref<1x128x128xf32, #tpu.memory_space<vmem>> -> memref<128x128xf32, #tpu.memory_space<vmem>>
            tpu.wait_dma2 semaphore(%arg10 : memref<!tpu.dma_semaphore, #tpu.memory_space<semaphore_mem>>) src(%dma_wait3A_583 : memref<128x128xf32, #tpu.memory_space<vmem>>) dst(%dma_wait3A_579 : memref<128x128xf32, #tpu.memory_space<hbm>>)
          } else {
          }
          %add3A_540 = arith.constant 3 : i32
          %add3A_541 = arith.addi %add3A_233, %add3A_540 : i32
          %mul3A_542 = arith.constant 128 : i32
          %mul3A_543 = arith.muli %add3A_541, %mul3A_542 : i32
          %dma_start3A_544 = arith.constant 2 : i32
          %dma_start3A_545 = arith.constant 0 : i32
          %dma_start3A_546 = arith.constant 0 : i32
          %dma_start3A_547 = tpu.memref_slice %arg6[%dma_start3A_544, %dma_start3A_545, %dma_start3A_546] : memref<6x128x128xf32, #tpu.memory_space<vmem>> -> memref<1x128x128xf32, #tpu.memory_space<vmem>>
          %dma_start3A_548 = tpu.memref_squeeze %dma_start3A_547 : memref<1x128x128xf32, #tpu.memory_space<vmem>> -> memref<128x128xf32, #tpu.memory_space<vmem>>
          %dma_start3A_549 = tpu.memref_slice %arg5[%mul3A_543] : memref<10112xi32, #tpu.memory_space<vmem>> -> memref<128xi32, #tpu.memory_space<vmem>>
          %dma_start3A_550 = arith.constant 0 : i32
          %dma_start3A_551 = arith.constant 0 : i32
          %dma_start3A_552 = tpu.memref_slice %arg2[%dma_start3A_550, %dma_start3A_551] : memref<10000x128xf32, #tpu.memory_space<hbm>> -> memref<10000x128xf32, #tpu.memory_space<hbm>>
          tpu.enqueue_indirect_dma source(%dma_start3A_552 : memref<10000x128xf32, #tpu.memory_space<hbm>>) target(%dma_start3A_548 : memref<128x128xf32, #tpu.memory_space<vmem>>) offsets(%dma_start3A_549 : memref<128xi32, #tpu.memory_space<vmem>>) semaphore(%arg8 : memref<!tpu.dma_semaphore, #tpu.memory_space<semaphore_mem>>)
          %add3A_553 = arith.addi %add3A_4, %add3A_541 : i32
          %mul3A_554 = arith.constant 4 : i32
          %mul3A_555 = arith.muli %add3A_553, %mul3A_554 : i32
          %dma_start3A_556 = arith.constant 2 : i32
          %dma_start3A_557 = arith.constant 0 : i32
          %dma_start3A_558 = arith.constant 0 : i32
          %dma_start3A_559 = tpu.memref_slice %arg7[%dma_start3A_556, %dma_start3A_557, %dma_start3A_558] : memref<6x4x128xf32, #tpu.memory_space<vmem>> -> memref<1x4x128xf32, #tpu.memory_space<vmem>>
          %dma_start3A_560 = tpu.memref_squeeze %dma_start3A_559 : memref<1x4x128xf32, #tpu.memory_space<vmem>> -> memref<4x128xf32, #tpu.memory_space<vmem>>
          %dma_start3A_561 = arith.constant 0 : i32
          %dma_start3A_562 = tpu.memref_slice %arg2[%mul3A_555, %dma_start3A_561] : memref<10000x128xf32, #tpu.memory_space<hbm>> -> memref<4x128xf32, #tpu.memory_space<hbm>>
          %dma_start3A_563 = arith.constant 0 : i32
          %dma_start3A_564 = arith.constant 0 : i32
          %dma_start3A_565 = tpu.memref_slice %arg7[%dma_start3A_556, %dma_start3A_563, %dma_start3A_564] : memref<6x4x128xf32, #tpu.memory_space<vmem>> -> memref<1x4x128xf32, #tpu.memory_space<vmem>>
          %dma_start3A_566 = tpu.memref_squeeze %dma_start3A_565 : memref<1x4x128xf32, #tpu.memory_space<vmem>> -> memref<4x128xf32, #tpu.memory_space<vmem>>
          %dma_start3A_567 = arith.constant 0 : i32
          %dma_start3A_568 = tpu.memref_slice %arg2[%mul3A_555, %dma_start3A_567] : memref<10000x128xf32, #tpu.memory_space<hbm>> -> memref<4x128xf32, #tpu.memory_space<hbm>>
          tpu.enqueue_dma source(%dma_start3A_568 : memref<4x128xf32, #tpu.memory_space<hbm>>) target(%dma_start3A_566 : memref<4x128xf32, #tpu.memory_space<vmem>>) target_semaphore(%arg9 : memref<!tpu.dma_semaphore, #tpu.memory_space<semaphore_mem>>)
        } else {
        }
      } else {
      }
    }
    %scan3A_101 = arith.constant 14 : i32
    %mul3A_102 = arith.constant 128 : i32
    %mul3A_103 = arith.muli %add3A_4, %mul3A_102 : i32
    %dma_wait3A = arith.constant 0 : i32
    %dma_wait3A_104 = arith.constant 0 : i32
    %dma_wait3A_105 = arith.constant 0 : i32
    %dma_wait3A_106 = tpu.memref_slice %arg6[%dma_wait3A, %dma_wait3A_104, %dma_wait3A_105] : memref<6x128x128xf32, #tpu.memory_space<vmem>> -> memref<1x128x128xf32, #tpu.memory_space<vmem>>
    %dma_wait3A_107 = tpu.memref_squeeze %dma_wait3A_106 : memref<1x128x128xf32, #tpu.memory_space<vmem>> -> memref<128x128xf32, #tpu.memory_space<vmem>>
    %dma_wait3A_108 = arith.constant 0 : i32
    %dma_wait3A_109 = tpu.memref_slice %arg4[%mul3A_103, %dma_wait3A_108] : memref<320000x128xf32, #tpu.memory_space<hbm>> -> memref<128x128xf32, #tpu.memory_space<hbm>>
    %dma_wait3A_110 = arith.constant 0 : i32
    %dma_wait3A_111 = tpu.memref_slice %arg4[%mul3A_103, %dma_wait3A_110] : memref<320000x128xf32, #tpu.memory_space<hbm>> -> memref<128x128xf32, #tpu.memory_space<hbm>>
    %dma_wait3A_112 = arith.constant 0 : i32
    %dma_wait3A_113 = arith.constant 0 : i32
    %dma_wait3A_114 = tpu.memref_slice %arg6[%dma_wait3A, %dma_wait3A_112, %dma_wait3A_113] : memref<6x128x128xf32, #tpu.memory_space<vmem>> -> memref<1x128x128xf32, #tpu.memory_space<vmem>>
    %dma_wait3A_115 = tpu.memref_squeeze %dma_wait3A_114 : memref<1x128x128xf32, #tpu.memory_space<vmem>> -> memref<128x128xf32, #tpu.memory_space<vmem>>
    tpu.wait_dma2 semaphore(%arg10 : memref<!tpu.dma_semaphore, #tpu.memory_space<semaphore_mem>>) src(%dma_wait3A_115 : memref<128x128xf32, #tpu.memory_space<vmem>>) dst(%dma_wait3A_111 : memref<128x128xf32, #tpu.memory_space<hbm>>)
    %mul3A_116 = arith.constant 128 : i32
    %mul3A_117 = arith.muli %add3A_4, %mul3A_116 : i32
    %dma_wait3A_118 = arith.constant 0 : i32
    %dma_wait3A_119 = arith.constant 0 : i32
    %dma_wait3A_120 = arith.constant 0 : i32
    %dma_wait3A_121 = tpu.memref_slice %arg6[%dma_wait3A_118, %dma_wait3A_119, %dma_wait3A_120] : memref<6x128x128xf32, #tpu.memory_space<vmem>> -> memref<1x128x128xf32, #tpu.memory_space<vmem>>
    %dma_wait3A_122 = tpu.memref_squeeze %dma_wait3A_121 : memref<1x128x128xf32, #tpu.memory_space<vmem>> -> memref<128x128xf32, #tpu.memory_space<vmem>>
    %dma_wait3A_123 = arith.constant 0 : i32
    %dma_wait3A_124 = tpu.memref_slice %arg4[%mul3A_117, %dma_wait3A_123] : memref<320000x128xf32, #tpu.memory_space<hbm>> -> memref<128x128xf32, #tpu.memory_space<hbm>>
    %dma_wait3A_125 = arith.constant 0 : i32
    %dma_wait3A_126 = tpu.memref_slice %arg4[%mul3A_117, %dma_wait3A_125] : memref<320000x128xf32, #tpu.memory_space<hbm>> -> memref<128x128xf32, #tpu.memory_space<hbm>>
    %dma_wait3A_127 = arith.constant 0 : i32
    %dma_wait3A_128 = arith.constant 0 : i32
    %dma_wait3A_129 = tpu.memref_slice %arg6[%dma_wait3A_118, %dma_wait3A_127, %dma_wait3A_128] : memref<6x128x128xf32, #tpu.memory_space<vmem>> -> memref<1x128x128xf32, #tpu.memory_space<vmem>>
    %dma_wait3A_130 = tpu.memref_squeeze %dma_wait3A_129 : memref<1x128x128xf32, #tpu.memory_space<vmem>> -> memref<128x128xf32, #tpu.memory_space<vmem>>
    tpu.wait_dma2 semaphore(%arg10 : memref<!tpu.dma_semaphore, #tpu.memory_space<semaphore_mem>>) src(%dma_wait3A_130 : memref<128x128xf32, #tpu.memory_space<vmem>>) dst(%dma_wait3A_126 : memref<128x128xf32, #tpu.memory_space<hbm>>)
    %mul3A_131 = arith.constant 128 : i32
    %mul3A_132 = arith.muli %add3A_4, %mul3A_131 : i32
    %dma_wait3A_133 = arith.constant 0 : i32
    %dma_wait3A_134 = arith.constant 0 : i32
    %dma_wait3A_135 = arith.constant 0 : i32
    %dma_wait3A_136 = tpu.memref_slice %arg6[%dma_wait3A_133, %dma_wait3A_134, %dma_wait3A_135] : memref<6x128x128xf32, #tpu.memory_space<vmem>> -> memref<1x128x128xf32, #tpu.memory_space<vmem>>
    %dma_wait3A_137 = tpu.memref_squeeze %dma_wait3A_136 : memref<1x128x128xf32, #tpu.memory_space<vmem>> -> memref<128x128xf32, #tpu.memory_space<vmem>>
    %dma_wait3A_138 = arith.constant 0 : i32
    %dma_wait3A_139 = tpu.memref_slice %arg4[%mul3A_132, %dma_wait3A_138] : memref<320000x128xf32, #tpu.memory_space<hbm>> -> memref<128x128xf32, #tpu.memory_space<hbm>>
    %dma_wait3A_140 = arith.constant 0 : i32
    %dma_wait3A_141 = tpu.memref_slice %arg4[%mul3A_132, %dma_wait3A_140] : memref<320000x128xf32, #tpu.memory_space<hbm>> -> memref<128x128xf32, #tpu.memory_space<hbm>>
    %dma_wait3A_142 = arith.constant 0 : i32
    %dma_wait3A_143 = arith.constant 0 : i32
    %dma_wait3A_144 = tpu.memref_slice %arg6[%dma_wait3A_133, %dma_wait3A_142, %dma_wait3A_143] : memref<6x128x128xf32, #tpu.memory_space<vmem>> -> memref<1x128x128xf32, #tpu.memory_space<vmem>>
    %dma_wait3A_145 = tpu.memref_squeeze %dma_wait3A_144 : memref<1x128x128xf32, #tpu.memory_space<vmem>> -> memref<128x128xf32, #tpu.memory_space<vmem>>
    tpu.wait_dma2 semaphore(%arg10 : memref<!tpu.dma_semaphore, #tpu.memory_space<semaphore_mem>>) src(%dma_wait3A_145 : memref<128x128xf32, #tpu.memory_space<vmem>>) dst(%dma_wait3A_141 : memref<128x128xf32, #tpu.memory_space<hbm>>)
    %mul3A_146 = arith.constant 128 : i32
    %mul3A_147 = arith.muli %add3A_4, %mul3A_146 : i32
    %dma_wait3A_148 = arith.constant 0 : i32
    %dma_wait3A_149 = arith.constant 0 : i32
    %dma_wait3A_150 = arith.constant 0 : i32
    %dma_wait3A_151 = tpu.memref_slice %arg6[%dma_wait3A_148, %dma_wait3A_149, %dma_wait3A_150] : memref<6x128x128xf32, #tpu.memory_space<vmem>> -> memref<1x128x128xf32, #tpu.memory_space<vmem>>
    %dma_wait3A_152 = tpu.memref_squeeze %dma_wait3A_151 : memref<1x128x128xf32, #tpu.memory_space<vmem>> -> memref<128x128xf32, #tpu.memory_space<vmem>>
    %dma_wait3A_153 = arith.constant 0 : i32
    %dma_wait3A_154 = tpu.memref_slice %arg4[%mul3A_147, %dma_wait3A_153] : memref<320000x128xf32, #tpu.memory_space<hbm>> -> memref<128x128xf32, #tpu.memory_space<hbm>>
    %dma_wait3A_155 = arith.constant 0 : i32
    %dma_wait3A_156 = tpu.memref_slice %arg4[%mul3A_147, %dma_wait3A_155] : memref<320000x128xf32, #tpu.memory_space<hbm>> -> memref<128x128xf32, #tpu.memory_space<hbm>>
    %dma_wait3A_157 = arith.constant 0 : i32
    %dma_wait3A_158 = arith.constant 0 : i32
    %dma_wait3A_159 = tpu.memref_slice %arg6[%dma_wait3A_148, %dma_wait3A_157, %dma_wait3A_158] : memref<6x128x128xf32, #tpu.memory_space<vmem>> -> memref<1x128x128xf32, #tpu.memory_space<vmem>>
    %dma_wait3A_160 = tpu.memref_squeeze %dma_wait3A_159 : memref<1x128x128xf32, #tpu.memory_space<vmem>> -> memref<128x128xf32, #tpu.memory_space<vmem>>
    tpu.wait_dma2 semaphore(%arg10 : memref<!tpu.dma_semaphore, #tpu.memory_space<semaphore_mem>>) src(%dma_wait3A_160 : memref<128x128xf32, #tpu.memory_space<vmem>>) dst(%dma_wait3A_156 : memref<128x128xf32, #tpu.memory_space<hbm>>)
    %mul3A_161 = arith.constant 128 : i32
    %mul3A_162 = arith.muli %add3A_4, %mul3A_161 : i32
    %dma_wait3A_163 = arith.constant 0 : i32
    %dma_wait3A_164 = arith.constant 0 : i32
    %dma_wait3A_165 = arith.constant 0 : i32
    %dma_wait3A_166 = tpu.memref_slice %arg6[%dma_wait3A_163, %dma_wait3A_164, %dma_wait3A_165] : memref<6x128x128xf32, #tpu.memory_space<vmem>> -> memref<1x128x128xf32, #tpu.memory_space<vmem>>
    %dma_wait3A_167 = tpu.memref_squeeze %dma_wait3A_166 : memref<1x128x128xf32, #tpu.memory_space<vmem>> -> memref<128x128xf32, #tpu.memory_space<vmem>>
    %dma_wait3A_168 = arith.constant 0 : i32
    %dma_wait3A_169 = tpu.memref_slice %arg4[%mul3A_162, %dma_wait3A_168] : memref<320000x128xf32, #tpu.memory_space<hbm>> -> memref<128x128xf32, #tpu.memory_space<hbm>>
    %dma_wait3A_170 = arith.constant 0 : i32
    %dma_wait3A_171 = tpu.memref_slice %arg4[%mul3A_162, %dma_wait3A_170] : memref<320000x128xf32, #tpu.memory_space<hbm>> -> memref<128x128xf32, #tpu.memory_space<hbm>>
    %dma_wait3A_172 = arith.constant 0 : i32
    %dma_wait3A_173 = arith.constant 0 : i32
    %dma_wait3A_174 = tpu.memref_slice %arg6[%dma_wait3A_163, %dma_wait3A_172, %dma_wait3A_173] : memref<6x128x128xf32, #tpu.memory_space<vmem>> -> memref<1x128x128xf32, #tpu.memory_space<vmem>>
    %dma_wait3A_175 = tpu.memref_squeeze %dma_wait3A_174 : memref<1x128x128xf32, #tpu.memory_space<vmem>> -> memref<128x128xf32, #tpu.memory_space<vmem>>
    tpu.wait_dma2 semaphore(%arg10 : memref<!tpu.dma_semaphore, #tpu.memory_space<semaphore_mem>>) src(%dma_wait3A_175 : memref<128x128xf32, #tpu.memory_space<vmem>>) dst(%dma_wait3A_171 : memref<128x128xf32, #tpu.memory_space<hbm>>)
    %mul3A_176 = arith.constant 128 : i32
    %mul3A_177 = arith.muli %add3A_4, %mul3A_176 : i32
    %dma_wait3A_178 = arith.constant 0 : i32
    %dma_wait3A_179 = arith.constant 0 : i32
    %dma_wait3A_180 = arith.constant 0 : i32
    %dma_wait3A_181 = tpu.memref_slice %arg6[%dma_wait3A_178, %dma_wait3A_179, %dma_wait3A_180] : memref<6x128x128xf32, #tpu.memory_space<vmem>> -> memref<1x128x128xf32, #tpu.memory_space<vmem>>
    %dma_wait3A_182 = tpu.memref_squeeze %dma_wait3A_181 : memref<1x128x128xf32, #tpu.memory_space<vmem>> -> memref<128x128xf32, #tpu.memory_space<vmem>>
    %dma_wait3A_183 = arith.constant 0 : i32
    %dma_wait3A_184 = tpu.memref_slice %arg4[%mul3A_177, %dma_wait3A_183] : memref<320000x128xf32, #tpu.memory_space<hbm>> -> memref<128x128xf32, #tpu.memory_space<hbm>>
    %dma_wait3A_185 = arith.constant 0 : i32
    %dma_wait3A_186 = tpu.memref_slice %arg4[%mul3A_177, %dma_wait3A_185] : memref<320000x128xf32, #tpu.memory_space<hbm>> -> memref<128x128xf32, #tpu.memory_space<hbm>>
    %dma_wait3A_187 = arith.constant 0 : i32
    %dma_wait3A_188 = arith.constant 0 : i32
    %dma_wait3A_189 = tpu.memref_slice %arg6[%dma_wait3A_178, %dma_wait3A_187, %dma_wait3A_188] : memref<6x128x128xf32, #tpu.memory_space<vmem>> -> memref<1x128x128xf32, #tpu.memory_space<vmem>>
    %dma_wait3A_190 = tpu.memref_squeeze %dma_wait3A_189 : memref<1x128x128xf32, #tpu.memory_space<vmem>> -> memref<128x128xf32, #tpu.memory_space<vmem>>
    tpu.wait_dma2 semaphore(%arg10 : memref<!tpu.dma_semaphore, #tpu.memory_space<semaphore_mem>>) src(%dma_wait3A_190 : memref<128x128xf32, #tpu.memory_space<vmem>>) dst(%dma_wait3A_186 : memref<128x128xf32, #tpu.memory_space<hbm>>)
    return
  }
}

</mosaic_0001>

<sc_bundles>
// kernel: _sc_expand.3.cloned.1.call-start
scs
__scs_entry_jumppad:
0x0: {  	(pc) =	sbr.rel $0x88, $3  }
0x1: {  	(tag) =	ssettag $0x0;
	lr =	simm.s32 $0x1  }
0x2: {  	[smem:$0x3F9F] =	sst lr;
	_ =	strace $0xD0000000  }
0x3: {  	_ = 	snop  }
0x4: {  	_ = 	snop  }
0x5: {  	_ = 	snop  }
0x6: {  	_ = 	snop  }
0x7: {  	_ = 	snop  }
__scs_overlays_trampoline_lowered:
0x8: {  	[smem:$0x3FAE] =	sst s0  }
0x9: {  	[smem:$0x3FAF] =	sst s1  }
0xa: {  	[smem:$0x3FB0] =	sst s2  }
0xb: {  	[smem:$0x3FB1] =	sst s3  }
0xc: {  	[smem:$0x3FB2] =	sst s4  }
0xd: {  	[smem:$0x3FB3] =	sst s5  }
0xe: {  	[smem:$0x3FB4] =	sst s6  }
0xf: {  	[smem:$0x3FB5] =	sst s7  }
0x10: {  	[smem:$0x3FB6] =	sst s8  }
0x11: {  	[smem:$0x3FB7] =	sst s9;
	s0 =	simm.s32 @!p0 $0x0  }
0x12: {  	s1 =	sld [smem:$0x3F9D];
	s0 =	simm.s32 @p0 $0x1  }
0x13: {  	[smem:$0x3FB8] =	sst s0;
	s0 =	simm.s32 @!p1 $0x0  }
0x14: {  	s2 =	sld [smem:$0x3F9C];
	s0 =	simm.s32 @p1 $0x1  }
0x15: {  	[smem:$0x3FB9] =	sst s0;
	s0 =	simm.s32 @!p2 $0x0  }
0x16: {  	s3 =	sld [smem:$0x3FDB];
	s0 =	simm.s32 @p2 $0x1  }
0x17: {  	s4 =	simm.s32 $0x1BF5;
	[smem:$0x3FBB] =	sst s0  }
0x18: {  	s0 =	sld [smem:$0x3F9E];
	_ =	swait.ge [sflag:s4], $0x0  }
0x19: {  	s7 =	sld [smem:$0x3F9F]  }
0x1a: {  	s8 =	sadd.s32 $0xFFFFE003, lr  }
0x1b: {  	s9 =	sadd.s32 $0xFFFFFEF7, lr;
	s5 =	simm.s32 $0xFFFFFFFF;
	p2 =	slt.u32 s8, $0xFFFFF086  }
0x1c: {  	p1 =	slt.u32 s9, $0xF7A;
	s5 =	simm.s32 @!p2 $0x0  }
0x1d: {  	s5 =	simm.s32 @p1 $0x1;
	p0 =	seq.s32 s7, s2  }
0x1e: {  	s7 =	smul.u32 @!p0 $0xF7A, s2;
	p2 =	seq.s32 @!p0 s5, $0x0  }
0x1f: {  	s9 =	smul.u32 $0xF7A, s1;
	s8 =	simm.s32 @!p0 $0x1BF5;
	p2 =	por !p2, p0  }
0x20: {  	[sflag:s8] =	ssyncset.s32 @!p0 $0xFFFFF086;
	s6 =	sadd.s32 @!p0 s3, s7;
	s7 =	simm.s32 @!p0 $0x108  }
0x21: {  	s3 =	sadd.s32 s3, s9;
	s6 =	sadd.s32 @!p0 $0x88, s6;
	s7 =	simm.s32 @p2 $0x1082  }
0x22: {  	[simem:s7], [sflag:s8] =	dma.local @!p0 [hbm:s6], $0xF7A  }
0x23: {  	s9 =	sor.u32 $0xD0000000, s2;
	s6 =	simm.s32 $0x108;
	_ =	swait.ge @!p0 [sflag:s8], $0x0  }
0x24: {  	s3 =	sadd.s32 $0x88, s3;
	s6 =	simm.s32 @!p1 $0x1082;
	[sflag:s4] =	ssyncset.s32 $0xFFFFF086  }
0x25: {  	[simem:s6], [sflag:s4] =	dma.local [hbm:s3], $0xF7A  }
0x26: {  	[smem:$0x3F9F] =	sst s1;
	(tag) =	ssettag s2;
	_ =	strace s9  }
0x27: {  	s1 =	sld [smem:$0x3FAF]  }
0x28: {  	s2 =	sld [smem:$0x3FB0]  }
0x29: {  	s4 =	sld [smem:$0x3FB2]  }
0x2a: {  	p0 =	seq.s32 s5, $0x0;
	s5 =	sld [smem:$0x3FB3]  }
0x2b: {  	s6 =	sld [smem:$0x3FB4]  }
0x2c: {  	s7 =	sld [smem:$0x3FB5]  }
0x2d: {  	s3 =	simm.s32 $0x108;
	s8 =	sld [smem:$0x3FB6]  }
0x2e: {  	s3 =	simm.s32 @!p0 $0x1082;
	s9 =	sld [smem:$0x3FB7]  }
0x2f: {  	lr =	sadd.s32 s0, s3;
	s0 =	sld [smem:$0x3FAE]  }
0x30: {  	s3 =	sld [smem:$0x3FB1]  }
0x31: {  	[smem:$0x3FBA] =	sst s10  }
0x32: {  	s10 =	sld [smem:$0x3FB8];
	_ =	sdelay $0x3  }
0x33: {  	p0 =	seq.s32 s10, $0x1;
	s10 =	sld [smem:$0x3FBA];
	_ =	sdelay $0x3  }
0x34: {  	[smem:$0x3FBA] =	sst s10  }
0x35: {  	s10 =	sld [smem:$0x3FB9];
	_ =	sdelay $0x3  }
0x36: {  	p1 =	seq.s32 s10, $0x1;
	s10 =	sld [smem:$0x3FBA];
	_ =	sdelay $0x3  }
0x37: {  	[smem:$0x3FBA] =	sst s10  }
0x38: {  	s10 =	sld [smem:$0x3FBB]  }
0x39: {  	_ = 	snop;
	(pc) =	sbr.ind lr, $3  }
0x3a: {  	_ = 	snop  }
0x3b: {  	_ = 	snop  }
0x3c: {  	p2 =	seq.s32 s10, $0x1;
	s10 =	sld [smem:$0x3FBA]  }
0x3d: {  	_ =	shalt  }
0x3e: {  	_ =	shalt  }
0x3f: {  	_ =	shalt  }
0x40: {  	_ =	shalt  }
0x41: {  	_ =	shalt  }
0x42: {  	_ =	shalt  }
0x43: {  	_ =	shalt  }
0x44: {  	_ =	shalt  }
0x45: {  	_ =	shalt  }
0x46: {  	_ =	shalt  }
0x47: {  	_ =	shalt  }
0x48: {  	_ =	shalt  }
0x49: {  	_ =	shalt  }
0x4a: {  	_ =	shalt  }
0x4b: {  	_ =	shalt  }
0x4c: {  	_ =	shalt  }
0x4d: {  	_ =	shalt  }
0x4e: {  	_ =	shalt  }
0x4f: {  	_ =	shalt  }
0x50: {  	_ =	shalt  }
0x51: {  	_ =	shalt  }
0x52: {  	_ =	shalt  }
0x53: {  	_ =	shalt  }
0x54: {  	_ =	shalt  }
0x55: {  	_ =	shalt  }
0x56: {  	_ =	shalt  }
0x57: {  	_ =	shalt  }
0x58: {  	_ =	shalt  }
0x59: {  	_ =	shalt  }
0x5a: {  	_ =	shalt  }
0x5b: {  	_ =	shalt  }
0x5c: {  	_ =	shalt  }
0x5d: {  	_ =	shalt  }
0x5e: {  	_ =	shalt  }
0x5f: {  	_ =	shalt  }
0x60: {  	_ =	shalt  }
0x61: {  	_ =	shalt  }
0x62: {  	_ =	shalt  }
0x63: {  	_ =	shalt  }
0x64: {  	_ =	shalt  }
0x65: {  	_ =	shalt  }
0x66: {  	_ =	shalt  }
0x67: {  	_ =	shalt  }
0x68: {  	_ =	shalt  }
0x69: {  	_ =	shalt  }
0x6a: {  	_ =	shalt  }
0x6b: {  	_ =	shalt  }
0x6c: {  	_ =	shalt  }
0x6d: {  	_ =	shalt  }
0x6e: {  	_ =	shalt  }
0x6f: {  	_ =	shalt  }
0x70: {  	_ =	shalt  }
0x71: {  	_ =	shalt  }
0x72: {  	_ =	shalt  }
0x73: {  	_ =	shalt  }
0x74: {  	_ =	shalt  }
0x75: {  	_ =	shalt  }
0x76: {  	_ =	shalt  }
0x77: {  	_ =	shalt  }
0x78: {  	_ =	shalt  }
0x79: {  	_ =	shalt  }
0x7a: {  	_ =	shalt  }
0x7b: {  	_ =	shalt  }
0x7c: {  	_ =	shalt  }
0x7d: {  	_ =	shalt  }
0x7e: {  	_ =	shalt  }
0x7f: {  	_ =	shalt  }
0x80: {  	_ =	shalt  }
0x81: {  	_ =	shalt  }
0x82: {  	_ =	shalt  }
0x83: {  	_ =	shalt  }
0x84: {  	_ =	shalt  }
0x85: {  	_ =	shalt  }
0x86: {  	_ =	shalt  }
0x87: {  	_ =	shalt  }
.Lfunc_end0:
.L_simem_size_0:
called_computation_lowered:
.L_overlay_start_0:
0x88: {  	s2 =	sld [smem:$0x3FD9]  }
0x89: {  	s3 =	sld [smem:$0x3FFE];
	_ =	sdelay $0x1  }
0x8a: {  	s1 =	srdreg.scid  }
0x8b: {  	s0 =	sand.u32 $0x1, s1  }
0x8c: {  	s18 =	sshll.u32 s0, $0xA;
	s2 =	sadd.s32 s3, s2  }
0x8d: {  	s2 =	sadd.s32 s2, s18  }
0x8e: {  	[smem:$0x3FC6] =	sst s2  }
0x8f: {  	_ = 	snop  }
0x90: {  	s2 =	sld [smem:$0x3FC9]  }
0x91: {  	s19 =	sld [smem:$0x3FC8]  }
0x92: {  	s4 =	sld [smem:$0x3FD0];
	(tm) =	ssettm $0x1  }
0x93: {  	s5 =	sld [smem:$0x3FFB];
	_ =	sdelay $0x3  }
0x94: {  	_ =	strace s5  }
0x95: {  	s5 =	sld [smem:$0x3FFC];
	_ =	sdelay $0x3  }
0x96: {  	_ =	strace s5  }
0x97: {  	s5 =	sld [smem:$0x3FFD];
	_ =	sdelay $0x3  }
0x98: {  	_ =	strace s5  }
0x99: {  	_ =	strace $0x8FFFFFFF  }
0x9a: {  	s20 =	sld [smem:$0x3FDB];
	_ =	sdelay $0x1  }
0x9b: {  	s6 =	simm.s32 $_scs_section_size  }
0x9c: {  	s7 =	simm.s32 $_size__tile_overlayer_lowered;
	s8 =	simm.s32 $_tile_overlayer_lowered  }
0x9d: {  	s23 =	simm.s32 $0x1BFF;
	s22 =	sshll.u32 s8, $0x1;
	s5 =	sadd.s32 s6, s20  }
0x9e: {  	s9 =	simm.s32 $0x0;
	s21 =	sshll.u32 s7, $0x1;
	s7 =	sadd.s32 s22, s5  }
0x9f: {  	[timem:s9], [sflag:s23] =	dma.local [hbm:s7], s21  }
0xa0: {  	_ =	swait.ge [sflag:s23], s21  }
0xa1: {  	s6 =	ssub.s32 $0x0, s21;
	[sflag:s23] =	ssyncset.done $0x0  }
0xa2: {  	[sflag:s23] =	ssyncadd.s32 s6;
	_ =	sdelay $0x1  }
0xa3: {  	s24 =	simm.s32 $0x1B8B  }
0xa4: {  	_ =	swait.ge [sflag:s24], $0x1  }
0xa5: {  	[sflag:s24] =	ssyncset.done $0x0  }
0xa6: {  	s25 =	simm.s32 $0x1B8E;
	[sflag:s24] =	ssyncadd.s32 $0xFFFFFFFF  }
0xa7: {  	s26 =	simm.s32 $execute0_lowered;
	[smem:$0x3FD2] =	sst s25  }
0xa8: {  	s6 =	sshll.u32 s26, $0x1;
	_ =	strace $0x80000046;
	[dreg:$0x1] =	wrdreg $0xFFFFFFFF  }
0xa9: {  	s28 =	simm.s32 $_size_execute0_lowered;
	s5 =	sadd.s32 s5, s6;
	[dreg:$0x0] =	wrdreg $0x0  }
0xaa: {  	s6 =	sshll.u32 s28, $0x1;
	[dreg:$0x2] =	wrdreg s5  }
0xab: {  	[dreg:$0x3] =	wrdreg s6  }
0xac: {  	[dreg:$0x4] =	wrdreg $0xC0  }
0xad: {  	_ =	task [dreg:s9], $0x5FFFF  }
0xae: {  	[dreg:$0x1] =	wrdreg $0xFFFFFFFF  }
0xaf: {  	[dreg:$0x0] =	wrdreg $0x60  }
0xb0: {  	[dreg:$0x2] =	wrdreg s2  }
0xb1: {  	[dreg:$0x3] =	wrdreg s19  }
0xb2: {  	[dreg:$0x4] =	wrdreg s4  }
0xb3: {  	[dreg:$0x5] =	wrdreg $0x9  }
0xb4: {  	_ =	task.clear_ibuf [dreg:s9], $0x6FFFF;
	_ =	strace $0x90000046  }
0xb5: {  	s29 =	simm.s32 $0x9;
	_ =	strace $0x80000048  }
0xb6: {  	_ =	swait.ge [sflag:s29], $0x1  }
0xb7: {  	[sflag:s29] =	ssyncadd.s32 $0xFFFFFFFF  }
0xb8: {  	_ =	strace $0x90000048  }
0xb9: {  	_ =	sfence  }
0xba: {  	s30 =	sld [smem:$0x0];
	_ =	sdelay $0x2  }
0xbb: {  	s31 =	sshll.u32 s1, $0xD;
	s1 =	sshrl.u32 s1, $0x2  }
0xbc: {  	s3 =	sand.u32 $0x4000, s31;
	s1 =	sadd.s32 s1, s30  }
0xbd: {  	s0 =	sor.u32 s3, s0;
	s1 =	sshll.u32 s1, $0x11  }
0xbe: {  	s0 =	sor.u32 s1, s0  }
0xbf: {  	s0 =	sadd.s32 $0x8F2B, s0  }
0xc0: {  	[sflag:s0] =	ssyncadd.remote.s32 $0x1  }
0xc1: {  	_ =	sfence.sel $0xFFFF  }
0xc2: {  	[dreg:$0x0] =	wrdreg $0xFFFFFFFF;
	(pc) =	sbr.abs _section_cstart, $3  }
0xc3: {  	[dreg:$0x1] =	wrdreg $0xFFFFFFFF  }
0xc4: {  	_ =	task.clear_ibuf [dreg:s9], $0x2FFFF;
	_ =	strace $0x9FFFFFFF  }
0xc5: {  	(tm) =	ssettm $0x7FFFFFFF  }
tec
execute0_lowered:
.L_overlay_start_1:
0x0: {  	(tag) =	ssettag $0x1  }
0x1: {  	s1 =	rddreg [dreg:$0x0]  }
0x2: {  	s0 =	srdreg.scid;
	s2 =	rddreg [dreg:$0x1]  }
0x3: {  	s8 =	stileid.u32;
	s3 =	rddreg [dreg:$0x2];
	s13 =	simm.s32 $0x4  }
0x4: {  	s14 =	simm.s32 $0x80;
	s15 =	simm.s32 $0x2780;
	s17 =	simm.s32 $0x6780  }
0x5: {  	s19 =	simm.s32 $0x100;
	s20 =	simm.s32 $0xA780;
	s21 =	simm.s32 $0x1AB80  }
0x6: {  	s28 =	simm.s32 $0x3;
	s0 =	sand.u32 $0x1, s0;
	s4 =	sshll.u32 s8, $0x1  }
0x7: {  	s29 =	simm.s32 $0x0;
	p0 =	slt.u32 s8, $0x2;
	s5 =	sor.u32 s0, s4  }
0x8: {  	s4 =	simm.s32 $0x0;
	s0 =	ssub.s32 $0x2, s0;
	s6 =	smul.u32 $0x4E, s5  }
0x9: {  	[smem:$0x7FF] =	sst s4;
	s9 =	smin.u32 s5, $0x4;
	s7 =	sshrl.u32 s0, $0x1  }
0xa: {  	_ =	strace $0x80000047;
	s0 =	ssub.s32 s0, s7;
	s22 =	sshll.u32 s9, $0x9  }
0xb: {  	s30 =	sshll.u32 s9, $0x6;
	s5 =	sadd.s32 s9, s6;
	s7 =	sand.u32 $0x200, s22  }
0xc: {  	s31 =	sand.u32 $0x40, s30;
	s12 =	smax.u32 s0, $0x1;
	s6 =	sshll.u32 s5, $0x9  }
0xd: {  	s22 =	simm.s32 $0x2;
	s10 =	sshll.u32 s5, $0x4;
	s23 =	sand.u32 $0x3FFC00, s6  }
0xe: {  	s25 =	sshll.u32 s5, $0x6;
	s6 =	simm.s32 $0x4F;
	s11 =	sor.u32 s7, s23  }
.Ltmp0:
0xf: {  	s6 =	simm.s32 @!p0 $0x4E;
	s7 =	sadd.s32 s2, s10;
	(pc) =	sbr.rel .LBB2_1-.Ltmp0, $4  }
0x10: {  	s2 =	sadd.s32 s25, s1;
	s23 =	simm.s32 $0x1;
	s25 =	simm.s32 $0x12780  }
0x11: {  	s24 =	sshrl.u32 s11, $0x3;
	s26 =	sadd.s32 $0x400, s11;
	s9 =	sadd.s32 $0x40, s2  }
0x12: {  	s11 =	sadd.s32 s1, s31;
	s8 =	sadd.s32 s1, s24;
	s10 =	sshrl.u32 s26, $0x3  }
0x13: {  	s24 =	simm.s32 $0xE780;
	s26 =	simm.s32 $0x16780;
	s10 =	sadd.s32 s1, s10  }
.LBB2_63:
0x14: {  	_ =	swait.ge [sflag:s28], $0x4000  }
0x15: {  	[sflag:s28] =	ssyncset.done $0x0  }
0x16: {  	[sflag:s28] =	ssyncadd.s32 $0xFFFFC000  }
0x17: {  	_ =	swait.ge [sflag:s28], $0x4000  }
0x18: {  	[sflag:s28] =	ssyncset.done $0x0  }
0x19: {  	[sflag:s28] =	ssyncadd.s32 $0xFFFFC000  }
0x1a: {  	_ =	swait.ge [sflag:s28], $0x4000  }
0x1b: {  	[sflag:s28] =	ssyncset.done $0x0  }
0x1c: {  	[sflag:s28] =	ssyncadd.s32 $0xFFFFC000  }
0x1d: {  	_ =	swait.ge [sflag:s28], $0x4000  }
0x1e: {  	[sflag:s28] =	ssyncset.done $0x0  }
0x1f: {  	s29 =	sadd.s32 $0x1, s29;
	[sflag:s28] =	ssyncadd.s32 $0xFFFFC000  }
0x20: {  	p0 =	sne.s32 s29, s12;
	_ =	swait.ge [sflag:s28], $0x4000  }
.Ltmp1:
0x21: {  	[sflag:s28] =	ssyncset.done $0x0;
	(pc) =	sbr.rel @!p0 .LBB2_64-.Ltmp1, $4  }
0x22: {  	[sflag:s28] =	ssyncadd.s32 $0xFFFFC000  }
0x23: {  	_ =	swait.ge [sflag:s28], $0x4000  }
0x24: {  	[sflag:s28] =	ssyncset.done $0x0  }
0x25: {  	[sflag:s28] =	ssyncadd.s32 $0xFFFFC000  }
.LBB2_1:
0x26: {  	[tilespmem:s4], [sflag:$0x4] =	stream.linear.gather [hbm4b:s7+s4], $0x2780, $0x38;
	[tilespmem:$0x1B380] =	vst v63  }
0x27: {  	_ =	swait.ge [sflag:s13], $0x2780  }
0x28: {  	[sflag:s13] =	ssyncset.done $0x0  }
0x29: {  	[sflag:s13] =	ssyncadd.s32 $0xFFFFD880  }
0x2a: {  	[tilespmem:s15], [sflag:$0x1] =	stream.indirect.gather [hbm4b:s1+s14], $0x80, s4, s14, $0xb8;
	[tilespmem:$0x1B380] =	vst v63  }
0x2b: {  	s0 =	simm.s32 $0x1A780  }
0x2c: {  	[tilespmem:s0], [sflag:$0x2] =	stream.linear.gather [hbm4b:s8+s4], $0x200, $0x38;
	[tilespmem:$0x1B380] =	vst v63  }
0x2d: {  	_ = 	snop  }
0x2e: {  	[tilespmem:s17], [sflag:$0x1] =	stream.indirect.gather [hbm4b:s1+s14], $0x80, s14, s14, $0xb8;
	[tilespmem:$0x1B380] =	vst v63  }
0x2f: {  	s31 =	simm.s32 $0x1A980  }
0x30: {  	[tilespmem:s31], [sflag:$0x2] =	stream.linear.gather [hbm4b:s9+s4], $0x200, $0x38;
	[tilespmem:$0x1B380] =	vst v63  }
.Ltmp2:
0x31: {  	_ = 	snop;
	(pc) =	sbr.rel .LBB2_2-.Ltmp2, $4  }
0x32: {  	_ = 	snop  }
0x33: {  	[tilespmem:s20], [sflag:$0x1] =	stream.indirect.gather [hbm4b:s1+s14], $0x80, s19, s14, $0xb8;
	[tilespmem:$0x1B380] =	vst v63  }
0x34: {  	s30 =	simm.s32 $0x0  }
0x35: {  	[tilespmem:s21], [sflag:$0x2] =	stream.linear.gather [hbm4b:s10+s4], $0x200, $0x38;
	[tilespmem:$0x1B380] =	vst v63  }
.LBB2_62:
0x36: {  	s30 =	sadd.s32 $0x1, s30  }
0x37: {  	p0 =	sne.s32 s30, $0xE  }
.Ltmp3:
0x38: {  	_ = 	snop;
	(pc) =	sbr.rel @!p0 .LBB2_63-.Ltmp3, $1  }
0x39: {  	_ =	sdelay $0x3  }
.LBB2_2:
0x3a: {  	s31 =	smul.u32 $0x6, s30;
	_ =	sdelay $0x1  }
0x3b: {  	p0 =	sge.u32 s31, s6  }
.Ltmp4:
0x3c: {  	_ = 	snop;
	(pc) =	sbr.rel @p0 .LBB2_12-.Ltmp4, $1  }
0x3d: {  	_ =	sdelay $0x3  }
0x3e: {  	_ =	swait.ge [sflag:s22], $0x200  }
0x3f: {  	[sflag:s22] =	ssyncset.done $0x0  }
0x40: {  	[sflag:s22] =	ssyncadd.s32 $0xFFFFFE00  }
0x41: {  	_ =	swait.ge [sflag:s23], $0x4000  }
0x42: {  	[sflag:s23] =	ssyncset.done $0x0  }
0x43: {  	[sflag:s23] =	ssyncadd.s32 $0xFFFFC000  }
0x44: {  	v6 =	vld [tilespmem:$0x1A780]  }
0x45: {  	v7 =	vld [tilespmem:$0x1A790]  }
0x46: {  	v5 =	vld [tilespmem:$0x1A7A0]  }
0x47: {  	v4 =	vld [tilespmem:$0x1A7B0]  }
0x48: {  	v3 =	vld [tilespmem:$0x1A7C0]  }
0x49: {  	v2 =	vld [tilespmem:$0x1A7D0]  }
0x4a: {  	v1 =	vld [tilespmem:$0x1A7E0]  }
0x4b: {  	s0 =	simm.s32 $0x0;
	v0 =	vld [tilespmem:$0x1A7F0]  }
0x4c: {  	v11 =	vld [tilespmem:s0+$0x2780]  }
0x4d: {  	v13 =	vld [tilespmem:s0+$0x2790]  }
0x4e: {  	v12 =	vld [tilespmem:s0+$0x27A0]  }
0x4f: {  	v10 =	vld [tilespmem:s0+$0x27B0]  }
0x50: {  	v8 =	vld [tilespmem:s0+$0x27C0]  }
0x51: {  	v9 =	vld [tilespmem:s0+$0x27D0];
	v14 =	vsub.f32 v11, v6  }
0x52: {  	s2 =	simm.s32 $0x200;
	v13 =	vsub.f32 v13, v7;
	v11 =	vld [tilespmem:s0+$0x27E0]  }
.LBB2_4:
0x53: {  	s16 =	sshra.s32 s2, $0x2;
	p0 =	sne.s32 s2, $0x3E00;
	[tilespmem:s0+$0x2780] =	vst v14;
	v12 =	vsub.f32 v12, v5;
	v14 =	vld [tilespmem:s0+$0x27F0]  }
0x54: {  	v15 =	vld [tilespmem:s16+$0x2780];
	[tilespmem:s0+$0x2790] =	vst v13;
	v10 =	vsub.f32 v10, v4  }
0x55: {  	v13 =	vld [tilespmem:s16+$0x2790];
	[tilespmem:s0+$0x27A0] =	vst v12;
	v8 =	vsub.f32 v8, v3  }
.Ltmp5:
0x56: {  	v12 =	vld [tilespmem:s16+$0x27A0];
	[tilespmem:s0+$0x27B0] =	vst v10;
	v9 =	vsub.f32 v9, v2;
	(pc) =	sbr.rel @p0 .LBB2_4-.Ltmp5, $4  }
0x57: {  	v10 =	vld [tilespmem:s16+$0x27B0];
	[tilespmem:s0+$0x27C0] =	vst v8;
	v11 =	vsub.f32 v11, v1  }
0x58: {  	v8 =	vld [tilespmem:s16+$0x27C0];
	[tilespmem:s0+$0x27D0] =	vst v9;
	v16 =	vsub.f32 v14, v0  }
0x59: {  	v14 =	vsub.f32 v15, v6;
	v9 =	vld [tilespmem:s16+$0x27D0];
	[tilespmem:s0+$0x27E0] =	vst v11  }
0x5a: {  	s2 =	sadd.s32 $0x200, s2;
	v13 =	vsub.f32 v13, v7;
	v11 =	vld [tilespmem:s16+$0x27E0];
	[tilespmem:s0+$0x27F0] =	vst v16;
	s0 =	smov.u32 s16  }
0x5b: {  	[tilespmem:s0+$0x2780] =	vst v14;
	v5 =	vsub.f32 v12, v5;
	v6 =	vld [tilespmem:s0+$0x27F0]  }
0x5c: {  	[tilespmem:s0+$0x2790] =	vst v13;
	v4 =	vsub.f32 v10, v4  }
0x5d: {  	[tilespmem:s0+$0x27A0] =	vst v5;
	v3 =	vsub.f32 v8, v3  }
0x5e: {  	[tilespmem:s0+$0x27B0] =	vst v4;
	v2 =	vsub.f32 v9, v2  }
0x5f: {  	[tilespmem:s0+$0x27C0] =	vst v3;
	v1 =	vsub.f32 v11, v1  }
0x60: {  	[tilespmem:s0+$0x27D0] =	vst v2;
	v0 =	vsub.f32 v6, v0  }
0x61: {  	[tilespmem:s0+$0x27E0] =	vst v1  }
0x62: {  	[tilespmem:s0+$0x27F0] =	vst v0  }
0x63: {  	v6 =	vld [tilespmem:$0x1A800]  }
0x64: {  	v7 =	vld [tilespmem:$0x1A810]  }
0x65: {  	v5 =	vld [tilespmem:$0x1A820]  }
0x66: {  	v4 =	vld [tilespmem:$0x1A830]  }
0x67: {  	v3 =	vld [tilespmem:$0x1A840]  }
0x68: {  	v2 =	vld [tilespmem:$0x1A850]  }
0x69: {  	v1 =	vld [tilespmem:$0x1A860]  }
0x6a: {  	s0 =	simm.s32 $0x0;
	v0 =	vld [tilespmem:$0x1A870]  }
0x6b: {  	v11 =	vld [tilespmem:s0+$0x3780]  }
0x6c: {  	v13 =	vld [tilespmem:s0+$0x3790]  }
0x6d: {  	v12 =	vld [tilespmem:s0+$0x37A0]  }
0x6e: {  	v10 =	vld [tilespmem:s0+$0x37B0]  }
0x6f: {  	v8 =	vld [tilespmem:s0+$0x37C0]  }
0x70: {  	v9 =	vld [tilespmem:s0+$0x37D0];
	v14 =	vsub.f32 v11, v6  }
0x71: {  	s2 =	simm.s32 $0x200;
	v13 =	vsub.f32 v13, v7;
	v11 =	vld [tilespmem:s0+$0x37E0]  }
.LBB2_6:
0x72: {  	s16 =	sshra.s32 s2, $0x2;
	p0 =	sne.s32 s2, $0x3E00;
	[tilespmem:s0+$0x3780] =	vst v14;
	v12 =	vsub.f32 v12, v5;
	v14 =	vld [tilespmem:s0+$0x37F0]  }
0x73: {  	v15 =	vld [tilespmem:s16+$0x3780];
	[tilespmem:s0+$0x3790] =	vst v13;
	v10 =	vsub.f32 v10, v4  }
0x74: {  	v13 =	vld [tilespmem:s16+$0x3790];
	[tilespmem:s0+$0x37A0] =	vst v12;
	v8 =	vsub.f32 v8, v3  }
.Ltmp6:
0x75: {  	v12 =	vld [tilespmem:s16+$0x37A0];
	[tilespmem:s0+$0x37B0] =	vst v10;
	v9 =	vsub.f32 v9, v2;
	(pc) =	sbr.rel @p0 .LBB2_6-.Ltmp6, $4  }
0x76: {  	v10 =	vld [tilespmem:s16+$0x37B0];
	[tilespmem:s0+$0x37C0] =	vst v8;
	v11 =	vsub.f32 v11, v1  }
0x77: {  	v8 =	vld [tilespmem:s16+$0x37C0];
	[tilespmem:s0+$0x37D0] =	vst v9;
	v16 =	vsub.f32 v14, v0  }
0x78: {  	v14 =	vsub.f32 v15, v6;
	v9 =	vld [tilespmem:s16+$0x37D0];
	[tilespmem:s0+$0x37E0] =	vst v11  }
0x79: {  	s2 =	sadd.s32 $0x200, s2;
	v13 =	vsub.f32 v13, v7;
	v11 =	vld [tilespmem:s16+$0x37E0];
	[tilespmem:s0+$0x37F0] =	vst v16;
	s0 =	smov.u32 s16  }
0x7a: {  	[tilespmem:s0+$0x3780] =	vst v14;
	v5 =	vsub.f32 v12, v5;
	v6 =	vld [tilespmem:s0+$0x37F0]  }
0x7b: {  	[tilespmem:s0+$0x3790] =	vst v13;
	v4 =	vsub.f32 v10, v4  }
0x7c: {  	[tilespmem:s0+$0x37A0] =	vst v5;
	v3 =	vsub.f32 v8, v3  }
0x7d: {  	[tilespmem:s0+$0x37B0] =	vst v4;
	v2 =	vsub.f32 v9, v2  }
0x7e: {  	[tilespmem:s0+$0x37C0] =	vst v3;
	v1 =	vsub.f32 v11, v1  }
0x7f: {  	[tilespmem:s0+$0x37D0] =	vst v2;
	v0 =	vsub.f32 v6, v0  }
0x80: {  	[tilespmem:s0+$0x37E0] =	vst v1  }
0x81: {  	[tilespmem:s0+$0x37F0] =	vst v0  }
0x82: {  	v6 =	vld [tilespmem:$0x1A880]  }
0x83: {  	v7 =	vld [tilespmem:$0x1A890]  }
0x84: {  	v5 =	vld [tilespmem:$0x1A8A0]  }
0x85: {  	v4 =	vld [tilespmem:$0x1A8B0]  }
0x86: {  	v3 =	vld [tilespmem:$0x1A8C0]  }
0x87: {  	v2 =	vld [tilespmem:$0x1A8D0]  }
0x88: {  	v1 =	vld [tilespmem:$0x1A8E0]  }
0x89: {  	s0 =	simm.s32 $0x0;
	v0 =	vld [tilespmem:$0x1A8F0]  }
0x8a: {  	v11 =	vld [tilespmem:s0+$0x4780]  }
0x8b: {  	v13 =	vld [tilespmem:s0+$0x4790]  }
0x8c: {  	v12 =	vld [tilespmem:s0+$0x47A0]  }
0x8d: {  	v10 =	vld [tilespmem:s0+$0x47B0]  }
0x8e: {  	v8 =	vld [tilespmem:s0+$0x47C0]  }
0x8f: {  	v9 =	vld [tilespmem:s0+$0x47D0];
	v14 =	vsub.f32 v11, v6  }
0x90: {  	s2 =	simm.s32 $0x200;
	v13 =	vsub.f32 v13, v7;
	v11 =	vld [tilespmem:s0+$0x47E0]  }
.LBB2_8:
0x91: {  	s16 =	sshra.s32 s2, $0x2;
	p0 =	sne.s32 s2, $0x3E00;
	[tilespmem:s0+$0x4780] =	vst v14;
	v12 =	vsub.f32 v12, v5;
	v14 =	vld [tilespmem:s0+$0x47F0]  }
0x92: {  	v15 =	vld [tilespmem:s16+$0x4780];
	[tilespmem:s0+$0x4790] =	vst v13;
	v10 =	vsub.f32 v10, v4  }
0x93: {  	v13 =	vld [tilespmem:s16+$0x4790];
	[tilespmem:s0+$0x47A0] =	vst v12;
	v8 =	vsub.f32 v8, v3  }
.Ltmp7:
0x94: {  	v12 =	vld [tilespmem:s16+$0x47A0];
	[tilespmem:s0+$0x47B0] =	vst v10;
	v9 =	vsub.f32 v9, v2;
	(pc) =	sbr.rel @p0 .LBB2_8-.Ltmp7, $4  }
0x95: {  	v10 =	vld [tilespmem:s16+$0x47B0];
	[tilespmem:s0+$0x47C0] =	vst v8;
	v11 =	vsub.f32 v11, v1  }
0x96: {  	v8 =	vld [tilespmem:s16+$0x47C0];
	[tilespmem:s0+$0x47D0] =	vst v9;
	v16 =	vsub.f32 v14, v0  }
0x97: {  	v14 =	vsub.f32 v15, v6;
	v9 =	vld [tilespmem:s16+$0x47D0];
	[tilespmem:s0+$0x47E0] =	vst v11  }
0x98: {  	s2 =	sadd.s32 $0x200, s2;
	v13 =	vsub.f32 v13, v7;
	v11 =	vld [tilespmem:s16+$0x47E0];
	[tilespmem:s0+$0x47F0] =	vst v16;
	s0 =	smov.u32 s16  }
0x99: {  	[tilespmem:s0+$0x4780] =	vst v14;
	v5 =	vsub.f32 v12, v5;
	v6 =	vld [tilespmem:s0+$0x47F0]  }
0x9a: {  	[tilespmem:s0+$0x4790] =	vst v13;
	v4 =	vsub.f32 v10, v4  }
0x9b: {  	[tilespmem:s0+$0x47A0] =	vst v5;
	v3 =	vsub.f32 v8, v3  }
0x9c: {  	[tilespmem:s0+$0x47B0] =	vst v4;
	v2 =	vsub.f32 v9, v2  }
0x9d: {  	[tilespmem:s0+$0x47C0] =	vst v3;
	v1 =	vsub.f32 v11, v1  }
0x9e: {  	[tilespmem:s0+$0x47D0] =	vst v2;
	v0 =	vsub.f32 v6, v0  }
0x9f: {  	[tilespmem:s0+$0x47E0] =	vst v1  }
0xa0: {  	[tilespmem:s0+$0x47F0] =	vst v0  }
0xa1: {  	v6 =	vld [tilespmem:$0x1A900]  }
0xa2: {  	v7 =	vld [tilespmem:$0x1A910]  }
0xa3: {  	v5 =	vld [tilespmem:$0x1A920]  }
0xa4: {  	v4 =	vld [tilespmem:$0x1A930]  }
0xa5: {  	v3 =	vld [tilespmem:$0x1A940]  }
0xa6: {  	v2 =	vld [tilespmem:$0x1A950]  }
0xa7: {  	v1 =	vld [tilespmem:$0x1A960]  }
0xa8: {  	s2 =	simm.s32 $0x0;
	v0 =	vld [tilespmem:$0x1A970]  }
0xa9: {  	v11 =	vld [tilespmem:s2+$0x5780]  }
0xaa: {  	v13 =	vld [tilespmem:s2+$0x5790]  }
0xab: {  	v12 =	vld [tilespmem:s2+$0x57A0]  }
0xac: {  	v10 =	vld [tilespmem:s2+$0x57B0]  }
0xad: {  	v8 =	vld [tilespmem:s2+$0x57C0]  }
0xae: {  	v9 =	vld [tilespmem:s2+$0x57D0];
	v14 =	vsub.f32 v11, v6  }
0xaf: {  	s0 =	simm.s32 $0x200;
	v13 =	vsub.f32 v13, v7;
	v11 =	vld [tilespmem:s2+$0x57E0]  }
.LBB2_10:
0xb0: {  	s16 =	sshra.s32 s0, $0x2;
	p0 =	sne.s32 s0, $0x3E00;
	[tilespmem:s2+$0x5780] =	vst v14;
	v12 =	vsub.f32 v12, v5;
	v14 =	vld [tilespmem:s2+$0x57F0]  }
0xb1: {  	v15 =	vld [tilespmem:s16+$0x5780];
	[tilespmem:s2+$0x5790] =	vst v13;
	v10 =	vsub.f32 v10, v4  }
0xb2: {  	v13 =	vld [tilespmem:s16+$0x5790];
	[tilespmem:s2+$0x57A0] =	vst v12;
	v8 =	vsub.f32 v8, v3  }
.Ltmp8:
0xb3: {  	v12 =	vld [tilespmem:s16+$0x57A0];
	[tilespmem:s2+$0x57B0] =	vst v10;
	v9 =	vsub.f32 v9, v2;
	(pc) =	sbr.rel @p0 .LBB2_10-.Ltmp8, $4  }
0xb4: {  	v10 =	vld [tilespmem:s16+$0x57B0];
	[tilespmem:s2+$0x57C0] =	vst v8;
	v11 =	vsub.f32 v11, v1  }
0xb5: {  	v8 =	vld [tilespmem:s16+$0x57C0];
	[tilespmem:s2+$0x57D0] =	vst v9;
	v16 =	vsub.f32 v14, v0  }
0xb6: {  	v14 =	vsub.f32 v15, v6;
	v9 =	vld [tilespmem:s16+$0x57D0];
	[tilespmem:s2+$0x57E0] =	vst v11  }
0xb7: {  	s0 =	sadd.s32 $0x200, s0;
	v13 =	vsub.f32 v13, v7;
	v11 =	vld [tilespmem:s16+$0x57E0];
	[tilespmem:s2+$0x57F0] =	vst v16;
	s2 =	smov.u32 s16  }
0xb8: {  	[tilespmem:s2+$0x5780] =	vst v14;
	v5 =	vsub.f32 v12, v5;
	v6 =	vld [tilespmem:s2+$0x57F0]  }
0xb9: {  	[tilespmem:s2+$0x5790] =	vst v13;
	v4 =	vsub.f32 v10, v4  }
0xba: {  	[tilespmem:s2+$0x57A0] =	vst v5;
	v3 =	vsub.f32 v8, v3  }
0xbb: {  	[tilespmem:s2+$0x57B0] =	vst v4;
	v2 =	vsub.f32 v9, v2  }
0xbc: {  	s0 =	sadd.s32 s5, s31;
	[tilespmem:s2+$0x57C0] =	vst v3;
	v1 =	vsub.f32 v11, v1  }
0xbd: {  	s0 =	sshll.u32 s0, $0xB;
	[tilespmem:s2+$0x57D0] =	vst v2;
	v0 =	vsub.f32 v6, v0  }
0xbe: {  	s0 =	sand.u32 $0x1FFFF800, s0;
	[tilespmem:s2+$0x57E0] =	vst v1  }
0xbf: {  	s0 =	sadd.s32 s3, s0;
	[tilespmem:s2+$0x57F0] =	vst v0  }
0xc0: {  	[hbm4b:s0+s4] =	stream.linear.scatter [tilespmem:s15], [sflag:$0x3], $0x4000, $0x38;
	[tilespmem:$0x1B380] =	vst v63  }
0xc1: {  	s0 =	sadd.s32 $0x3, s31  }
0xc2: {  	p0 =	sge.u32 s0, s6  }
0xc3: {  	p1 =	seq.s32 @!p0 s30, $0x0  }
0xc4: {  	p1 =	por p1, p0  }
0xc5: {  	s2 =	simm.s32 @!p1 $0x3  }
0xc6: {  	_ =	swait.ge @!p1 [sflag:s2], $0x4000  }
0xc7: {  	s16 =	simm.s32 @!p0 $0x80;
	[sflag:s2] =	ssyncset.done @!p1 $0x0  }
0xc8: {  	[sflag:s2] =	ssyncadd.s32 @!p1 $0xFFFFC000;
	s2 =	sshll.u32 @!p0 s0, $0x7;
	s0 =	sadd.s32 @!p0 s5, s0  }
0xc9: {  	s18 =	simm.s32 @!p0 $0xE780;
	s2 =	sand.u32 @!p0 $0x3FFFFF80, s2;
	s0 =	sshll.u32 @!p0 s0, $0x6  }
0xca: {  	[tilespmem:s18], [sflag:$0x1] =	stream.indirect.gather @!p0 [hbm4b:s1+s16], $0x80, s2, s16, $0xb8;
	[tilespmem:$0x1B380] =	vst v63  }
0xcb: {  	s0 =	sand.u32 @!p0 $0xFFFFFC0, s0  }
0xcc: {  	s2 =	simm.s32 @!p0 $0x0;
	s16 =	simm.s32 @!p0 $0x1AD80;
	s0 =	sadd.s32 @!p0 s1, s0  }
0xcd: {  	[tilespmem:s16], [sflag:$0x2] =	stream.linear.gather @!p0 [hbm4b:s0+s2], $0x200, $0x38;
	[tilespmem:$0x1B380] =	vst v63  }
.LBB2_12:
0xce: {  	s2 =	sor.u32 $0x1, s31  }
0xcf: {  	p0 =	sge.u32 s2, s6  }
.Ltmp9:
0xd0: {  	_ = 	snop;
	(pc) =	sbr.rel @p0 .LBB2_22-.Ltmp9, $1  }
0xd1: {  	_ =	sdelay $0x3  }
0xd2: {  	_ =	swait.ge [sflag:s22], $0x200  }
0xd3: {  	[sflag:s22] =	ssyncset.done $0x0  }
0xd4: {  	[sflag:s22] =	ssyncadd.s32 $0xFFFFFE00  }
0xd5: {  	_ =	swait.ge [sflag:s23], $0x4000  }
0xd6: {  	[sflag:s23] =	ssyncset.done $0x0  }
0xd7: {  	[sflag:s23] =	ssyncadd.s32 $0xFFFFC000  }
0xd8: {  	v6 =	vld [tilespmem:$0x1A980]  }
0xd9: {  	v7 =	vld [tilespmem:$0x1A990]  }
0xda: {  	v5 =	vld [tilespmem:$0x1A9A0]  }
0xdb: {  	v4 =	vld [tilespmem:$0x1A9B0]  }
0xdc: {  	v3 =	vld [tilespmem:$0x1A9C0]  }
0xdd: {  	v2 =	vld [tilespmem:$0x1A9D0]  }
0xde: {  	v1 =	vld [tilespmem:$0x1A9E0]  }
0xdf: {  	s0 =	simm.s32 $0x0;
	v0 =	vld [tilespmem:$0x1A9F0]  }
0xe0: {  	v11 =	vld [tilespmem:s0+$0x6780]  }
0xe1: {  	v13 =	vld [tilespmem:s0+$0x6790]  }
0xe2: {  	v12 =	vld [tilespmem:s0+$0x67A0]  }
0xe3: {  	v10 =	vld [tilespmem:s0+$0x67B0]  }
0xe4: {  	v8 =	vld [tilespmem:s0+$0x67C0]  }
0xe5: {  	v9 =	vld [tilespmem:s0+$0x67D0];
	v14 =	vsub.f32 v11, v6  }
0xe6: {  	s16 =	simm.s32 $0x200;
	v13 =	vsub.f32 v13, v7;
	v11 =	vld [tilespmem:s0+$0x67E0]  }
.LBB2_14:
0xe7: {  	s18 =	sshra.s32 s16, $0x2;
	p0 =	sne.s32 s16, $0x3E00;
	[tilespmem:s0+$0x6780] =	vst v14;
	v12 =	vsub.f32 v12, v5;
	v14 =	vld [tilespmem:s0+$0x67F0]  }
0xe8: {  	v15 =	vld [tilespmem:s18+$0x6780];
	[tilespmem:s0+$0x6790] =	vst v13;
	v10 =	vsub.f32 v10, v4  }
0xe9: {  	v13 =	vld [tilespmem:s18+$0x6790];
	[tilespmem:s0+$0x67A0] =	vst v12;
	v8 =	vsub.f32 v8, v3  }
.Ltmp10:
0xea: {  	v12 =	vld [tilespmem:s18+$0x67A0];
	[tilespmem:s0+$0x67B0] =	vst v10;
	v9 =	vsub.f32 v9, v2;
	(pc) =	sbr.rel @p0 .LBB2_14-.Ltmp10, $4  }
0xeb: {  	v10 =	vld [tilespmem:s18+$0x67B0];
	[tilespmem:s0+$0x67C0] =	vst v8;
	v11 =	vsub.f32 v11, v1  }
0xec: {  	v8 =	vld [tilespmem:s18+$0x67C0];
	[tilespmem:s0+$0x67D0] =	vst v9;
	v16 =	vsub.f32 v14, v0  }
0xed: {  	v14 =	vsub.f32 v15, v6;
	v9 =	vld [tilespmem:s18+$0x67D0];
	[tilespmem:s0+$0x67E0] =	vst v11  }
0xee: {  	s16 =	sadd.s32 $0x200, s16;
	v13 =	vsub.f32 v13, v7;
	v11 =	vld [tilespmem:s18+$0x67E0];
	[tilespmem:s0+$0x67F0] =	vst v16;
	s0 =	smov.u32 s18  }
0xef: {  	[tilespmem:s0+$0x6780] =	vst v14;
	v5 =	vsub.f32 v12, v5;
	v6 =	vld [tilespmem:s0+$0x67F0]  }
0xf0: {  	[tilespmem:s0+$0x6790] =	vst v13;
	v4 =	vsub.f32 v10, v4  }
0xf1: {  	[tilespmem:s0+$0x67A0] =	vst v5;
	v3 =	vsub.f32 v8, v3  }
0xf2: {  	[tilespmem:s0+$0x67B0] =	vst v4;
	v2 =	vsub.f32 v9, v2  }
0xf3: {  	[tilespmem:s0+$0x67C0] =	vst v3;
	v1 =	vsub.f32 v11, v1  }
0xf4: {  	[tilespmem:s0+$0x67D0] =	vst v2;
	v0 =	vsub.f32 v6, v0  }
0xf5: {  	[tilespmem:s0+$0x67E0] =	vst v1  }
0xf6: {  	[tilespmem:s0+$0x67F0] =	vst v0  }
0xf7: {  	v6 =	vld [tilespmem:$0x1AA00]  }
0xf8: {  	v7 =	vld [tilespmem:$0x1AA10]  }
0xf9: {  	v5 =	vld [tilespmem:$0x1AA20]  }
0xfa: {  	v4 =	vld [tilespmem:$0x1AA30]  }
0xfb: {  	v3 =	vld [tilespmem:$0x1AA40]  }
0xfc: {  	v2 =	vld [tilespmem:$0x1AA50]  }
0xfd: {  	v1 =	vld [tilespmem:$0x1AA60]  }
0xfe: {  	s0 =	simm.s32 $0x0;
	v0 =	vld [tilespmem:$0x1AA70]  }
0xff: {  	v11 =	vld [tilespmem:s0+$0x7780]  }
0x100: {  	v13 =	vld [tilespmem:s0+$0x7790]  }
0x101: {  	v12 =	vld [tilespmem:s0+$0x77A0]  }
0x102: {  	v10 =	vld [tilespmem:s0+$0x77B0]  }
0x103: {  	v8 =	vld [tilespmem:s0+$0x77C0]  }
0x104: {  	v9 =	vld [tilespmem:s0+$0x77D0];
	v14 =	vsub.f32 v11, v6  }
0x105: {  	s16 =	simm.s32 $0x200;
	v13 =	vsub.f32 v13, v7;
	v11 =	vld [tilespmem:s0+$0x77E0]  }
.LBB2_16:
0x106: {  	s18 =	sshra.s32 s16, $0x2;
	p0 =	sne.s32 s16, $0x3E00;
	[tilespmem:s0+$0x7780] =	vst v14;
	v12 =	vsub.f32 v12, v5;
	v14 =	vld [tilespmem:s0+$0x77F0]  }
0x107: {  	v15 =	vld [tilespmem:s18+$0x7780];
	[tilespmem:s0+$0x7790] =	vst v13;
	v10 =	vsub.f32 v10, v4  }
0x108: {  	v13 =	vld [tilespmem:s18+$0x7790];
	[tilespmem:s0+$0x77A0] =	vst v12;
	v8 =	vsub.f32 v8, v3  }
.Ltmp11:
0x109: {  	v12 =	vld [tilespmem:s18+$0x77A0];
	[tilespmem:s0+$0x77B0] =	vst v10;
	v9 =	vsub.f32 v9, v2;
	(pc) =	sbr.rel @p0 .LBB2_16-.Ltmp11, $4  }
0x10a: {  	v10 =	vld [tilespmem:s18+$0x77B0];
	[tilespmem:s0+$0x77C0] =	vst v8;
	v11 =	vsub.f32 v11, v1  }
0x10b: {  	v8 =	vld [tilespmem:s18+$0x77C0];
	[tilespmem:s0+$0x77D0] =	vst v9;
	v16 =	vsub.f32 v14, v0  }
0x10c: {  	v14 =	vsub.f32 v15, v6;
	v9 =	vld [tilespmem:s18+$0x77D0];
	[tilespmem:s0+$0x77E0] =	vst v11  }
0x10d: {  	s16 =	sadd.s32 $0x200, s16;
	v13 =	vsub.f32 v13, v7;
	v11 =	vld [tilespmem:s18+$0x77E0];
	[tilespmem:s0+$0x77F0] =	vst v16;
	s0 =	smov.u32 s18  }
0x10e: {  	[tilespmem:s0+$0x7780] =	vst v14;
	v5 =	vsub.f32 v12, v5;
	v6 =	vld [tilespmem:s0+$0x77F0]  }
0x10f: {  	[tilespmem:s0+$0x7790] =	vst v13;
	v4 =	vsub.f32 v10, v4  }
0x110: {  	[tilespmem:s0+$0x77A0] =	vst v5;
	v3 =	vsub.f32 v8, v3  }
0x111: {  	[tilespmem:s0+$0x77B0] =	vst v4;
	v2 =	vsub.f32 v9, v2  }
0x112: {  	[tilespmem:s0+$0x77C0] =	vst v3;
	v1 =	vsub.f32 v11, v1  }
0x113: {  	[tilespmem:s0+$0x77D0] =	vst v2;
	v0 =	vsub.f32 v6, v0  }
0x114: {  	[tilespmem:s0+$0x77E0] =	vst v1  }
0x115: {  	[tilespmem:s0+$0x77F0] =	vst v0  }
0x116: {  	v6 =	vld [tilespmem:$0x1AA80]  }
0x117: {  	v7 =	vld [tilespmem:$0x1AA90]  }
0x118: {  	v5 =	vld [tilespmem:$0x1AAA0]  }
0x119: {  	v4 =	vld [tilespmem:$0x1AAB0]  }
0x11a: {  	v3 =	vld [tilespmem:$0x1AAC0]  }
0x11b: {  	v2 =	vld [tilespmem:$0x1AAD0]  }
0x11c: {  	v1 =	vld [tilespmem:$0x1AAE0]  }
0x11d: {  	s0 =	simm.s32 $0x0;
	v0 =	vld [tilespmem:$0x1AAF0]  }
0x11e: {  	v11 =	vld [tilespmem:s0+$0x8780]  }
0x11f: {  	v13 =	vld [tilespmem:s0+$0x8790]  }
0x120: {  	v12 =	vld [tilespmem:s0+$0x87A0]  }
0x121: {  	v10 =	vld [tilespmem:s0+$0x87B0]  }
0x122: {  	v8 =	vld [tilespmem:s0+$0x87C0]  }
0x123: {  	v9 =	vld [tilespmem:s0+$0x87D0];
	v14 =	vsub.f32 v11, v6  }
0x124: {  	s16 =	simm.s32 $0x200;
	v13 =	vsub.f32 v13, v7;
	v11 =	vld [tilespmem:s0+$0x87E0]  }
.LBB2_18:
0x125: {  	s18 =	sshra.s32 s16, $0x2;
	p0 =	sne.s32 s16, $0x3E00;
	[tilespmem:s0+$0x8780] =	vst v14;
	v12 =	vsub.f32 v12, v5;
	v14 =	vld [tilespmem:s0+$0x87F0]  }
0x126: {  	v15 =	vld [tilespmem:s18+$0x8780];
	[tilespmem:s0+$0x8790] =	vst v13;
	v10 =	vsub.f32 v10, v4  }
0x127: {  	v13 =	vld [tilespmem:s18+$0x8790];
	[tilespmem:s0+$0x87A0] =	vst v12;
	v8 =	vsub.f32 v8, v3  }
.Ltmp12:
0x128: {  	v12 =	vld [tilespmem:s18+$0x87A0];
	[tilespmem:s0+$0x87B0] =	vst v10;
	v9 =	vsub.f32 v9, v2;
	(pc) =	sbr.rel @p0 .LBB2_18-.Ltmp12, $4  }
0x129: {  	v10 =	vld [tilespmem:s18+$0x87B0];
	[tilespmem:s0+$0x87C0] =	vst v8;
	v11 =	vsub.f32 v11, v1  }
0x12a: {  	v8 =	vld [tilespmem:s18+$0x87C0];
	[tilespmem:s0+$0x87D0] =	vst v9;
	v16 =	vsub.f32 v14, v0  }
0x12b: {  	v14 =	vsub.f32 v15, v6;
	v9 =	vld [tilespmem:s18+$0x87D0];
	[tilespmem:s0+$0x87E0] =	vst v11  }
0x12c: {  	s16 =	sadd.s32 $0x200, s16;
	v13 =	vsub.f32 v13, v7;
	v11 =	vld [tilespmem:s18+$0x87E0];
	[tilespmem:s0+$0x87F0] =	vst v16;
	s0 =	smov.u32 s18  }
0x12d: {  	[tilespmem:s0+$0x8780] =	vst v14;
	v5 =	vsub.f32 v12, v5;
	v6 =	vld [tilespmem:s0+$0x87F0]  }
0x12e: {  	[tilespmem:s0+$0x8790] =	vst v13;
	v4 =	vsub.f32 v10, v4  }
0x12f: {  	[tilespmem:s0+$0x87A0] =	vst v5;
	v3 =	vsub.f32 v8, v3  }
0x130: {  	[tilespmem:s0+$0x87B0] =	vst v4;
	v2 =	vsub.f32 v9, v2  }
0x131: {  	[tilespmem:s0+$0x87C0] =	vst v3;
	v1 =	vsub.f32 v11, v1  }
0x132: {  	[tilespmem:s0+$0x87D0] =	vst v2;
	v0 =	vsub.f32 v6, v0  }
0x133: {  	[tilespmem:s0+$0x87E0] =	vst v1  }
0x134: {  	[tilespmem:s0+$0x87F0] =	vst v0  }
0x135: {  	v6 =	vld [tilespmem:$0x1AB00]  }
0x136: {  	v7 =	vld [tilespmem:$0x1AB10]  }
0x137: {  	v5 =	vld [tilespmem:$0x1AB20]  }
0x138: {  	v4 =	vld [tilespmem:$0x1AB30]  }
0x139: {  	v3 =	vld [tilespmem:$0x1AB40]  }
0x13a: {  	v2 =	vld [tilespmem:$0x1AB50]  }
0x13b: {  	v1 =	vld [tilespmem:$0x1AB60]  }
0x13c: {  	s0 =	simm.s32 $0x0;
	v0 =	vld [tilespmem:$0x1AB70]  }
0x13d: {  	v11 =	vld [tilespmem:s0+$0x9780]  }
0x13e: {  	v13 =	vld [tilespmem:s0+$0x9790]  }
0x13f: {  	v12 =	vld [tilespmem:s0+$0x97A0]  }
0x140: {  	v10 =	vld [tilespmem:s0+$0x97B0]  }
0x141: {  	v8 =	vld [tilespmem:s0+$0x97C0]  }
0x142: {  	v9 =	vld [tilespmem:s0+$0x97D0];
	v14 =	vsub.f32 v11, v6  }
0x143: {  	s16 =	simm.s32 $0x200;
	v13 =	vsub.f32 v13, v7;
	v11 =	vld [tilespmem:s0+$0x97E0]  }
.LBB2_20:
0x144: {  	s18 =	sshra.s32 s16, $0x2;
	p0 =	sne.s32 s16, $0x3E00;
	[tilespmem:s0+$0x9780] =	vst v14;
	v12 =	vsub.f32 v12, v5;
	v14 =	vld [tilespmem:s0+$0x97F0]  }
0x145: {  	v15 =	vld [tilespmem:s18+$0x9780];
	[tilespmem:s0+$0x9790] =	vst v13;
	v10 =	vsub.f32 v10, v4  }
0x146: {  	v13 =	vld [tilespmem:s18+$0x9790];
	[tilespmem:s0+$0x97A0] =	vst v12;
	v8 =	vsub.f32 v8, v3  }
.Ltmp13:
0x147: {  	v12 =	vld [tilespmem:s18+$0x97A0];
	[tilespmem:s0+$0x97B0] =	vst v10;
	v9 =	vsub.f32 v9, v2;
	(pc) =	sbr.rel @p0 .LBB2_20-.Ltmp13, $4  }
0x148: {  	v10 =	vld [tilespmem:s18+$0x97B0];
	[tilespmem:s0+$0x97C0] =	vst v8;
	v11 =	vsub.f32 v11, v1  }
0x149: {  	v8 =	vld [tilespmem:s18+$0x97C0];
	[tilespmem:s0+$0x97D0] =	vst v9;
	v16 =	vsub.f32 v14, v0  }
0x14a: {  	v14 =	vsub.f32 v15, v6;
	v9 =	vld [tilespmem:s18+$0x97D0];
	[tilespmem:s0+$0x97E0] =	vst v11  }
0x14b: {  	s16 =	sadd.s32 $0x200, s16;
	v13 =	vsub.f32 v13, v7;
	v11 =	vld [tilespmem:s18+$0x97E0];
	[tilespmem:s0+$0x97F0] =	vst v16;
	s0 =	smov.u32 s18  }
0x14c: {  	[tilespmem:s0+$0x9780] =	vst v14;
	v5 =	vsub.f32 v12, v5;
	v6 =	vld [tilespmem:s0+$0x97F0]  }
0x14d: {  	[tilespmem:s0+$0x9790] =	vst v13;
	v4 =	vsub.f32 v10, v4  }
0x14e: {  	[tilespmem:s0+$0x97A0] =	vst v5;
	v3 =	vsub.f32 v8, v3  }
0x14f: {  	[tilespmem:s0+$0x97B0] =	vst v4;
	v2 =	vsub.f32 v9, v2  }
0x150: {  	s2 =	sadd.s32 s5, s2;
	[tilespmem:s0+$0x97C0] =	vst v3;
	v1 =	vsub.f32 v11, v1  }
0x151: {  	s2 =	sshll.u32 s2, $0xB;
	[tilespmem:s0+$0x97D0] =	vst v2;
	v0 =	vsub.f32 v6, v0  }
0x152: {  	s2 =	sand.u32 $0x1FFFF800, s2;
	[tilespmem:s0+$0x97E0] =	vst v1  }
0x153: {  	s18 =	sadd.s32 s3, s2;
	[tilespmem:s0+$0x97F0] =	vst v0;
	s0 =	sadd.s32 $0x4, s31  }
0x154: {  	[hbm4b:s18+s4] =	stream.linear.scatter [tilespmem:s17], [sflag:$0x3], $0x4000, $0x38;
	[tilespmem:$0x1B380] =	vst v63  }
0x155: {  	p0 =	sge.u32 s0, s6  }
0x156: {  	p1 =	seq.s32 @!p0 s30, $0x0  }
0x157: {  	p1 =	por p1, p0  }
0x158: {  	s2 =	simm.s32 @!p1 $0x3  }
0x159: {  	_ =	swait.ge @!p1 [sflag:s2], $0x4000  }
0x15a: {  	s16 =	simm.s32 @!p0 $0x80;
	[sflag:s2] =	ssyncset.done @!p1 $0x0  }
0x15b: {  	[sflag:s2] =	ssyncadd.s32 @!p1 $0xFFFFC000;
	s2 =	sshll.u32 @!p0 s0, $0x7;
	s0 =	sadd.s32 @!p0 s5, s0  }
0x15c: {  	s18 =	simm.s32 @!p0 $0x12780;
	s2 =	sand.u32 @!p0 $0x3FFFFF80, s2;
	s0 =	sshll.u32 @!p0 s0, $0x6  }
0x15d: {  	[tilespmem:s18], [sflag:$0x1] =	stream.indirect.gather @!p0 [hbm4b:s1+s16], $0x80, s2, s16, $0xb8;
	[tilespmem:$0x1B380] =	vst v63  }
0x15e: {  	s0 =	sand.u32 @!p0 $0xFFFFF80, s0  }
0x15f: {  	s2 =	simm.s32 @!p0 $0x0;
	s16 =	simm.s32 @!p0 $0x1AF80;
	s0 =	sadd.s32 @!p0 s0, s11  }
0x160: {  	[tilespmem:s16], [sflag:$0x2] =	stream.linear.gather @!p0 [hbm4b:s0+s2], $0x200, $0x38;
	[tilespmem:$0x1B380] =	vst v63  }
.LBB2_22:
0x161: {  	s2 =	sadd.s32 $0x2, s31  }
0x162: {  	p0 =	sge.u32 s2, s6  }
.Ltmp14:
0x163: {  	_ = 	snop;
	(pc) =	sbr.rel @p0 .LBB2_32-.Ltmp14, $1  }
0x164: {  	_ =	sdelay $0x3  }
0x165: {  	_ =	swait.ge [sflag:s22], $0x200  }
0x166: {  	[sflag:s22] =	ssyncset.done $0x0  }
0x167: {  	[sflag:s22] =	ssyncadd.s32 $0xFFFFFE00  }
0x168: {  	_ =	swait.ge [sflag:s23], $0x4000  }
0x169: {  	[sflag:s23] =	ssyncset.done $0x0  }
0x16a: {  	[sflag:s23] =	ssyncadd.s32 $0xFFFFC000  }
0x16b: {  	v6 =	vld [tilespmem:$0x1AB80]  }
0x16c: {  	v7 =	vld [tilespmem:$0x1AB90]  }
0x16d: {  	v5 =	vld [tilespmem:$0x1ABA0]  }
0x16e: {  	v4 =	vld [tilespmem:$0x1ABB0]  }
0x16f: {  	v3 =	vld [tilespmem:$0x1ABC0]  }
0x170: {  	v2 =	vld [tilespmem:$0x1ABD0]  }
0x171: {  	v1 =	vld [tilespmem:$0x1ABE0]  }
0x172: {  	s0 =	simm.s32 $0x0;
	v0 =	vld [tilespmem:$0x1ABF0]  }
0x173: {  	v11 =	vld [tilespmem:s0+$0xA780]  }
0x174: {  	v13 =	vld [tilespmem:s0+$0xA790]  }
0x175: {  	v12 =	vld [tilespmem:s0+$0xA7A0]  }
0x176: {  	v10 =	vld [tilespmem:s0+$0xA7B0]  }
0x177: {  	v8 =	vld [tilespmem:s0+$0xA7C0]  }
0x178: {  	v9 =	vld [tilespmem:s0+$0xA7D0];
	v14 =	vsub.f32 v11, v6  }
0x179: {  	s16 =	simm.s32 $0x200;
	v13 =	vsub.f32 v13, v7;
	v11 =	vld [tilespmem:s0+$0xA7E0]  }
.LBB2_24:
0x17a: {  	s18 =	sshra.s32 s16, $0x2;
	p0 =	sne.s32 s16, $0x3E00;
	[tilespmem:s0+$0xA780] =	vst v14;
	v12 =	vsub.f32 v12, v5;
	v14 =	vld [tilespmem:s0+$0xA7F0]  }
0x17b: {  	v15 =	vld [tilespmem:s18+$0xA780];
	[tilespmem:s0+$0xA790] =	vst v13;
	v10 =	vsub.f32 v10, v4  }
0x17c: {  	v13 =	vld [tilespmem:s18+$0xA790];
	[tilespmem:s0+$0xA7A0] =	vst v12;
	v8 =	vsub.f32 v8, v3  }
.Ltmp15:
0x17d: {  	v12 =	vld [tilespmem:s18+$0xA7A0];
	[tilespmem:s0+$0xA7B0] =	vst v10;
	v9 =	vsub.f32 v9, v2;
	(pc) =	sbr.rel @p0 .LBB2_24-.Ltmp15, $4  }
0x17e: {  	v10 =	vld [tilespmem:s18+$0xA7B0];
	[tilespmem:s0+$0xA7C0] =	vst v8;
	v11 =	vsub.f32 v11, v1  }
0x17f: {  	v8 =	vld [tilespmem:s18+$0xA7C0];
	[tilespmem:s0+$0xA7D0] =	vst v9;
	v16 =	vsub.f32 v14, v0  }
0x180: {  	v14 =	vsub.f32 v15, v6;
	v9 =	vld [tilespmem:s18+$0xA7D0];
	[tilespmem:s0+$0xA7E0] =	vst v11  }
0x181: {  	s16 =	sadd.s32 $0x200, s16;
	v13 =	vsub.f32 v13, v7;
	v11 =	vld [tilespmem:s18+$0xA7E0];
	[tilespmem:s0+$0xA7F0] =	vst v16;
	s0 =	smov.u32 s18  }
0x182: {  	[tilespmem:s0+$0xA780] =	vst v14;
	v5 =	vsub.f32 v12, v5;
	v6 =	vld [tilespmem:s0+$0xA7F0]  }
0x183: {  	[tilespmem:s0+$0xA790] =	vst v13;
	v4 =	vsub.f32 v10, v4  }
0x184: {  	[tilespmem:s0+$0xA7A0] =	vst v5;
	v3 =	vsub.f32 v8, v3  }
0x185: {  	[tilespmem:s0+$0xA7B0] =	vst v4;
	v2 =	vsub.f32 v9, v2  }
0x186: {  	[tilespmem:s0+$0xA7C0] =	vst v3;
	v1 =	vsub.f32 v11, v1  }
0x187: {  	[tilespmem:s0+$0xA7D0] =	vst v2;
	v0 =	vsub.f32 v6, v0  }
0x188: {  	[tilespmem:s0+$0xA7E0] =	vst v1  }
0x189: {  	[tilespmem:s0+$0xA7F0] =	vst v0  }
0x18a: {  	v6 =	vld [tilespmem:$0x1AC00]  }
0x18b: {  	v7 =	vld [tilespmem:$0x1AC10]  }
0x18c: {  	v5 =	vld [tilespmem:$0x1AC20]  }
0x18d: {  	v4 =	vld [tilespmem:$0x1AC30]  }
0x18e: {  	v3 =	vld [tilespmem:$0x1AC40]  }
0x18f: {  	v2 =	vld [tilespmem:$0x1AC50]  }
0x190: {  	v1 =	vld [tilespmem:$0x1AC60]  }
0x191: {  	s0 =	simm.s32 $0x0;
	v0 =	vld [tilespmem:$0x1AC70]  }
0x192: {  	v11 =	vld [tilespmem:s0+$0xB780]  }
0x193: {  	v13 =	vld [tilespmem:s0+$0xB790]  }
0x194: {  	v12 =	vld [tilespmem:s0+$0xB7A0]  }
0x195: {  	v10 =	vld [tilespmem:s0+$0xB7B0]  }
0x196: {  	v8 =	vld [tilespmem:s0+$0xB7C0]  }
0x197: {  	v9 =	vld [tilespmem:s0+$0xB7D0];
	v14 =	vsub.f32 v11, v6  }
0x198: {  	s16 =	simm.s32 $0x200;
	v13 =	vsub.f32 v13, v7;
	v11 =	vld [tilespmem:s0+$0xB7E0]  }
.LBB2_26:
0x199: {  	s18 =	sshra.s32 s16, $0x2;
	p0 =	sne.s32 s16, $0x3E00;
	[tilespmem:s0+$0xB780] =	vst v14;
	v12 =	vsub.f32 v12, v5;
	v14 =	vld [tilespmem:s0+$0xB7F0]  }
0x19a: {  	v15 =	vld [tilespmem:s18+$0xB780];
	[tilespmem:s0+$0xB790] =	vst v13;
	v10 =	vsub.f32 v10, v4  }
0x19b: {  	v13 =	vld [tilespmem:s18+$0xB790];
	[tilespmem:s0+$0xB7A0] =	vst v12;
	v8 =	vsub.f32 v8, v3  }
.Ltmp16:
0x19c: {  	v12 =	vld [tilespmem:s18+$0xB7A0];
	[tilespmem:s0+$0xB7B0] =	vst v10;
	v9 =	vsub.f32 v9, v2;
	(pc) =	sbr.rel @p0 .LBB2_26-.Ltmp16, $4  }
0x19d: {  	v10 =	vld [tilespmem:s18+$0xB7B0];
	[tilespmem:s0+$0xB7C0] =	vst v8;
	v11 =	vsub.f32 v11, v1  }
0x19e: {  	v8 =	vld [tilespmem:s18+$0xB7C0];
	[tilespmem:s0+$0xB7D0] =	vst v9;
	v16 =	vsub.f32 v14, v0  }
0x19f: {  	v14 =	vsub.f32 v15, v6;
	v9 =	vld [tilespmem:s18+$0xB7D0];
	[tilespmem:s0+$0xB7E0] =	vst v11  }
0x1a0: {  	s16 =	sadd.s32 $0x200, s16;
	v13 =	vsub.f32 v13, v7;
	v11 =	vld [tilespmem:s18+$0xB7E0];
	[tilespmem:s0+$0xB7F0] =	vst v16;
	s0 =	smov.u32 s18  }
0x1a1: {  	[tilespmem:s0+$0xB780] =	vst v14;
	v5 =	vsub.f32 v12, v5;
	v6 =	vld [tilespmem:s0+$0xB7F0]  }
0x1a2: {  	[tilespmem:s0+$0xB790] =	vst v13;
	v4 =	vsub.f32 v10, v4  }
0x1a3: {  	[tilespmem:s0+$0xB7A0] =	vst v5;
	v3 =	vsub.f32 v8, v3  }
0x1a4: {  	[tilespmem:s0+$0xB7B0] =	vst v4;
	v2 =	vsub.f32 v9, v2  }
0x1a5: {  	[tilespmem:s0+$0xB7C0] =	vst v3;
	v1 =	vsub.f32 v11, v1  }
0x1a6: {  	[tilespmem:s0+$0xB7D0] =	vst v2;
	v0 =	vsub.f32 v6, v0  }
0x1a7: {  	[tilespmem:s0+$0xB7E0] =	vst v1  }
0x1a8: {  	[tilespmem:s0+$0xB7F0] =	vst v0  }
0x1a9: {  	v6 =	vld [tilespmem:$0x1AC80]  }
0x1aa: {  	v7 =	vld [tilespmem:$0x1AC90]  }
0x1ab: {  	v5 =	vld [tilespmem:$0x1ACA0]  }
0x1ac: {  	v4 =	vld [tilespmem:$0x1ACB0]  }
0x1ad: {  	v3 =	vld [tilespmem:$0x1ACC0]  }
0x1ae: {  	v2 =	vld [tilespmem:$0x1ACD0]  }
0x1af: {  	v1 =	vld [tilespmem:$0x1ACE0]  }
0x1b0: {  	s0 =	simm.s32 $0x0;
	v0 =	vld [tilespmem:$0x1ACF0]  }
0x1b1: {  	v11 =	vld [tilespmem:s0+$0xC780]  }
0x1b2: {  	v13 =	vld [tilespmem:s0+$0xC790]  }
0x1b3: {  	v12 =	vld [tilespmem:s0+$0xC7A0]  }
0x1b4: {  	v10 =	vld [tilespmem:s0+$0xC7B0]  }
0x1b5: {  	v8 =	vld [tilespmem:s0+$0xC7C0]  }
0x1b6: {  	v9 =	vld [tilespmem:s0+$0xC7D0];
	v14 =	vsub.f32 v11, v6  }
0x1b7: {  	s16 =	simm.s32 $0x200;
	v13 =	vsub.f32 v13, v7;
	v11 =	vld [tilespmem:s0+$0xC7E0]  }
.LBB2_28:
0x1b8: {  	s18 =	sshra.s32 s16, $0x2;
	p0 =	sne.s32 s16, $0x3E00;
	[tilespmem:s0+$0xC780] =	vst v14;
	v12 =	vsub.f32 v12, v5;
	v14 =	vld [tilespmem:s0+$0xC7F0]  }
0x1b9: {  	v15 =	vld [tilespmem:s18+$0xC780];
	[tilespmem:s0+$0xC790] =	vst v13;
	v10 =	vsub.f32 v10, v4  }
0x1ba: {  	v13 =	vld [tilespmem:s18+$0xC790];
	[tilespmem:s0+$0xC7A0] =	vst v12;
	v8 =	vsub.f32 v8, v3  }
.Ltmp17:
0x1bb: {  	v12 =	vld [tilespmem:s18+$0xC7A0];
	[tilespmem:s0+$0xC7B0] =	vst v10;
	v9 =	vsub.f32 v9, v2;
	(pc) =	sbr.rel @p0 .LBB2_28-.Ltmp17, $4  }
0x1bc: {  	v10 =	vld [tilespmem:s18+$0xC7B0];
	[tilespmem:s0+$0xC7C0] =	vst v8;
	v11 =	vsub.f32 v11, v1  }
0x1bd: {  	v8 =	vld [tilespmem:s18+$0xC7C0];
	[tilespmem:s0+$0xC7D0] =	vst v9;
	v16 =	vsub.f32 v14, v0  }
0x1be: {  	v14 =	vsub.f32 v15, v6;
	v9 =	vld [tilespmem:s18+$0xC7D0];
	[tilespmem:s0+$0xC7E0] =	vst v11  }
0x1bf: {  	s16 =	sadd.s32 $0x200, s16;
	v13 =	vsub.f32 v13, v7;
	v11 =	vld [tilespmem:s18+$0xC7E0];
	[tilespmem:s0+$0xC7F0] =	vst v16;
	s0 =	smov.u32 s18  }
0x1c0: {  	[tilespmem:s0+$0xC780] =	vst v14;
	v5 =	vsub.f32 v12, v5;
	v6 =	vld [tilespmem:s0+$0xC7F0]  }
0x1c1: {  	[tilespmem:s0+$0xC790] =	vst v13;
	v4 =	vsub.f32 v10, v4  }
0x1c2: {  	[tilespmem:s0+$0xC7A0] =	vst v5;
	v3 =	vsub.f32 v8, v3  }
0x1c3: {  	[tilespmem:s0+$0xC7B0] =	vst v4;
	v2 =	vsub.f32 v9, v2  }
0x1c4: {  	[tilespmem:s0+$0xC7C0] =	vst v3;
	v1 =	vsub.f32 v11, v1  }
0x1c5: {  	[tilespmem:s0+$0xC7D0] =	vst v2;
	v0 =	vsub.f32 v6, v0  }
0x1c6: {  	[tilespmem:s0+$0xC7E0] =	vst v1  }
0x1c7: {  	[tilespmem:s0+$0xC7F0] =	vst v0  }
0x1c8: {  	v6 =	vld [tilespmem:$0x1AD00]  }
0x1c9: {  	v7 =	vld [tilespmem:$0x1AD10]  }
0x1ca: {  	v5 =	vld [tilespmem:$0x1AD20]  }
0x1cb: {  	v4 =	vld [tilespmem:$0x1AD30]  }
0x1cc: {  	v3 =	vld [tilespmem:$0x1AD40]  }
0x1cd: {  	v2 =	vld [tilespmem:$0x1AD50]  }
0x1ce: {  	v1 =	vld [tilespmem:$0x1AD60]  }
0x1cf: {  	s0 =	simm.s32 $0x0;
	v0 =	vld [tilespmem:$0x1AD70]  }
0x1d0: {  	v11 =	vld [tilespmem:s0+$0xD780]  }
0x1d1: {  	v13 =	vld [tilespmem:s0+$0xD790]  }
0x1d2: {  	v12 =	vld [tilespmem:s0+$0xD7A0]  }
0x1d3: {  	v10 =	vld [tilespmem:s0+$0xD7B0]  }
0x1d4: {  	v8 =	vld [tilespmem:s0+$0xD7C0]  }
0x1d5: {  	v9 =	vld [tilespmem:s0+$0xD7D0];
	v14 =	vsub.f32 v11, v6  }
0x1d6: {  	s16 =	simm.s32 $0x200;
	v13 =	vsub.f32 v13, v7;
	v11 =	vld [tilespmem:s0+$0xD7E0]  }
.LBB2_30:
0x1d7: {  	s18 =	sshra.s32 s16, $0x2;
	p0 =	sne.s32 s16, $0x3E00;
	[tilespmem:s0+$0xD780] =	vst v14;
	v12 =	vsub.f32 v12, v5;
	v14 =	vld [tilespmem:s0+$0xD7F0]  }
0x1d8: {  	v15 =	vld [tilespmem:s18+$0xD780];
	[tilespmem:s0+$0xD790] =	vst v13;
	v10 =	vsub.f32 v10, v4  }
0x1d9: {  	v13 =	vld [tilespmem:s18+$0xD790];
	[tilespmem:s0+$0xD7A0] =	vst v12;
	v8 =	vsub.f32 v8, v3  }
.Ltmp18:
0x1da: {  	v12 =	vld [tilespmem:s18+$0xD7A0];
	[tilespmem:s0+$0xD7B0] =	vst v10;
	v9 =	vsub.f32 v9, v2;
	(pc) =	sbr.rel @p0 .LBB2_30-.Ltmp18, $4  }
0x1db: {  	v10 =	vld [tilespmem:s18+$0xD7B0];
	[tilespmem:s0+$0xD7C0] =	vst v8;
	v11 =	vsub.f32 v11, v1  }
0x1dc: {  	v8 =	vld [tilespmem:s18+$0xD7C0];
	[tilespmem:s0+$0xD7D0] =	vst v9;
	v16 =	vsub.f32 v14, v0  }
0x1dd: {  	v14 =	vsub.f32 v15, v6;
	v9 =	vld [tilespmem:s18+$0xD7D0];
	[tilespmem:s0+$0xD7E0] =	vst v11  }
0x1de: {  	s16 =	sadd.s32 $0x200, s16;
	v13 =	vsub.f32 v13, v7;
	v11 =	vld [tilespmem:s18+$0xD7E0];
	[tilespmem:s0+$0xD7F0] =	vst v16;
	s0 =	smov.u32 s18  }
0x1df: {  	[tilespmem:s0+$0xD780] =	vst v14;
	v5 =	vsub.f32 v12, v5;
	v6 =	vld [tilespmem:s0+$0xD7F0]  }
0x1e0: {  	[tilespmem:s0+$0xD790] =	vst v13;
	v4 =	vsub.f32 v10, v4  }
0x1e1: {  	[tilespmem:s0+$0xD7A0] =	vst v5;
	v3 =	vsub.f32 v8, v3  }
0x1e2: {  	[tilespmem:s0+$0xD7B0] =	vst v4;
	v2 =	vsub.f32 v9, v2  }
0x1e3: {  	s2 =	sadd.s32 s5, s2;
	[tilespmem:s0+$0xD7C0] =	vst v3;
	v1 =	vsub.f32 v11, v1  }
0x1e4: {  	s2 =	sshll.u32 s2, $0xB;
	[tilespmem:s0+$0xD7D0] =	vst v2;
	v0 =	vsub.f32 v6, v0  }
0x1e5: {  	s2 =	sand.u32 $0x1FFFF800, s2;
	[tilespmem:s0+$0xD7E0] =	vst v1  }
0x1e6: {  	s18 =	sadd.s32 s3, s2;
	[tilespmem:s0+$0xD7F0] =	vst v0;
	s0 =	sadd.s32 $0x5, s31  }
0x1e7: {  	[hbm4b:s18+s4] =	stream.linear.scatter [tilespmem:s20], [sflag:$0x3], $0x4000, $0x38;
	[tilespmem:$0x1B380] =	vst v63  }
0x1e8: {  	p0 =	sge.u32 s0, s6  }
0x1e9: {  	p1 =	seq.s32 @!p0 s30, $0x0  }
0x1ea: {  	p1 =	por p1, p0  }
0x1eb: {  	s2 =	simm.s32 @!p1 $0x3  }
0x1ec: {  	_ =	swait.ge @!p1 [sflag:s2], $0x4000  }
0x1ed: {  	s16 =	simm.s32 @!p0 $0x80;
	[sflag:s2] =	ssyncset.done @!p1 $0x0  }
0x1ee: {  	[sflag:s2] =	ssyncadd.s32 @!p1 $0xFFFFC000;
	s2 =	sshll.u32 @!p0 s0, $0x7;
	s0 =	sadd.s32 @!p0 s5, s0  }
0x1ef: {  	s18 =	simm.s32 @!p0 $0x16780;
	s2 =	sand.u32 @!p0 $0x3FFFFF80, s2;
	s0 =	sshll.u32 @!p0 s0, $0x6  }
0x1f0: {  	[tilespmem:s18], [sflag:$0x1] =	stream.indirect.gather @!p0 [hbm4b:s1+s16], $0x80, s2, s16, $0xb8;
	[tilespmem:$0x1B380] =	vst v63  }
0x1f1: {  	s0 =	sand.u32 @!p0 $0xFFFFFC0, s0  }
0x1f2: {  	s2 =	simm.s32 @!p0 $0x0;
	s16 =	simm.s32 @!p0 $0x1B180;
	s0 =	sadd.s32 @!p0 s1, s0  }
0x1f3: {  	[tilespmem:s16], [sflag:$0x2] =	stream.linear.gather @!p0 [hbm4b:s0+s2], $0x200, $0x38;
	[tilespmem:$0x1B380] =	vst v63  }
.LBB2_32:
0x1f4: {  	s2 =	sadd.s32 $0x3, s31  }
0x1f5: {  	p0 =	sge.u32 s2, s6  }
.Ltmp19:
0x1f6: {  	_ = 	snop;
	(pc) =	sbr.rel @p0 .LBB2_42-.Ltmp19, $1  }
0x1f7: {  	_ =	sdelay $0x3  }
0x1f8: {  	_ =	swait.ge [sflag:s22], $0x200  }
0x1f9: {  	[sflag:s22] =	ssyncset.done $0x0  }
0x1fa: {  	[sflag:s22] =	ssyncadd.s32 $0xFFFFFE00  }
0x1fb: {  	_ =	swait.ge [sflag:s23], $0x4000  }
0x1fc: {  	[sflag:s23] =	ssyncset.done $0x0  }
0x1fd: {  	[sflag:s23] =	ssyncadd.s32 $0xFFFFC000  }
0x1fe: {  	v6 =	vld [tilespmem:$0x1AD80]  }
0x1ff: {  	v7 =	vld [tilespmem:$0x1AD90]  }
0x200: {  	v5 =	vld [tilespmem:$0x1ADA0]  }
0x201: {  	v4 =	vld [tilespmem:$0x1ADB0]  }
0x202: {  	v3 =	vld [tilespmem:$0x1ADC0]  }
0x203: {  	v2 =	vld [tilespmem:$0x1ADD0]  }
0x204: {  	v1 =	vld [tilespmem:$0x1ADE0]  }
0x205: {  	s0 =	simm.s32 $0x0;
	v0 =	vld [tilespmem:$0x1ADF0]  }
0x206: {  	v11 =	vld [tilespmem:s0+$0xE780]  }
0x207: {  	v13 =	vld [tilespmem:s0+$0xE790]  }
0x208: {  	v12 =	vld [tilespmem:s0+$0xE7A0]  }
0x209: {  	v10 =	vld [tilespmem:s0+$0xE7B0]  }
0x20a: {  	v8 =	vld [tilespmem:s0+$0xE7C0]  }
0x20b: {  	v9 =	vld [tilespmem:s0+$0xE7D0];
	v14 =	vsub.f32 v11, v6  }
0x20c: {  	s16 =	simm.s32 $0x200;
	v13 =	vsub.f32 v13, v7;
	v11 =	vld [tilespmem:s0+$0xE7E0]  }
.LBB2_34:
0x20d: {  	s18 =	sshra.s32 s16, $0x2;
	p0 =	sne.s32 s16, $0x3E00;
	[tilespmem:s0+$0xE780] =	vst v14;
	v12 =	vsub.f32 v12, v5;
	v14 =	vld [tilespmem:s0+$0xE7F0]  }
0x20e: {  	v15 =	vld [tilespmem:s18+$0xE780];
	[tilespmem:s0+$0xE790] =	vst v13;
	v10 =	vsub.f32 v10, v4  }
0x20f: {  	v13 =	vld [tilespmem:s18+$0xE790];
	[tilespmem:s0+$0xE7A0] =	vst v12;
	v8 =	vsub.f32 v8, v3  }
.Ltmp20:
0x210: {  	v12 =	vld [tilespmem:s18+$0xE7A0];
	[tilespmem:s0+$0xE7B0] =	vst v10;
	v9 =	vsub.f32 v9, v2;
	(pc) =	sbr.rel @p0 .LBB2_34-.Ltmp20, $4  }
0x211: {  	v10 =	vld [tilespmem:s18+$0xE7B0];
	[tilespmem:s0+$0xE7C0] =	vst v8;
	v11 =	vsub.f32 v11, v1  }
0x212: {  	v8 =	vld [tilespmem:s18+$0xE7C0];
	[tilespmem:s0+$0xE7D0] =	vst v9;
	v16 =	vsub.f32 v14, v0  }
0x213: {  	v14 =	vsub.f32 v15, v6;
	v9 =	vld [tilespmem:s18+$0xE7D0];
	[tilespmem:s0+$0xE7E0] =	vst v11  }
0x214: {  	s16 =	sadd.s32 $0x200, s16;
	v13 =	vsub.f32 v13, v7;
	v11 =	vld [tilespmem:s18+$0xE7E0];
	[tilespmem:s0+$0xE7F0] =	vst v16;
	s0 =	smov.u32 s18  }
0x215: {  	[tilespmem:s0+$0xE780] =	vst v14;
	v5 =	vsub.f32 v12, v5;
	v6 =	vld [tilespmem:s0+$0xE7F0]  }
0x216: {  	[tilespmem:s0+$0xE790] =	vst v13;
	v4 =	vsub.f32 v10, v4  }
0x217: {  	[tilespmem:s0+$0xE7A0] =	vst v5;
	v3 =	vsub.f32 v8, v3  }
0x218: {  	[tilespmem:s0+$0xE7B0] =	vst v4;
	v2 =	vsub.f32 v9, v2  }
0x219: {  	[tilespmem:s0+$0xE7C0] =	vst v3;
	v1 =	vsub.f32 v11, v1  }
0x21a: {  	[tilespmem:s0+$0xE7D0] =	vst v2;
	v0 =	vsub.f32 v6, v0  }
0x21b: {  	[tilespmem:s0+$0xE7E0] =	vst v1  }
0x21c: {  	[tilespmem:s0+$0xE7F0] =	vst v0  }
0x21d: {  	v6 =	vld [tilespmem:$0x1AE00]  }
0x21e: {  	v7 =	vld [tilespmem:$0x1AE10]  }
0x21f: {  	v5 =	vld [tilespmem:$0x1AE20]  }
0x220: {  	v4 =	vld [tilespmem:$0x1AE30]  }
0x221: {  	v3 =	vld [tilespmem:$0x1AE40]  }
0x222: {  	v2 =	vld [tilespmem:$0x1AE50]  }
0x223: {  	v1 =	vld [tilespmem:$0x1AE60]  }
0x224: {  	s0 =	simm.s32 $0x0;
	v0 =	vld [tilespmem:$0x1AE70]  }
0x225: {  	v11 =	vld [tilespmem:s0+$0xF780]  }
0x226: {  	v13 =	vld [tilespmem:s0+$0xF790]  }
0x227: {  	v12 =	vld [tilespmem:s0+$0xF7A0]  }
0x228: {  	v10 =	vld [tilespmem:s0+$0xF7B0]  }
0x229: {  	v8 =	vld [tilespmem:s0+$0xF7C0]  }
0x22a: {  	v9 =	vld [tilespmem:s0+$0xF7D0];
	v14 =	vsub.f32 v11, v6  }
0x22b: {  	s16 =	simm.s32 $0x200;
	v13 =	vsub.f32 v13, v7;
	v11 =	vld [tilespmem:s0+$0xF7E0]  }
.LBB2_36:
0x22c: {  	s18 =	sshra.s32 s16, $0x2;
	p0 =	sne.s32 s16, $0x3E00;
	[tilespmem:s0+$0xF780] =	vst v14;
	v12 =	vsub.f32 v12, v5;
	v14 =	vld [tilespmem:s0+$0xF7F0]  }
0x22d: {  	v15 =	vld [tilespmem:s18+$0xF780];
	[tilespmem:s0+$0xF790] =	vst v13;
	v10 =	vsub.f32 v10, v4  }
0x22e: {  	v13 =	vld [tilespmem:s18+$0xF790];
	[tilespmem:s0+$0xF7A0] =	vst v12;
	v8 =	vsub.f32 v8, v3  }
.Ltmp21:
0x22f: {  	v12 =	vld [tilespmem:s18+$0xF7A0];
	[tilespmem:s0+$0xF7B0] =	vst v10;
	v9 =	vsub.f32 v9, v2;
	(pc) =	sbr.rel @p0 .LBB2_36-.Ltmp21, $4  }
0x230: {  	v10 =	vld [tilespmem:s18+$0xF7B0];
	[tilespmem:s0+$0xF7C0] =	vst v8;
	v11 =	vsub.f32 v11, v1  }
0x231: {  	v8 =	vld [tilespmem:s18+$0xF7C0];
	[tilespmem:s0+$0xF7D0] =	vst v9;
	v16 =	vsub.f32 v14, v0  }
0x232: {  	v14 =	vsub.f32 v15, v6;
	v9 =	vld [tilespmem:s18+$0xF7D0];
	[tilespmem:s0+$0xF7E0] =	vst v11  }
0x233: {  	s16 =	sadd.s32 $0x200, s16;
	v13 =	vsub.f32 v13, v7;
	v11 =	vld [tilespmem:s18+$0xF7E0];
	[tilespmem:s0+$0xF7F0] =	vst v16;
	s0 =	smov.u32 s18  }
0x234: {  	[tilespmem:s0+$0xF780] =	vst v14;
	v5 =	vsub.f32 v12, v5;
	v6 =	vld [tilespmem:s0+$0xF7F0]  }
0x235: {  	[tilespmem:s0+$0xF790] =	vst v13;
	v4 =	vsub.f32 v10, v4  }
0x236: {  	[tilespmem:s0+$0xF7A0] =	vst v5;
	v3 =	vsub.f32 v8, v3  }
0x237: {  	[tilespmem:s0+$0xF7B0] =	vst v4;
	v2 =	vsub.f32 v9, v2  }
0x238: {  	[tilespmem:s0+$0xF7C0] =	vst v3;
	v1 =	vsub.f32 v11, v1  }
0x239: {  	[tilespmem:s0+$0xF7D0] =	vst v2;
	v0 =	vsub.f32 v6, v0  }
0x23a: {  	[tilespmem:s0+$0xF7E0] =	vst v1  }
0x23b: {  	[tilespmem:s0+$0xF7F0] =	vst v0  }
0x23c: {  	v6 =	vld [tilespmem:$0x1AE80]  }
0x23d: {  	v7 =	vld [tilespmem:$0x1AE90]  }
0x23e: {  	v5 =	vld [tilespmem:$0x1AEA0]  }
0x23f: {  	v4 =	vld [tilespmem:$0x1AEB0]  }
0x240: {  	v3 =	vld [tilespmem:$0x1AEC0]  }
0x241: {  	v2 =	vld [tilespmem:$0x1AED0]  }
0x242: {  	v1 =	vld [tilespmem:$0x1AEE0]  }
0x243: {  	s0 =	simm.s32 $0x0;
	v0 =	vld [tilespmem:$0x1AEF0]  }
0x244: {  	v11 =	vld [tilespmem:s0+$0x10780]  }
0x245: {  	v13 =	vld [tilespmem:s0+$0x10790]  }
0x246: {  	v12 =	vld [tilespmem:s0+$0x107A0]  }
0x247: {  	v10 =	vld [tilespmem:s0+$0x107B0]  }
0x248: {  	v8 =	vld [tilespmem:s0+$0x107C0]  }
0x249: {  	v9 =	vld [tilespmem:s0+$0x107D0];
	v14 =	vsub.f32 v11, v6  }
0x24a: {  	s16 =	simm.s32 $0x200;
	v13 =	vsub.f32 v13, v7;
	v11 =	vld [tilespmem:s0+$0x107E0]  }
.LBB2_38:
0x24b: {  	s18 =	sshra.s32 s16, $0x2;
	p0 =	sne.s32 s16, $0x3E00;
	[tilespmem:s0+$0x10780] =	vst v14;
	v12 =	vsub.f32 v12, v5;
	v14 =	vld [tilespmem:s0+$0x107F0]  }
0x24c: {  	v15 =	vld [tilespmem:s18+$0x10780];
	[tilespmem:s0+$0x10790] =	vst v13;
	v10 =	vsub.f32 v10, v4  }
0x24d: {  	v13 =	vld [tilespmem:s18+$0x10790];
	[tilespmem:s0+$0x107A0] =	vst v12;
	v8 =	vsub.f32 v8, v3  }
.Ltmp22:
0x24e: {  	v12 =	vld [tilespmem:s18+$0x107A0];
	[tilespmem:s0+$0x107B0] =	vst v10;
	v9 =	vsub.f32 v9, v2;
	(pc) =	sbr.rel @p0 .LBB2_38-.Ltmp22, $4  }
0x24f: {  	v10 =	vld [tilespmem:s18+$0x107B0];
	[tilespmem:s0+$0x107C0] =	vst v8;
	v11 =	vsub.f32 v11, v1  }
0x250: {  	v8 =	vld [tilespmem:s18+$0x107C0];
	[tilespmem:s0+$0x107D0] =	vst v9;
	v16 =	vsub.f32 v14, v0  }
0x251: {  	v14 =	vsub.f32 v15, v6;
	v9 =	vld [tilespmem:s18+$0x107D0];
	[tilespmem:s0+$0x107E0] =	vst v11  }
0x252: {  	s16 =	sadd.s32 $0x200, s16;
	v13 =	vsub.f32 v13, v7;
	v11 =	vld [tilespmem:s18+$0x107E0];
	[tilespmem:s0+$0x107F0] =	vst v16;
	s0 =	smov.u32 s18  }
0x253: {  	[tilespmem:s0+$0x10780] =	vst v14;
	v5 =	vsub.f32 v12, v5;
	v6 =	vld [tilespmem:s0+$0x107F0]  }
0x254: {  	[tilespmem:s0+$0x10790] =	vst v13;
	v4 =	vsub.f32 v10, v4  }
0x255: {  	[tilespmem:s0+$0x107A0] =	vst v5;
	v3 =	vsub.f32 v8, v3  }
0x256: {  	[tilespmem:s0+$0x107B0] =	vst v4;
	v2 =	vsub.f32 v9, v2  }
0x257: {  	[tilespmem:s0+$0x107C0] =	vst v3;
	v1 =	vsub.f32 v11, v1  }
0x258: {  	[tilespmem:s0+$0x107D0] =	vst v2;
	v0 =	vsub.f32 v6, v0  }
0x259: {  	[tilespmem:s0+$0x107E0] =	vst v1  }
0x25a: {  	[tilespmem:s0+$0x107F0] =	vst v0  }
0x25b: {  	v6 =	vld [tilespmem:$0x1AF00]  }
0x25c: {  	v7 =	vld [tilespmem:$0x1AF10]  }
0x25d: {  	v5 =	vld [tilespmem:$0x1AF20]  }
0x25e: {  	v4 =	vld [tilespmem:$0x1AF30]  }
0x25f: {  	v3 =	vld [tilespmem:$0x1AF40]  }
0x260: {  	v2 =	vld [tilespmem:$0x1AF50]  }
0x261: {  	v1 =	vld [tilespmem:$0x1AF60]  }
0x262: {  	s0 =	simm.s32 $0x0;
	v0 =	vld [tilespmem:$0x1AF70]  }
0x263: {  	v11 =	vld [tilespmem:s0+$0x11780]  }
0x264: {  	v13 =	vld [tilespmem:s0+$0x11790]  }
0x265: {  	v12 =	vld [tilespmem:s0+$0x117A0]  }
0x266: {  	v10 =	vld [tilespmem:s0+$0x117B0]  }
0x267: {  	v8 =	vld [tilespmem:s0+$0x117C0]  }
0x268: {  	v9 =	vld [tilespmem:s0+$0x117D0];
	v14 =	vsub.f32 v11, v6  }
0x269: {  	s16 =	simm.s32 $0x200;
	v13 =	vsub.f32 v13, v7;
	v11 =	vld [tilespmem:s0+$0x117E0]  }
.LBB2_40:
0x26a: {  	s18 =	sshra.s32 s16, $0x2;
	p0 =	sne.s32 s16, $0x3E00;
	[tilespmem:s0+$0x11780] =	vst v14;
	v12 =	vsub.f32 v12, v5;
	v14 =	vld [tilespmem:s0+$0x117F0]  }
0x26b: {  	v15 =	vld [tilespmem:s18+$0x11780];
	[tilespmem:s0+$0x11790] =	vst v13;
	v10 =	vsub.f32 v10, v4  }
0x26c: {  	v13 =	vld [tilespmem:s18+$0x11790];
	[tilespmem:s0+$0x117A0] =	vst v12;
	v8 =	vsub.f32 v8, v3  }
.Ltmp23:
0x26d: {  	v12 =	vld [tilespmem:s18+$0x117A0];
	[tilespmem:s0+$0x117B0] =	vst v10;
	v9 =	vsub.f32 v9, v2;
	(pc) =	sbr.rel @p0 .LBB2_40-.Ltmp23, $4  }
0x26e: {  	v10 =	vld [tilespmem:s18+$0x117B0];
	[tilespmem:s0+$0x117C0] =	vst v8;
	v11 =	vsub.f32 v11, v1  }
0x26f: {  	v8 =	vld [tilespmem:s18+$0x117C0];
	[tilespmem:s0+$0x117D0] =	vst v9;
	v16 =	vsub.f32 v14, v0  }
0x270: {  	v14 =	vsub.f32 v15, v6;
	v9 =	vld [tilespmem:s18+$0x117D0];
	[tilespmem:s0+$0x117E0] =	vst v11  }
0x271: {  	s16 =	sadd.s32 $0x200, s16;
	v13 =	vsub.f32 v13, v7;
	v11 =	vld [tilespmem:s18+$0x117E0];
	[tilespmem:s0+$0x117F0] =	vst v16;
	s0 =	smov.u32 s18  }
0x272: {  	[tilespmem:s0+$0x11780] =	vst v14;
	v5 =	vsub.f32 v12, v5;
	v6 =	vld [tilespmem:s0+$0x117F0]  }
0x273: {  	[tilespmem:s0+$0x11790] =	vst v13;
	v4 =	vsub.f32 v10, v4  }
0x274: {  	[tilespmem:s0+$0x117A0] =	vst v5;
	v3 =	vsub.f32 v8, v3  }
0x275: {  	[tilespmem:s0+$0x117B0] =	vst v4;
	v2 =	vsub.f32 v9, v2  }
0x276: {  	s2 =	sadd.s32 s5, s2;
	[tilespmem:s0+$0x117C0] =	vst v3;
	v1 =	vsub.f32 v11, v1  }
0x277: {  	s2 =	sshll.u32 s2, $0xB;
	[tilespmem:s0+$0x117D0] =	vst v2;
	v0 =	vsub.f32 v6, v0  }
0x278: {  	s2 =	sand.u32 $0x1FFFF800, s2;
	[tilespmem:s0+$0x117E0] =	vst v1  }
0x279: {  	s18 =	sadd.s32 s3, s2;
	[tilespmem:s0+$0x117F0] =	vst v0;
	s0 =	sadd.s32 $0x6, s31  }
0x27a: {  	[hbm4b:s18+s4] =	stream.linear.scatter [tilespmem:s24], [sflag:$0x3], $0x4000, $0x38;
	[tilespmem:$0x1B380] =	vst v63  }
0x27b: {  	p0 =	sge.u32 s0, s6  }
0x27c: {  	s2 =	simm.s32 @!p0 $0x3  }
0x27d: {  	_ =	swait.ge @!p0 [sflag:s2], $0x4000  }
0x27e: {  	s16 =	simm.s32 @!p0 $0x80;
	[sflag:s2] =	ssyncset.done @!p0 $0x0  }
0x27f: {  	[sflag:s2] =	ssyncadd.s32 @!p0 $0xFFFFC000;
	s2 =	sshll.u32 @!p0 s0, $0x7;
	s0 =	sadd.s32 @!p0 s5, s0  }
0x280: {  	s18 =	simm.s32 @!p0 $0x2780;
	s2 =	sand.u32 @!p0 $0x3FFFFF80, s2;
	s0 =	sshll.u32 @!p0 s0, $0x6  }
0x281: {  	[tilespmem:s18], [sflag:$0x1] =	stream.indirect.gather @!p0 [hbm4b:s1+s16], $0x80, s2, s16, $0xb8;
	[tilespmem:$0x1B380] =	vst v63  }
0x282: {  	s0 =	sand.u32 @!p0 $0xFFFFF80, s0  }
0x283: {  	s2 =	simm.s32 @!p0 $0x0;
	s16 =	simm.s32 @!p0 $0x1A780;
	s0 =	sadd.s32 @!p0 s0, s11  }
0x284: {  	[tilespmem:s16], [sflag:$0x2] =	stream.linear.gather @!p0 [hbm4b:s0+s2], $0x200, $0x38;
	[tilespmem:$0x1B380] =	vst v63  }
.LBB2_42:
0x285: {  	s2 =	sadd.s32 $0x4, s31  }
0x286: {  	p0 =	sge.u32 s2, s6  }
.Ltmp24:
0x287: {  	_ = 	snop;
	(pc) =	sbr.rel @p0 .LBB2_52-.Ltmp24, $1  }
0x288: {  	_ =	sdelay $0x3  }
0x289: {  	_ =	swait.ge [sflag:s22], $0x200  }
0x28a: {  	[sflag:s22] =	ssyncset.done $0x0  }
0x28b: {  	[sflag:s22] =	ssyncadd.s32 $0xFFFFFE00  }
0x28c: {  	_ =	swait.ge [sflag:s23], $0x4000  }
0x28d: {  	[sflag:s23] =	ssyncset.done $0x0  }
0x28e: {  	[sflag:s23] =	ssyncadd.s32 $0xFFFFC000  }
0x28f: {  	v6 =	vld [tilespmem:$0x1AF80]  }
0x290: {  	v7 =	vld [tilespmem:$0x1AF90]  }
0x291: {  	v5 =	vld [tilespmem:$0x1AFA0]  }
0x292: {  	v4 =	vld [tilespmem:$0x1AFB0]  }
0x293: {  	v3 =	vld [tilespmem:$0x1AFC0]  }
0x294: {  	v2 =	vld [tilespmem:$0x1AFD0]  }
0x295: {  	v1 =	vld [tilespmem:$0x1AFE0]  }
0x296: {  	s0 =	simm.s32 $0x0;
	v0 =	vld [tilespmem:$0x1AFF0]  }
0x297: {  	v11 =	vld [tilespmem:s0+$0x12780]  }
0x298: {  	v13 =	vld [tilespmem:s0+$0x12790]  }
0x299: {  	v12 =	vld [tilespmem:s0+$0x127A0]  }
0x29a: {  	v10 =	vld [tilespmem:s0+$0x127B0]  }
0x29b: {  	v8 =	vld [tilespmem:s0+$0x127C0]  }
0x29c: {  	v9 =	vld [tilespmem:s0+$0x127D0];
	v14 =	vsub.f32 v11, v6  }
0x29d: {  	s16 =	simm.s32 $0x200;
	v13 =	vsub.f32 v13, v7;
	v11 =	vld [tilespmem:s0+$0x127E0]  }
.LBB2_44:
0x29e: {  	s18 =	sshra.s32 s16, $0x2;
	p0 =	sne.s32 s16, $0x3E00;
	[tilespmem:s0+$0x12780] =	vst v14;
	v12 =	vsub.f32 v12, v5;
	v14 =	vld [tilespmem:s0+$0x127F0]  }
0x29f: {  	v15 =	vld [tilespmem:s18+$0x12780];
	[tilespmem:s0+$0x12790] =	vst v13;
	v10 =	vsub.f32 v10, v4  }
0x2a0: {  	v13 =	vld [tilespmem:s18+$0x12790];
	[tilespmem:s0+$0x127A0] =	vst v12;
	v8 =	vsub.f32 v8, v3  }
.Ltmp25:
0x2a1: {  	v12 =	vld [tilespmem:s18+$0x127A0];
	[tilespmem:s0+$0x127B0] =	vst v10;
	v9 =	vsub.f32 v9, v2;
	(pc) =	sbr.rel @p0 .LBB2_44-.Ltmp25, $4  }
0x2a2: {  	v10 =	vld [tilespmem:s18+$0x127B0];
	[tilespmem:s0+$0x127C0] =	vst v8;
	v11 =	vsub.f32 v11, v1  }
0x2a3: {  	v8 =	vld [tilespmem:s18+$0x127C0];
	[tilespmem:s0+$0x127D0] =	vst v9;
	v16 =	vsub.f32 v14, v0  }
0x2a4: {  	v14 =	vsub.f32 v15, v6;
	v9 =	vld [tilespmem:s18+$0x127D0];
	[tilespmem:s0+$0x127E0] =	vst v11  }
0x2a5: {  	s16 =	sadd.s32 $0x200, s16;
	v13 =	vsub.f32 v13, v7;
	v11 =	vld [tilespmem:s18+$0x127E0];
	[tilespmem:s0+$0x127F0] =	vst v16;
	s0 =	smov.u32 s18  }
0x2a6: {  	[tilespmem:s0+$0x12780] =	vst v14;
	v5 =	vsub.f32 v12, v5;
	v6 =	vld [tilespmem:s0+$0x127F0]  }
0x2a7: {  	[tilespmem:s0+$0x12790] =	vst v13;
	v4 =	vsub.f32 v10, v4  }
0x2a8: {  	[tilespmem:s0+$0x127A0] =	vst v5;
	v3 =	vsub.f32 v8, v3  }
0x2a9: {  	[tilespmem:s0+$0x127B0] =	vst v4;
	v2 =	vsub.f32 v9, v2  }
0x2aa: {  	[tilespmem:s0+$0x127C0] =	vst v3;
	v1 =	vsub.f32 v11, v1  }
0x2ab: {  	[tilespmem:s0+$0x127D0] =	vst v2;
	v0 =	vsub.f32 v6, v0  }
0x2ac: {  	[tilespmem:s0+$0x127E0] =	vst v1  }
0x2ad: {  	[tilespmem:s0+$0x127F0] =	vst v0  }
0x2ae: {  	v6 =	vld [tilespmem:$0x1B000]  }
0x2af: {  	v7 =	vld [tilespmem:$0x1B010]  }
0x2b0: {  	v5 =	vld [tilespmem:$0x1B020]  }
0x2b1: {  	v4 =	vld [tilespmem:$0x1B030]  }
0x2b2: {  	v3 =	vld [tilespmem:$0x1B040]  }
0x2b3: {  	v2 =	vld [tilespmem:$0x1B050]  }
0x2b4: {  	v1 =	vld [tilespmem:$0x1B060]  }
0x2b5: {  	s0 =	simm.s32 $0x0;
	v0 =	vld [tilespmem:$0x1B070]  }
0x2b6: {  	v11 =	vld [tilespmem:s0+$0x13780]  }
0x2b7: {  	v13 =	vld [tilespmem:s0+$0x13790]  }
0x2b8: {  	v12 =	vld [tilespmem:s0+$0x137A0]  }
0x2b9: {  	v10 =	vld [tilespmem:s0+$0x137B0]  }
0x2ba: {  	v8 =	vld [tilespmem:s0+$0x137C0]  }
0x2bb: {  	v9 =	vld [tilespmem:s0+$0x137D0];
	v14 =	vsub.f32 v11, v6  }
0x2bc: {  	s16 =	simm.s32 $0x200;
	v13 =	vsub.f32 v13, v7;
	v11 =	vld [tilespmem:s0+$0x137E0]  }
.LBB2_46:
0x2bd: {  	s18 =	sshra.s32 s16, $0x2;
	p0 =	sne.s32 s16, $0x3E00;
	[tilespmem:s0+$0x13780] =	vst v14;
	v12 =	vsub.f32 v12, v5;
	v14 =	vld [tilespmem:s0+$0x137F0]  }
0x2be: {  	v15 =	vld [tilespmem:s18+$0x13780];
	[tilespmem:s0+$0x13790] =	vst v13;
	v10 =	vsub.f32 v10, v4  }
0x2bf: {  	v13 =	vld [tilespmem:s18+$0x13790];
	[tilespmem:s0+$0x137A0] =	vst v12;
	v8 =	vsub.f32 v8, v3  }
.Ltmp26:
0x2c0: {  	v12 =	vld [tilespmem:s18+$0x137A0];
	[tilespmem:s0+$0x137B0] =	vst v10;
	v9 =	vsub.f32 v9, v2;
	(pc) =	sbr.rel @p0 .LBB2_46-.Ltmp26, $4  }
0x2c1: {  	v10 =	vld [tilespmem:s18+$0x137B0];
	[tilespmem:s0+$0x137C0] =	vst v8;
	v11 =	vsub.f32 v11, v1  }
0x2c2: {  	v8 =	vld [tilespmem:s18+$0x137C0];
	[tilespmem:s0+$0x137D0] =	vst v9;
	v16 =	vsub.f32 v14, v0  }
0x2c3: {  	v14 =	vsub.f32 v15, v6;
	v9 =	vld [tilespmem:s18+$0x137D0];
	[tilespmem:s0+$0x137E0] =	vst v11  }
0x2c4: {  	s16 =	sadd.s32 $0x200, s16;
	v13 =	vsub.f32 v13, v7;
	v11 =	vld [tilespmem:s18+$0x137E0];
	[tilespmem:s0+$0x137F0] =	vst v16;
	s0 =	smov.u32 s18  }
0x2c5: {  	[tilespmem:s0+$0x13780] =	vst v14;
	v5 =	vsub.f32 v12, v5;
	v6 =	vld [tilespmem:s0+$0x137F0]  }
0x2c6: {  	[tilespmem:s0+$0x13790] =	vst v13;
	v4 =	vsub.f32 v10, v4  }
0x2c7: {  	[tilespmem:s0+$0x137A0] =	vst v5;
	v3 =	vsub.f32 v8, v3  }
0x2c8: {  	[tilespmem:s0+$0x137B0] =	vst v4;
	v2 =	vsub.f32 v9, v2  }
0x2c9: {  	[tilespmem:s0+$0x137C0] =	vst v3;
	v1 =	vsub.f32 v11, v1  }
0x2ca: {  	[tilespmem:s0+$0x137D0] =	vst v2;
	v0 =	vsub.f32 v6, v0  }
0x2cb: {  	[tilespmem:s0+$0x137E0] =	vst v1  }
0x2cc: {  	[tilespmem:s0+$0x137F0] =	vst v0  }
0x2cd: {  	v6 =	vld [tilespmem:$0x1B080]  }
0x2ce: {  	v7 =	vld [tilespmem:$0x1B090]  }
0x2cf: {  	v5 =	vld [tilespmem:$0x1B0A0]  }
0x2d0: {  	v4 =	vld [tilespmem:$0x1B0B0]  }
0x2d1: {  	v3 =	vld [tilespmem:$0x1B0C0]  }
0x2d2: {  	v2 =	vld [tilespmem:$0x1B0D0]  }
0x2d3: {  	v1 =	vld [tilespmem:$0x1B0E0]  }
0x2d4: {  	s0 =	simm.s32 $0x0;
	v0 =	vld [tilespmem:$0x1B0F0]  }
0x2d5: {  	v11 =	vld [tilespmem:s0+$0x14780]  }
0x2d6: {  	v13 =	vld [tilespmem:s0+$0x14790]  }
0x2d7: {  	v12 =	vld [tilespmem:s0+$0x147A0]  }
0x2d8: {  	v10 =	vld [tilespmem:s0+$0x147B0]  }
0x2d9: {  	v8 =	vld [tilespmem:s0+$0x147C0]  }
0x2da: {  	v9 =	vld [tilespmem:s0+$0x147D0];
	v14 =	vsub.f32 v11, v6  }
0x2db: {  	s16 =	simm.s32 $0x200;
	v13 =	vsub.f32 v13, v7;
	v11 =	vld [tilespmem:s0+$0x147E0]  }
.LBB2_48:
0x2dc: {  	s18 =	sshra.s32 s16, $0x2;
	p0 =	sne.s32 s16, $0x3E00;
	[tilespmem:s0+$0x14780] =	vst v14;
	v12 =	vsub.f32 v12, v5;
	v14 =	vld [tilespmem:s0+$0x147F0]  }
0x2dd: {  	v15 =	vld [tilespmem:s18+$0x14780];
	[tilespmem:s0+$0x14790] =	vst v13;
	v10 =	vsub.f32 v10, v4  }
0x2de: {  	v13 =	vld [tilespmem:s18+$0x14790];
	[tilespmem:s0+$0x147A0] =	vst v12;
	v8 =	vsub.f32 v8, v3  }
.Ltmp27:
0x2df: {  	v12 =	vld [tilespmem:s18+$0x147A0];
	[tilespmem:s0+$0x147B0] =	vst v10;
	v9 =	vsub.f32 v9, v2;
	(pc) =	sbr.rel @p0 .LBB2_48-.Ltmp27, $4  }
0x2e0: {  	v10 =	vld [tilespmem:s18+$0x147B0];
	[tilespmem:s0+$0x147C0] =	vst v8;
	v11 =	vsub.f32 v11, v1  }
0x2e1: {  	v8 =	vld [tilespmem:s18+$0x147C0];
	[tilespmem:s0+$0x147D0] =	vst v9;
	v16 =	vsub.f32 v14, v0  }
0x2e2: {  	v14 =	vsub.f32 v15, v6;
	v9 =	vld [tilespmem:s18+$0x147D0];
	[tilespmem:s0+$0x147E0] =	vst v11  }
0x2e3: {  	s16 =	sadd.s32 $0x200, s16;
	v13 =	vsub.f32 v13, v7;
	v11 =	vld [tilespmem:s18+$0x147E0];
	[tilespmem:s0+$0x147F0] =	vst v16;
	s0 =	smov.u32 s18  }
0x2e4: {  	[tilespmem:s0+$0x14780] =	vst v14;
	v5 =	vsub.f32 v12, v5;
	v6 =	vld [tilespmem:s0+$0x147F0]  }
0x2e5: {  	[tilespmem:s0+$0x14790] =	vst v13;
	v4 =	vsub.f32 v10, v4  }
0x2e6: {  	[tilespmem:s0+$0x147A0] =	vst v5;
	v3 =	vsub.f32 v8, v3  }
0x2e7: {  	[tilespmem:s0+$0x147B0] =	vst v4;
	v2 =	vsub.f32 v9, v2  }
0x2e8: {  	[tilespmem:s0+$0x147C0] =	vst v3;
	v1 =	vsub.f32 v11, v1  }
0x2e9: {  	[tilespmem:s0+$0x147D0] =	vst v2;
	v0 =	vsub.f32 v6, v0  }
0x2ea: {  	[tilespmem:s0+$0x147E0] =	vst v1  }
0x2eb: {  	[tilespmem:s0+$0x147F0] =	vst v0  }
0x2ec: {  	v6 =	vld [tilespmem:$0x1B100]  }
0x2ed: {  	v7 =	vld [tilespmem:$0x1B110]  }
0x2ee: {  	v5 =	vld [tilespmem:$0x1B120]  }
0x2ef: {  	v4 =	vld [tilespmem:$0x1B130]  }
0x2f0: {  	v3 =	vld [tilespmem:$0x1B140]  }
0x2f1: {  	v2 =	vld [tilespmem:$0x1B150]  }
0x2f2: {  	v1 =	vld [tilespmem:$0x1B160]  }
0x2f3: {  	s0 =	simm.s32 $0x0;
	v0 =	vld [tilespmem:$0x1B170]  }
0x2f4: {  	v11 =	vld [tilespmem:s0+$0x15780]  }
0x2f5: {  	v13 =	vld [tilespmem:s0+$0x15790]  }
0x2f6: {  	v12 =	vld [tilespmem:s0+$0x157A0]  }
0x2f7: {  	v10 =	vld [tilespmem:s0+$0x157B0]  }
0x2f8: {  	v8 =	vld [tilespmem:s0+$0x157C0]  }
0x2f9: {  	v9 =	vld [tilespmem:s0+$0x157D0];
	v14 =	vsub.f32 v11, v6  }
0x2fa: {  	s16 =	simm.s32 $0x200;
	v13 =	vsub.f32 v13, v7;
	v11 =	vld [tilespmem:s0+$0x157E0]  }
.LBB2_50:
0x2fb: {  	s18 =	sshra.s32 s16, $0x2;
	p0 =	sne.s32 s16, $0x3E00;
	[tilespmem:s0+$0x15780] =	vst v14;
	v12 =	vsub.f32 v12, v5;
	v14 =	vld [tilespmem:s0+$0x157F0]  }
0x2fc: {  	v15 =	vld [tilespmem:s18+$0x15780];
	[tilespmem:s0+$0x15790] =	vst v13;
	v10 =	vsub.f32 v10, v4  }
0x2fd: {  	v13 =	vld [tilespmem:s18+$0x15790];
	[tilespmem:s0+$0x157A0] =	vst v12;
	v8 =	vsub.f32 v8, v3  }
.Ltmp28:
0x2fe: {  	v12 =	vld [tilespmem:s18+$0x157A0];
	[tilespmem:s0+$0x157B0] =	vst v10;
	v9 =	vsub.f32 v9, v2;
	(pc) =	sbr.rel @p0 .LBB2_50-.Ltmp28, $4  }
0x2ff: {  	v10 =	vld [tilespmem:s18+$0x157B0];
	[tilespmem:s0+$0x157C0] =	vst v8;
	v11 =	vsub.f32 v11, v1  }
0x300: {  	v8 =	vld [tilespmem:s18+$0x157C0];
	[tilespmem:s0+$0x157D0] =	vst v9;
	v16 =	vsub.f32 v14, v0  }
0x301: {  	v14 =	vsub.f32 v15, v6;
	v9 =	vld [tilespmem:s18+$0x157D0];
	[tilespmem:s0+$0x157E0] =	vst v11  }
0x302: {  	s16 =	sadd.s32 $0x200, s16;
	v13 =	vsub.f32 v13, v7;
	v11 =	vld [tilespmem:s18+$0x157E0];
	[tilespmem:s0+$0x157F0] =	vst v16;
	s0 =	smov.u32 s18  }
0x303: {  	[tilespmem:s0+$0x15780] =	vst v14;
	v5 =	vsub.f32 v12, v5;
	v6 =	vld [tilespmem:s0+$0x157F0]  }
0x304: {  	[tilespmem:s0+$0x15790] =	vst v13;
	v4 =	vsub.f32 v10, v4  }
0x305: {  	[tilespmem:s0+$0x157A0] =	vst v5;
	v3 =	vsub.f32 v8, v3  }
0x306: {  	[tilespmem:s0+$0x157B0] =	vst v4;
	v2 =	vsub.f32 v9, v2  }
0x307: {  	s2 =	sadd.s32 s5, s2;
	[tilespmem:s0+$0x157C0] =	vst v3;
	v1 =	vsub.f32 v11, v1  }
0x308: {  	s2 =	sshll.u32 s2, $0xB;
	[tilespmem:s0+$0x157D0] =	vst v2;
	v0 =	vsub.f32 v6, v0  }
0x309: {  	s2 =	sand.u32 $0x1FFFF800, s2;
	[tilespmem:s0+$0x157E0] =	vst v1  }
0x30a: {  	s18 =	sadd.s32 s3, s2;
	[tilespmem:s0+$0x157F0] =	vst v0;
	s0 =	sadd.s32 $0x7, s31  }
0x30b: {  	[hbm4b:s18+s4] =	stream.linear.scatter [tilespmem:s25], [sflag:$0x3], $0x4000, $0x38;
	[tilespmem:$0x1B380] =	vst v63  }
0x30c: {  	p0 =	sge.u32 s0, s6  }
0x30d: {  	s2 =	simm.s32 @!p0 $0x3  }
0x30e: {  	_ =	swait.ge @!p0 [sflag:s2], $0x4000  }
0x30f: {  	s16 =	simm.s32 @!p0 $0x80;
	[sflag:s2] =	ssyncset.done @!p0 $0x0  }
0x310: {  	[sflag:s2] =	ssyncadd.s32 @!p0 $0xFFFFC000;
	s2 =	sshll.u32 @!p0 s0, $0x7;
	s0 =	sadd.s32 @!p0 s5, s0  }
0x311: {  	s18 =	simm.s32 @!p0 $0x6780;
	s2 =	sand.u32 @!p0 $0x3FFFFF80, s2;
	s0 =	sshll.u32 @!p0 s0, $0x6  }
0x312: {  	[tilespmem:s18], [sflag:$0x1] =	stream.indirect.gather @!p0 [hbm4b:s1+s16], $0x80, s2, s16, $0xb8;
	[tilespmem:$0x1B380] =	vst v63  }
0x313: {  	s0 =	sand.u32 @!p0 $0xFFFFFC0, s0  }
0x314: {  	s2 =	simm.s32 @!p0 $0x0;
	s16 =	simm.s32 @!p0 $0x1A980;
	s0 =	sadd.s32 @!p0 s1, s0  }
0x315: {  	[tilespmem:s16], [sflag:$0x2] =	stream.linear.gather @!p0 [hbm4b:s0+s2], $0x200, $0x38;
	[tilespmem:$0x1B380] =	vst v63  }
.LBB2_52:
0x316: {  	s2 =	sadd.s32 $0x5, s31  }
0x317: {  	p0 =	sge.u32 s2, s6  }
.Ltmp29:
0x318: {  	_ = 	snop;
	(pc) =	sbr.rel @p0 .LBB2_62-.Ltmp29, $1  }
0x319: {  	_ =	sdelay $0x3  }
0x31a: {  	_ =	swait.ge [sflag:s22], $0x200  }
0x31b: {  	[sflag:s22] =	ssyncset.done $0x0  }
0x31c: {  	[sflag:s22] =	ssyncadd.s32 $0xFFFFFE00  }
0x31d: {  	_ =	swait.ge [sflag:s23], $0x4000  }
0x31e: {  	[sflag:s23] =	ssyncset.done $0x0  }
0x31f: {  	[sflag:s23] =	ssyncadd.s32 $0xFFFFC000  }
0x320: {  	v6 =	vld [tilespmem:$0x1B180]  }
0x321: {  	v7 =	vld [tilespmem:$0x1B190]  }
0x322: {  	v5 =	vld [tilespmem:$0x1B1A0]  }
0x323: {  	v4 =	vld [tilespmem:$0x1B1B0]  }
0x324: {  	v3 =	vld [tilespmem:$0x1B1C0]  }
0x325: {  	v2 =	vld [tilespmem:$0x1B1D0]  }
0x326: {  	v1 =	vld [tilespmem:$0x1B1E0]  }
0x327: {  	s0 =	simm.s32 $0x0;
	v0 =	vld [tilespmem:$0x1B1F0]  }
0x328: {  	v11 =	vld [tilespmem:s0+$0x16780]  }
0x329: {  	v13 =	vld [tilespmem:s0+$0x16790]  }
0x32a: {  	v12 =	vld [tilespmem:s0+$0x167A0]  }
0x32b: {  	v10 =	vld [tilespmem:s0+$0x167B0]  }
0x32c: {  	v8 =	vld [tilespmem:s0+$0x167C0]  }
0x32d: {  	v9 =	vld [tilespmem:s0+$0x167D0];
	v14 =	vsub.f32 v11, v6  }
0x32e: {  	s16 =	simm.s32 $0x200;
	v13 =	vsub.f32 v13, v7;
	v11 =	vld [tilespmem:s0+$0x167E0]  }
.LBB2_54:
0x32f: {  	s18 =	sshra.s32 s16, $0x2;
	p0 =	sne.s32 s16, $0x3E00;
	[tilespmem:s0+$0x16780] =	vst v14;
	v12 =	vsub.f32 v12, v5;
	v14 =	vld [tilespmem:s0+$0x167F0]  }
0x330: {  	v15 =	vld [tilespmem:s18+$0x16780];
	[tilespmem:s0+$0x16790] =	vst v13;
	v10 =	vsub.f32 v10, v4  }
0x331: {  	v13 =	vld [tilespmem:s18+$0x16790];
	[tilespmem:s0+$0x167A0] =	vst v12;
	v8 =	vsub.f32 v8, v3  }
.Ltmp30:
0x332: {  	v12 =	vld [tilespmem:s18+$0x167A0];
	[tilespmem:s0+$0x167B0] =	vst v10;
	v9 =	vsub.f32 v9, v2;
	(pc) =	sbr.rel @p0 .LBB2_54-.Ltmp30, $4  }
0x333: {  	v10 =	vld [tilespmem:s18+$0x167B0];
	[tilespmem:s0+$0x167C0] =	vst v8;
	v11 =	vsub.f32 v11, v1  }
0x334: {  	v8 =	vld [tilespmem:s18+$0x167C0];
	[tilespmem:s0+$0x167D0] =	vst v9;
	v16 =	vsub.f32 v14, v0  }
0x335: {  	v14 =	vsub.f32 v15, v6;
	v9 =	vld [tilespmem:s18+$0x167D0];
	[tilespmem:s0+$0x167E0] =	vst v11  }
0x336: {  	s16 =	sadd.s32 $0x200, s16;
	v13 =	vsub.f32 v13, v7;
	v11 =	vld [tilespmem:s18+$0x167E0];
	[tilespmem:s0+$0x167F0] =	vst v16;
	s0 =	smov.u32 s18  }
0x337: {  	[tilespmem:s0+$0x16780] =	vst v14;
	v5 =	vsub.f32 v12, v5;
	v6 =	vld [tilespmem:s0+$0x167F0]  }
0x338: {  	[tilespmem:s0+$0x16790] =	vst v13;
	v4 =	vsub.f32 v10, v4  }
0x339: {  	[tilespmem:s0+$0x167A0] =	vst v5;
	v3 =	vsub.f32 v8, v3  }
0x33a: {  	[tilespmem:s0+$0x167B0] =	vst v4;
	v2 =	vsub.f32 v9, v2  }
0x33b: {  	[tilespmem:s0+$0x167C0] =	vst v3;
	v1 =	vsub.f32 v11, v1  }
0x33c: {  	[tilespmem:s0+$0x167D0] =	vst v2;
	v0 =	vsub.f32 v6, v0  }
0x33d: {  	[tilespmem:s0+$0x167E0] =	vst v1  }
0x33e: {  	[tilespmem:s0+$0x167F0] =	vst v0  }
0x33f: {  	v6 =	vld [tilespmem:$0x1B200]  }
0x340: {  	v7 =	vld [tilespmem:$0x1B210]  }
0x341: {  	v5 =	vld [tilespmem:$0x1B220]  }
0x342: {  	v4 =	vld [tilespmem:$0x1B230]  }
0x343: {  	v3 =	vld [tilespmem:$0x1B240]  }
0x344: {  	v2 =	vld [tilespmem:$0x1B250]  }
0x345: {  	v1 =	vld [tilespmem:$0x1B260]  }
0x346: {  	s0 =	simm.s32 $0x0;
	v0 =	vld [tilespmem:$0x1B270]  }
0x347: {  	v11 =	vld [tilespmem:s0+$0x17780]  }
0x348: {  	v13 =	vld [tilespmem:s0+$0x17790]  }
0x349: {  	v12 =	vld [tilespmem:s0+$0x177A0]  }
0x34a: {  	v10 =	vld [tilespmem:s0+$0x177B0]  }
0x34b: {  	v8 =	vld [tilespmem:s0+$0x177C0]  }
0x34c: {  	v9 =	vld [tilespmem:s0+$0x177D0];
	v14 =	vsub.f32 v11, v6  }
0x34d: {  	s16 =	simm.s32 $0x200;
	v13 =	vsub.f32 v13, v7;
	v11 =	vld [tilespmem:s0+$0x177E0]  }
.LBB2_56:
0x34e: {  	s18 =	sshra.s32 s16, $0x2;
	p0 =	sne.s32 s16, $0x3E00;
	[tilespmem:s0+$0x17780] =	vst v14;
	v12 =	vsub.f32 v12, v5;
	v14 =	vld [tilespmem:s0+$0x177F0]  }
0x34f: {  	v15 =	vld [tilespmem:s18+$0x17780];
	[tilespmem:s0+$0x17790] =	vst v13;
	v10 =	vsub.f32 v10, v4  }
0x350: {  	v13 =	vld [tilespmem:s18+$0x17790];
	[tilespmem:s0+$0x177A0] =	vst v12;
	v8 =	vsub.f32 v8, v3  }
.Ltmp31:
0x351: {  	v12 =	vld [tilespmem:s18+$0x177A0];
	[tilespmem:s0+$0x177B0] =	vst v10;
	v9 =	vsub.f32 v9, v2;
	(pc) =	sbr.rel @p0 .LBB2_56-.Ltmp31, $4  }
0x352: {  	v10 =	vld [tilespmem:s18+$0x177B0];
	[tilespmem:s0+$0x177C0] =	vst v8;
	v11 =	vsub.f32 v11, v1  }
0x353: {  	v8 =	vld [tilespmem:s18+$0x177C0];
	[tilespmem:s0+$0x177D0] =	vst v9;
	v16 =	vsub.f32 v14, v0  }
0x354: {  	v14 =	vsub.f32 v15, v6;
	v9 =	vld [tilespmem:s18+$0x177D0];
	[tilespmem:s0+$0x177E0] =	vst v11  }
0x355: {  	s16 =	sadd.s32 $0x200, s16;
	v13 =	vsub.f32 v13, v7;
	v11 =	vld [tilespmem:s18+$0x177E0];
	[tilespmem:s0+$0x177F0] =	vst v16;
	s0 =	smov.u32 s18  }
0x356: {  	[tilespmem:s0+$0x17780] =	vst v14;
	v5 =	vsub.f32 v12, v5;
	v6 =	vld [tilespmem:s0+$0x177F0]  }
0x357: {  	[tilespmem:s0+$0x17790] =	vst v13;
	v4 =	vsub.f32 v10, v4  }
0x358: {  	[tilespmem:s0+$0x177A0] =	vst v5;
	v3 =	vsub.f32 v8, v3  }
0x359: {  	[tilespmem:s0+$0x177B0] =	vst v4;
	v2 =	vsub.f32 v9, v2  }
0x35a: {  	[tilespmem:s0+$0x177C0] =	vst v3;
	v1 =	vsub.f32 v11, v1  }
0x35b: {  	[tilespmem:s0+$0x177D0] =	vst v2;
	v0 =	vsub.f32 v6, v0  }
0x35c: {  	[tilespmem:s0+$0x177E0] =	vst v1  }
0x35d: {  	[tilespmem:s0+$0x177F0] =	vst v0  }
0x35e: {  	v6 =	vld [tilespmem:$0x1B280]  }
0x35f: {  	v7 =	vld [tilespmem:$0x1B290]  }
0x360: {  	v5 =	vld [tilespmem:$0x1B2A0]  }
0x361: {  	v4 =	vld [tilespmem:$0x1B2B0]  }
0x362: {  	v3 =	vld [tilespmem:$0x1B2C0]  }
0x363: {  	v2 =	vld [tilespmem:$0x1B2D0]  }
0x364: {  	v1 =	vld [tilespmem:$0x1B2E0]  }
0x365: {  	s0 =	simm.s32 $0x0;
	v0 =	vld [tilespmem:$0x1B2F0]  }
0x366: {  	v11 =	vld [tilespmem:s0+$0x18780]  }
0x367: {  	v13 =	vld [tilespmem:s0+$0x18790]  }
0x368: {  	v12 =	vld [tilespmem:s0+$0x187A0]  }
0x369: {  	v10 =	vld [tilespmem:s0+$0x187B0]  }
0x36a: {  	v8 =	vld [tilespmem:s0+$0x187C0]  }
0x36b: {  	v9 =	vld [tilespmem:s0+$0x187D0];
	v14 =	vsub.f32 v11, v6  }
0x36c: {  	s16 =	simm.s32 $0x200;
	v13 =	vsub.f32 v13, v7;
	v11 =	vld [tilespmem:s0+$0x187E0]  }
.LBB2_58:
0x36d: {  	s18 =	sshra.s32 s16, $0x2;
	p0 =	sne.s32 s16, $0x3E00;
	[tilespmem:s0+$0x18780] =	vst v14;
	v12 =	vsub.f32 v12, v5;
	v14 =	vld [tilespmem:s0+$0x187F0]  }
0x36e: {  	v15 =	vld [tilespmem:s18+$0x18780];
	[tilespmem:s0+$0x18790] =	vst v13;
	v10 =	vsub.f32 v10, v4  }
0x36f: {  	v13 =	vld [tilespmem:s18+$0x18790];
	[tilespmem:s0+$0x187A0] =	vst v12;
	v8 =	vsub.f32 v8, v3  }
.Ltmp32:
0x370: {  	v12 =	vld [tilespmem:s18+$0x187A0];
	[tilespmem:s0+$0x187B0] =	vst v10;
	v9 =	vsub.f32 v9, v2;
	(pc) =	sbr.rel @p0 .LBB2_58-.Ltmp32, $4  }
0x371: {  	v10 =	vld [tilespmem:s18+$0x187B0];
	[tilespmem:s0+$0x187C0] =	vst v8;
	v11 =	vsub.f32 v11, v1  }
0x372: {  	v8 =	vld [tilespmem:s18+$0x187C0];
	[tilespmem:s0+$0x187D0] =	vst v9;
	v16 =	vsub.f32 v14, v0  }
0x373: {  	v14 =	vsub.f32 v15, v6;
	v9 =	vld [tilespmem:s18+$0x187D0];
	[tilespmem:s0+$0x187E0] =	vst v11  }
0x374: {  	s16 =	sadd.s32 $0x200, s16;
	v13 =	vsub.f32 v13, v7;
	v11 =	vld [tilespmem:s18+$0x187E0];
	[tilespmem:s0+$0x187F0] =	vst v16;
	s0 =	smov.u32 s18  }
0x375: {  	[tilespmem:s0+$0x18780] =	vst v14;
	v5 =	vsub.f32 v12, v5;
	v6 =	vld [tilespmem:s0+$0x187F0]  }
0x376: {  	[tilespmem:s0+$0x18790] =	vst v13;
	v4 =	vsub.f32 v10, v4  }
0x377: {  	[tilespmem:s0+$0x187A0] =	vst v5;
	v3 =	vsub.f32 v8, v3  }
0x378: {  	[tilespmem:s0+$0x187B0] =	vst v4;
	v2 =	vsub.f32 v9, v2  }
0x379: {  	[tilespmem:s0+$0x187C0] =	vst v3;
	v1 =	vsub.f32 v11, v1  }
0x37a: {  	[tilespmem:s0+$0x187D0] =	vst v2;
	v0 =	vsub.f32 v6, v0  }
0x37b: {  	[tilespmem:s0+$0x187E0] =	vst v1  }
0x37c: {  	[tilespmem:s0+$0x187F0] =	vst v0  }
0x37d: {  	v6 =	vld [tilespmem:$0x1B300]  }
0x37e: {  	v7 =	vld [tilespmem:$0x1B310]  }
0x37f: {  	v5 =	vld [tilespmem:$0x1B320]  }
0x380: {  	v4 =	vld [tilespmem:$0x1B330]  }
0x381: {  	v3 =	vld [tilespmem:$0x1B340]  }
0x382: {  	v2 =	vld [tilespmem:$0x1B350]  }
0x383: {  	v1 =	vld [tilespmem:$0x1B360]  }
0x384: {  	s0 =	simm.s32 $0x0;
	v0 =	vld [tilespmem:$0x1B370]  }
0x385: {  	v11 =	vld [tilespmem:s0+$0x19780]  }
0x386: {  	v13 =	vld [tilespmem:s0+$0x19790]  }
0x387: {  	v12 =	vld [tilespmem:s0+$0x197A0]  }
0x388: {  	v10 =	vld [tilespmem:s0+$0x197B0]  }
0x389: {  	v8 =	vld [tilespmem:s0+$0x197C0]  }
0x38a: {  	v9 =	vld [tilespmem:s0+$0x197D0];
	v14 =	vsub.f32 v11, v6  }
0x38b: {  	s16 =	simm.s32 $0x200;
	v13 =	vsub.f32 v13, v7;
	v11 =	vld [tilespmem:s0+$0x197E0]  }
.LBB2_60:
0x38c: {  	s18 =	sshra.s32 s16, $0x2;
	p0 =	sne.s32 s16, $0x3E00;
	[tilespmem:s0+$0x19780] =	vst v14;
	v12 =	vsub.f32 v12, v5;
	v14 =	vld [tilespmem:s0+$0x197F0]  }
0x38d: {  	v15 =	vld [tilespmem:s18+$0x19780];
	[tilespmem:s0+$0x19790] =	vst v13;
	v10 =	vsub.f32 v10, v4  }
0x38e: {  	v13 =	vld [tilespmem:s18+$0x19790];
	[tilespmem:s0+$0x197A0] =	vst v12;
	v8 =	vsub.f32 v8, v3  }
.Ltmp33:
0x38f: {  	v12 =	vld [tilespmem:s18+$0x197A0];
	[tilespmem:s0+$0x197B0] =	vst v10;
	v9 =	vsub.f32 v9, v2;
	(pc) =	sbr.rel @p0 .LBB2_60-.Ltmp33, $4  }
0x390: {  	v10 =	vld [tilespmem:s18+$0x197B0];
	[tilespmem:s0+$0x197C0] =	vst v8;
	v11 =	vsub.f32 v11, v1  }
0x391: {  	v8 =	vld [tilespmem:s18+$0x197C0];
	[tilespmem:s0+$0x197D0] =	vst v9;
	v16 =	vsub.f32 v14, v0  }
0x392: {  	v14 =	vsub.f32 v15, v6;
	v9 =	vld [tilespmem:s18+$0x197D0];
	[tilespmem:s0+$0x197E0] =	vst v11  }
0x393: {  	s16 =	sadd.s32 $0x200, s16;
	v13 =	vsub.f32 v13, v7;
	v11 =	vld [tilespmem:s18+$0x197E0];
	[tilespmem:s0+$0x197F0] =	vst v16;
	s0 =	smov.u32 s18  }
0x394: {  	[tilespmem:s0+$0x19780] =	vst v14;
	v5 =	vsub.f32 v12, v5;
	v6 =	vld [tilespmem:s0+$0x197F0]  }
0x395: {  	[tilespmem:s0+$0x19790] =	vst v13;
	v4 =	vsub.f32 v10, v4  }
0x396: {  	[tilespmem:s0+$0x197A0] =	vst v5;
	v3 =	vsub.f32 v8, v3  }
0x397: {  	[tilespmem:s0+$0x197B0] =	vst v4;
	v2 =	vsub.f32 v9, v2  }
0x398: {  	s2 =	sadd.s32 s5, s2;
	[tilespmem:s0+$0x197C0] =	vst v3;
	v1 =	vsub.f32 v11, v1  }
0x399: {  	s2 =	sshll.u32 s2, $0xB;
	[tilespmem:s0+$0x197D0] =	vst v2;
	v0 =	vsub.f32 v6, v0  }
0x39a: {  	s2 =	sand.u32 $0x1FFFF800, s2;
	[tilespmem:s0+$0x197E0] =	vst v1  }
0x39b: {  	s18 =	sadd.s32 s3, s2;
	[tilespmem:s0+$0x197F0] =	vst v0;
	s0 =	sadd.s32 $0x8, s31  }
0x39c: {  	[hbm4b:s18+s4] =	stream.linear.scatter [tilespmem:s26], [sflag:$0x3], $0x4000, $0x38;
	[tilespmem:$0x1B380] =	vst v63  }
0x39d: {  	p0 =	sge.u32 s0, s6  }
0x39e: {  	s2 =	simm.s32 @!p0 $0x3  }
0x39f: {  	_ =	swait.ge @!p0 [sflag:s2], $0x4000  }
0x3a0: {  	s16 =	simm.s32 @!p0 $0x80;
	s18 =	simm.s32 @!p0 $0xA780;
	[sflag:s2] =	ssyncset.done @!p0 $0x0  }
0x3a1: {  	[sflag:s2] =	ssyncadd.s32 @!p0 $0xFFFFC000;
	s2 =	sshll.u32 @!p0 s0, $0x7;
	s0 =	sadd.s32 @!p0 s5, s0  }
.Ltmp34:
0x3a2: {  	s2 =	sand.u32 @!p0 $0x3FFFFF80, s2;
	s0 =	sshll.u32 @!p0 s0, $0x6;
	(pc) =	sbr.rel .LBB2_62-.Ltmp34, $4  }
0x3a3: {  	[tilespmem:s18], [sflag:$0x1] =	stream.indirect.gather @!p0 [hbm4b:s1+s16], $0x80, s2, s16, $0xb8;
	[tilespmem:$0x1B380] =	vst v63  }
0x3a4: {  	s0 =	sand.u32 @!p0 $0xFFFFF80, s0  }
0x3a5: {  	s2 =	simm.s32 @!p0 $0x0;
	s16 =	simm.s32 @!p0 $0x1AB80;
	s0 =	sadd.s32 @!p0 s0, s11  }
0x3a6: {  	[tilespmem:s16], [sflag:$0x2] =	stream.linear.gather @!p0 [hbm4b:s0+s2], $0x200, $0x38;
	[tilespmem:$0x1B380] =	vst v63  }
.LBB2_64:
0x3a7: {  	_ =	sfence.sel $0x180000  }
0x3a8: {  	[bflag:$0x0] =	sbarrier.arrive $0xFFFF  }
0x3a9: {  	_ =	strace $0x90000047  }
0x3aa: {  	s0 =	stileid.u32;
	[bflag:$0x2] =	sbarrier.arrive $0xFFFF  }
0x3ab: {  	p0 =	sne.s32 s0, $0x0;
	s0 =	rddreg [dreg:$0x3]  }
0x3ac: {  	s0 =	sadd.s32 @!p0 $0x100000, s0  }
0x3ad: {  	[sflag:s0] =	ssyncadd.tile.s32 @!p0 $0x1;
	_ =	shalt  }
.Lfunc_end2:
_tile_overlayer_lowered:
.L_overlay_start_2:
0x3ae: {  	(tag) =	ssettag $0x2  }
0x3af: {  	s0 =	rddreg [dreg:$0x0];
	s2 =	stileid.u32  }
0x3b0: {  	s1 =	rddreg [dreg:$0x1];
	p0 =	sne.s32 s2, $0x0  }
0x3b1: {  	s3 =	rddreg [dreg:$0x2];
	[bflag:$0x3] =	sbarrier.arrive $0xFFFF;
	s2 =	simm.s32 @!p0 $0x1C04  }
0x3b2: {  	[timem:s3], [sflag:s2] =	dma.local @!p0 [hbm:s0], s1  }
0x3b3: {  	s0 =	simm.s32 @!p0 $0x4  }
0x3b4: {  	_ =	swait.ge @!p0 [sflag:s0], s1  }
0x3b5: {  	s1 =	ssub.s32 @!p0 $0x0, s1;
	[sflag:s0] =	ssyncset.done @!p0 $0x0  }
0x3b6: {  	[sflag:s0] =	ssyncadd.s32 @!p0 s1  }
0x3b7: {  	[bflag:$0x3] =	sbarrier.arrive $0xFFFF  }
0x3b8: {  	_ =	shalt  }

</sc_bundles>
